<compile_context>
chip_gen: v7x
topology: tpu7x:2x2x1
jax: 0.10.2.dev20260603
libtpu: 0.0.44.dev20260713+nightly
codegen_flags: <defaults>
</compile_context>

<pallas_src>
import functools

import jax
import jax.numpy as jnp
from jax import lax
from jax.experimental import pallas as pl
from jax.experimental.pallas import tpu as pltpu
from jax.experimental.pallas import tpu_sc as plsc

N = 10000
E = 320000
D = 128

NC = 2
NS = 16
NW = NC * NS

NPAD = 10240
RPW = NPAD // NS
CH = 64
NCHUNK = 160
EPW = NCHUNK * CH
EPAD = EPW * NW
NRB = 4
NIB = 8

ROW_BLK = 2560


def _sc_agg_body(with_deg, y_hbm, eidx_hbm, z2d_hbm, z1d_hbm,
                 parts_hbm, deg_hbm, acc, ibuf, rows, deg_l, sems):
    c = lax.axis_index("c")
    s = lax.axis_index("s")
    wid = s * NC + c
    gsem = sems[:NRB]
    isem = sems[NRB:]

    def issue_idx(g, slot):
        pltpu.async_copy(eidx_hbm.at[wid, g], ibuf.at[slot], isem[slot])

    def wait_idx(slot):
        pltpu.make_async_copy(eidx_hbm.at[0, 0], ibuf.at[slot],
                              isem[slot]).wait()

    def issue_gather(slot, b):
        pltpu.async_copy(y_hbm.at[ibuf.at[slot, 0]], rows.at[b], gsem[b])

    def wait_gather(b):
        pltpu.make_async_copy(y_hbm.at[pl.ds(0, CH)], rows.at[b],
                              gsem[b]).wait()

    def scatter(slot, b):
        pltpu.sync_copy(rows.at[b], acc.at[ibuf.at[slot, 1]], add=True)

    ones = jnp.full((16,), 1.0, jnp.float32)

    def deg_update(slot):
        if with_deg:
            for j in range(CH // 16):
                idx16 = ibuf[slot, 1, pl.ds(j * 16, 16)]
                plsc.addupdate_scatter(deg_l, [idx16], ones)

    for g in range(5):
        issue_idx(g, g)
    pltpu.sync_copy(z2d_hbm.at[pl.ds(s * RPW, RPW)], acc.at[pl.ds(s * RPW, RPW)])
    if with_deg:
        pltpu.sync_copy(z1d_hbm.at[:], deg_l)
    plsc.subcore_barrier()

    for g in range(3):
        wait_idx(g)
        issue_gather(g, g)

    def octet(k, carry):
        for u in range(NIB):
            g = NIB * k + u
            b = u % NRB
            wait_gather(b)

            @pl.when(g + 3 < NCHUNK)
            def _():
                wait_idx((u + 3) % NIB)
                issue_gather((u + 3) % NIB, (u + 3) % NRB)

            @pl.when(g + 5 < NCHUNK)
            def _():
                issue_idx(g + 5, (u + 5) % NIB)

            scatter(u, b)
            deg_update(u)
        return carry

    lax.fori_loop(0, NCHUNK // NIB, octet, 0)
    plsc.subcore_barrier()

    pltpu.sync_copy(acc.at[pl.ds(s * RPW, RPW)],
                    parts_hbm.at[c, pl.ds(s * RPW, RPW)])
    if with_deg:
        pltpu.sync_copy(deg_l, deg_hbm.at[wid])


def _make_sc_agg(with_deg):
    mesh = plsc.VectorSubcoreMesh(core_axis_name="c", subcore_axis_name="s",
                                  num_cores=NC, num_subcores=NS)
    out_type = [jax.ShapeDtypeStruct((NC, NPAD, D), jnp.float32)]
    if with_deg:
        out_type.append(jax.ShapeDtypeStruct((NW, NPAD), jnp.float32))
    nsem = NRB + NIB
    scratch = [
        pltpu.VMEM_SHARED((NPAD, D), jnp.float32),
        pltpu.VMEM((NIB, 2, CH), jnp.int32),
        pltpu.VMEM((NRB, CH, D), jnp.float32),
    ]
    if with_deg:
        scratch.append(pltpu.VMEM((NPAD,), jnp.float32))
    scratch += [pltpu.SemaphoreType.DMA] * nsem

    def body(y_hbm, eidx_hbm, z2d_hbm, z1d_hbm, *rest):
        if with_deg:
            parts_hbm, deg_hbm = rest[0], rest[1]
            acc, ibuf, rows, deg_l = rest[2:6]
            sems = rest[6:]
        else:
            parts_hbm, deg_hbm = rest[0], None
            acc, ibuf, rows = rest[1:4]
            deg_l = None
            sems = rest[4:]
        _sc_agg_body(with_deg, y_hbm, eidx_hbm, z2d_hbm, z1d_hbm,
                     parts_hbm, deg_hbm, acc, ibuf, rows, deg_l, sems)

    return pl.kernel(body, out_type=out_type, mesh=mesh, scratch_types=scratch,
                     compiler_params=pltpu.CompilerParams(
                         needs_layout_passes=False),
                     name="sc_agg_deg" if with_deg else "sc_agg")


_make_sc_agg = functools.lru_cache(maxsize=None)(_make_sc_agg)


def _tc_transform_body(x_ref, w_ref, b_ref, y_ref, z_ref):
    out = jnp.dot(x_ref[...], w_ref[...],
                  preferred_element_type=jnp.float32,
                  precision=lax.Precision.HIGHEST)
    y_ref[...] = out[:, :D]
    z_ref[...] = out[:, D:] + b_ref[0:1, :]


_tc_transform = pl.pallas_call(
    _tc_transform_body,
    grid=(NPAD // ROW_BLK,),
    in_specs=[
        pl.BlockSpec((ROW_BLK, D), lambda i: (i, 0)),
        pl.BlockSpec((D, 2 * D), lambda i: (0, 0)),
        pl.BlockSpec((8, D), lambda i: (0, 0)),
    ],
    out_specs=[
        pl.BlockSpec((ROW_BLK, D), lambda i: (i, 0)),
        pl.BlockSpec((ROW_BLK, D), lambda i: (i, 0)),
    ],
    out_shape=[
        jax.ShapeDtypeStruct((NPAD, D), jnp.float32),
        jax.ShapeDtypeStruct((NPAD, D), jnp.float32),
    ],
)


def _tc_combine_body(p_ref, degp_ref, z1_ref, w_ref, b_ref, y_ref, z_ref):
    agg = p_ref[0] + p_ref[1]
    deg = jnp.maximum(jnp.sum(degp_ref[...], axis=0), 1.0)
    h = jnp.maximum(agg / deg[:, None] + z1_ref[...], 0.0)
    out = jnp.dot(h, w_ref[...],
                  preferred_element_type=jnp.float32,
                  precision=lax.Precision.HIGHEST)
    y_ref[...] = out[:, :D]
    z_ref[...] = out[:, D:] + b_ref[0:1, :]


_tc_combine = pl.pallas_call(
    _tc_combine_body,
    grid=(NPAD // ROW_BLK,),
    in_specs=[
        pl.BlockSpec((NC, ROW_BLK, D), lambda i: (0, i, 0)),
        pl.BlockSpec((NW, ROW_BLK), lambda i: (0, i)),
        pl.BlockSpec((ROW_BLK, D), lambda i: (i, 0)),
        pl.BlockSpec((D, 2 * D), lambda i: (0, 0)),
        pl.BlockSpec((8, D), lambda i: (0, 0)),
    ],
    out_specs=[
        pl.BlockSpec((ROW_BLK, D), lambda i: (i, 0)),
        pl.BlockSpec((ROW_BLK, D), lambda i: (i, 0)),
    ],
    out_shape=[
        jax.ShapeDtypeStruct((NPAD, D), jnp.float32),
        jax.ShapeDtypeStruct((NPAD, D), jnp.float32),
    ],
)


def _tc_final_body(p_ref, degp_ref, z2_ref, out_ref):
    agg = p_ref[0] + p_ref[1]
    deg = jnp.maximum(jnp.sum(degp_ref[...], axis=0), 1.0)
    out_ref[...] = agg / deg[:, None] + z2_ref[...]


_tc_final = pl.pallas_call(
    _tc_final_body,
    grid=(NPAD // ROW_BLK,),
    in_specs=[
        pl.BlockSpec((NC, ROW_BLK, D), lambda i: (0, i, 0)),
        pl.BlockSpec((NW, ROW_BLK), lambda i: (0, i)),
        pl.BlockSpec((ROW_BLK, D), lambda i: (i, 0)),
    ],
    out_specs=pl.BlockSpec((ROW_BLK, D), lambda i: (i, 0)),
    out_shape=jax.ShapeDtypeStruct((NPAD, D), jnp.float32),
)


@jax.jit
def kernel(x, edge_index, W1_l, b1, W1_r, W2_l, b2, W2_r):
    src = edge_index[0].astype(jnp.int32)
    dst = edge_index[1].astype(jnp.int32)
    src = jnp.concatenate([src, jnp.zeros((EPAD - E,), jnp.int32)])
    dst = jnp.concatenate([dst, jnp.full((EPAD - E,), NPAD - 1, jnp.int32)])
    eidx = jnp.stack([src.reshape(NW, NCHUNK, CH),
                      dst.reshape(NW, NCHUNK, CH)], axis=2)

    x_pad = jnp.pad(x, ((0, NPAD - N), (0, 0)))
    w1 = jnp.concatenate([W1_l, W1_r], axis=1)
    w2 = jnp.concatenate([W2_l, W2_r], axis=1)
    b1b = jnp.broadcast_to(b1.reshape(1, D), (8, D))
    b2b = jnp.broadcast_to(b2.reshape(1, D), (8, D))
    z2d = jnp.zeros((NPAD, D), jnp.float32)
    z1d = jnp.zeros((NPAD,), jnp.float32)

    y1, z1 = _tc_transform(x_pad, w1, b1b)
    parts1, degp = _make_sc_agg(True)(y1, eidx, z2d, z1d)
    y2, z2 = _tc_combine(parts1, degp, z1, w2, b2b)
    parts2, = _make_sc_agg(False)(y2, eidx, z2d, z1d)
    out = _tc_final(parts2, degp, z2)
    return out[:N]

# --- scband reference (transcript-rebuilt; emitter-appended) ---
"""Pipeline reference for scband-graph-sage-65042984731050 (READ-ONLY COPY).

The authoritative reference and input builder live on the scoring server;
editing this copy changes nothing except your own understanding.
"""

import jax, jax.numpy as jnp
import numpy as np

N = 10000
E = 320000
D_IN = 128
D_HID = 128
D_OUT = 128


def setup_inputs(seed: int = 0) -> dict:
    key = jax.random.key(seed)
    ks = jax.random.split(key, 10)
    x = jax.random.normal(ks[0], (N, D_IN), dtype=jnp.float32)
    edge_index = jax.random.randint(ks[1], (2, E), 0, N, dtype=jnp.int64)
    s1 = 1.0 / np.sqrt(D_IN)
    s2 = 1.0 / np.sqrt(D_HID)
    W1_l = jax.random.uniform(ks[2], (D_IN, D_HID), jnp.float32, -s1, s1)
    b1 = jax.random.uniform(ks[3], (D_HID,), jnp.float32, -s1, s1)
    W1_r = jax.random.uniform(ks[4], (D_IN, D_HID), jnp.float32, -s1, s1)
    W2_l = jax.random.uniform(ks[5], (D_HID, D_OUT), jnp.float32, -s2, s2)
    b2 = jax.random.uniform(ks[6], (D_OUT,), jnp.float32, -s2, s2)
    W2_r = jax.random.uniform(ks[7], (D_HID, D_OUT), jnp.float32, -s2, s2)
    return {"x": x, "edge_index": edge_index, "W1_l": W1_l, "b1": b1, "W1_r": W1_r, "W2_l": W2_l, "b2": b2, "W2_r": W2_r}


def _sage_conv(x, src, dst, W_l, b_l, W_r):
    n = x.shape[0]
    msgs = jnp.take(x, src, axis=0)
    agg = jax.ops.segment_sum(msgs, dst, num_segments=n)
    deg = jax.ops.segment_sum(jnp.ones((src.shape[0],), dtype=x.dtype), dst, num_segments=n)
    agg = agg / jnp.clip(deg, 1.0, None)[:, None]
    return agg @ W_l + b_l + x @ W_r


def reference(x, edge_index, W1_l, b1, W1_r, W2_l, b2, W2_r):
    src = edge_index[0]
    dst = edge_index[1]
    h = _sage_conv(x, src, dst, W1_l, b1, W1_r)
    h = jax.nn.relu(h)
    # dropout p=0.5 with training=self.training; eval mode -> identity
    out = _sage_conv(h, src, dst, W2_l, b2, W2_r)
    return out

if __name__ == "__main__":
    import jax
    _d = setup_inputs()
    print(jax.jit(kernel)(*tuple(_d.values())))

</pallas_src>

<mosaic_0001>
#map = affine_map<(d0, d1) -> (0, 0)>
#map1 = affine_map<(d0, d1) -> (0, 0, 0, 0)>
#map2 = affine_map<(d0, d1) -> (0)>
#map3 = affine_map<(d0, d1) -> (0, 0, 0)>
module attributes {stable_mosaic.version = 14 : i64} {
  func.func @sc_agg(%arg0: i32, %arg1: i32, %arg2: memref<10240x128xf32, #tpu.memory_space<hbm>>, %arg3: memref<32x160x2x64xi32, #tpu.memory_space<hbm>>, %arg4: memref<10240x128xf32, #tpu.memory_space<hbm>>, %arg5: memref<10240xf32, #tpu.memory_space<hbm>>, %arg6: memref<2x10240x128xf32, #tpu.memory_space<hbm>>, %arg7: memref<10240x128xf32, #tpu.memory_space<vmem_shared>>, %arg8: memref<8x2x64xi32, #tpu.memory_space<vmem>>, %arg9: memref<4x64x128xf32, #tpu.memory_space<vmem>>, %arg10: memref<!tpu.dma_semaphore, #tpu.memory_space<semaphore_mem>>, %arg11: memref<!tpu.dma_semaphore, #tpu.memory_space<semaphore_mem>>, %arg12: memref<!tpu.dma_semaphore, #tpu.memory_space<semaphore_mem>>, %arg13: memref<!tpu.dma_semaphore, #tpu.memory_space<semaphore_mem>>, %arg14: memref<!tpu.dma_semaphore, #tpu.memory_space<semaphore_mem>>, %arg15: memref<!tpu.dma_semaphore, #tpu.memory_space<semaphore_mem>>, %arg16: memref<!tpu.dma_semaphore, #tpu.memory_space<semaphore_mem>>, %arg17: memref<!tpu.dma_semaphore, #tpu.memory_space<semaphore_mem>>, %arg18: memref<!tpu.dma_semaphore, #tpu.memory_space<semaphore_mem>>, %arg19: memref<!tpu.dma_semaphore, #tpu.memory_space<semaphore_mem>>, %arg20: memref<!tpu.dma_semaphore, #tpu.memory_space<semaphore_mem>>, %arg21: memref<!tpu.dma_semaphore, #tpu.memory_space<semaphore_mem>>) attributes {dimension_semantics = [#tpu.dimension_semantics<core_parallel>, #tpu.dimension_semantics<subcore_parallel>], iteration_bounds = array<i64: 2, 16>, scalar_prefetch = 0 : i64, scratch_operands = 15 : i64, tpu.core_type = #tpu.core_type<sc_vector_subcore>, window_params = [{transform_indices = #map}, {transform_indices = #map1}, {transform_indices = #map}, {transform_indices = #map2}, {transform_indices = #map3}]} {
    %mul3A = arith.constant 2 : i32
    %mul3A_0 = arith.muli %arg1, %mul3A : i32
    %add3A = arith.addi %mul3A_0, %arg0 : i32
    %broadcast_in_dim3A = arith.constant 1.000000e+00 : f32
    %broadcast_in_dim3A_1 = vector.broadcast %broadcast_in_dim3A : f32 to vector<16xf32>
    %dma_start3A = arith.constant 0 : i32
    %dma_start3A_2 = arith.constant 0 : i32
    %dma_start3A_3 = arith.constant 0 : i32
    %dma_start3A_4 = arith.constant 0 : i32
    %dma_start3A_5 = tpu.memref_slice %arg8[%dma_start3A_2, %dma_start3A_3, %dma_start3A_4] : memref<8x2x64xi32, #tpu.memory_space<vmem>> -> memref<1x2x64xi32, #tpu.memory_space<vmem>>
    %dma_start3A_6 = tpu.memref_squeeze %dma_start3A_5 : memref<1x2x64xi32, #tpu.memory_space<vmem>> -> memref<2x64xi32, #tpu.memory_space<vmem>>
    %dma_start3A_7 = arith.constant 0 : i32
    %dma_start3A_8 = arith.constant 0 : i32
    %dma_start3A_9 = tpu.memref_slice %arg3[%add3A, %dma_start3A, %dma_start3A_7, %dma_start3A_8] : memref<32x160x2x64xi32, #tpu.memory_space<hbm>> -> memref<1x1x2x64xi32, #tpu.memory_space<hbm>>
    %dma_start3A_10 = tpu.memref_squeeze %dma_start3A_9 : memref<1x1x2x64xi32, #tpu.memory_space<hbm>> -> memref<2x64xi32, #tpu.memory_space<hbm>>
    %dma_start3A_11 = arith.constant 0 : i32
    %dma_start3A_12 = arith.constant 0 : i32
    %dma_start3A_13 = tpu.memref_slice %arg8[%dma_start3A_2, %dma_start3A_11, %dma_start3A_12] : memref<8x2x64xi32, #tpu.memory_space<vmem>> -> memref<1x2x64xi32, #tpu.memory_space<vmem>>
    %dma_start3A_14 = tpu.memref_squeeze %dma_start3A_13 : memref<1x2x64xi32, #tpu.memory_space<vmem>> -> memref<2x64xi32, #tpu.memory_space<vmem>>
    %dma_start3A_15 = arith.constant 0 : i32
    %dma_start3A_16 = arith.constant 0 : i32
    %dma_start3A_17 = tpu.memref_slice %arg3[%add3A, %dma_start3A, %dma_start3A_15, %dma_start3A_16] : memref<32x160x2x64xi32, #tpu.memory_space<hbm>> -> memref<1x1x2x64xi32, #tpu.memory_space<hbm>>
    %dma_start3A_18 = tpu.memref_squeeze %dma_start3A_17 : memref<1x1x2x64xi32, #tpu.memory_space<hbm>> -> memref<2x64xi32, #tpu.memory_space<hbm>>
    tpu.enqueue_dma source(%dma_start3A_18 : memref<2x64xi32, #tpu.memory_space<hbm>>) target(%dma_start3A_14 : memref<2x64xi32, #tpu.memory_space<vmem>>) target_semaphore(%arg14 : memref<!tpu.dma_semaphore, #tpu.memory_space<semaphore_mem>>)
    %dma_start3A_19 = arith.constant 1 : i32
    %dma_start3A_20 = arith.constant 1 : i32
    %dma_start3A_21 = arith.constant 0 : i32
    %dma_start3A_22 = arith.constant 0 : i32
    %dma_start3A_23 = tpu.memref_slice %arg8[%dma_start3A_20, %dma_start3A_21, %dma_start3A_22] : memref<8x2x64xi32, #tpu.memory_space<vmem>> -> memref<1x2x64xi32, #tpu.memory_space<vmem>>
    %dma_start3A_24 = tpu.memref_squeeze %dma_start3A_23 : memref<1x2x64xi32, #tpu.memory_space<vmem>> -> memref<2x64xi32, #tpu.memory_space<vmem>>
    %dma_start3A_25 = arith.constant 0 : i32
    %dma_start3A_26 = arith.constant 0 : i32
    %dma_start3A_27 = tpu.memref_slice %arg3[%add3A, %dma_start3A_19, %dma_start3A_25, %dma_start3A_26] : memref<32x160x2x64xi32, #tpu.memory_space<hbm>> -> memref<1x1x2x64xi32, #tpu.memory_space<hbm>>
    %dma_start3A_28 = tpu.memref_squeeze %dma_start3A_27 : memref<1x1x2x64xi32, #tpu.memory_space<hbm>> -> memref<2x64xi32, #tpu.memory_space<hbm>>
    %dma_start3A_29 = arith.constant 0 : i32
    %dma_start3A_30 = arith.constant 0 : i32
    %dma_start3A_31 = tpu.memref_slice %arg8[%dma_start3A_20, %dma_start3A_29, %dma_start3A_30] : memref<8x2x64xi32, #tpu.memory_space<vmem>> -> memref<1x2x64xi32, #tpu.memory_space<vmem>>
    %dma_start3A_32 = tpu.memref_squeeze %dma_start3A_31 : memref<1x2x64xi32, #tpu.memory_space<vmem>> -> memref<2x64xi32, #tpu.memory_space<vmem>>
    %dma_start3A_33 = arith.constant 0 : i32
    %dma_start3A_34 = arith.constant 0 : i32
    %dma_start3A_35 = tpu.memref_slice %arg3[%add3A, %dma_start3A_19, %dma_start3A_33, %dma_start3A_34] : memref<32x160x2x64xi32, #tpu.memory_space<hbm>> -> memref<1x1x2x64xi32, #tpu.memory_space<hbm>>
    %dma_start3A_36 = tpu.memref_squeeze %dma_start3A_35 : memref<1x1x2x64xi32, #tpu.memory_space<hbm>> -> memref<2x64xi32, #tpu.memory_space<hbm>>
    tpu.enqueue_dma source(%dma_start3A_36 : memref<2x64xi32, #tpu.memory_space<hbm>>) target(%dma_start3A_32 : memref<2x64xi32, #tpu.memory_space<vmem>>) target_semaphore(%arg15 : memref<!tpu.dma_semaphore, #tpu.memory_space<semaphore_mem>>)
    %dma_start3A_37 = arith.constant 2 : i32
    %dma_start3A_38 = arith.constant 2 : i32
    %dma_start3A_39 = arith.constant 0 : i32
    %dma_start3A_40 = arith.constant 0 : i32
    %dma_start3A_41 = tpu.memref_slice %arg8[%dma_start3A_38, %dma_start3A_39, %dma_start3A_40] : memref<8x2x64xi32, #tpu.memory_space<vmem>> -> memref<1x2x64xi32, #tpu.memory_space<vmem>>
    %dma_start3A_42 = tpu.memref_squeeze %dma_start3A_41 : memref<1x2x64xi32, #tpu.memory_space<vmem>> -> memref<2x64xi32, #tpu.memory_space<vmem>>
    %dma_start3A_43 = arith.constant 0 : i32
    %dma_start3A_44 = arith.constant 0 : i32
    %dma_start3A_45 = tpu.memref_slice %arg3[%add3A, %dma_start3A_37, %dma_start3A_43, %dma_start3A_44] : memref<32x160x2x64xi32, #tpu.memory_space<hbm>> -> memref<1x1x2x64xi32, #tpu.memory_space<hbm>>
    %dma_start3A_46 = tpu.memref_squeeze %dma_start3A_45 : memref<1x1x2x64xi32, #tpu.memory_space<hbm>> -> memref<2x64xi32, #tpu.memory_space<hbm>>
    %dma_start3A_47 = arith.constant 0 : i32
    %dma_start3A_48 = arith.constant 0 : i32
    %dma_start3A_49 = tpu.memref_slice %arg8[%dma_start3A_38, %dma_start3A_47, %dma_start3A_48] : memref<8x2x64xi32, #tpu.memory_space<vmem>> -> memref<1x2x64xi32, #tpu.memory_space<vmem>>
    %dma_start3A_50 = tpu.memref_squeeze %dma_start3A_49 : memref<1x2x64xi32, #tpu.memory_space<vmem>> -> memref<2x64xi32, #tpu.memory_space<vmem>>
    %dma_start3A_51 = arith.constant 0 : i32
    %dma_start3A_52 = arith.constant 0 : i32
    %dma_start3A_53 = tpu.memref_slice %arg3[%add3A, %dma_start3A_37, %dma_start3A_51, %dma_start3A_52] : memref<32x160x2x64xi32, #tpu.memory_space<hbm>> -> memref<1x1x2x64xi32, #tpu.memory_space<hbm>>
    %dma_start3A_54 = tpu.memref_squeeze %dma_start3A_53 : memref<1x1x2x64xi32, #tpu.memory_space<hbm>> -> memref<2x64xi32, #tpu.memory_space<hbm>>
    tpu.enqueue_dma source(%dma_start3A_54 : memref<2x64xi32, #tpu.memory_space<hbm>>) target(%dma_start3A_50 : memref<2x64xi32, #tpu.memory_space<vmem>>) target_semaphore(%arg16 : memref<!tpu.dma_semaphore, #tpu.memory_space<semaphore_mem>>)
    %dma_start3A_55 = arith.constant 3 : i32
    %dma_start3A_56 = arith.constant 3 : i32
    %dma_start3A_57 = arith.constant 0 : i32
    %dma_start3A_58 = arith.constant 0 : i32
    %dma_start3A_59 = tpu.memref_slice %arg8[%dma_start3A_56, %dma_start3A_57, %dma_start3A_58] : memref<8x2x64xi32, #tpu.memory_space<vmem>> -> memref<1x2x64xi32, #tpu.memory_space<vmem>>
    %dma_start3A_60 = tpu.memref_squeeze %dma_start3A_59 : memref<1x2x64xi32, #tpu.memory_space<vmem>> -> memref<2x64xi32, #tpu.memory_space<vmem>>
    %dma_start3A_61 = arith.constant 0 : i32
    %dma_start3A_62 = arith.constant 0 : i32
    %dma_start3A_63 = tpu.memref_slice %arg3[%add3A, %dma_start3A_55, %dma_start3A_61, %dma_start3A_62] : memref<32x160x2x64xi32, #tpu.memory_space<hbm>> -> memref<1x1x2x64xi32, #tpu.memory_space<hbm>>
    %dma_start3A_64 = tpu.memref_squeeze %dma_start3A_63 : memref<1x1x2x64xi32, #tpu.memory_space<hbm>> -> memref<2x64xi32, #tpu.memory_space<hbm>>
    %dma_start3A_65 = arith.constant 0 : i32
    %dma_start3A_66 = arith.constant 0 : i32
    %dma_start3A_67 = tpu.memref_slice %arg8[%dma_start3A_56, %dma_start3A_65, %dma_start3A_66] : memref<8x2x64xi32, #tpu.memory_space<vmem>> -> memref<1x2x64xi32, #tpu.memory_space<vmem>>
    %dma_start3A_68 = tpu.memref_squeeze %dma_start3A_67 : memref<1x2x64xi32, #tpu.memory_space<vmem>> -> memref<2x64xi32, #tpu.memory_space<vmem>>
    %dma_start3A_69 = arith.constant 0 : i32
    %dma_start3A_70 = arith.constant 0 : i32
    %dma_start3A_71 = tpu.memref_slice %arg3[%add3A, %dma_start3A_55, %dma_start3A_69, %dma_start3A_70] : memref<32x160x2x64xi32, #tpu.memory_space<hbm>> -> memref<1x1x2x64xi32, #tpu.memory_space<hbm>>
    %dma_start3A_72 = tpu.memref_squeeze %dma_start3A_71 : memref<1x1x2x64xi32, #tpu.memory_space<hbm>> -> memref<2x64xi32, #tpu.memory_space<hbm>>
    tpu.enqueue_dma source(%dma_start3A_72 : memref<2x64xi32, #tpu.memory_space<hbm>>) target(%dma_start3A_68 : memref<2x64xi32, #tpu.memory_space<vmem>>) target_semaphore(%arg17 : memref<!tpu.dma_semaphore, #tpu.memory_space<semaphore_mem>>)
    %dma_start3A_73 = arith.constant 4 : i32
    %dma_start3A_74 = arith.constant 4 : i32
    %dma_start3A_75 = arith.constant 0 : i32
    %dma_start3A_76 = arith.constant 0 : i32
    %dma_start3A_77 = tpu.memref_slice %arg8[%dma_start3A_74, %dma_start3A_75, %dma_start3A_76] : memref<8x2x64xi32, #tpu.memory_space<vmem>> -> memref<1x2x64xi32, #tpu.memory_space<vmem>>
    %dma_start3A_78 = tpu.memref_squeeze %dma_start3A_77 : memref<1x2x64xi32, #tpu.memory_space<vmem>> -> memref<2x64xi32, #tpu.memory_space<vmem>>
    %dma_start3A_79 = arith.constant 0 : i32
    %dma_start3A_80 = arith.constant 0 : i32
    %dma_start3A_81 = tpu.memref_slice %arg3[%add3A, %dma_start3A_73, %dma_start3A_79, %dma_start3A_80] : memref<32x160x2x64xi32, #tpu.memory_space<hbm>> -> memref<1x1x2x64xi32, #tpu.memory_space<hbm>>
    %dma_start3A_82 = tpu.memref_squeeze %dma_start3A_81 : memref<1x1x2x64xi32, #tpu.memory_space<hbm>> -> memref<2x64xi32, #tpu.memory_space<hbm>>
    %dma_start3A_83 = arith.constant 0 : i32
    %dma_start3A_84 = arith.constant 0 : i32
    %dma_start3A_85 = tpu.memref_slice %arg8[%dma_start3A_74, %dma_start3A_83, %dma_start3A_84] : memref<8x2x64xi32, #tpu.memory_space<vmem>> -> memref<1x2x64xi32, #tpu.memory_space<vmem>>
    %dma_start3A_86 = tpu.memref_squeeze %dma_start3A_85 : memref<1x2x64xi32, #tpu.memory_space<vmem>> -> memref<2x64xi32, #tpu.memory_space<vmem>>
    %dma_start3A_87 = arith.constant 0 : i32
    %dma_start3A_88 = arith.constant 0 : i32
    %dma_start3A_89 = tpu.memref_slice %arg3[%add3A, %dma_start3A_73, %dma_start3A_87, %dma_start3A_88] : memref<32x160x2x64xi32, #tpu.memory_space<hbm>> -> memref<1x1x2x64xi32, #tpu.memory_space<hbm>>
    %dma_start3A_90 = tpu.memref_squeeze %dma_start3A_89 : memref<1x1x2x64xi32, #tpu.memory_space<hbm>> -> memref<2x64xi32, #tpu.memory_space<hbm>>
    tpu.enqueue_dma source(%dma_start3A_90 : memref<2x64xi32, #tpu.memory_space<hbm>>) target(%dma_start3A_86 : memref<2x64xi32, #tpu.memory_space<vmem>>) target_semaphore(%arg18 : memref<!tpu.dma_semaphore, #tpu.memory_space<semaphore_mem>>)
    %mul3A_91 = arith.constant 640 : i32
    %mul3A_92 = arith.muli %arg1, %mul3A_91 : i32
    %mul3A_93 = arith.constant 640 : i32
    %mul3A_94 = arith.muli %arg1, %mul3A_93 : i32
    "tpu.region"() ({
      %run_scoped3A = tpu.sem_alloc : memref<!tpu.dma_semaphore, #tpu.memory_space<semaphore_mem>>
      %dma_start3A_200 = arith.constant 0 : i32
      %dma_start3A_201 = tpu.memref_slice %arg7[%mul3A_94, %dma_start3A_200] : memref<10240x128xf32, #tpu.memory_space<vmem_shared>> -> memref<640x128xf32, #tpu.memory_space<vmem_shared>>
      %dma_start3A_202 = arith.constant 0 : i32
      %dma_start3A_203 = tpu.memref_slice %arg4[%mul3A_92, %dma_start3A_202] : memref<10240x128xf32, #tpu.memory_space<hbm>> -> memref<640x128xf32, #tpu.memory_space<hbm>>
      tpu.enqueue_dma source(%dma_start3A_203 : memref<640x128xf32, #tpu.memory_space<hbm>>) target(%dma_start3A_201 : memref<640x128xf32, #tpu.memory_space<vmem_shared>>) target_semaphore(%run_scoped3A : memref<!tpu.dma_semaphore, #tpu.memory_space<semaphore_mem>>)
      %dma_wait3A_204 = arith.constant 0 : i32
      %dma_wait3A_205 = tpu.memref_slice %arg7[%mul3A_94, %dma_wait3A_204] : memref<10240x128xf32, #tpu.memory_space<vmem_shared>> -> memref<640x128xf32, #tpu.memory_space<vmem_shared>>
      %dma_wait3A_206 = arith.constant 0 : i32
      %dma_wait3A_207 = tpu.memref_slice %arg4[%mul3A_92, %dma_wait3A_206] : memref<10240x128xf32, #tpu.memory_space<hbm>> -> memref<640x128xf32, #tpu.memory_space<hbm>>
      tpu.wait_dma2 semaphore(%run_scoped3A : memref<!tpu.dma_semaphore, #tpu.memory_space<semaphore_mem>>) src(%dma_wait3A_207 : memref<640x128xf32, #tpu.memory_space<hbm>>) dst(%dma_wait3A_205 : memref<640x128xf32, #tpu.memory_space<vmem_shared>>)
      tpu.yield
    }) : () -> ()
    %barrier3A = arith.constant 0 : index
    tpu.barrier barrier_id(%barrier3A)
    %dma_wait3A = arith.constant 0 : i32
    %dma_wait3A_95 = arith.constant 0 : i32
    %dma_wait3A_96 = arith.constant 0 : i32
    %dma_wait3A_97 = arith.constant 0 : i32
    %dma_wait3A_98 = arith.constant 0 : i32
    %dma_wait3A_99 = tpu.memref_slice %arg8[%dma_wait3A_96, %dma_wait3A_97, %dma_wait3A_98] : memref<8x2x64xi32, #tpu.memory_space<vmem>> -> memref<1x2x64xi32, #tpu.memory_space<vmem>>
    %dma_wait3A_100 = tpu.memref_squeeze %dma_wait3A_99 : memref<1x2x64xi32, #tpu.memory_space<vmem>> -> memref<2x64xi32, #tpu.memory_space<vmem>>
    %dma_wait3A_101 = arith.constant 0 : i32
    %dma_wait3A_102 = arith.constant 0 : i32
    %dma_wait3A_103 = tpu.memref_slice %arg3[%dma_wait3A, %dma_wait3A_95, %dma_wait3A_101, %dma_wait3A_102] : memref<32x160x2x64xi32, #tpu.memory_space<hbm>> -> memref<1x1x2x64xi32, #tpu.memory_space<hbm>>
    %dma_wait3A_104 = tpu.memref_squeeze %dma_wait3A_103 : memref<1x1x2x64xi32, #tpu.memory_space<hbm>> -> memref<2x64xi32, #tpu.memory_space<hbm>>
    %dma_wait3A_105 = arith.constant 0 : i32
    %dma_wait3A_106 = arith.constant 0 : i32
    %dma_wait3A_107 = tpu.memref_slice %arg8[%dma_wait3A_96, %dma_wait3A_105, %dma_wait3A_106] : memref<8x2x64xi32, #tpu.memory_space<vmem>> -> memref<1x2x64xi32, #tpu.memory_space<vmem>>
    %dma_wait3A_108 = tpu.memref_squeeze %dma_wait3A_107 : memref<1x2x64xi32, #tpu.memory_space<vmem>> -> memref<2x64xi32, #tpu.memory_space<vmem>>
    %dma_wait3A_109 = arith.constant 0 : i32
    %dma_wait3A_110 = arith.constant 0 : i32
    %dma_wait3A_111 = tpu.memref_slice %arg3[%dma_wait3A, %dma_wait3A_95, %dma_wait3A_109, %dma_wait3A_110] : memref<32x160x2x64xi32, #tpu.memory_space<hbm>> -> memref<1x1x2x64xi32, #tpu.memory_space<hbm>>
    %dma_wait3A_112 = tpu.memref_squeeze %dma_wait3A_111 : memref<1x1x2x64xi32, #tpu.memory_space<hbm>> -> memref<2x64xi32, #tpu.memory_space<hbm>>
    tpu.wait_dma2 semaphore(%arg14 : memref<!tpu.dma_semaphore, #tpu.memory_space<semaphore_mem>>) src(%dma_wait3A_112 : memref<2x64xi32, #tpu.memory_space<hbm>>) dst(%dma_wait3A_108 : memref<2x64xi32, #tpu.memory_space<vmem>>)
    %dma_start3A_113 = arith.constant 0 : i32
    %dma_start3A_114 = arith.constant 0 : i32
    %dma_start3A_115 = arith.constant 0 : i32
    %dma_start3A_116 = arith.constant 0 : i32
    %dma_start3A_117 = arith.constant 0 : i32
    %dma_start3A_118 = tpu.memref_slice %arg9[%dma_start3A_115, %dma_start3A_116, %dma_start3A_117] : memref<4x64x128xf32, #tpu.memory_space<vmem>> -> memref<1x64x128xf32, #tpu.memory_space<vmem>>
    %dma_start3A_119 = tpu.memref_squeeze %dma_start3A_118 : memref<1x64x128xf32, #tpu.memory_space<vmem>> -> memref<64x128xf32, #tpu.memory_space<vmem>>
    %dma_start3A_120 = arith.constant 0 : i32
    %dma_start3A_121 = tpu.memref_slice %arg8[%dma_start3A_113, %dma_start3A_114, %dma_start3A_120] : memref<8x2x64xi32, #tpu.memory_space<vmem>> -> memref<1x1x64xi32, #tpu.memory_space<vmem>>
    %dma_start3A_122 = tpu.memref_squeeze %dma_start3A_121 : memref<1x1x64xi32, #tpu.memory_space<vmem>> -> memref<64xi32, #tpu.memory_space<vmem>>
    %dma_start3A_123 = arith.constant 0 : i32
    %dma_start3A_124 = arith.constant 0 : i32
    %dma_start3A_125 = tpu.memref_slice %arg2[%dma_start3A_123, %dma_start3A_124] : memref<10240x128xf32, #tpu.memory_space<hbm>> -> memref<10240x128xf32, #tpu.memory_space<hbm>>
    tpu.enqueue_indirect_dma source(%dma_start3A_125 : memref<10240x128xf32, #tpu.memory_space<hbm>>) target(%dma_start3A_119 : memref<64x128xf32, #tpu.memory_space<vmem>>) offsets(%dma_start3A_122 : memref<64xi32, #tpu.memory_space<vmem>>) semaphore(%arg10 : memref<!tpu.dma_semaphore, #tpu.memory_space<semaphore_mem>>)
    %dma_wait3A_126 = arith.constant 0 : i32
    %dma_wait3A_127 = arith.constant 0 : i32
    %dma_wait3A_128 = arith.constant 1 : i32
    %dma_wait3A_129 = arith.constant 0 : i32
    %dma_wait3A_130 = arith.constant 0 : i32
    %dma_wait3A_131 = tpu.memref_slice %arg8[%dma_wait3A_128, %dma_wait3A_129, %dma_wait3A_130] : memref<8x2x64xi32, #tpu.memory_space<vmem>> -> memref<1x2x64xi32, #tpu.memory_space<vmem>>
    %dma_wait3A_132 = tpu.memref_squeeze %dma_wait3A_131 : memref<1x2x64xi32, #tpu.memory_space<vmem>> -> memref<2x64xi32, #tpu.memory_space<vmem>>
    %dma_wait3A_133 = arith.constant 0 : i32
    %dma_wait3A_134 = arith.constant 0 : i32
    %dma_wait3A_135 = tpu.memref_slice %arg3[%dma_wait3A_126, %dma_wait3A_127, %dma_wait3A_133, %dma_wait3A_134] : memref<32x160x2x64xi32, #tpu.memory_space<hbm>> -> memref<1x1x2x64xi32, #tpu.memory_space<hbm>>
    %dma_wait3A_136 = tpu.memref_squeeze %dma_wait3A_135 : memref<1x1x2x64xi32, #tpu.memory_space<hbm>> -> memref<2x64xi32, #tpu.memory_space<hbm>>
    %dma_wait3A_137 = arith.constant 0 : i32
    %dma_wait3A_138 = arith.constant 0 : i32
    %dma_wait3A_139 = tpu.memref_slice %arg8[%dma_wait3A_128, %dma_wait3A_137, %dma_wait3A_138] : memref<8x2x64xi32, #tpu.memory_space<vmem>> -> memref<1x2x64xi32, #tpu.memory_space<vmem>>
    %dma_wait3A_140 = tpu.memref_squeeze %dma_wait3A_139 : memref<1x2x64xi32, #tpu.memory_space<vmem>> -> memref<2x64xi32, #tpu.memory_space<vmem>>
    %dma_wait3A_141 = arith.constant 0 : i32
    %dma_wait3A_142 = arith.constant 0 : i32
    %dma_wait3A_143 = tpu.memref_slice %arg3[%dma_wait3A_126, %dma_wait3A_127, %dma_wait3A_141, %dma_wait3A_142] : memref<32x160x2x64xi32, #tpu.memory_space<hbm>> -> memref<1x1x2x64xi32, #tpu.memory_space<hbm>>
    %dma_wait3A_144 = tpu.memref_squeeze %dma_wait3A_143 : memref<1x1x2x64xi32, #tpu.memory_space<hbm>> -> memref<2x64xi32, #tpu.memory_space<hbm>>
    tpu.wait_dma2 semaphore(%arg15 : memref<!tpu.dma_semaphore, #tpu.memory_space<semaphore_mem>>) src(%dma_wait3A_144 : memref<2x64xi32, #tpu.memory_space<hbm>>) dst(%dma_wait3A_140 : memref<2x64xi32, #tpu.memory_space<vmem>>)
    %dma_start3A_145 = arith.constant 1 : i32
    %dma_start3A_146 = arith.constant 0 : i32
    %dma_start3A_147 = arith.constant 1 : i32
    %dma_start3A_148 = arith.constant 0 : i32
    %dma_start3A_149 = arith.constant 0 : i32
    %dma_start3A_150 = tpu.memref_slice %arg9[%dma_start3A_147, %dma_start3A_148, %dma_start3A_149] : memref<4x64x128xf32, #tpu.memory_space<vmem>> -> memref<1x64x128xf32, #tpu.memory_space<vmem>>
    %dma_start3A_151 = tpu.memref_squeeze %dma_start3A_150 : memref<1x64x128xf32, #tpu.memory_space<vmem>> -> memref<64x128xf32, #tpu.memory_space<vmem>>
    %dma_start3A_152 = arith.constant 0 : i32
    %dma_start3A_153 = tpu.memref_slice %arg8[%dma_start3A_145, %dma_start3A_146, %dma_start3A_152] : memref<8x2x64xi32, #tpu.memory_space<vmem>> -> memref<1x1x64xi32, #tpu.memory_space<vmem>>
    %dma_start3A_154 = tpu.memref_squeeze %dma_start3A_153 : memref<1x1x64xi32, #tpu.memory_space<vmem>> -> memref<64xi32, #tpu.memory_space<vmem>>
    %dma_start3A_155 = arith.constant 0 : i32
    %dma_start3A_156 = arith.constant 0 : i32
    %dma_start3A_157 = tpu.memref_slice %arg2[%dma_start3A_155, %dma_start3A_156] : memref<10240x128xf32, #tpu.memory_space<hbm>> -> memref<10240x128xf32, #tpu.memory_space<hbm>>
    tpu.enqueue_indirect_dma source(%dma_start3A_157 : memref<10240x128xf32, #tpu.memory_space<hbm>>) target(%dma_start3A_151 : memref<64x128xf32, #tpu.memory_space<vmem>>) offsets(%dma_start3A_154 : memref<64xi32, #tpu.memory_space<vmem>>) semaphore(%arg11 : memref<!tpu.dma_semaphore, #tpu.memory_space<semaphore_mem>>)
    %dma_wait3A_158 = arith.constant 0 : i32
    %dma_wait3A_159 = arith.constant 0 : i32
    %dma_wait3A_160 = arith.constant 2 : i32
    %dma_wait3A_161 = arith.constant 0 : i32
    %dma_wait3A_162 = arith.constant 0 : i32
    %dma_wait3A_163 = tpu.memref_slice %arg8[%dma_wait3A_160, %dma_wait3A_161, %dma_wait3A_162] : memref<8x2x64xi32, #tpu.memory_space<vmem>> -> memref<1x2x64xi32, #tpu.memory_space<vmem>>
    %dma_wait3A_164 = tpu.memref_squeeze %dma_wait3A_163 : memref<1x2x64xi32, #tpu.memory_space<vmem>> -> memref<2x64xi32, #tpu.memory_space<vmem>>
    %dma_wait3A_165 = arith.constant 0 : i32
    %dma_wait3A_166 = arith.constant 0 : i32
    %dma_wait3A_167 = tpu.memref_slice %arg3[%dma_wait3A_158, %dma_wait3A_159, %dma_wait3A_165, %dma_wait3A_166] : memref<32x160x2x64xi32, #tpu.memory_space<hbm>> -> memref<1x1x2x64xi32, #tpu.memory_space<hbm>>
    %dma_wait3A_168 = tpu.memref_squeeze %dma_wait3A_167 : memref<1x1x2x64xi32, #tpu.memory_space<hbm>> -> memref<2x64xi32, #tpu.memory_space<hbm>>
    %dma_wait3A_169 = arith.constant 0 : i32
    %dma_wait3A_170 = arith.constant 0 : i32
    %dma_wait3A_171 = tpu.memref_slice %arg8[%dma_wait3A_160, %dma_wait3A_169, %dma_wait3A_170] : memref<8x2x64xi32, #tpu.memory_space<vmem>> -> memref<1x2x64xi32, #tpu.memory_space<vmem>>
    %dma_wait3A_172 = tpu.memref_squeeze %dma_wait3A_171 : memref<1x2x64xi32, #tpu.memory_space<vmem>> -> memref<2x64xi32, #tpu.memory_space<vmem>>
    %dma_wait3A_173 = arith.constant 0 : i32
    %dma_wait3A_174 = arith.constant 0 : i32
    %dma_wait3A_175 = tpu.memref_slice %arg3[%dma_wait3A_158, %dma_wait3A_159, %dma_wait3A_173, %dma_wait3A_174] : memref<32x160x2x64xi32, #tpu.memory_space<hbm>> -> memref<1x1x2x64xi32, #tpu.memory_space<hbm>>
    %dma_wait3A_176 = tpu.memref_squeeze %dma_wait3A_175 : memref<1x1x2x64xi32, #tpu.memory_space<hbm>> -> memref<2x64xi32, #tpu.memory_space<hbm>>
    tpu.wait_dma2 semaphore(%arg16 : memref<!tpu.dma_semaphore, #tpu.memory_space<semaphore_mem>>) src(%dma_wait3A_176 : memref<2x64xi32, #tpu.memory_space<hbm>>) dst(%dma_wait3A_172 : memref<2x64xi32, #tpu.memory_space<vmem>>)
    %dma_start3A_177 = arith.constant 2 : i32
    %dma_start3A_178 = arith.constant 0 : i32
    %dma_start3A_179 = arith.constant 2 : i32
    %dma_start3A_180 = arith.constant 0 : i32
    %dma_start3A_181 = arith.constant 0 : i32
    %dma_start3A_182 = tpu.memref_slice %arg9[%dma_start3A_179, %dma_start3A_180, %dma_start3A_181] : memref<4x64x128xf32, #tpu.memory_space<vmem>> -> memref<1x64x128xf32, #tpu.memory_space<vmem>>
    %dma_start3A_183 = tpu.memref_squeeze %dma_start3A_182 : memref<1x64x128xf32, #tpu.memory_space<vmem>> -> memref<64x128xf32, #tpu.memory_space<vmem>>
    %dma_start3A_184 = arith.constant 0 : i32
    %dma_start3A_185 = tpu.memref_slice %arg8[%dma_start3A_177, %dma_start3A_178, %dma_start3A_184] : memref<8x2x64xi32, #tpu.memory_space<vmem>> -> memref<1x1x64xi32, #tpu.memory_space<vmem>>
    %dma_start3A_186 = tpu.memref_squeeze %dma_start3A_185 : memref<1x1x64xi32, #tpu.memory_space<vmem>> -> memref<64xi32, #tpu.memory_space<vmem>>
    %dma_start3A_187 = arith.constant 0 : i32
    %dma_start3A_188 = arith.constant 0 : i32
    %dma_start3A_189 = tpu.memref_slice %arg2[%dma_start3A_187, %dma_start3A_188] : memref<10240x128xf32, #tpu.memory_space<hbm>> -> memref<10240x128xf32, #tpu.memory_space<hbm>>
    tpu.enqueue_indirect_dma source(%dma_start3A_189 : memref<10240x128xf32, #tpu.memory_space<hbm>>) target(%dma_start3A_183 : memref<64x128xf32, #tpu.memory_space<vmem>>) offsets(%dma_start3A_186 : memref<64xi32, #tpu.memory_space<vmem>>) semaphore(%arg12 : memref<!tpu.dma_semaphore, #tpu.memory_space<semaphore_mem>>)
    %scan3A = arith.constant 0 : i32
    %scan3A_190 = arith.constant 0 : i32
    %scan3A_191 = arith.constant 20 : i32
    %scan3A_192 = arith.addi %scan3A_190, %scan3A_191 : i32
    %scan3A_193 = arith.constant 1 : i32
    scf.for %scan3A_200 = %scan3A_190 to %scan3A_192 step %scan3A_193  : i32 {
      %mul3A_201 = arith.constant 8 : i32
      %mul3A_202 = arith.muli %mul3A_201, %scan3A_200 : i32
      %add3A_203 = arith.constant 0 : i32
      %add3A_204 = arith.addi %mul3A_202, %add3A_203 : i32
      %dma_wait3A_205 = arith.constant 0 : i32
      %dma_wait3A_206 = arith.constant 0 : i32
      %dma_wait3A_207 = arith.constant 0 : i32
      %dma_wait3A_208 = tpu.memref_slice %arg9[%dma_wait3A_205, %dma_wait3A_206, %dma_wait3A_207] : memref<4x64x128xf32, #tpu.memory_space<vmem>> -> memref<1x64x128xf32, #tpu.memory_space<vmem>>
      %dma_wait3A_209 = tpu.memref_squeeze %dma_wait3A_208 : memref<1x64x128xf32, #tpu.memory_space<vmem>> -> memref<64x128xf32, #tpu.memory_space<vmem>>
      %dma_wait3A_210 = arith.constant 0 : i32
      %dma_wait3A_211 = arith.constant 0 : i32
      %dma_wait3A_212 = tpu.memref_slice %arg2[%dma_wait3A_210, %dma_wait3A_211] : memref<10240x128xf32, #tpu.memory_space<hbm>> -> memref<64x128xf32, #tpu.memory_space<hbm>>
      %dma_wait3A_213 = arith.constant 0 : i32
      %dma_wait3A_214 = arith.constant 0 : i32
      %dma_wait3A_215 = tpu.memref_slice %arg9[%dma_wait3A_205, %dma_wait3A_213, %dma_wait3A_214] : memref<4x64x128xf32, #tpu.memory_space<vmem>> -> memref<1x64x128xf32, #tpu.memory_space<vmem>>
      %dma_wait3A_216 = tpu.memref_squeeze %dma_wait3A_215 : memref<1x64x128xf32, #tpu.memory_space<vmem>> -> memref<64x128xf32, #tpu.memory_space<vmem>>
      %dma_wait3A_217 = arith.constant 0 : i32
      %dma_wait3A_218 = arith.constant 0 : i32
      %dma_wait3A_219 = tpu.memref_slice %arg2[%dma_wait3A_217, %dma_wait3A_218] : memref<10240x128xf32, #tpu.memory_space<hbm>> -> memref<64x128xf32, #tpu.memory_space<hbm>>
      tpu.wait_dma2 semaphore(%arg10 : memref<!tpu.dma_semaphore, #tpu.memory_space<semaphore_mem>>) src(%dma_wait3A_219 : memref<64x128xf32, #tpu.memory_space<hbm>>) dst(%dma_wait3A_216 : memref<64x128xf32, #tpu.memory_space<vmem>>)
      %add3A_220 = arith.constant 3 : i32
      %add3A_221 = arith.addi %add3A_204, %add3A_220 : i32
      %lt3A = arith.constant 160 : i32
      %lt3A_222 = arith.cmpi slt, %add3A_221, %lt3A : i32
      %convert_element_type3A = arith.extui %lt3A_222 : i1 to i32
      %cond3A = arith.constant 0 : i32
      %cond3A_223 = arith.cmpi ne, %convert_element_type3A, %cond3A : i32
      scf.if %cond3A_223 {
        %dma_wait3A_485 = arith.constant 0 : i32
        %dma_wait3A_486 = arith.constant 0 : i32
        %dma_wait3A_487 = arith.constant 3 : i32
        %dma_wait3A_488 = arith.constant 0 : i32
        %dma_wait3A_489 = arith.constant 0 : i32
        %dma_wait3A_490 = tpu.memref_slice %arg8[%dma_wait3A_487, %dma_wait3A_488, %dma_wait3A_489] : memref<8x2x64xi32, #tpu.memory_space<vmem>> -> memref<1x2x64xi32, #tpu.memory_space<vmem>>
        %dma_wait3A_491 = tpu.memref_squeeze %dma_wait3A_490 : memref<1x2x64xi32, #tpu.memory_space<vmem>> -> memref<2x64xi32, #tpu.memory_space<vmem>>
        %dma_wait3A_492 = arith.constant 0 : i32
        %dma_wait3A_493 = arith.constant 0 : i32
        %dma_wait3A_494 = tpu.memref_slice %arg3[%dma_wait3A_485, %dma_wait3A_486, %dma_wait3A_492, %dma_wait3A_493] : memref<32x160x2x64xi32, #tpu.memory_space<hbm>> -> memref<1x1x2x64xi32, #tpu.memory_space<hbm>>
        %dma_wait3A_495 = tpu.memref_squeeze %dma_wait3A_494 : memref<1x1x2x64xi32, #tpu.memory_space<hbm>> -> memref<2x64xi32, #tpu.memory_space<hbm>>
        %dma_wait3A_496 = arith.constant 0 : i32
        %dma_wait3A_497 = arith.constant 0 : i32
        %dma_wait3A_498 = tpu.memref_slice %arg8[%dma_wait3A_487, %dma_wait3A_496, %dma_wait3A_497] : memref<8x2x64xi32, #tpu.memory_space<vmem>> -> memref<1x2x64xi32, #tpu.memory_space<vmem>>
        %dma_wait3A_499 = tpu.memref_squeeze %dma_wait3A_498 : memref<1x2x64xi32, #tpu.memory_space<vmem>> -> memref<2x64xi32, #tpu.memory_space<vmem>>
        %dma_wait3A_500 = arith.constant 0 : i32
        %dma_wait3A_501 = arith.constant 0 : i32
        %dma_wait3A_502 = tpu.memref_slice %arg3[%dma_wait3A_485, %dma_wait3A_486, %dma_wait3A_500, %dma_wait3A_501] : memref<32x160x2x64xi32, #tpu.memory_space<hbm>> -> memref<1x1x2x64xi32, #tpu.memory_space<hbm>>
        %dma_wait3A_503 = tpu.memref_squeeze %dma_wait3A_502 : memref<1x1x2x64xi32, #tpu.memory_space<hbm>> -> memref<2x64xi32, #tpu.memory_space<hbm>>
        tpu.wait_dma2 semaphore(%arg17 : memref<!tpu.dma_semaphore, #tpu.memory_space<semaphore_mem>>) src(%dma_wait3A_503 : memref<2x64xi32, #tpu.memory_space<hbm>>) dst(%dma_wait3A_499 : memref<2x64xi32, #tpu.memory_space<vmem>>)
        %dma_start3A_504 = arith.constant 3 : i32
        %dma_start3A_505 = arith.constant 0 : i32
        %dma_start3A_506 = arith.constant 3 : i32
        %dma_start3A_507 = arith.constant 0 : i32
        %dma_start3A_508 = arith.constant 0 : i32
        %dma_start3A_509 = tpu.memref_slice %arg9[%dma_start3A_506, %dma_start3A_507, %dma_start3A_508] : memref<4x64x128xf32, #tpu.memory_space<vmem>> -> memref<1x64x128xf32, #tpu.memory_space<vmem>>
        %dma_start3A_510 = tpu.memref_squeeze %dma_start3A_509 : memref<1x64x128xf32, #tpu.memory_space<vmem>> -> memref<64x128xf32, #tpu.memory_space<vmem>>
        %dma_start3A_511 = arith.constant 0 : i32
        %dma_start3A_512 = tpu.memref_slice %arg8[%dma_start3A_504, %dma_start3A_505, %dma_start3A_511] : memref<8x2x64xi32, #tpu.memory_space<vmem>> -> memref<1x1x64xi32, #tpu.memory_space<vmem>>
        %dma_start3A_513 = tpu.memref_squeeze %dma_start3A_512 : memref<1x1x64xi32, #tpu.memory_space<vmem>> -> memref<64xi32, #tpu.memory_space<vmem>>
        %dma_start3A_514 = arith.constant 0 : i32
        %dma_start3A_515 = arith.constant 0 : i32
        %dma_start3A_516 = tpu.memref_slice %arg2[%dma_start3A_514, %dma_start3A_515] : memref<10240x128xf32, #tpu.memory_space<hbm>> -> memref<10240x128xf32, #tpu.memory_space<hbm>>
        tpu.enqueue_indirect_dma source(%dma_start3A_516 : memref<10240x128xf32, #tpu.memory_space<hbm>>) target(%dma_start3A_510 : memref<64x128xf32, #tpu.memory_space<vmem>>) offsets(%dma_start3A_513 : memref<64xi32, #tpu.memory_space<vmem>>) semaphore(%arg13 : memref<!tpu.dma_semaphore, #tpu.memory_space<semaphore_mem>>)
      } else {
      }
      %add3A_224 = arith.constant 5 : i32
      %add3A_225 = arith.addi %add3A_204, %add3A_224 : i32
      %lt3A_226 = arith.constant 160 : i32
      %lt3A_227 = arith.cmpi slt, %add3A_225, %lt3A_226 : i32
      %convert_element_type3A_228 = arith.extui %lt3A_227 : i1 to i32
      %cond3A_229 = arith.constant 0 : i32
      %cond3A_230 = arith.cmpi ne, %convert_element_type3A_228, %cond3A_229 : i32
      scf.if %cond3A_230 {
        %add3A_485 = arith.constant 5 : i32
        %add3A_486 = arith.addi %add3A_204, %add3A_485 : i32
        %dma_start3A_487 = arith.constant 5 : i32
        %dma_start3A_488 = arith.constant 0 : i32
        %dma_start3A_489 = arith.constant 0 : i32
        %dma_start3A_490 = tpu.memref_slice %arg8[%dma_start3A_487, %dma_start3A_488, %dma_start3A_489] : memref<8x2x64xi32, #tpu.memory_space<vmem>> -> memref<1x2x64xi32, #tpu.memory_space<vmem>>
        %dma_start3A_491 = tpu.memref_squeeze %dma_start3A_490 : memref<1x2x64xi32, #tpu.memory_space<vmem>> -> memref<2x64xi32, #tpu.memory_space<vmem>>
        %dma_start3A_492 = arith.constant 0 : i32
        %dma_start3A_493 = arith.constant 0 : i32
        %dma_start3A_494 = tpu.memref_slice %arg3[%add3A, %add3A_486, %dma_start3A_492, %dma_start3A_493] : memref<32x160x2x64xi32, #tpu.memory_space<hbm>> -> memref<1x1x2x64xi32, #tpu.memory_space<hbm>>
        %dma_start3A_495 = tpu.memref_squeeze %dma_start3A_494 : memref<1x1x2x64xi32, #tpu.memory_space<hbm>> -> memref<2x64xi32, #tpu.memory_space<hbm>>
        %dma_start3A_496 = arith.constant 0 : i32
        %dma_start3A_497 = arith.constant 0 : i32
        %dma_start3A_498 = tpu.memref_slice %arg8[%dma_start3A_487, %dma_start3A_496, %dma_start3A_497] : memref<8x2x64xi32, #tpu.memory_space<vmem>> -> memref<1x2x64xi32, #tpu.memory_space<vmem>>
        %dma_start3A_499 = tpu.memref_squeeze %dma_start3A_498 : memref<1x2x64xi32, #tpu.memory_space<vmem>> -> memref<2x64xi32, #tpu.memory_space<vmem>>
        %dma_start3A_500 = arith.constant 0 : i32
        %dma_start3A_501 = arith.constant 0 : i32
        %dma_start3A_502 = tpu.memref_slice %arg3[%add3A, %add3A_486, %dma_start3A_500, %dma_start3A_501] : memref<32x160x2x64xi32, #tpu.memory_space<hbm>> -> memref<1x1x2x64xi32, #tpu.memory_space<hbm>>
        %dma_start3A_503 = tpu.memref_squeeze %dma_start3A_502 : memref<1x1x2x64xi32, #tpu.memory_space<hbm>> -> memref<2x64xi32, #tpu.memory_space<hbm>>
        tpu.enqueue_dma source(%dma_start3A_503 : memref<2x64xi32, #tpu.memory_space<hbm>>) target(%dma_start3A_499 : memref<2x64xi32, #tpu.memory_space<vmem>>) target_semaphore(%arg19 : memref<!tpu.dma_semaphore, #tpu.memory_space<semaphore_mem>>)
      } else {
      }
      %run_scoped3A = arith.constant 0 : i32
      %run_scoped3A_231 = arith.constant 0 : i32
      %run_scoped3A_232 = arith.constant 1 : i32
      "tpu.region"() ({
        %run_scoped3A_485 = tpu.sem_alloc : memref<!tpu.dma_semaphore, #tpu.memory_space<semaphore_mem>>
        %dma_start3A_486 = arith.constant 0 : i32
        %dma_start3A_487 = arith.constant 0 : i32
        %dma_start3A_488 = tpu.memref_slice %arg9[%run_scoped3A, %dma_start3A_486, %dma_start3A_487] : memref<4x64x128xf32, #tpu.memory_space<vmem>> -> memref<1x64x128xf32, #tpu.memory_space<vmem>>
        %dma_start3A_489 = tpu.memref_squeeze %dma_start3A_488 : memref<1x64x128xf32, #tpu.memory_space<vmem>> -> memref<64x128xf32, #tpu.memory_space<vmem>>
        %dma_start3A_490 = arith.constant 0 : i32
        %dma_start3A_491 = tpu.memref_slice %arg8[%run_scoped3A_231, %run_scoped3A_232, %dma_start3A_490] : memref<8x2x64xi32, #tpu.memory_space<vmem>> -> memref<1x1x64xi32, #tpu.memory_space<vmem>>
        %dma_start3A_492 = tpu.memref_squeeze %dma_start3A_491 : memref<1x1x64xi32, #tpu.memory_space<vmem>> -> memref<64xi32, #tpu.memory_space<vmem>>
        %dma_start3A_493 = arith.constant 0 : i32
        %dma_start3A_494 = arith.constant 0 : i32
        %dma_start3A_495 = tpu.memref_slice %arg7[%dma_start3A_493, %dma_start3A_494] : memref<10240x128xf32, #tpu.memory_space<vmem_shared>> -> memref<10240x128xf32, #tpu.memory_space<vmem_shared>>
        tpu.enqueue_indirect_dma source(%dma_start3A_489 : memref<64x128xf32, #tpu.memory_space<vmem>>) target(%dma_start3A_495 : memref<10240x128xf32, #tpu.memory_space<vmem_shared>>) offsets(%dma_start3A_492 : memref<64xi32, #tpu.memory_space<vmem>>) semaphore(%run_scoped3A_485 : memref<!tpu.dma_semaphore, #tpu.memory_space<semaphore_mem>>) {add = true}
        %dma_wait3A_496 = arith.constant 0 : i32
        %dma_wait3A_497 = arith.constant 0 : i32
        %dma_wait3A_498 = tpu.memref_slice %arg9[%run_scoped3A, %dma_wait3A_496, %dma_wait3A_497] : memref<4x64x128xf32, #tpu.memory_space<vmem>> -> memref<1x64x128xf32, #tpu.memory_space<vmem>>
        %dma_wait3A_499 = tpu.memref_squeeze %dma_wait3A_498 : memref<1x64x128xf32, #tpu.memory_space<vmem>> -> memref<64x128xf32, #tpu.memory_space<vmem>>
        %dma_wait3A_500 = arith.constant 0 : i32
        %dma_wait3A_501 = tpu.memref_slice %arg8[%run_scoped3A_231, %run_scoped3A_232, %dma_wait3A_500] : memref<8x2x64xi32, #tpu.memory_space<vmem>> -> memref<1x1x64xi32, #tpu.memory_space<vmem>>
        %dma_wait3A_502 = tpu.memref_squeeze %dma_wait3A_501 : memref<1x1x64xi32, #tpu.memory_space<vmem>> -> memref<64xi32, #tpu.memory_space<vmem>>
        %dma_wait3A_503 = arith.constant 0 : i32
        %dma_wait3A_504 = arith.constant 0 : i32
        %dma_wait3A_505 = tpu.memref_slice %arg7[%dma_wait3A_503, %dma_wait3A_504] : memref<10240x128xf32, #tpu.memory_space<vmem_shared>> -> memref<10240x128xf32, #tpu.memory_space<vmem_shared>>
        tpu.wait_indirect_dma semaphore(%run_scoped3A_485 : memref<!tpu.dma_semaphore, #tpu.memory_space<semaphore_mem>>) src(%dma_wait3A_499 : memref<64x128xf32, #tpu.memory_space<vmem>>) dst(%dma_wait3A_505 : memref<10240x128xf32, #tpu.memory_space<vmem_shared>>)
        tpu.yield
      }) : () -> ()
      %mul3A_233 = arith.constant 8 : i32
      %mul3A_234 = arith.muli %mul3A_233, %scan3A_200 : i32
      %add3A_235 = arith.constant 1 : i32
      %add3A_236 = arith.addi %mul3A_234, %add3A_235 : i32
      %dma_wait3A_237 = arith.constant 1 : i32
      %dma_wait3A_238 = arith.constant 0 : i32
      %dma_wait3A_239 = arith.constant 0 : i32
      %dma_wait3A_240 = tpu.memref_slice %arg9[%dma_wait3A_237, %dma_wait3A_238, %dma_wait3A_239] : memref<4x64x128xf32, #tpu.memory_space<vmem>> -> memref<1x64x128xf32, #tpu.memory_space<vmem>>
      %dma_wait3A_241 = tpu.memref_squeeze %dma_wait3A_240 : memref<1x64x128xf32, #tpu.memory_space<vmem>> -> memref<64x128xf32, #tpu.memory_space<vmem>>
      %dma_wait3A_242 = arith.constant 0 : i32
      %dma_wait3A_243 = arith.constant 0 : i32
      %dma_wait3A_244 = tpu.memref_slice %arg2[%dma_wait3A_242, %dma_wait3A_243] : memref<10240x128xf32, #tpu.memory_space<hbm>> -> memref<64x128xf32, #tpu.memory_space<hbm>>
      %dma_wait3A_245 = arith.constant 0 : i32
      %dma_wait3A_246 = arith.constant 0 : i32
      %dma_wait3A_247 = tpu.memref_slice %arg9[%dma_wait3A_237, %dma_wait3A_245, %dma_wait3A_246] : memref<4x64x128xf32, #tpu.memory_space<vmem>> -> memref<1x64x128xf32, #tpu.memory_space<vmem>>
      %dma_wait3A_248 = tpu.memref_squeeze %dma_wait3A_247 : memref<1x64x128xf32, #tpu.memory_space<vmem>> -> memref<64x128xf32, #tpu.memory_space<vmem>>
      %dma_wait3A_249 = arith.constant 0 : i32
      %dma_wait3A_250 = arith.constant 0 : i32
      %dma_wait3A_251 = tpu.memref_slice %arg2[%dma_wait3A_249, %dma_wait3A_250] : memref<10240x128xf32, #tpu.memory_space<hbm>> -> memref<64x128xf32, #tpu.memory_space<hbm>>
      tpu.wait_dma2 semaphore(%arg11 : memref<!tpu.dma_semaphore, #tpu.memory_space<semaphore_mem>>) src(%dma_wait3A_251 : memref<64x128xf32, #tpu.memory_space<hbm>>) dst(%dma_wait3A_248 : memref<64x128xf32, #tpu.memory_space<vmem>>)
      %add3A_252 = arith.constant 3 : i32
      %add3A_253 = arith.addi %add3A_236, %add3A_252 : i32
      %lt3A_254 = arith.constant 160 : i32
      %lt3A_255 = arith.cmpi slt, %add3A_253, %lt3A_254 : i32
      %convert_element_type3A_256 = arith.extui %lt3A_255 : i1 to i32
      %cond3A_257 = arith.constant 0 : i32
      %cond3A_258 = arith.cmpi ne, %convert_element_type3A_256, %cond3A_257 : i32
      scf.if %cond3A_258 {
        %dma_wait3A_485 = arith.constant 0 : i32
        %dma_wait3A_486 = arith.constant 0 : i32
        %dma_wait3A_487 = arith.constant 4 : i32
        %dma_wait3A_488 = arith.constant 0 : i32
        %dma_wait3A_489 = arith.constant 0 : i32
        %dma_wait3A_490 = tpu.memref_slice %arg8[%dma_wait3A_487, %dma_wait3A_488, %dma_wait3A_489] : memref<8x2x64xi32, #tpu.memory_space<vmem>> -> memref<1x2x64xi32, #tpu.memory_space<vmem>>
        %dma_wait3A_491 = tpu.memref_squeeze %dma_wait3A_490 : memref<1x2x64xi32, #tpu.memory_space<vmem>> -> memref<2x64xi32, #tpu.memory_space<vmem>>
        %dma_wait3A_492 = arith.constant 0 : i32
        %dma_wait3A_493 = arith.constant 0 : i32
        %dma_wait3A_494 = tpu.memref_slice %arg3[%dma_wait3A_485, %dma_wait3A_486, %dma_wait3A_492, %dma_wait3A_493] : memref<32x160x2x64xi32, #tpu.memory_space<hbm>> -> memref<1x1x2x64xi32, #tpu.memory_space<hbm>>
        %dma_wait3A_495 = tpu.memref_squeeze %dma_wait3A_494 : memref<1x1x2x64xi32, #tpu.memory_space<hbm>> -> memref<2x64xi32, #tpu.memory_space<hbm>>
        %dma_wait3A_496 = arith.constant 0 : i32
        %dma_wait3A_497 = arith.constant 0 : i32
        %dma_wait3A_498 = tpu.memref_slice %arg8[%dma_wait3A_487, %dma_wait3A_496, %dma_wait3A_497] : memref<8x2x64xi32, #tpu.memory_space<vmem>> -> memref<1x2x64xi32, #tpu.memory_space<vmem>>
        %dma_wait3A_499 = tpu.memref_squeeze %dma_wait3A_498 : memref<1x2x64xi32, #tpu.memory_space<vmem>> -> memref<2x64xi32, #tpu.memory_space<vmem>>
        %dma_wait3A_500 = arith.constant 0 : i32
        %dma_wait3A_501 = arith.constant 0 : i32
        %dma_wait3A_502 = tpu.memref_slice %arg3[%dma_wait3A_485, %dma_wait3A_486, %dma_wait3A_500, %dma_wait3A_501] : memref<32x160x2x64xi32, #tpu.memory_space<hbm>> -> memref<1x1x2x64xi32, #tpu.memory_space<hbm>>
        %dma_wait3A_503 = tpu.memref_squeeze %dma_wait3A_502 : memref<1x1x2x64xi32, #tpu.memory_space<hbm>> -> memref<2x64xi32, #tpu.memory_space<hbm>>
        tpu.wait_dma2 semaphore(%arg18 : memref<!tpu.dma_semaphore, #tpu.memory_space<semaphore_mem>>) src(%dma_wait3A_503 : memref<2x64xi32, #tpu.memory_space<hbm>>) dst(%dma_wait3A_499 : memref<2x64xi32, #tpu.memory_space<vmem>>)
        %dma_start3A_504 = arith.constant 4 : i32
        %dma_start3A_505 = arith.constant 0 : i32
        %dma_start3A_506 = arith.constant 0 : i32
        %dma_start3A_507 = arith.constant 0 : i32
        %dma_start3A_508 = arith.constant 0 : i32
        %dma_start3A_509 = tpu.memref_slice %arg9[%dma_start3A_506, %dma_start3A_507, %dma_start3A_508] : memref<4x64x128xf32, #tpu.memory_space<vmem>> -> memref<1x64x128xf32, #tpu.memory_space<vmem>>
        %dma_start3A_510 = tpu.memref_squeeze %dma_start3A_509 : memref<1x64x128xf32, #tpu.memory_space<vmem>> -> memref<64x128xf32, #tpu.memory_space<vmem>>
        %dma_start3A_511 = arith.constant 0 : i32
        %dma_start3A_512 = tpu.memref_slice %arg8[%dma_start3A_504, %dma_start3A_505, %dma_start3A_511] : memref<8x2x64xi32, #tpu.memory_space<vmem>> -> memref<1x1x64xi32, #tpu.memory_space<vmem>>
        %dma_start3A_513 = tpu.memref_squeeze %dma_start3A_512 : memref<1x1x64xi32, #tpu.memory_space<vmem>> -> memref<64xi32, #tpu.memory_space<vmem>>
        %dma_start3A_514 = arith.constant 0 : i32
        %dma_start3A_515 = arith.constant 0 : i32
        %dma_start3A_516 = tpu.memref_slice %arg2[%dma_start3A_514, %dma_start3A_515] : memref<10240x128xf32, #tpu.memory_space<hbm>> -> memref<10240x128xf32, #tpu.memory_space<hbm>>
        tpu.enqueue_indirect_dma source(%dma_start3A_516 : memref<10240x128xf32, #tpu.memory_space<hbm>>) target(%dma_start3A_510 : memref<64x128xf32, #tpu.memory_space<vmem>>) offsets(%dma_start3A_513 : memref<64xi32, #tpu.memory_space<vmem>>) semaphore(%arg10 : memref<!tpu.dma_semaphore, #tpu.memory_space<semaphore_mem>>)
      } else {
      }
      %add3A_259 = arith.constant 5 : i32
      %add3A_260 = arith.addi %add3A_236, %add3A_259 : i32
      %lt3A_261 = arith.constant 160 : i32
      %lt3A_262 = arith.cmpi slt, %add3A_260, %lt3A_261 : i32
      %convert_element_type3A_263 = arith.extui %lt3A_262 : i1 to i32
      %cond3A_264 = arith.constant 0 : i32
      %cond3A_265 = arith.cmpi ne, %convert_element_type3A_263, %cond3A_264 : i32
      scf.if %cond3A_265 {
        %add3A_485 = arith.constant 5 : i32
        %add3A_486 = arith.addi %add3A_236, %add3A_485 : i32
        %dma_start3A_487 = arith.constant 6 : i32
        %dma_start3A_488 = arith.constant 0 : i32
        %dma_start3A_489 = arith.constant 0 : i32
        %dma_start3A_490 = tpu.memref_slice %arg8[%dma_start3A_487, %dma_start3A_488, %dma_start3A_489] : memref<8x2x64xi32, #tpu.memory_space<vmem>> -> memref<1x2x64xi32, #tpu.memory_space<vmem>>
        %dma_start3A_491 = tpu.memref_squeeze %dma_start3A_490 : memref<1x2x64xi32, #tpu.memory_space<vmem>> -> memref<2x64xi32, #tpu.memory_space<vmem>>
        %dma_start3A_492 = arith.constant 0 : i32
        %dma_start3A_493 = arith.constant 0 : i32
        %dma_start3A_494 = tpu.memref_slice %arg3[%add3A, %add3A_486, %dma_start3A_492, %dma_start3A_493] : memref<32x160x2x64xi32, #tpu.memory_space<hbm>> -> memref<1x1x2x64xi32, #tpu.memory_space<hbm>>
        %dma_start3A_495 = tpu.memref_squeeze %dma_start3A_494 : memref<1x1x2x64xi32, #tpu.memory_space<hbm>> -> memref<2x64xi32, #tpu.memory_space<hbm>>
        %dma_start3A_496 = arith.constant 0 : i32
        %dma_start3A_497 = arith.constant 0 : i32
        %dma_start3A_498 = tpu.memref_slice %arg8[%dma_start3A_487, %dma_start3A_496, %dma_start3A_497] : memref<8x2x64xi32, #tpu.memory_space<vmem>> -> memref<1x2x64xi32, #tpu.memory_space<vmem>>
        %dma_start3A_499 = tpu.memref_squeeze %dma_start3A_498 : memref<1x2x64xi32, #tpu.memory_space<vmem>> -> memref<2x64xi32, #tpu.memory_space<vmem>>
        %dma_start3A_500 = arith.constant 0 : i32
        %dma_start3A_501 = arith.constant 0 : i32
        %dma_start3A_502 = tpu.memref_slice %arg3[%add3A, %add3A_486, %dma_start3A_500, %dma_start3A_501] : memref<32x160x2x64xi32, #tpu.memory_space<hbm>> -> memref<1x1x2x64xi32, #tpu.memory_space<hbm>>
        %dma_start3A_503 = tpu.memref_squeeze %dma_start3A_502 : memref<1x1x2x64xi32, #tpu.memory_space<hbm>> -> memref<2x64xi32, #tpu.memory_space<hbm>>
        tpu.enqueue_dma source(%dma_start3A_503 : memref<2x64xi32, #tpu.memory_space<hbm>>) target(%dma_start3A_499 : memref<2x64xi32, #tpu.memory_space<vmem>>) target_semaphore(%arg20 : memref<!tpu.dma_semaphore, #tpu.memory_space<semaphore_mem>>)
      } else {
      }
      %run_scoped3A_266 = arith.constant 1 : i32
      %run_scoped3A_267 = arith.constant 1 : i32
      %run_scoped3A_268 = arith.constant 1 : i32
      "tpu.region"() ({
        %run_scoped3A_485 = tpu.sem_alloc : memref<!tpu.dma_semaphore, #tpu.memory_space<semaphore_mem>>
        %dma_start3A_486 = arith.constant 0 : i32
        %dma_start3A_487 = arith.constant 0 : i32
        %dma_start3A_488 = tpu.memref_slice %arg9[%run_scoped3A_266, %dma_start3A_486, %dma_start3A_487] : memref<4x64x128xf32, #tpu.memory_space<vmem>> -> memref<1x64x128xf32, #tpu.memory_space<vmem>>
        %dma_start3A_489 = tpu.memref_squeeze %dma_start3A_488 : memref<1x64x128xf32, #tpu.memory_space<vmem>> -> memref<64x128xf32, #tpu.memory_space<vmem>>
        %dma_start3A_490 = arith.constant 0 : i32
        %dma_start3A_491 = tpu.memref_slice %arg8[%run_scoped3A_267, %run_scoped3A_268, %dma_start3A_490] : memref<8x2x64xi32, #tpu.memory_space<vmem>> -> memref<1x1x64xi32, #tpu.memory_space<vmem>>
        %dma_start3A_492 = tpu.memref_squeeze %dma_start3A_491 : memref<1x1x64xi32, #tpu.memory_space<vmem>> -> memref<64xi32, #tpu.memory_space<vmem>>
        %dma_start3A_493 = arith.constant 0 : i32
        %dma_start3A_494 = arith.constant 0 : i32
        %dma_start3A_495 = tpu.memref_slice %arg7[%dma_start3A_493, %dma_start3A_494] : memref<10240x128xf32, #tpu.memory_space<vmem_shared>> -> memref<10240x128xf32, #tpu.memory_space<vmem_shared>>
        tpu.enqueue_indirect_dma source(%dma_start3A_489 : memref<64x128xf32, #tpu.memory_space<vmem>>) target(%dma_start3A_495 : memref<10240x128xf32, #tpu.memory_space<vmem_shared>>) offsets(%dma_start3A_492 : memref<64xi32, #tpu.memory_space<vmem>>) semaphore(%run_scoped3A_485 : memref<!tpu.dma_semaphore, #tpu.memory_space<semaphore_mem>>) {add = true}
        %dma_wait3A_496 = arith.constant 0 : i32
        %dma_wait3A_497 = arith.constant 0 : i32
        %dma_wait3A_498 = tpu.memref_slice %arg9[%run_scoped3A_266, %dma_wait3A_496, %dma_wait3A_497] : memref<4x64x128xf32, #tpu.memory_space<vmem>> -> memref<1x64x128xf32, #tpu.memory_space<vmem>>
        %dma_wait3A_499 = tpu.memref_squeeze %dma_wait3A_498 : memref<1x64x128xf32, #tpu.memory_space<vmem>> -> memref<64x128xf32, #tpu.memory_space<vmem>>
        %dma_wait3A_500 = arith.constant 0 : i32
        %dma_wait3A_501 = tpu.memref_slice %arg8[%run_scoped3A_267, %run_scoped3A_268, %dma_wait3A_500] : memref<8x2x64xi32, #tpu.memory_space<vmem>> -> memref<1x1x64xi32, #tpu.memory_space<vmem>>
        %dma_wait3A_502 = tpu.memref_squeeze %dma_wait3A_501 : memref<1x1x64xi32, #tpu.memory_space<vmem>> -> memref<64xi32, #tpu.memory_space<vmem>>
        %dma_wait3A_503 = arith.constant 0 : i32
        %dma_wait3A_504 = arith.constant 0 : i32
        %dma_wait3A_505 = tpu.memref_slice %arg7[%dma_wait3A_503, %dma_wait3A_504] : memref<10240x128xf32, #tpu.memory_space<vmem_shared>> -> memref<10240x128xf32, #tpu.memory_space<vmem_shared>>
        tpu.wait_indirect_dma semaphore(%run_scoped3A_485 : memref<!tpu.dma_semaphore, #tpu.memory_space<semaphore_mem>>) src(%dma_wait3A_499 : memref<64x128xf32, #tpu.memory_space<vmem>>) dst(%dma_wait3A_505 : memref<10240x128xf32, #tpu.memory_space<vmem_shared>>)
        tpu.yield
      }) : () -> ()
      %mul3A_269 = arith.constant 8 : i32
      %mul3A_270 = arith.muli %mul3A_269, %scan3A_200 : i32
      %add3A_271 = arith.constant 2 : i32
      %add3A_272 = arith.addi %mul3A_270, %add3A_271 : i32
      %dma_wait3A_273 = arith.constant 2 : i32
      %dma_wait3A_274 = arith.constant 0 : i32
      %dma_wait3A_275 = arith.constant 0 : i32
      %dma_wait3A_276 = tpu.memref_slice %arg9[%dma_wait3A_273, %dma_wait3A_274, %dma_wait3A_275] : memref<4x64x128xf32, #tpu.memory_space<vmem>> -> memref<1x64x128xf32, #tpu.memory_space<vmem>>
      %dma_wait3A_277 = tpu.memref_squeeze %dma_wait3A_276 : memref<1x64x128xf32, #tpu.memory_space<vmem>> -> memref<64x128xf32, #tpu.memory_space<vmem>>
      %dma_wait3A_278 = arith.constant 0 : i32
      %dma_wait3A_279 = arith.constant 0 : i32
      %dma_wait3A_280 = tpu.memref_slice %arg2[%dma_wait3A_278, %dma_wait3A_279] : memref<10240x128xf32, #tpu.memory_space<hbm>> -> memref<64x128xf32, #tpu.memory_space<hbm>>
      %dma_wait3A_281 = arith.constant 0 : i32
      %dma_wait3A_282 = arith.constant 0 : i32
      %dma_wait3A_283 = tpu.memref_slice %arg9[%dma_wait3A_273, %dma_wait3A_281, %dma_wait3A_282] : memref<4x64x128xf32, #tpu.memory_space<vmem>> -> memref<1x64x128xf32, #tpu.memory_space<vmem>>
      %dma_wait3A_284 = tpu.memref_squeeze %dma_wait3A_283 : memref<1x64x128xf32, #tpu.memory_space<vmem>> -> memref<64x128xf32, #tpu.memory_space<vmem>>
      %dma_wait3A_285 = arith.constant 0 : i32
      %dma_wait3A_286 = arith.constant 0 : i32
      %dma_wait3A_287 = tpu.memref_slice %arg2[%dma_wait3A_285, %dma_wait3A_286] : memref<10240x128xf32, #tpu.memory_space<hbm>> -> memref<64x128xf32, #tpu.memory_space<hbm>>
      tpu.wait_dma2 semaphore(%arg12 : memref<!tpu.dma_semaphore, #tpu.memory_space<semaphore_mem>>) src(%dma_wait3A_287 : memref<64x128xf32, #tpu.memory_space<hbm>>) dst(%dma_wait3A_284 : memref<64x128xf32, #tpu.memory_space<vmem>>)
      %add3A_288 = arith.constant 3 : i32
      %add3A_289 = arith.addi %add3A_272, %add3A_288 : i32
      %lt3A_290 = arith.constant 160 : i32
      %lt3A_291 = arith.cmpi slt, %add3A_289, %lt3A_290 : i32
      %convert_element_type3A_292 = arith.extui %lt3A_291 : i1 to i32
      %cond3A_293 = arith.constant 0 : i32
      %cond3A_294 = arith.cmpi ne, %convert_element_type3A_292, %cond3A_293 : i32
      scf.if %cond3A_294 {
        %dma_wait3A_485 = arith.constant 0 : i32
        %dma_wait3A_486 = arith.constant 0 : i32
        %dma_wait3A_487 = arith.constant 5 : i32
        %dma_wait3A_488 = arith.constant 0 : i32
        %dma_wait3A_489 = arith.constant 0 : i32
        %dma_wait3A_490 = tpu.memref_slice %arg8[%dma_wait3A_487, %dma_wait3A_488, %dma_wait3A_489] : memref<8x2x64xi32, #tpu.memory_space<vmem>> -> memref<1x2x64xi32, #tpu.memory_space<vmem>>
        %dma_wait3A_491 = tpu.memref_squeeze %dma_wait3A_490 : memref<1x2x64xi32, #tpu.memory_space<vmem>> -> memref<2x64xi32, #tpu.memory_space<vmem>>
        %dma_wait3A_492 = arith.constant 0 : i32
        %dma_wait3A_493 = arith.constant 0 : i32
        %dma_wait3A_494 = tpu.memref_slice %arg3[%dma_wait3A_485, %dma_wait3A_486, %dma_wait3A_492, %dma_wait3A_493] : memref<32x160x2x64xi32, #tpu.memory_space<hbm>> -> memref<1x1x2x64xi32, #tpu.memory_space<hbm>>
        %dma_wait3A_495 = tpu.memref_squeeze %dma_wait3A_494 : memref<1x1x2x64xi32, #tpu.memory_space<hbm>> -> memref<2x64xi32, #tpu.memory_space<hbm>>
        %dma_wait3A_496 = arith.constant 0 : i32
        %dma_wait3A_497 = arith.constant 0 : i32
        %dma_wait3A_498 = tpu.memref_slice %arg8[%dma_wait3A_487, %dma_wait3A_496, %dma_wait3A_497] : memref<8x2x64xi32, #tpu.memory_space<vmem>> -> memref<1x2x64xi32, #tpu.memory_space<vmem>>
        %dma_wait3A_499 = tpu.memref_squeeze %dma_wait3A_498 : memref<1x2x64xi32, #tpu.memory_space<vmem>> -> memref<2x64xi32, #tpu.memory_space<vmem>>
        %dma_wait3A_500 = arith.constant 0 : i32
        %dma_wait3A_501 = arith.constant 0 : i32
        %dma_wait3A_502 = tpu.memref_slice %arg3[%dma_wait3A_485, %dma_wait3A_486, %dma_wait3A_500, %dma_wait3A_501] : memref<32x160x2x64xi32, #tpu.memory_space<hbm>> -> memref<1x1x2x64xi32, #tpu.memory_space<hbm>>
        %dma_wait3A_503 = tpu.memref_squeeze %dma_wait3A_502 : memref<1x1x2x64xi32, #tpu.memory_space<hbm>> -> memref<2x64xi32, #tpu.memory_space<hbm>>
        tpu.wait_dma2 semaphore(%arg19 : memref<!tpu.dma_semaphore, #tpu.memory_space<semaphore_mem>>) src(%dma_wait3A_503 : memref<2x64xi32, #tpu.memory_space<hbm>>) dst(%dma_wait3A_499 : memref<2x64xi32, #tpu.memory_space<vmem>>)
        %dma_start3A_504 = arith.constant 5 : i32
        %dma_start3A_505 = arith.constant 0 : i32
        %dma_start3A_506 = arith.constant 1 : i32
        %dma_start3A_507 = arith.constant 0 : i32
        %dma_start3A_508 = arith.constant 0 : i32
        %dma_start3A_509 = tpu.memref_slice %arg9[%dma_start3A_506, %dma_start3A_507, %dma_start3A_508] : memref<4x64x128xf32, #tpu.memory_space<vmem>> -> memref<1x64x128xf32, #tpu.memory_space<vmem>>
        %dma_start3A_510 = tpu.memref_squeeze %dma_start3A_509 : memref<1x64x128xf32, #tpu.memory_space<vmem>> -> memref<64x128xf32, #tpu.memory_space<vmem>>
        %dma_start3A_511 = arith.constant 0 : i32
        %dma_start3A_512 = tpu.memref_slice %arg8[%dma_start3A_504, %dma_start3A_505, %dma_start3A_511] : memref<8x2x64xi32, #tpu.memory_space<vmem>> -> memref<1x1x64xi32, #tpu.memory_space<vmem>>
        %dma_start3A_513 = tpu.memref_squeeze %dma_start3A_512 : memref<1x1x64xi32, #tpu.memory_space<vmem>> -> memref<64xi32, #tpu.memory_space<vmem>>
        %dma_start3A_514 = arith.constant 0 : i32
        %dma_start3A_515 = arith.constant 0 : i32
        %dma_start3A_516 = tpu.memref_slice %arg2[%dma_start3A_514, %dma_start3A_515] : memref<10240x128xf32, #tpu.memory_space<hbm>> -> memref<10240x128xf32, #tpu.memory_space<hbm>>
        tpu.enqueue_indirect_dma source(%dma_start3A_516 : memref<10240x128xf32, #tpu.memory_space<hbm>>) target(%dma_start3A_510 : memref<64x128xf32, #tpu.memory_space<vmem>>) offsets(%dma_start3A_513 : memref<64xi32, #tpu.memory_space<vmem>>) semaphore(%arg11 : memref<!tpu.dma_semaphore, #tpu.memory_space<semaphore_mem>>)
      } else {
      }
      %add3A_295 = arith.constant 5 : i32
      %add3A_296 = arith.addi %add3A_272, %add3A_295 : i32
      %lt3A_297 = arith.constant 160 : i32
      %lt3A_298 = arith.cmpi slt, %add3A_296, %lt3A_297 : i32
      %convert_element_type3A_299 = arith.extui %lt3A_298 : i1 to i32
      %cond3A_300 = arith.constant 0 : i32
      %cond3A_301 = arith.cmpi ne, %convert_element_type3A_299, %cond3A_300 : i32
      scf.if %cond3A_301 {
        %add3A_485 = arith.constant 5 : i32
        %add3A_486 = arith.addi %add3A_272, %add3A_485 : i32
        %dma_start3A_487 = arith.constant 7 : i32
        %dma_start3A_488 = arith.constant 0 : i32
        %dma_start3A_489 = arith.constant 0 : i32
        %dma_start3A_490 = tpu.memref_slice %arg8[%dma_start3A_487, %dma_start3A_488, %dma_start3A_489] : memref<8x2x64xi32, #tpu.memory_space<vmem>> -> memref<1x2x64xi32, #tpu.memory_space<vmem>>
        %dma_start3A_491 = tpu.memref_squeeze %dma_start3A_490 : memref<1x2x64xi32, #tpu.memory_space<vmem>> -> memref<2x64xi32, #tpu.memory_space<vmem>>
        %dma_start3A_492 = arith.constant 0 : i32
        %dma_start3A_493 = arith.constant 0 : i32
        %dma_start3A_494 = tpu.memref_slice %arg3[%add3A, %add3A_486, %dma_start3A_492, %dma_start3A_493] : memref<32x160x2x64xi32, #tpu.memory_space<hbm>> -> memref<1x1x2x64xi32, #tpu.memory_space<hbm>>
        %dma_start3A_495 = tpu.memref_squeeze %dma_start3A_494 : memref<1x1x2x64xi32, #tpu.memory_space<hbm>> -> memref<2x64xi32, #tpu.memory_space<hbm>>
        %dma_start3A_496 = arith.constant 0 : i32
        %dma_start3A_497 = arith.constant 0 : i32
        %dma_start3A_498 = tpu.memref_slice %arg8[%dma_start3A_487, %dma_start3A_496, %dma_start3A_497] : memref<8x2x64xi32, #tpu.memory_space<vmem>> -> memref<1x2x64xi32, #tpu.memory_space<vmem>>
        %dma_start3A_499 = tpu.memref_squeeze %dma_start3A_498 : memref<1x2x64xi32, #tpu.memory_space<vmem>> -> memref<2x64xi32, #tpu.memory_space<vmem>>
        %dma_start3A_500 = arith.constant 0 : i32
        %dma_start3A_501 = arith.constant 0 : i32
        %dma_start3A_502 = tpu.memref_slice %arg3[%add3A, %add3A_486, %dma_start3A_500, %dma_start3A_501] : memref<32x160x2x64xi32, #tpu.memory_space<hbm>> -> memref<1x1x2x64xi32, #tpu.memory_space<hbm>>
        %dma_start3A_503 = tpu.memref_squeeze %dma_start3A_502 : memref<1x1x2x64xi32, #tpu.memory_space<hbm>> -> memref<2x64xi32, #tpu.memory_space<hbm>>
        tpu.enqueue_dma source(%dma_start3A_503 : memref<2x64xi32, #tpu.memory_space<hbm>>) target(%dma_start3A_499 : memref<2x64xi32, #tpu.memory_space<vmem>>) target_semaphore(%arg21 : memref<!tpu.dma_semaphore, #tpu.memory_space<semaphore_mem>>)
      } else {
      }
      %run_scoped3A_302 = arith.constant 2 : i32
      %run_scoped3A_303 = arith.constant 2 : i32
      %run_scoped3A_304 = arith.constant 1 : i32
      "tpu.region"() ({
        %run_scoped3A_485 = tpu.sem_alloc : memref<!tpu.dma_semaphore, #tpu.memory_space<semaphore_mem>>
        %dma_start3A_486 = arith.constant 0 : i32
        %dma_start3A_487 = arith.constant 0 : i32
        %dma_start3A_488 = tpu.memref_slice %arg9[%run_scoped3A_302, %dma_start3A_486, %dma_start3A_487] : memref<4x64x128xf32, #tpu.memory_space<vmem>> -> memref<1x64x128xf32, #tpu.memory_space<vmem>>
        %dma_start3A_489 = tpu.memref_squeeze %dma_start3A_488 : memref<1x64x128xf32, #tpu.memory_space<vmem>> -> memref<64x128xf32, #tpu.memory_space<vmem>>
        %dma_start3A_490 = arith.constant 0 : i32
        %dma_start3A_491 = tpu.memref_slice %arg8[%run_scoped3A_303, %run_scoped3A_304, %dma_start3A_490] : memref<8x2x64xi32, #tpu.memory_space<vmem>> -> memref<1x1x64xi32, #tpu.memory_space<vmem>>
        %dma_start3A_492 = tpu.memref_squeeze %dma_start3A_491 : memref<1x1x64xi32, #tpu.memory_space<vmem>> -> memref<64xi32, #tpu.memory_space<vmem>>
        %dma_start3A_493 = arith.constant 0 : i32
        %dma_start3A_494 = arith.constant 0 : i32
        %dma_start3A_495 = tpu.memref_slice %arg7[%dma_start3A_493, %dma_start3A_494] : memref<10240x128xf32, #tpu.memory_space<vmem_shared>> -> memref<10240x128xf32, #tpu.memory_space<vmem_shared>>
        tpu.enqueue_indirect_dma source(%dma_start3A_489 : memref<64x128xf32, #tpu.memory_space<vmem>>) target(%dma_start3A_495 : memref<10240x128xf32, #tpu.memory_space<vmem_shared>>) offsets(%dma_start3A_492 : memref<64xi32, #tpu.memory_space<vmem>>) semaphore(%run_scoped3A_485 : memref<!tpu.dma_semaphore, #tpu.memory_space<semaphore_mem>>) {add = true}
        %dma_wait3A_496 = arith.constant 0 : i32
        %dma_wait3A_497 = arith.constant 0 : i32
        %dma_wait3A_498 = tpu.memref_slice %arg9[%run_scoped3A_302, %dma_wait3A_496, %dma_wait3A_497] : memref<4x64x128xf32, #tpu.memory_space<vmem>> -> memref<1x64x128xf32, #tpu.memory_space<vmem>>
        %dma_wait3A_499 = tpu.memref_squeeze %dma_wait3A_498 : memref<1x64x128xf32, #tpu.memory_space<vmem>> -> memref<64x128xf32, #tpu.memory_space<vmem>>
        %dma_wait3A_500 = arith.constant 0 : i32
        %dma_wait3A_501 = tpu.memref_slice %arg8[%run_scoped3A_303, %run_scoped3A_304, %dma_wait3A_500] : memref<8x2x64xi32, #tpu.memory_space<vmem>> -> memref<1x1x64xi32, #tpu.memory_space<vmem>>
        %dma_wait3A_502 = tpu.memref_squeeze %dma_wait3A_501 : memref<1x1x64xi32, #tpu.memory_space<vmem>> -> memref<64xi32, #tpu.memory_space<vmem>>
        %dma_wait3A_503 = arith.constant 0 : i32
        %dma_wait3A_504 = arith.constant 0 : i32
        %dma_wait3A_505 = tpu.memref_slice %arg7[%dma_wait3A_503, %dma_wait3A_504] : memref<10240x128xf32, #tpu.memory_space<vmem_shared>> -> memref<10240x128xf32, #tpu.memory_space<vmem_shared>>
        tpu.wait_indirect_dma semaphore(%run_scoped3A_485 : memref<!tpu.dma_semaphore, #tpu.memory_space<semaphore_mem>>) src(%dma_wait3A_499 : memref<64x128xf32, #tpu.memory_space<vmem>>) dst(%dma_wait3A_505 : memref<10240x128xf32, #tpu.memory_space<vmem_shared>>)
        tpu.yield
      }) : () -> ()
      %mul3A_305 = arith.constant 8 : i32
      %mul3A_306 = arith.muli %mul3A_305, %scan3A_200 : i32
      %add3A_307 = arith.constant 3 : i32
      %add3A_308 = arith.addi %mul3A_306, %add3A_307 : i32
      %dma_wait3A_309 = arith.constant 3 : i32
      %dma_wait3A_310 = arith.constant 0 : i32
      %dma_wait3A_311 = arith.constant 0 : i32
      %dma_wait3A_312 = tpu.memref_slice %arg9[%dma_wait3A_309, %dma_wait3A_310, %dma_wait3A_311] : memref<4x64x128xf32, #tpu.memory_space<vmem>> -> memref<1x64x128xf32, #tpu.memory_space<vmem>>
      %dma_wait3A_313 = tpu.memref_squeeze %dma_wait3A_312 : memref<1x64x128xf32, #tpu.memory_space<vmem>> -> memref<64x128xf32, #tpu.memory_space<vmem>>
      %dma_wait3A_314 = arith.constant 0 : i32
      %dma_wait3A_315 = arith.constant 0 : i32
      %dma_wait3A_316 = tpu.memref_slice %arg2[%dma_wait3A_314, %dma_wait3A_315] : memref<10240x128xf32, #tpu.memory_space<hbm>> -> memref<64x128xf32, #tpu.memory_space<hbm>>
      %dma_wait3A_317 = arith.constant 0 : i32
      %dma_wait3A_318 = arith.constant 0 : i32
      %dma_wait3A_319 = tpu.memref_slice %arg9[%dma_wait3A_309, %dma_wait3A_317, %dma_wait3A_318] : memref<4x64x128xf32, #tpu.memory_space<vmem>> -> memref<1x64x128xf32, #tpu.memory_space<vmem>>
      %dma_wait3A_320 = tpu.memref_squeeze %dma_wait3A_319 : memref<1x64x128xf32, #tpu.memory_space<vmem>> -> memref<64x128xf32, #tpu.memory_space<vmem>>
      %dma_wait3A_321 = arith.constant 0 : i32
      %dma_wait3A_322 = arith.constant 0 : i32
      %dma_wait3A_323 = tpu.memref_slice %arg2[%dma_wait3A_321, %dma_wait3A_322] : memref<10240x128xf32, #tpu.memory_space<hbm>> -> memref<64x128xf32, #tpu.memory_space<hbm>>
      tpu.wait_dma2 semaphore(%arg13 : memref<!tpu.dma_semaphore, #tpu.memory_space<semaphore_mem>>) src(%dma_wait3A_323 : memref<64x128xf32, #tpu.memory_space<hbm>>) dst(%dma_wait3A_320 : memref<64x128xf32, #tpu.memory_space<vmem>>)
      %add3A_324 = arith.constant 3 : i32
      %add3A_325 = arith.addi %add3A_308, %add3A_324 : i32
      %lt3A_326 = arith.constant 160 : i32
      %lt3A_327 = arith.cmpi slt, %add3A_325, %lt3A_326 : i32
      %convert_element_type3A_328 = arith.extui %lt3A_327 : i1 to i32
      %cond3A_329 = arith.constant 0 : i32
      %cond3A_330 = arith.cmpi ne, %convert_element_type3A_328, %cond3A_329 : i32
      scf.if %cond3A_330 {
        %dma_wait3A_485 = arith.constant 0 : i32
        %dma_wait3A_486 = arith.constant 0 : i32
        %dma_wait3A_487 = arith.constant 6 : i32
        %dma_wait3A_488 = arith.constant 0 : i32
        %dma_wait3A_489 = arith.constant 0 : i32
        %dma_wait3A_490 = tpu.memref_slice %arg8[%dma_wait3A_487, %dma_wait3A_488, %dma_wait3A_489] : memref<8x2x64xi32, #tpu.memory_space<vmem>> -> memref<1x2x64xi32, #tpu.memory_space<vmem>>
        %dma_wait3A_491 = tpu.memref_squeeze %dma_wait3A_490 : memref<1x2x64xi32, #tpu.memory_space<vmem>> -> memref<2x64xi32, #tpu.memory_space<vmem>>
        %dma_wait3A_492 = arith.constant 0 : i32
        %dma_wait3A_493 = arith.constant 0 : i32
        %dma_wait3A_494 = tpu.memref_slice %arg3[%dma_wait3A_485, %dma_wait3A_486, %dma_wait3A_492, %dma_wait3A_493] : memref<32x160x2x64xi32, #tpu.memory_space<hbm>> -> memref<1x1x2x64xi32, #tpu.memory_space<hbm>>
        %dma_wait3A_495 = tpu.memref_squeeze %dma_wait3A_494 : memref<1x1x2x64xi32, #tpu.memory_space<hbm>> -> memref<2x64xi32, #tpu.memory_space<hbm>>
        %dma_wait3A_496 = arith.constant 0 : i32
        %dma_wait3A_497 = arith.constant 0 : i32
        %dma_wait3A_498 = tpu.memref_slice %arg8[%dma_wait3A_487, %dma_wait3A_496, %dma_wait3A_497] : memref<8x2x64xi32, #tpu.memory_space<vmem>> -> memref<1x2x64xi32, #tpu.memory_space<vmem>>
        %dma_wait3A_499 = tpu.memref_squeeze %dma_wait3A_498 : memref<1x2x64xi32, #tpu.memory_space<vmem>> -> memref<2x64xi32, #tpu.memory_space<vmem>>
        %dma_wait3A_500 = arith.constant 0 : i32
        %dma_wait3A_501 = arith.constant 0 : i32
        %dma_wait3A_502 = tpu.memref_slice %arg3[%dma_wait3A_485, %dma_wait3A_486, %dma_wait3A_500, %dma_wait3A_501] : memref<32x160x2x64xi32, #tpu.memory_space<hbm>> -> memref<1x1x2x64xi32, #tpu.memory_space<hbm>>
        %dma_wait3A_503 = tpu.memref_squeeze %dma_wait3A_502 : memref<1x1x2x64xi32, #tpu.memory_space<hbm>> -> memref<2x64xi32, #tpu.memory_space<hbm>>
        tpu.wait_dma2 semaphore(%arg20 : memref<!tpu.dma_semaphore, #tpu.memory_space<semaphore_mem>>) src(%dma_wait3A_503 : memref<2x64xi32, #tpu.memory_space<hbm>>) dst(%dma_wait3A_499 : memref<2x64xi32, #tpu.memory_space<vmem>>)
        %dma_start3A_504 = arith.constant 6 : i32
        %dma_start3A_505 = arith.constant 0 : i32
        %dma_start3A_506 = arith.constant 2 : i32
        %dma_start3A_507 = arith.constant 0 : i32
        %dma_start3A_508 = arith.constant 0 : i32
        %dma_start3A_509 = tpu.memref_slice %arg9[%dma_start3A_506, %dma_start3A_507, %dma_start3A_508] : memref<4x64x128xf32, #tpu.memory_space<vmem>> -> memref<1x64x128xf32, #tpu.memory_space<vmem>>
        %dma_start3A_510 = tpu.memref_squeeze %dma_start3A_509 : memref<1x64x128xf32, #tpu.memory_space<vmem>> -> memref<64x128xf32, #tpu.memory_space<vmem>>
        %dma_start3A_511 = arith.constant 0 : i32
        %dma_start3A_512 = tpu.memref_slice %arg8[%dma_start3A_504, %dma_start3A_505, %dma_start3A_511] : memref<8x2x64xi32, #tpu.memory_space<vmem>> -> memref<1x1x64xi32, #tpu.memory_space<vmem>>
        %dma_start3A_513 = tpu.memref_squeeze %dma_start3A_512 : memref<1x1x64xi32, #tpu.memory_space<vmem>> -> memref<64xi32, #tpu.memory_space<vmem>>
        %dma_start3A_514 = arith.constant 0 : i32
        %dma_start3A_515 = arith.constant 0 : i32
        %dma_start3A_516 = tpu.memref_slice %arg2[%dma_start3A_514, %dma_start3A_515] : memref<10240x128xf32, #tpu.memory_space<hbm>> -> memref<10240x128xf32, #tpu.memory_space<hbm>>
        tpu.enqueue_indirect_dma source(%dma_start3A_516 : memref<10240x128xf32, #tpu.memory_space<hbm>>) target(%dma_start3A_510 : memref<64x128xf32, #tpu.memory_space<vmem>>) offsets(%dma_start3A_513 : memref<64xi32, #tpu.memory_space<vmem>>) semaphore(%arg12 : memref<!tpu.dma_semaphore, #tpu.memory_space<semaphore_mem>>)
      } else {
      }
      %add3A_331 = arith.constant 5 : i32
      %add3A_332 = arith.addi %add3A_308, %add3A_331 : i32
      %lt3A_333 = arith.constant 160 : i32
      %lt3A_334 = arith.cmpi slt, %add3A_332, %lt3A_333 : i32
      %convert_element_type3A_335 = arith.extui %lt3A_334 : i1 to i32
      %cond3A_336 = arith.constant 0 : i32
      %cond3A_337 = arith.cmpi ne, %convert_element_type3A_335, %cond3A_336 : i32
      scf.if %cond3A_337 {
        %add3A_485 = arith.constant 5 : i32
        %add3A_486 = arith.addi %add3A_308, %add3A_485 : i32
        %dma_start3A_487 = arith.constant 0 : i32
        %dma_start3A_488 = arith.constant 0 : i32
        %dma_start3A_489 = arith.constant 0 : i32
        %dma_start3A_490 = tpu.memref_slice %arg8[%dma_start3A_487, %dma_start3A_488, %dma_start3A_489] : memref<8x2x64xi32, #tpu.memory_space<vmem>> -> memref<1x2x64xi32, #tpu.memory_space<vmem>>
        %dma_start3A_491 = tpu.memref_squeeze %dma_start3A_490 : memref<1x2x64xi32, #tpu.memory_space<vmem>> -> memref<2x64xi32, #tpu.memory_space<vmem>>
        %dma_start3A_492 = arith.constant 0 : i32
        %dma_start3A_493 = arith.constant 0 : i32
        %dma_start3A_494 = tpu.memref_slice %arg3[%add3A, %add3A_486, %dma_start3A_492, %dma_start3A_493] : memref<32x160x2x64xi32, #tpu.memory_space<hbm>> -> memref<1x1x2x64xi32, #tpu.memory_space<hbm>>
        %dma_start3A_495 = tpu.memref_squeeze %dma_start3A_494 : memref<1x1x2x64xi32, #tpu.memory_space<hbm>> -> memref<2x64xi32, #tpu.memory_space<hbm>>
        %dma_start3A_496 = arith.constant 0 : i32
        %dma_start3A_497 = arith.constant 0 : i32
        %dma_start3A_498 = tpu.memref_slice %arg8[%dma_start3A_487, %dma_start3A_496, %dma_start3A_497] : memref<8x2x64xi32, #tpu.memory_space<vmem>> -> memref<1x2x64xi32, #tpu.memory_space<vmem>>
        %dma_start3A_499 = tpu.memref_squeeze %dma_start3A_498 : memref<1x2x64xi32, #tpu.memory_space<vmem>> -> memref<2x64xi32, #tpu.memory_space<vmem>>
        %dma_start3A_500 = arith.constant 0 : i32
        %dma_start3A_501 = arith.constant 0 : i32
        %dma_start3A_502 = tpu.memref_slice %arg3[%add3A, %add3A_486, %dma_start3A_500, %dma_start3A_501] : memref<32x160x2x64xi32, #tpu.memory_space<hbm>> -> memref<1x1x2x64xi32, #tpu.memory_space<hbm>>
        %dma_start3A_503 = tpu.memref_squeeze %dma_start3A_502 : memref<1x1x2x64xi32, #tpu.memory_space<hbm>> -> memref<2x64xi32, #tpu.memory_space<hbm>>
        tpu.enqueue_dma source(%dma_start3A_503 : memref<2x64xi32, #tpu.memory_space<hbm>>) target(%dma_start3A_499 : memref<2x64xi32, #tpu.memory_space<vmem>>) target_semaphore(%arg14 : memref<!tpu.dma_semaphore, #tpu.memory_space<semaphore_mem>>)
      } else {
      }
      %run_scoped3A_338 = arith.constant 3 : i32
      %run_scoped3A_339 = arith.constant 3 : i32
      %run_scoped3A_340 = arith.constant 1 : i32
      "tpu.region"() ({
        %run_scoped3A_485 = tpu.sem_alloc : memref<!tpu.dma_semaphore, #tpu.memory_space<semaphore_mem>>
        %dma_start3A_486 = arith.constant 0 : i32
        %dma_start3A_487 = arith.constant 0 : i32
        %dma_start3A_488 = tpu.memref_slice %arg9[%run_scoped3A_338, %dma_start3A_486, %dma_start3A_487] : memref<4x64x128xf32, #tpu.memory_space<vmem>> -> memref<1x64x128xf32, #tpu.memory_space<vmem>>
        %dma_start3A_489 = tpu.memref_squeeze %dma_start3A_488 : memref<1x64x128xf32, #tpu.memory_space<vmem>> -> memref<64x128xf32, #tpu.memory_space<vmem>>
        %dma_start3A_490 = arith.constant 0 : i32
        %dma_start3A_491 = tpu.memref_slice %arg8[%run_scoped3A_339, %run_scoped3A_340, %dma_start3A_490] : memref<8x2x64xi32, #tpu.memory_space<vmem>> -> memref<1x1x64xi32, #tpu.memory_space<vmem>>
        %dma_start3A_492 = tpu.memref_squeeze %dma_start3A_491 : memref<1x1x64xi32, #tpu.memory_space<vmem>> -> memref<64xi32, #tpu.memory_space<vmem>>
        %dma_start3A_493 = arith.constant 0 : i32
        %dma_start3A_494 = arith.constant 0 : i32
        %dma_start3A_495 = tpu.memref_slice %arg7[%dma_start3A_493, %dma_start3A_494] : memref<10240x128xf32, #tpu.memory_space<vmem_shared>> -> memref<10240x128xf32, #tpu.memory_space<vmem_shared>>
        tpu.enqueue_indirect_dma source(%dma_start3A_489 : memref<64x128xf32, #tpu.memory_space<vmem>>) target(%dma_start3A_495 : memref<10240x128xf32, #tpu.memory_space<vmem_shared>>) offsets(%dma_start3A_492 : memref<64xi32, #tpu.memory_space<vmem>>) semaphore(%run_scoped3A_485 : memref<!tpu.dma_semaphore, #tpu.memory_space<semaphore_mem>>) {add = true}
        %dma_wait3A_496 = arith.constant 0 : i32
        %dma_wait3A_497 = arith.constant 0 : i32
        %dma_wait3A_498 = tpu.memref_slice %arg9[%run_scoped3A_338, %dma_wait3A_496, %dma_wait3A_497] : memref<4x64x128xf32, #tpu.memory_space<vmem>> -> memref<1x64x128xf32, #tpu.memory_space<vmem>>
        %dma_wait3A_499 = tpu.memref_squeeze %dma_wait3A_498 : memref<1x64x128xf32, #tpu.memory_space<vmem>> -> memref<64x128xf32, #tpu.memory_space<vmem>>
        %dma_wait3A_500 = arith.constant 0 : i32
        %dma_wait3A_501 = tpu.memref_slice %arg8[%run_scoped3A_339, %run_scoped3A_340, %dma_wait3A_500] : memref<8x2x64xi32, #tpu.memory_space<vmem>> -> memref<1x1x64xi32, #tpu.memory_space<vmem>>
        %dma_wait3A_502 = tpu.memref_squeeze %dma_wait3A_501 : memref<1x1x64xi32, #tpu.memory_space<vmem>> -> memref<64xi32, #tpu.memory_space<vmem>>
        %dma_wait3A_503 = arith.constant 0 : i32
        %dma_wait3A_504 = arith.constant 0 : i32
        %dma_wait3A_505 = tpu.memref_slice %arg7[%dma_wait3A_503, %dma_wait3A_504] : memref<10240x128xf32, #tpu.memory_space<vmem_shared>> -> memref<10240x128xf32, #tpu.memory_space<vmem_shared>>
        tpu.wait_indirect_dma semaphore(%run_scoped3A_485 : memref<!tpu.dma_semaphore, #tpu.memory_space<semaphore_mem>>) src(%dma_wait3A_499 : memref<64x128xf32, #tpu.memory_space<vmem>>) dst(%dma_wait3A_505 : memref<10240x128xf32, #tpu.memory_space<vmem_shared>>)
        tpu.yield
      }) : () -> ()
      %mul3A_341 = arith.constant 8 : i32
      %mul3A_342 = arith.muli %mul3A_341, %scan3A_200 : i32
      %add3A_343 = arith.constant 4 : i32
      %add3A_344 = arith.addi %mul3A_342, %add3A_343 : i32
      %dma_wait3A_345 = arith.constant 0 : i32
      %dma_wait3A_346 = arith.constant 0 : i32
      %dma_wait3A_347 = arith.constant 0 : i32
      %dma_wait3A_348 = tpu.memref_slice %arg9[%dma_wait3A_345, %dma_wait3A_346, %dma_wait3A_347] : memref<4x64x128xf32, #tpu.memory_space<vmem>> -> memref<1x64x128xf32, #tpu.memory_space<vmem>>
      %dma_wait3A_349 = tpu.memref_squeeze %dma_wait3A_348 : memref<1x64x128xf32, #tpu.memory_space<vmem>> -> memref<64x128xf32, #tpu.memory_space<vmem>>
      %dma_wait3A_350 = arith.constant 0 : i32
      %dma_wait3A_351 = arith.constant 0 : i32
      %dma_wait3A_352 = tpu.memref_slice %arg2[%dma_wait3A_350, %dma_wait3A_351] : memref<10240x128xf32, #tpu.memory_space<hbm>> -> memref<64x128xf32, #tpu.memory_space<hbm>>
      %dma_wait3A_353 = arith.constant 0 : i32
      %dma_wait3A_354 = arith.constant 0 : i32
      %dma_wait3A_355 = tpu.memref_slice %arg9[%dma_wait3A_345, %dma_wait3A_353, %dma_wait3A_354] : memref<4x64x128xf32, #tpu.memory_space<vmem>> -> memref<1x64x128xf32, #tpu.memory_space<vmem>>
      %dma_wait3A_356 = tpu.memref_squeeze %dma_wait3A_355 : memref<1x64x128xf32, #tpu.memory_space<vmem>> -> memref<64x128xf32, #tpu.memory_space<vmem>>
      %dma_wait3A_357 = arith.constant 0 : i32
      %dma_wait3A_358 = arith.constant 0 : i32
      %dma_wait3A_359 = tpu.memref_slice %arg2[%dma_wait3A_357, %dma_wait3A_358] : memref<10240x128xf32, #tpu.memory_space<hbm>> -> memref<64x128xf32, #tpu.memory_space<hbm>>
      tpu.wait_dma2 semaphore(%arg10 : memref<!tpu.dma_semaphore, #tpu.memory_space<semaphore_mem>>) src(%dma_wait3A_359 : memref<64x128xf32, #tpu.memory_space<hbm>>) dst(%dma_wait3A_356 : memref<64x128xf32, #tpu.memory_space<vmem>>)
      %add3A_360 = arith.constant 3 : i32
      %add3A_361 = arith.addi %add3A_344, %add3A_360 : i32
      %lt3A_362 = arith.constant 160 : i32
      %lt3A_363 = arith.cmpi slt, %add3A_361, %lt3A_362 : i32
      %convert_element_type3A_364 = arith.extui %lt3A_363 : i1 to i32
      %cond3A_365 = arith.constant 0 : i32
      %cond3A_366 = arith.cmpi ne, %convert_element_type3A_364, %cond3A_365 : i32
      scf.if %cond3A_366 {
        %dma_wait3A_485 = arith.constant 0 : i32
        %dma_wait3A_486 = arith.constant 0 : i32
        %dma_wait3A_487 = arith.constant 7 : i32
        %dma_wait3A_488 = arith.constant 0 : i32
        %dma_wait3A_489 = arith.constant 0 : i32
        %dma_wait3A_490 = tpu.memref_slice %arg8[%dma_wait3A_487, %dma_wait3A_488, %dma_wait3A_489] : memref<8x2x64xi32, #tpu.memory_space<vmem>> -> memref<1x2x64xi32, #tpu.memory_space<vmem>>
        %dma_wait3A_491 = tpu.memref_squeeze %dma_wait3A_490 : memref<1x2x64xi32, #tpu.memory_space<vmem>> -> memref<2x64xi32, #tpu.memory_space<vmem>>
        %dma_wait3A_492 = arith.constant 0 : i32
        %dma_wait3A_493 = arith.constant 0 : i32
        %dma_wait3A_494 = tpu.memref_slice %arg3[%dma_wait3A_485, %dma_wait3A_486, %dma_wait3A_492, %dma_wait3A_493] : memref<32x160x2x64xi32, #tpu.memory_space<hbm>> -> memref<1x1x2x64xi32, #tpu.memory_space<hbm>>
        %dma_wait3A_495 = tpu.memref_squeeze %dma_wait3A_494 : memref<1x1x2x64xi32, #tpu.memory_space<hbm>> -> memref<2x64xi32, #tpu.memory_space<hbm>>
        %dma_wait3A_496 = arith.constant 0 : i32
        %dma_wait3A_497 = arith.constant 0 : i32
        %dma_wait3A_498 = tpu.memref_slice %arg8[%dma_wait3A_487, %dma_wait3A_496, %dma_wait3A_497] : memref<8x2x64xi32, #tpu.memory_space<vmem>> -> memref<1x2x64xi32, #tpu.memory_space<vmem>>
        %dma_wait3A_499 = tpu.memref_squeeze %dma_wait3A_498 : memref<1x2x64xi32, #tpu.memory_space<vmem>> -> memref<2x64xi32, #tpu.memory_space<vmem>>
        %dma_wait3A_500 = arith.constant 0 : i32
        %dma_wait3A_501 = arith.constant 0 : i32
        %dma_wait3A_502 = tpu.memref_slice %arg3[%dma_wait3A_485, %dma_wait3A_486, %dma_wait3A_500, %dma_wait3A_501] : memref<32x160x2x64xi32, #tpu.memory_space<hbm>> -> memref<1x1x2x64xi32, #tpu.memory_space<hbm>>
        %dma_wait3A_503 = tpu.memref_squeeze %dma_wait3A_502 : memref<1x1x2x64xi32, #tpu.memory_space<hbm>> -> memref<2x64xi32, #tpu.memory_space<hbm>>
        tpu.wait_dma2 semaphore(%arg21 : memref<!tpu.dma_semaphore, #tpu.memory_space<semaphore_mem>>) src(%dma_wait3A_503 : memref<2x64xi32, #tpu.memory_space<hbm>>) dst(%dma_wait3A_499 : memref<2x64xi32, #tpu.memory_space<vmem>>)
        %dma_start3A_504 = arith.constant 7 : i32
        %dma_start3A_505 = arith.constant 0 : i32
        %dma_start3A_506 = arith.constant 3 : i32
        %dma_start3A_507 = arith.constant 0 : i32
        %dma_start3A_508 = arith.constant 0 : i32
        %dma_start3A_509 = tpu.memref_slice %arg9[%dma_start3A_506, %dma_start3A_507, %dma_start3A_508] : memref<4x64x128xf32, #tpu.memory_space<vmem>> -> memref<1x64x128xf32, #tpu.memory_space<vmem>>
        %dma_start3A_510 = tpu.memref_squeeze %dma_start3A_509 : memref<1x64x128xf32, #tpu.memory_space<vmem>> -> memref<64x128xf32, #tpu.memory_space<vmem>>
        %dma_start3A_511 = arith.constant 0 : i32
        %dma_start3A_512 = tpu.memref_slice %arg8[%dma_start3A_504, %dma_start3A_505, %dma_start3A_511] : memref<8x2x64xi32, #tpu.memory_space<vmem>> -> memref<1x1x64xi32, #tpu.memory_space<vmem>>
        %dma_start3A_513 = tpu.memref_squeeze %dma_start3A_512 : memref<1x1x64xi32, #tpu.memory_space<vmem>> -> memref<64xi32, #tpu.memory_space<vmem>>
        %dma_start3A_514 = arith.constant 0 : i32
        %dma_start3A_515 = arith.constant 0 : i32
        %dma_start3A_516 = tpu.memref_slice %arg2[%dma_start3A_514, %dma_start3A_515] : memref<10240x128xf32, #tpu.memory_space<hbm>> -> memref<10240x128xf32, #tpu.memory_space<hbm>>
        tpu.enqueue_indirect_dma source(%dma_start3A_516 : memref<10240x128xf32, #tpu.memory_space<hbm>>) target(%dma_start3A_510 : memref<64x128xf32, #tpu.memory_space<vmem>>) offsets(%dma_start3A_513 : memref<64xi32, #tpu.memory_space<vmem>>) semaphore(%arg13 : memref<!tpu.dma_semaphore, #tpu.memory_space<semaphore_mem>>)
      } else {
      }
      %add3A_367 = arith.constant 5 : i32
      %add3A_368 = arith.addi %add3A_344, %add3A_367 : i32
      %lt3A_369 = arith.constant 160 : i32
      %lt3A_370 = arith.cmpi slt, %add3A_368, %lt3A_369 : i32
      %convert_element_type3A_371 = arith.extui %lt3A_370 : i1 to i32
      %cond3A_372 = arith.constant 0 : i32
      %cond3A_373 = arith.cmpi ne, %convert_element_type3A_371, %cond3A_372 : i32
      scf.if %cond3A_373 {
        %add3A_485 = arith.constant 5 : i32
        %add3A_486 = arith.addi %add3A_344, %add3A_485 : i32
        %dma_start3A_487 = arith.constant 1 : i32
        %dma_start3A_488 = arith.constant 0 : i32
        %dma_start3A_489 = arith.constant 0 : i32
        %dma_start3A_490 = tpu.memref_slice %arg8[%dma_start3A_487, %dma_start3A_488, %dma_start3A_489] : memref<8x2x64xi32, #tpu.memory_space<vmem>> -> memref<1x2x64xi32, #tpu.memory_space<vmem>>
        %dma_start3A_491 = tpu.memref_squeeze %dma_start3A_490 : memref<1x2x64xi32, #tpu.memory_space<vmem>> -> memref<2x64xi32, #tpu.memory_space<vmem>>
        %dma_start3A_492 = arith.constant 0 : i32
        %dma_start3A_493 = arith.constant 0 : i32
        %dma_start3A_494 = tpu.memref_slice %arg3[%add3A, %add3A_486, %dma_start3A_492, %dma_start3A_493] : memref<32x160x2x64xi32, #tpu.memory_space<hbm>> -> memref<1x1x2x64xi32, #tpu.memory_space<hbm>>
        %dma_start3A_495 = tpu.memref_squeeze %dma_start3A_494 : memref<1x1x2x64xi32, #tpu.memory_space<hbm>> -> memref<2x64xi32, #tpu.memory_space<hbm>>
        %dma_start3A_496 = arith.constant 0 : i32
        %dma_start3A_497 = arith.constant 0 : i32
        %dma_start3A_498 = tpu.memref_slice %arg8[%dma_start3A_487, %dma_start3A_496, %dma_start3A_497] : memref<8x2x64xi32, #tpu.memory_space<vmem>> -> memref<1x2x64xi32, #tpu.memory_space<vmem>>
        %dma_start3A_499 = tpu.memref_squeeze %dma_start3A_498 : memref<1x2x64xi32, #tpu.memory_space<vmem>> -> memref<2x64xi32, #tpu.memory_space<vmem>>
        %dma_start3A_500 = arith.constant 0 : i32
        %dma_start3A_501 = arith.constant 0 : i32
        %dma_start3A_502 = tpu.memref_slice %arg3[%add3A, %add3A_486, %dma_start3A_500, %dma_start3A_501] : memref<32x160x2x64xi32, #tpu.memory_space<hbm>> -> memref<1x1x2x64xi32, #tpu.memory_space<hbm>>
        %dma_start3A_503 = tpu.memref_squeeze %dma_start3A_502 : memref<1x1x2x64xi32, #tpu.memory_space<hbm>> -> memref<2x64xi32, #tpu.memory_space<hbm>>
        tpu.enqueue_dma source(%dma_start3A_503 : memref<2x64xi32, #tpu.memory_space<hbm>>) target(%dma_start3A_499 : memref<2x64xi32, #tpu.memory_space<vmem>>) target_semaphore(%arg15 : memref<!tpu.dma_semaphore, #tpu.memory_space<semaphore_mem>>)
      } else {
      }
      %run_scoped3A_374 = arith.constant 0 : i32
      %run_scoped3A_375 = arith.constant 4 : i32
      %run_scoped3A_376 = arith.constant 1 : i32
      "tpu.region"() ({
        %run_scoped3A_485 = tpu.sem_alloc : memref<!tpu.dma_semaphore, #tpu.memory_space<semaphore_mem>>
        %dma_start3A_486 = arith.constant 0 : i32
        %dma_start3A_487 = arith.constant 0 : i32
        %dma_start3A_488 = tpu.memref_slice %arg9[%run_scoped3A_374, %dma_start3A_486, %dma_start3A_487] : memref<4x64x128xf32, #tpu.memory_space<vmem>> -> memref<1x64x128xf32, #tpu.memory_space<vmem>>
        %dma_start3A_489 = tpu.memref_squeeze %dma_start3A_488 : memref<1x64x128xf32, #tpu.memory_space<vmem>> -> memref<64x128xf32, #tpu.memory_space<vmem>>
        %dma_start3A_490 = arith.constant 0 : i32
        %dma_start3A_491 = tpu.memref_slice %arg8[%run_scoped3A_375, %run_scoped3A_376, %dma_start3A_490] : memref<8x2x64xi32, #tpu.memory_space<vmem>> -> memref<1x1x64xi32, #tpu.memory_space<vmem>>
        %dma_start3A_492 = tpu.memref_squeeze %dma_start3A_491 : memref<1x1x64xi32, #tpu.memory_space<vmem>> -> memref<64xi32, #tpu.memory_space<vmem>>
        %dma_start3A_493 = arith.constant 0 : i32
        %dma_start3A_494 = arith.constant 0 : i32
        %dma_start3A_495 = tpu.memref_slice %arg7[%dma_start3A_493, %dma_start3A_494] : memref<10240x128xf32, #tpu.memory_space<vmem_shared>> -> memref<10240x128xf32, #tpu.memory_space<vmem_shared>>
        tpu.enqueue_indirect_dma source(%dma_start3A_489 : memref<64x128xf32, #tpu.memory_space<vmem>>) target(%dma_start3A_495 : memref<10240x128xf32, #tpu.memory_space<vmem_shared>>) offsets(%dma_start3A_492 : memref<64xi32, #tpu.memory_space<vmem>>) semaphore(%run_scoped3A_485 : memref<!tpu.dma_semaphore, #tpu.memory_space<semaphore_mem>>) {add = true}
        %dma_wait3A_496 = arith.constant 0 : i32
        %dma_wait3A_497 = arith.constant 0 : i32
        %dma_wait3A_498 = tpu.memref_slice %arg9[%run_scoped3A_374, %dma_wait3A_496, %dma_wait3A_497] : memref<4x64x128xf32, #tpu.memory_space<vmem>> -> memref<1x64x128xf32, #tpu.memory_space<vmem>>
        %dma_wait3A_499 = tpu.memref_squeeze %dma_wait3A_498 : memref<1x64x128xf32, #tpu.memory_space<vmem>> -> memref<64x128xf32, #tpu.memory_space<vmem>>
        %dma_wait3A_500 = arith.constant 0 : i32
        %dma_wait3A_501 = tpu.memref_slice %arg8[%run_scoped3A_375, %run_scoped3A_376, %dma_wait3A_500] : memref<8x2x64xi32, #tpu.memory_space<vmem>> -> memref<1x1x64xi32, #tpu.memory_space<vmem>>
        %dma_wait3A_502 = tpu.memref_squeeze %dma_wait3A_501 : memref<1x1x64xi32, #tpu.memory_space<vmem>> -> memref<64xi32, #tpu.memory_space<vmem>>
        %dma_wait3A_503 = arith.constant 0 : i32
        %dma_wait3A_504 = arith.constant 0 : i32
        %dma_wait3A_505 = tpu.memref_slice %arg7[%dma_wait3A_503, %dma_wait3A_504] : memref<10240x128xf32, #tpu.memory_space<vmem_shared>> -> memref<10240x128xf32, #tpu.memory_space<vmem_shared>>
        tpu.wait_indirect_dma semaphore(%run_scoped3A_485 : memref<!tpu.dma_semaphore, #tpu.memory_space<semaphore_mem>>) src(%dma_wait3A_499 : memref<64x128xf32, #tpu.memory_space<vmem>>) dst(%dma_wait3A_505 : memref<10240x128xf32, #tpu.memory_space<vmem_shared>>)
        tpu.yield
      }) : () -> ()
      %mul3A_377 = arith.constant 8 : i32
      %mul3A_378 = arith.muli %mul3A_377, %scan3A_200 : i32
      %add3A_379 = arith.constant 5 : i32
      %add3A_380 = arith.addi %mul3A_378, %add3A_379 : i32
      %dma_wait3A_381 = arith.constant 1 : i32
      %dma_wait3A_382 = arith.constant 0 : i32
      %dma_wait3A_383 = arith.constant 0 : i32
      %dma_wait3A_384 = tpu.memref_slice %arg9[%dma_wait3A_381, %dma_wait3A_382, %dma_wait3A_383] : memref<4x64x128xf32, #tpu.memory_space<vmem>> -> memref<1x64x128xf32, #tpu.memory_space<vmem>>
      %dma_wait3A_385 = tpu.memref_squeeze %dma_wait3A_384 : memref<1x64x128xf32, #tpu.memory_space<vmem>> -> memref<64x128xf32, #tpu.memory_space<vmem>>
      %dma_wait3A_386 = arith.constant 0 : i32
      %dma_wait3A_387 = arith.constant 0 : i32
      %dma_wait3A_388 = tpu.memref_slice %arg2[%dma_wait3A_386, %dma_wait3A_387] : memref<10240x128xf32, #tpu.memory_space<hbm>> -> memref<64x128xf32, #tpu.memory_space<hbm>>
      %dma_wait3A_389 = arith.constant 0 : i32
      %dma_wait3A_390 = arith.constant 0 : i32
      %dma_wait3A_391 = tpu.memref_slice %arg9[%dma_wait3A_381, %dma_wait3A_389, %dma_wait3A_390] : memref<4x64x128xf32, #tpu.memory_space<vmem>> -> memref<1x64x128xf32, #tpu.memory_space<vmem>>
      %dma_wait3A_392 = tpu.memref_squeeze %dma_wait3A_391 : memref<1x64x128xf32, #tpu.memory_space<vmem>> -> memref<64x128xf32, #tpu.memory_space<vmem>>
      %dma_wait3A_393 = arith.constant 0 : i32
      %dma_wait3A_394 = arith.constant 0 : i32
      %dma_wait3A_395 = tpu.memref_slice %arg2[%dma_wait3A_393, %dma_wait3A_394] : memref<10240x128xf32, #tpu.memory_space<hbm>> -> memref<64x128xf32, #tpu.memory_space<hbm>>
      tpu.wait_dma2 semaphore(%arg11 : memref<!tpu.dma_semaphore, #tpu.memory_space<semaphore_mem>>) src(%dma_wait3A_395 : memref<64x128xf32, #tpu.memory_space<hbm>>) dst(%dma_wait3A_392 : memref<64x128xf32, #tpu.memory_space<vmem>>)
      %add3A_396 = arith.constant 3 : i32
      %add3A_397 = arith.addi %add3A_380, %add3A_396 : i32
      %lt3A_398 = arith.constant 160 : i32
      %lt3A_399 = arith.cmpi slt, %add3A_397, %lt3A_398 : i32
      %convert_element_type3A_400 = arith.extui %lt3A_399 : i1 to i32
      %cond3A_401 = arith.constant 0 : i32
      %cond3A_402 = arith.cmpi ne, %convert_element_type3A_400, %cond3A_401 : i32
      scf.if %cond3A_402 {
        %dma_wait3A_485 = arith.constant 0 : i32
        %dma_wait3A_486 = arith.constant 0 : i32
        %dma_wait3A_487 = arith.constant 0 : i32
        %dma_wait3A_488 = arith.constant 0 : i32
        %dma_wait3A_489 = arith.constant 0 : i32
        %dma_wait3A_490 = tpu.memref_slice %arg8[%dma_wait3A_487, %dma_wait3A_488, %dma_wait3A_489] : memref<8x2x64xi32, #tpu.memory_space<vmem>> -> memref<1x2x64xi32, #tpu.memory_space<vmem>>
        %dma_wait3A_491 = tpu.memref_squeeze %dma_wait3A_490 : memref<1x2x64xi32, #tpu.memory_space<vmem>> -> memref<2x64xi32, #tpu.memory_space<vmem>>
        %dma_wait3A_492 = arith.constant 0 : i32
        %dma_wait3A_493 = arith.constant 0 : i32
        %dma_wait3A_494 = tpu.memref_slice %arg3[%dma_wait3A_485, %dma_wait3A_486, %dma_wait3A_492, %dma_wait3A_493] : memref<32x160x2x64xi32, #tpu.memory_space<hbm>> -> memref<1x1x2x64xi32, #tpu.memory_space<hbm>>
        %dma_wait3A_495 = tpu.memref_squeeze %dma_wait3A_494 : memref<1x1x2x64xi32, #tpu.memory_space<hbm>> -> memref<2x64xi32, #tpu.memory_space<hbm>>
        %dma_wait3A_496 = arith.constant 0 : i32
        %dma_wait3A_497 = arith.constant 0 : i32
        %dma_wait3A_498 = tpu.memref_slice %arg8[%dma_wait3A_487, %dma_wait3A_496, %dma_wait3A_497] : memref<8x2x64xi32, #tpu.memory_space<vmem>> -> memref<1x2x64xi32, #tpu.memory_space<vmem>>
        %dma_wait3A_499 = tpu.memref_squeeze %dma_wait3A_498 : memref<1x2x64xi32, #tpu.memory_space<vmem>> -> memref<2x64xi32, #tpu.memory_space<vmem>>
        %dma_wait3A_500 = arith.constant 0 : i32
        %dma_wait3A_501 = arith.constant 0 : i32
        %dma_wait3A_502 = tpu.memref_slice %arg3[%dma_wait3A_485, %dma_wait3A_486, %dma_wait3A_500, %dma_wait3A_501] : memref<32x160x2x64xi32, #tpu.memory_space<hbm>> -> memref<1x1x2x64xi32, #tpu.memory_space<hbm>>
        %dma_wait3A_503 = tpu.memref_squeeze %dma_wait3A_502 : memref<1x1x2x64xi32, #tpu.memory_space<hbm>> -> memref<2x64xi32, #tpu.memory_space<hbm>>
        tpu.wait_dma2 semaphore(%arg14 : memref<!tpu.dma_semaphore, #tpu.memory_space<semaphore_mem>>) src(%dma_wait3A_503 : memref<2x64xi32, #tpu.memory_space<hbm>>) dst(%dma_wait3A_499 : memref<2x64xi32, #tpu.memory_space<vmem>>)
        %dma_start3A_504 = arith.constant 0 : i32
        %dma_start3A_505 = arith.constant 0 : i32
        %dma_start3A_506 = arith.constant 0 : i32
        %dma_start3A_507 = arith.constant 0 : i32
        %dma_start3A_508 = arith.constant 0 : i32
        %dma_start3A_509 = tpu.memref_slice %arg9[%dma_start3A_506, %dma_start3A_507, %dma_start3A_508] : memref<4x64x128xf32, #tpu.memory_space<vmem>> -> memref<1x64x128xf32, #tpu.memory_space<vmem>>
        %dma_start3A_510 = tpu.memref_squeeze %dma_start3A_509 : memref<1x64x128xf32, #tpu.memory_space<vmem>> -> memref<64x128xf32, #tpu.memory_space<vmem>>
        %dma_start3A_511 = arith.constant 0 : i32
        %dma_start3A_512 = tpu.memref_slice %arg8[%dma_start3A_504, %dma_start3A_505, %dma_start3A_511] : memref<8x2x64xi32, #tpu.memory_space<vmem>> -> memref<1x1x64xi32, #tpu.memory_space<vmem>>
        %dma_start3A_513 = tpu.memref_squeeze %dma_start3A_512 : memref<1x1x64xi32, #tpu.memory_space<vmem>> -> memref<64xi32, #tpu.memory_space<vmem>>
        %dma_start3A_514 = arith.constant 0 : i32
        %dma_start3A_515 = arith.constant 0 : i32
        %dma_start3A_516 = tpu.memref_slice %arg2[%dma_start3A_514, %dma_start3A_515] : memref<10240x128xf32, #tpu.memory_space<hbm>> -> memref<10240x128xf32, #tpu.memory_space<hbm>>
        tpu.enqueue_indirect_dma source(%dma_start3A_516 : memref<10240x128xf32, #tpu.memory_space<hbm>>) target(%dma_start3A_510 : memref<64x128xf32, #tpu.memory_space<vmem>>) offsets(%dma_start3A_513 : memref<64xi32, #tpu.memory_space<vmem>>) semaphore(%arg10 : memref<!tpu.dma_semaphore, #tpu.memory_space<semaphore_mem>>)
      } else {
      }
      %add3A_403 = arith.constant 5 : i32
      %add3A_404 = arith.addi %add3A_380, %add3A_403 : i32
      %lt3A_405 = arith.constant 160 : i32
      %lt3A_406 = arith.cmpi slt, %add3A_404, %lt3A_405 : i32
      %convert_element_type3A_407 = arith.extui %lt3A_406 : i1 to i32
      %cond3A_408 = arith.constant 0 : i32
      %cond3A_409 = arith.cmpi ne, %convert_element_type3A_407, %cond3A_408 : i32
      scf.if %cond3A_409 {
        %add3A_485 = arith.constant 5 : i32
        %add3A_486 = arith.addi %add3A_380, %add3A_485 : i32
        %dma_start3A_487 = arith.constant 2 : i32
        %dma_start3A_488 = arith.constant 0 : i32
        %dma_start3A_489 = arith.constant 0 : i32
        %dma_start3A_490 = tpu.memref_slice %arg8[%dma_start3A_487, %dma_start3A_488, %dma_start3A_489] : memref<8x2x64xi32, #tpu.memory_space<vmem>> -> memref<1x2x64xi32, #tpu.memory_space<vmem>>
        %dma_start3A_491 = tpu.memref_squeeze %dma_start3A_490 : memref<1x2x64xi32, #tpu.memory_space<vmem>> -> memref<2x64xi32, #tpu.memory_space<vmem>>
        %dma_start3A_492 = arith.constant 0 : i32
        %dma_start3A_493 = arith.constant 0 : i32
        %dma_start3A_494 = tpu.memref_slice %arg3[%add3A, %add3A_486, %dma_start3A_492, %dma_start3A_493] : memref<32x160x2x64xi32, #tpu.memory_space<hbm>> -> memref<1x1x2x64xi32, #tpu.memory_space<hbm>>
        %dma_start3A_495 = tpu.memref_squeeze %dma_start3A_494 : memref<1x1x2x64xi32, #tpu.memory_space<hbm>> -> memref<2x64xi32, #tpu.memory_space<hbm>>
        %dma_start3A_496 = arith.constant 0 : i32
        %dma_start3A_497 = arith.constant 0 : i32
        %dma_start3A_498 = tpu.memref_slice %arg8[%dma_start3A_487, %dma_start3A_496, %dma_start3A_497] : memref<8x2x64xi32, #tpu.memory_space<vmem>> -> memref<1x2x64xi32, #tpu.memory_space<vmem>>
        %dma_start3A_499 = tpu.memref_squeeze %dma_start3A_498 : memref<1x2x64xi32, #tpu.memory_space<vmem>> -> memref<2x64xi32, #tpu.memory_space<vmem>>
        %dma_start3A_500 = arith.constant 0 : i32
        %dma_start3A_501 = arith.constant 0 : i32
        %dma_start3A_502 = tpu.memref_slice %arg3[%add3A, %add3A_486, %dma_start3A_500, %dma_start3A_501] : memref<32x160x2x64xi32, #tpu.memory_space<hbm>> -> memref<1x1x2x64xi32, #tpu.memory_space<hbm>>
        %dma_start3A_503 = tpu.memref_squeeze %dma_start3A_502 : memref<1x1x2x64xi32, #tpu.memory_space<hbm>> -> memref<2x64xi32, #tpu.memory_space<hbm>>
        tpu.enqueue_dma source(%dma_start3A_503 : memref<2x64xi32, #tpu.memory_space<hbm>>) target(%dma_start3A_499 : memref<2x64xi32, #tpu.memory_space<vmem>>) target_semaphore(%arg16 : memref<!tpu.dma_semaphore, #tpu.memory_space<semaphore_mem>>)
      } else {
      }
      %run_scoped3A_410 = arith.constant 1 : i32
      %run_scoped3A_411 = arith.constant 5 : i32
      %run_scoped3A_412 = arith.constant 1 : i32
      "tpu.region"() ({
        %run_scoped3A_485 = tpu.sem_alloc : memref<!tpu.dma_semaphore, #tpu.memory_space<semaphore_mem>>
        %dma_start3A_486 = arith.constant 0 : i32
        %dma_start3A_487 = arith.constant 0 : i32
        %dma_start3A_488 = tpu.memref_slice %arg9[%run_scoped3A_410, %dma_start3A_486, %dma_start3A_487] : memref<4x64x128xf32, #tpu.memory_space<vmem>> -> memref<1x64x128xf32, #tpu.memory_space<vmem>>
        %dma_start3A_489 = tpu.memref_squeeze %dma_start3A_488 : memref<1x64x128xf32, #tpu.memory_space<vmem>> -> memref<64x128xf32, #tpu.memory_space<vmem>>
        %dma_start3A_490 = arith.constant 0 : i32
        %dma_start3A_491 = tpu.memref_slice %arg8[%run_scoped3A_411, %run_scoped3A_412, %dma_start3A_490] : memref<8x2x64xi32, #tpu.memory_space<vmem>> -> memref<1x1x64xi32, #tpu.memory_space<vmem>>
        %dma_start3A_492 = tpu.memref_squeeze %dma_start3A_491 : memref<1x1x64xi32, #tpu.memory_space<vmem>> -> memref<64xi32, #tpu.memory_space<vmem>>
        %dma_start3A_493 = arith.constant 0 : i32
        %dma_start3A_494 = arith.constant 0 : i32
        %dma_start3A_495 = tpu.memref_slice %arg7[%dma_start3A_493, %dma_start3A_494] : memref<10240x128xf32, #tpu.memory_space<vmem_shared>> -> memref<10240x128xf32, #tpu.memory_space<vmem_shared>>
        tpu.enqueue_indirect_dma source(%dma_start3A_489 : memref<64x128xf32, #tpu.memory_space<vmem>>) target(%dma_start3A_495 : memref<10240x128xf32, #tpu.memory_space<vmem_shared>>) offsets(%dma_start3A_492 : memref<64xi32, #tpu.memory_space<vmem>>) semaphore(%run_scoped3A_485 : memref<!tpu.dma_semaphore, #tpu.memory_space<semaphore_mem>>) {add = true}
        %dma_wait3A_496 = arith.constant 0 : i32
        %dma_wait3A_497 = arith.constant 0 : i32
        %dma_wait3A_498 = tpu.memref_slice %arg9[%run_scoped3A_410, %dma_wait3A_496, %dma_wait3A_497] : memref<4x64x128xf32, #tpu.memory_space<vmem>> -> memref<1x64x128xf32, #tpu.memory_space<vmem>>
        %dma_wait3A_499 = tpu.memref_squeeze %dma_wait3A_498 : memref<1x64x128xf32, #tpu.memory_space<vmem>> -> memref<64x128xf32, #tpu.memory_space<vmem>>
        %dma_wait3A_500 = arith.constant 0 : i32
        %dma_wait3A_501 = tpu.memref_slice %arg8[%run_scoped3A_411, %run_scoped3A_412, %dma_wait3A_500] : memref<8x2x64xi32, #tpu.memory_space<vmem>> -> memref<1x1x64xi32, #tpu.memory_space<vmem>>
        %dma_wait3A_502 = tpu.memref_squeeze %dma_wait3A_501 : memref<1x1x64xi32, #tpu.memory_space<vmem>> -> memref<64xi32, #tpu.memory_space<vmem>>
        %dma_wait3A_503 = arith.constant 0 : i32
        %dma_wait3A_504 = arith.constant 0 : i32
        %dma_wait3A_505 = tpu.memref_slice %arg7[%dma_wait3A_503, %dma_wait3A_504] : memref<10240x128xf32, #tpu.memory_space<vmem_shared>> -> memref<10240x128xf32, #tpu.memory_space<vmem_shared>>
        tpu.wait_indirect_dma semaphore(%run_scoped3A_485 : memref<!tpu.dma_semaphore, #tpu.memory_space<semaphore_mem>>) src(%dma_wait3A_499 : memref<64x128xf32, #tpu.memory_space<vmem>>) dst(%dma_wait3A_505 : memref<10240x128xf32, #tpu.memory_space<vmem_shared>>)
        tpu.yield
      }) : () -> ()
      %mul3A_413 = arith.constant 8 : i32
      %mul3A_414 = arith.muli %mul3A_413, %scan3A_200 : i32
      %add3A_415 = arith.constant 6 : i32
      %add3A_416 = arith.addi %mul3A_414, %add3A_415 : i32
      %dma_wait3A_417 = arith.constant 2 : i32
      %dma_wait3A_418 = arith.constant 0 : i32
      %dma_wait3A_419 = arith.constant 0 : i32
      %dma_wait3A_420 = tpu.memref_slice %arg9[%dma_wait3A_417, %dma_wait3A_418, %dma_wait3A_419] : memref<4x64x128xf32, #tpu.memory_space<vmem>> -> memref<1x64x128xf32, #tpu.memory_space<vmem>>
      %dma_wait3A_421 = tpu.memref_squeeze %dma_wait3A_420 : memref<1x64x128xf32, #tpu.memory_space<vmem>> -> memref<64x128xf32, #tpu.memory_space<vmem>>
      %dma_wait3A_422 = arith.constant 0 : i32
      %dma_wait3A_423 = arith.constant 0 : i32
      %dma_wait3A_424 = tpu.memref_slice %arg2[%dma_wait3A_422, %dma_wait3A_423] : memref<10240x128xf32, #tpu.memory_space<hbm>> -> memref<64x128xf32, #tpu.memory_space<hbm>>
      %dma_wait3A_425 = arith.constant 0 : i32
      %dma_wait3A_426 = arith.constant 0 : i32
      %dma_wait3A_427 = tpu.memref_slice %arg9[%dma_wait3A_417, %dma_wait3A_425, %dma_wait3A_426] : memref<4x64x128xf32, #tpu.memory_space<vmem>> -> memref<1x64x128xf32, #tpu.memory_space<vmem>>
      %dma_wait3A_428 = tpu.memref_squeeze %dma_wait3A_427 : memref<1x64x128xf32, #tpu.memory_space<vmem>> -> memref<64x128xf32, #tpu.memory_space<vmem>>
      %dma_wait3A_429 = arith.constant 0 : i32
      %dma_wait3A_430 = arith.constant 0 : i32
      %dma_wait3A_431 = tpu.memref_slice %arg2[%dma_wait3A_429, %dma_wait3A_430] : memref<10240x128xf32, #tpu.memory_space<hbm>> -> memref<64x128xf32, #tpu.memory_space<hbm>>
      tpu.wait_dma2 semaphore(%arg12 : memref<!tpu.dma_semaphore, #tpu.memory_space<semaphore_mem>>) src(%dma_wait3A_431 : memref<64x128xf32, #tpu.memory_space<hbm>>) dst(%dma_wait3A_428 : memref<64x128xf32, #tpu.memory_space<vmem>>)
      %add3A_432 = arith.constant 3 : i32
      %add3A_433 = arith.addi %add3A_416, %add3A_432 : i32
      %lt3A_434 = arith.constant 160 : i32
      %lt3A_435 = arith.cmpi slt, %add3A_433, %lt3A_434 : i32
      %convert_element_type3A_436 = arith.extui %lt3A_435 : i1 to i32
      %cond3A_437 = arith.constant 0 : i32
      %cond3A_438 = arith.cmpi ne, %convert_element_type3A_436, %cond3A_437 : i32
      scf.if %cond3A_438 {
        %dma_wait3A_485 = arith.constant 0 : i32
        %dma_wait3A_486 = arith.constant 0 : i32
        %dma_wait3A_487 = arith.constant 1 : i32
        %dma_wait3A_488 = arith.constant 0 : i32
        %dma_wait3A_489 = arith.constant 0 : i32
        %dma_wait3A_490 = tpu.memref_slice %arg8[%dma_wait3A_487, %dma_wait3A_488, %dma_wait3A_489] : memref<8x2x64xi32, #tpu.memory_space<vmem>> -> memref<1x2x64xi32, #tpu.memory_space<vmem>>
        %dma_wait3A_491 = tpu.memref_squeeze %dma_wait3A_490 : memref<1x2x64xi32, #tpu.memory_space<vmem>> -> memref<2x64xi32, #tpu.memory_space<vmem>>
        %dma_wait3A_492 = arith.constant 0 : i32
        %dma_wait3A_493 = arith.constant 0 : i32
        %dma_wait3A_494 = tpu.memref_slice %arg3[%dma_wait3A_485, %dma_wait3A_486, %dma_wait3A_492, %dma_wait3A_493] : memref<32x160x2x64xi32, #tpu.memory_space<hbm>> -> memref<1x1x2x64xi32, #tpu.memory_space<hbm>>
        %dma_wait3A_495 = tpu.memref_squeeze %dma_wait3A_494 : memref<1x1x2x64xi32, #tpu.memory_space<hbm>> -> memref<2x64xi32, #tpu.memory_space<hbm>>
        %dma_wait3A_496 = arith.constant 0 : i32
        %dma_wait3A_497 = arith.constant 0 : i32
        %dma_wait3A_498 = tpu.memref_slice %arg8[%dma_wait3A_487, %dma_wait3A_496, %dma_wait3A_497] : memref<8x2x64xi32, #tpu.memory_space<vmem>> -> memref<1x2x64xi32, #tpu.memory_space<vmem>>
        %dma_wait3A_499 = tpu.memref_squeeze %dma_wait3A_498 : memref<1x2x64xi32, #tpu.memory_space<vmem>> -> memref<2x64xi32, #tpu.memory_space<vmem>>
        %dma_wait3A_500 = arith.constant 0 : i32
        %dma_wait3A_501 = arith.constant 0 : i32
        %dma_wait3A_502 = tpu.memref_slice %arg3[%dma_wait3A_485, %dma_wait3A_486, %dma_wait3A_500, %dma_wait3A_501] : memref<32x160x2x64xi32, #tpu.memory_space<hbm>> -> memref<1x1x2x64xi32, #tpu.memory_space<hbm>>
        %dma_wait3A_503 = tpu.memref_squeeze %dma_wait3A_502 : memref<1x1x2x64xi32, #tpu.memory_space<hbm>> -> memref<2x64xi32, #tpu.memory_space<hbm>>
        tpu.wait_dma2 semaphore(%arg15 : memref<!tpu.dma_semaphore, #tpu.memory_space<semaphore_mem>>) src(%dma_wait3A_503 : memref<2x64xi32, #tpu.memory_space<hbm>>) dst(%dma_wait3A_499 : memref<2x64xi32, #tpu.memory_space<vmem>>)
        %dma_start3A_504 = arith.constant 1 : i32
        %dma_start3A_505 = arith.constant 0 : i32
        %dma_start3A_506 = arith.constant 1 : i32
        %dma_start3A_507 = arith.constant 0 : i32
        %dma_start3A_508 = arith.constant 0 : i32
        %dma_start3A_509 = tpu.memref_slice %arg9[%dma_start3A_506, %dma_start3A_507, %dma_start3A_508] : memref<4x64x128xf32, #tpu.memory_space<vmem>> -> memref<1x64x128xf32, #tpu.memory_space<vmem>>
        %dma_start3A_510 = tpu.memref_squeeze %dma_start3A_509 : memref<1x64x128xf32, #tpu.memory_space<vmem>> -> memref<64x128xf32, #tpu.memory_space<vmem>>
        %dma_start3A_511 = arith.constant 0 : i32
        %dma_start3A_512 = tpu.memref_slice %arg8[%dma_start3A_504, %dma_start3A_505, %dma_start3A_511] : memref<8x2x64xi32, #tpu.memory_space<vmem>> -> memref<1x1x64xi32, #tpu.memory_space<vmem>>
        %dma_start3A_513 = tpu.memref_squeeze %dma_start3A_512 : memref<1x1x64xi32, #tpu.memory_space<vmem>> -> memref<64xi32, #tpu.memory_space<vmem>>
        %dma_start3A_514 = arith.constant 0 : i32
        %dma_start3A_515 = arith.constant 0 : i32
        %dma_start3A_516 = tpu.memref_slice %arg2[%dma_start3A_514, %dma_start3A_515] : memref<10240x128xf32, #tpu.memory_space<hbm>> -> memref<10240x128xf32, #tpu.memory_space<hbm>>
        tpu.enqueue_indirect_dma source(%dma_start3A_516 : memref<10240x128xf32, #tpu.memory_space<hbm>>) target(%dma_start3A_510 : memref<64x128xf32, #tpu.memory_space<vmem>>) offsets(%dma_start3A_513 : memref<64xi32, #tpu.memory_space<vmem>>) semaphore(%arg11 : memref<!tpu.dma_semaphore, #tpu.memory_space<semaphore_mem>>)
      } else {
      }
      %add3A_439 = arith.constant 5 : i32
      %add3A_440 = arith.addi %add3A_416, %add3A_439 : i32
      %lt3A_441 = arith.constant 160 : i32
      %lt3A_442 = arith.cmpi slt, %add3A_440, %lt3A_441 : i32
      %convert_element_type3A_443 = arith.extui %lt3A_442 : i1 to i32
      %cond3A_444 = arith.constant 0 : i32
      %cond3A_445 = arith.cmpi ne, %convert_element_type3A_443, %cond3A_444 : i32
      scf.if %cond3A_445 {
        %add3A_485 = arith.constant 5 : i32
        %add3A_486 = arith.addi %add3A_416, %add3A_485 : i32
        %dma_start3A_487 = arith.constant 3 : i32
        %dma_start3A_488 = arith.constant 0 : i32
        %dma_start3A_489 = arith.constant 0 : i32
        %dma_start3A_490 = tpu.memref_slice %arg8[%dma_start3A_487, %dma_start3A_488, %dma_start3A_489] : memref<8x2x64xi32, #tpu.memory_space<vmem>> -> memref<1x2x64xi32, #tpu.memory_space<vmem>>
        %dma_start3A_491 = tpu.memref_squeeze %dma_start3A_490 : memref<1x2x64xi32, #tpu.memory_space<vmem>> -> memref<2x64xi32, #tpu.memory_space<vmem>>
        %dma_start3A_492 = arith.constant 0 : i32
        %dma_start3A_493 = arith.constant 0 : i32
        %dma_start3A_494 = tpu.memref_slice %arg3[%add3A, %add3A_486, %dma_start3A_492, %dma_start3A_493] : memref<32x160x2x64xi32, #tpu.memory_space<hbm>> -> memref<1x1x2x64xi32, #tpu.memory_space<hbm>>
        %dma_start3A_495 = tpu.memref_squeeze %dma_start3A_494 : memref<1x1x2x64xi32, #tpu.memory_space<hbm>> -> memref<2x64xi32, #tpu.memory_space<hbm>>
        %dma_start3A_496 = arith.constant 0 : i32
        %dma_start3A_497 = arith.constant 0 : i32
        %dma_start3A_498 = tpu.memref_slice %arg8[%dma_start3A_487, %dma_start3A_496, %dma_start3A_497] : memref<8x2x64xi32, #tpu.memory_space<vmem>> -> memref<1x2x64xi32, #tpu.memory_space<vmem>>
        %dma_start3A_499 = tpu.memref_squeeze %dma_start3A_498 : memref<1x2x64xi32, #tpu.memory_space<vmem>> -> memref<2x64xi32, #tpu.memory_space<vmem>>
        %dma_start3A_500 = arith.constant 0 : i32
        %dma_start3A_501 = arith.constant 0 : i32
        %dma_start3A_502 = tpu.memref_slice %arg3[%add3A, %add3A_486, %dma_start3A_500, %dma_start3A_501] : memref<32x160x2x64xi32, #tpu.memory_space<hbm>> -> memref<1x1x2x64xi32, #tpu.memory_space<hbm>>
        %dma_start3A_503 = tpu.memref_squeeze %dma_start3A_502 : memref<1x1x2x64xi32, #tpu.memory_space<hbm>> -> memref<2x64xi32, #tpu.memory_space<hbm>>
        tpu.enqueue_dma source(%dma_start3A_503 : memref<2x64xi32, #tpu.memory_space<hbm>>) target(%dma_start3A_499 : memref<2x64xi32, #tpu.memory_space<vmem>>) target_semaphore(%arg17 : memref<!tpu.dma_semaphore, #tpu.memory_space<semaphore_mem>>)
      } else {
      }
      %run_scoped3A_446 = arith.constant 2 : i32
      %run_scoped3A_447 = arith.constant 6 : i32
      %run_scoped3A_448 = arith.constant 1 : i32
      "tpu.region"() ({
        %run_scoped3A_485 = tpu.sem_alloc : memref<!tpu.dma_semaphore, #tpu.memory_space<semaphore_mem>>
        %dma_start3A_486 = arith.constant 0 : i32
        %dma_start3A_487 = arith.constant 0 : i32
        %dma_start3A_488 = tpu.memref_slice %arg9[%run_scoped3A_446, %dma_start3A_486, %dma_start3A_487] : memref<4x64x128xf32, #tpu.memory_space<vmem>> -> memref<1x64x128xf32, #tpu.memory_space<vmem>>
        %dma_start3A_489 = tpu.memref_squeeze %dma_start3A_488 : memref<1x64x128xf32, #tpu.memory_space<vmem>> -> memref<64x128xf32, #tpu.memory_space<vmem>>
        %dma_start3A_490 = arith.constant 0 : i32
        %dma_start3A_491 = tpu.memref_slice %arg8[%run_scoped3A_447, %run_scoped3A_448, %dma_start3A_490] : memref<8x2x64xi32, #tpu.memory_space<vmem>> -> memref<1x1x64xi32, #tpu.memory_space<vmem>>
        %dma_start3A_492 = tpu.memref_squeeze %dma_start3A_491 : memref<1x1x64xi32, #tpu.memory_space<vmem>> -> memref<64xi32, #tpu.memory_space<vmem>>
        %dma_start3A_493 = arith.constant 0 : i32
        %dma_start3A_494 = arith.constant 0 : i32
        %dma_start3A_495 = tpu.memref_slice %arg7[%dma_start3A_493, %dma_start3A_494] : memref<10240x128xf32, #tpu.memory_space<vmem_shared>> -> memref<10240x128xf32, #tpu.memory_space<vmem_shared>>
        tpu.enqueue_indirect_dma source(%dma_start3A_489 : memref<64x128xf32, #tpu.memory_space<vmem>>) target(%dma_start3A_495 : memref<10240x128xf32, #tpu.memory_space<vmem_shared>>) offsets(%dma_start3A_492 : memref<64xi32, #tpu.memory_space<vmem>>) semaphore(%run_scoped3A_485 : memref<!tpu.dma_semaphore, #tpu.memory_space<semaphore_mem>>) {add = true}
        %dma_wait3A_496 = arith.constant 0 : i32
        %dma_wait3A_497 = arith.constant 0 : i32
        %dma_wait3A_498 = tpu.memref_slice %arg9[%run_scoped3A_446, %dma_wait3A_496, %dma_wait3A_497] : memref<4x64x128xf32, #tpu.memory_space<vmem>> -> memref<1x64x128xf32, #tpu.memory_space<vmem>>
        %dma_wait3A_499 = tpu.memref_squeeze %dma_wait3A_498 : memref<1x64x128xf32, #tpu.memory_space<vmem>> -> memref<64x128xf32, #tpu.memory_space<vmem>>
        %dma_wait3A_500 = arith.constant 0 : i32
        %dma_wait3A_501 = tpu.memref_slice %arg8[%run_scoped3A_447, %run_scoped3A_448, %dma_wait3A_500] : memref<8x2x64xi32, #tpu.memory_space<vmem>> -> memref<1x1x64xi32, #tpu.memory_space<vmem>>
        %dma_wait3A_502 = tpu.memref_squeeze %dma_wait3A_501 : memref<1x1x64xi32, #tpu.memory_space<vmem>> -> memref<64xi32, #tpu.memory_space<vmem>>
        %dma_wait3A_503 = arith.constant 0 : i32
        %dma_wait3A_504 = arith.constant 0 : i32
        %dma_wait3A_505 = tpu.memref_slice %arg7[%dma_wait3A_503, %dma_wait3A_504] : memref<10240x128xf32, #tpu.memory_space<vmem_shared>> -> memref<10240x128xf32, #tpu.memory_space<vmem_shared>>
        tpu.wait_indirect_dma semaphore(%run_scoped3A_485 : memref<!tpu.dma_semaphore, #tpu.memory_space<semaphore_mem>>) src(%dma_wait3A_499 : memref<64x128xf32, #tpu.memory_space<vmem>>) dst(%dma_wait3A_505 : memref<10240x128xf32, #tpu.memory_space<vmem_shared>>)
        tpu.yield
      }) : () -> ()
      %mul3A_449 = arith.constant 8 : i32
      %mul3A_450 = arith.muli %mul3A_449, %scan3A_200 : i32
      %add3A_451 = arith.constant 7 : i32
      %add3A_452 = arith.addi %mul3A_450, %add3A_451 : i32
      %dma_wait3A_453 = arith.constant 3 : i32
      %dma_wait3A_454 = arith.constant 0 : i32
      %dma_wait3A_455 = arith.constant 0 : i32
      %dma_wait3A_456 = tpu.memref_slice %arg9[%dma_wait3A_453, %dma_wait3A_454, %dma_wait3A_455] : memref<4x64x128xf32, #tpu.memory_space<vmem>> -> memref<1x64x128xf32, #tpu.memory_space<vmem>>
      %dma_wait3A_457 = tpu.memref_squeeze %dma_wait3A_456 : memref<1x64x128xf32, #tpu.memory_space<vmem>> -> memref<64x128xf32, #tpu.memory_space<vmem>>
      %dma_wait3A_458 = arith.constant 0 : i32
      %dma_wait3A_459 = arith.constant 0 : i32
      %dma_wait3A_460 = tpu.memref_slice %arg2[%dma_wait3A_458, %dma_wait3A_459] : memref<10240x128xf32, #tpu.memory_space<hbm>> -> memref<64x128xf32, #tpu.memory_space<hbm>>
      %dma_wait3A_461 = arith.constant 0 : i32
      %dma_wait3A_462 = arith.constant 0 : i32
      %dma_wait3A_463 = tpu.memref_slice %arg9[%dma_wait3A_453, %dma_wait3A_461, %dma_wait3A_462] : memref<4x64x128xf32, #tpu.memory_space<vmem>> -> memref<1x64x128xf32, #tpu.memory_space<vmem>>
      %dma_wait3A_464 = tpu.memref_squeeze %dma_wait3A_463 : memref<1x64x128xf32, #tpu.memory_space<vmem>> -> memref<64x128xf32, #tpu.memory_space<vmem>>
      %dma_wait3A_465 = arith.constant 0 : i32
      %dma_wait3A_466 = arith.constant 0 : i32
      %dma_wait3A_467 = tpu.memref_slice %arg2[%dma_wait3A_465, %dma_wait3A_466] : memref<10240x128xf32, #tpu.memory_space<hbm>> -> memref<64x128xf32, #tpu.memory_space<hbm>>
      tpu.wait_dma2 semaphore(%arg13 : memref<!tpu.dma_semaphore, #tpu.memory_space<semaphore_mem>>) src(%dma_wait3A_467 : memref<64x128xf32, #tpu.memory_space<hbm>>) dst(%dma_wait3A_464 : memref<64x128xf32, #tpu.memory_space<vmem>>)
      %add3A_468 = arith.constant 3 : i32
      %add3A_469 = arith.addi %add3A_452, %add3A_468 : i32
      %lt3A_470 = arith.constant 160 : i32
      %lt3A_471 = arith.cmpi slt, %add3A_469, %lt3A_470 : i32
      %convert_element_type3A_472 = arith.extui %lt3A_471 : i1 to i32
      %cond3A_473 = arith.constant 0 : i32
      %cond3A_474 = arith.cmpi ne, %convert_element_type3A_472, %cond3A_473 : i32
      scf.if %cond3A_474 {
        %dma_wait3A_485 = arith.constant 0 : i32
        %dma_wait3A_486 = arith.constant 0 : i32
        %dma_wait3A_487 = arith.constant 2 : i32
        %dma_wait3A_488 = arith.constant 0 : i32
        %dma_wait3A_489 = arith.constant 0 : i32
        %dma_wait3A_490 = tpu.memref_slice %arg8[%dma_wait3A_487, %dma_wait3A_488, %dma_wait3A_489] : memref<8x2x64xi32, #tpu.memory_space<vmem>> -> memref<1x2x64xi32, #tpu.memory_space<vmem>>
        %dma_wait3A_491 = tpu.memref_squeeze %dma_wait3A_490 : memref<1x2x64xi32, #tpu.memory_space<vmem>> -> memref<2x64xi32, #tpu.memory_space<vmem>>
        %dma_wait3A_492 = arith.constant 0 : i32
        %dma_wait3A_493 = arith.constant 0 : i32
        %dma_wait3A_494 = tpu.memref_slice %arg3[%dma_wait3A_485, %dma_wait3A_486, %dma_wait3A_492, %dma_wait3A_493] : memref<32x160x2x64xi32, #tpu.memory_space<hbm>> -> memref<1x1x2x64xi32, #tpu.memory_space<hbm>>
        %dma_wait3A_495 = tpu.memref_squeeze %dma_wait3A_494 : memref<1x1x2x64xi32, #tpu.memory_space<hbm>> -> memref<2x64xi32, #tpu.memory_space<hbm>>
        %dma_wait3A_496 = arith.constant 0 : i32
        %dma_wait3A_497 = arith.constant 0 : i32
        %dma_wait3A_498 = tpu.memref_slice %arg8[%dma_wait3A_487, %dma_wait3A_496, %dma_wait3A_497] : memref<8x2x64xi32, #tpu.memory_space<vmem>> -> memref<1x2x64xi32, #tpu.memory_space<vmem>>
        %dma_wait3A_499 = tpu.memref_squeeze %dma_wait3A_498 : memref<1x2x64xi32, #tpu.memory_space<vmem>> -> memref<2x64xi32, #tpu.memory_space<vmem>>
        %dma_wait3A_500 = arith.constant 0 : i32
        %dma_wait3A_501 = arith.constant 0 : i32
        %dma_wait3A_502 = tpu.memref_slice %arg3[%dma_wait3A_485, %dma_wait3A_486, %dma_wait3A_500, %dma_wait3A_501] : memref<32x160x2x64xi32, #tpu.memory_space<hbm>> -> memref<1x1x2x64xi32, #tpu.memory_space<hbm>>
        %dma_wait3A_503 = tpu.memref_squeeze %dma_wait3A_502 : memref<1x1x2x64xi32, #tpu.memory_space<hbm>> -> memref<2x64xi32, #tpu.memory_space<hbm>>
        tpu.wait_dma2 semaphore(%arg16 : memref<!tpu.dma_semaphore, #tpu.memory_space<semaphore_mem>>) src(%dma_wait3A_503 : memref<2x64xi32, #tpu.memory_space<hbm>>) dst(%dma_wait3A_499 : memref<2x64xi32, #tpu.memory_space<vmem>>)
        %dma_start3A_504 = arith.constant 2 : i32
        %dma_start3A_505 = arith.constant 0 : i32
        %dma_start3A_506 = arith.constant 2 : i32
        %dma_start3A_507 = arith.constant 0 : i32
        %dma_start3A_508 = arith.constant 0 : i32
        %dma_start3A_509 = tpu.memref_slice %arg9[%dma_start3A_506, %dma_start3A_507, %dma_start3A_508] : memref<4x64x128xf32, #tpu.memory_space<vmem>> -> memref<1x64x128xf32, #tpu.memory_space<vmem>>
        %dma_start3A_510 = tpu.memref_squeeze %dma_start3A_509 : memref<1x64x128xf32, #tpu.memory_space<vmem>> -> memref<64x128xf32, #tpu.memory_space<vmem>>
        %dma_start3A_511 = arith.constant 0 : i32
        %dma_start3A_512 = tpu.memref_slice %arg8[%dma_start3A_504, %dma_start3A_505, %dma_start3A_511] : memref<8x2x64xi32, #tpu.memory_space<vmem>> -> memref<1x1x64xi32, #tpu.memory_space<vmem>>
        %dma_start3A_513 = tpu.memref_squeeze %dma_start3A_512 : memref<1x1x64xi32, #tpu.memory_space<vmem>> -> memref<64xi32, #tpu.memory_space<vmem>>
        %dma_start3A_514 = arith.constant 0 : i32
        %dma_start3A_515 = arith.constant 0 : i32
        %dma_start3A_516 = tpu.memref_slice %arg2[%dma_start3A_514, %dma_start3A_515] : memref<10240x128xf32, #tpu.memory_space<hbm>> -> memref<10240x128xf32, #tpu.memory_space<hbm>>
        tpu.enqueue_indirect_dma source(%dma_start3A_516 : memref<10240x128xf32, #tpu.memory_space<hbm>>) target(%dma_start3A_510 : memref<64x128xf32, #tpu.memory_space<vmem>>) offsets(%dma_start3A_513 : memref<64xi32, #tpu.memory_space<vmem>>) semaphore(%arg12 : memref<!tpu.dma_semaphore, #tpu.memory_space<semaphore_mem>>)
      } else {
      }
      %add3A_475 = arith.constant 5 : i32
      %add3A_476 = arith.addi %add3A_452, %add3A_475 : i32
      %lt3A_477 = arith.constant 160 : i32
      %lt3A_478 = arith.cmpi slt, %add3A_476, %lt3A_477 : i32
      %convert_element_type3A_479 = arith.extui %lt3A_478 : i1 to i32
      %cond3A_480 = arith.constant 0 : i32
      %cond3A_481 = arith.cmpi ne, %convert_element_type3A_479, %cond3A_480 : i32
      scf.if %cond3A_481 {
        %add3A_485 = arith.constant 5 : i32
        %add3A_486 = arith.addi %add3A_452, %add3A_485 : i32
        %dma_start3A_487 = arith.constant 4 : i32
        %dma_start3A_488 = arith.constant 0 : i32
        %dma_start3A_489 = arith.constant 0 : i32
        %dma_start3A_490 = tpu.memref_slice %arg8[%dma_start3A_487, %dma_start3A_488, %dma_start3A_489] : memref<8x2x64xi32, #tpu.memory_space<vmem>> -> memref<1x2x64xi32, #tpu.memory_space<vmem>>
        %dma_start3A_491 = tpu.memref_squeeze %dma_start3A_490 : memref<1x2x64xi32, #tpu.memory_space<vmem>> -> memref<2x64xi32, #tpu.memory_space<vmem>>
        %dma_start3A_492 = arith.constant 0 : i32
        %dma_start3A_493 = arith.constant 0 : i32
        %dma_start3A_494 = tpu.memref_slice %arg3[%add3A, %add3A_486, %dma_start3A_492, %dma_start3A_493] : memref<32x160x2x64xi32, #tpu.memory_space<hbm>> -> memref<1x1x2x64xi32, #tpu.memory_space<hbm>>
        %dma_start3A_495 = tpu.memref_squeeze %dma_start3A_494 : memref<1x1x2x64xi32, #tpu.memory_space<hbm>> -> memref<2x64xi32, #tpu.memory_space<hbm>>
        %dma_start3A_496 = arith.constant 0 : i32
        %dma_start3A_497 = arith.constant 0 : i32
        %dma_start3A_498 = tpu.memref_slice %arg8[%dma_start3A_487, %dma_start3A_496, %dma_start3A_497] : memref<8x2x64xi32, #tpu.memory_space<vmem>> -> memref<1x2x64xi32, #tpu.memory_space<vmem>>
        %dma_start3A_499 = tpu.memref_squeeze %dma_start3A_498 : memref<1x2x64xi32, #tpu.memory_space<vmem>> -> memref<2x64xi32, #tpu.memory_space<vmem>>
        %dma_start3A_500 = arith.constant 0 : i32
        %dma_start3A_501 = arith.constant 0 : i32
        %dma_start3A_502 = tpu.memref_slice %arg3[%add3A, %add3A_486, %dma_start3A_500, %dma_start3A_501] : memref<32x160x2x64xi32, #tpu.memory_space<hbm>> -> memref<1x1x2x64xi32, #tpu.memory_space<hbm>>
        %dma_start3A_503 = tpu.memref_squeeze %dma_start3A_502 : memref<1x1x2x64xi32, #tpu.memory_space<hbm>> -> memref<2x64xi32, #tpu.memory_space<hbm>>
        tpu.enqueue_dma source(%dma_start3A_503 : memref<2x64xi32, #tpu.memory_space<hbm>>) target(%dma_start3A_499 : memref<2x64xi32, #tpu.memory_space<vmem>>) target_semaphore(%arg18 : memref<!tpu.dma_semaphore, #tpu.memory_space<semaphore_mem>>)
      } else {
      }
      %run_scoped3A_482 = arith.constant 3 : i32
      %run_scoped3A_483 = arith.constant 7 : i32
      %run_scoped3A_484 = arith.constant 1 : i32
      "tpu.region"() ({
        %run_scoped3A_485 = tpu.sem_alloc : memref<!tpu.dma_semaphore, #tpu.memory_space<semaphore_mem>>
        %dma_start3A_486 = arith.constant 0 : i32
        %dma_start3A_487 = arith.constant 0 : i32
        %dma_start3A_488 = tpu.memref_slice %arg9[%run_scoped3A_482, %dma_start3A_486, %dma_start3A_487] : memref<4x64x128xf32, #tpu.memory_space<vmem>> -> memref<1x64x128xf32, #tpu.memory_space<vmem>>
        %dma_start3A_489 = tpu.memref_squeeze %dma_start3A_488 : memref<1x64x128xf32, #tpu.memory_space<vmem>> -> memref<64x128xf32, #tpu.memory_space<vmem>>
        %dma_start3A_490 = arith.constant 0 : i32
        %dma_start3A_491 = tpu.memref_slice %arg8[%run_scoped3A_483, %run_scoped3A_484, %dma_start3A_490] : memref<8x2x64xi32, #tpu.memory_space<vmem>> -> memref<1x1x64xi32, #tpu.memory_space<vmem>>
        %dma_start3A_492 = tpu.memref_squeeze %dma_start3A_491 : memref<1x1x64xi32, #tpu.memory_space<vmem>> -> memref<64xi32, #tpu.memory_space<vmem>>
        %dma_start3A_493 = arith.constant 0 : i32
        %dma_start3A_494 = arith.constant 0 : i32
        %dma_start3A_495 = tpu.memref_slice %arg7[%dma_start3A_493, %dma_start3A_494] : memref<10240x128xf32, #tpu.memory_space<vmem_shared>> -> memref<10240x128xf32, #tpu.memory_space<vmem_shared>>
        tpu.enqueue_indirect_dma source(%dma_start3A_489 : memref<64x128xf32, #tpu.memory_space<vmem>>) target(%dma_start3A_495 : memref<10240x128xf32, #tpu.memory_space<vmem_shared>>) offsets(%dma_start3A_492 : memref<64xi32, #tpu.memory_space<vmem>>) semaphore(%run_scoped3A_485 : memref<!tpu.dma_semaphore, #tpu.memory_space<semaphore_mem>>) {add = true}
        %dma_wait3A_496 = arith.constant 0 : i32
        %dma_wait3A_497 = arith.constant 0 : i32
        %dma_wait3A_498 = tpu.memref_slice %arg9[%run_scoped3A_482, %dma_wait3A_496, %dma_wait3A_497] : memref<4x64x128xf32, #tpu.memory_space<vmem>> -> memref<1x64x128xf32, #tpu.memory_space<vmem>>
        %dma_wait3A_499 = tpu.memref_squeeze %dma_wait3A_498 : memref<1x64x128xf32, #tpu.memory_space<vmem>> -> memref<64x128xf32, #tpu.memory_space<vmem>>
        %dma_wait3A_500 = arith.constant 0 : i32
        %dma_wait3A_501 = tpu.memref_slice %arg8[%run_scoped3A_483, %run_scoped3A_484, %dma_wait3A_500] : memref<8x2x64xi32, #tpu.memory_space<vmem>> -> memref<1x1x64xi32, #tpu.memory_space<vmem>>
        %dma_wait3A_502 = tpu.memref_squeeze %dma_wait3A_501 : memref<1x1x64xi32, #tpu.memory_space<vmem>> -> memref<64xi32, #tpu.memory_space<vmem>>
        %dma_wait3A_503 = arith.constant 0 : i32
        %dma_wait3A_504 = arith.constant 0 : i32
        %dma_wait3A_505 = tpu.memref_slice %arg7[%dma_wait3A_503, %dma_wait3A_504] : memref<10240x128xf32, #tpu.memory_space<vmem_shared>> -> memref<10240x128xf32, #tpu.memory_space<vmem_shared>>
        tpu.wait_indirect_dma semaphore(%run_scoped3A_485 : memref<!tpu.dma_semaphore, #tpu.memory_space<semaphore_mem>>) src(%dma_wait3A_499 : memref<64x128xf32, #tpu.memory_space<vmem>>) dst(%dma_wait3A_505 : memref<10240x128xf32, #tpu.memory_space<vmem_shared>>)
        tpu.yield
      }) : () -> ()
    }
    %scan3A_194 = arith.constant 20 : i32
    %barrier3A_195 = arith.constant 0 : index
    tpu.barrier barrier_id(%barrier3A_195)
    %mul3A_196 = arith.constant 640 : i32
    %mul3A_197 = arith.muli %arg1, %mul3A_196 : i32
    %mul3A_198 = arith.constant 640 : i32
    %mul3A_199 = arith.muli %arg1, %mul3A_198 : i32
    "tpu.region"() ({
      %run_scoped3A = tpu.sem_alloc : memref<!tpu.dma_semaphore, #tpu.memory_space<semaphore_mem>>
      %dma_start3A_200 = arith.constant 0 : i32
      %dma_start3A_201 = tpu.memref_slice %arg6[%arg0, %mul3A_199, %dma_start3A_200] : memref<2x10240x128xf32, #tpu.memory_space<hbm>> -> memref<1x640x128xf32, #tpu.memory_space<hbm>>
      %dma_start3A_202 = tpu.memref_squeeze %dma_start3A_201 : memref<1x640x128xf32, #tpu.memory_space<hbm>> -> memref<640x128xf32, #tpu.memory_space<hbm>>
      %dma_start3A_203 = arith.constant 0 : i32
      %dma_start3A_204 = tpu.memref_slice %arg7[%mul3A_197, %dma_start3A_203] : memref<10240x128xf32, #tpu.memory_space<vmem_shared>> -> memref<640x128xf32, #tpu.memory_space<vmem_shared>>
      tpu.enqueue_dma source(%dma_start3A_204 : memref<640x128xf32, #tpu.memory_space<vmem_shared>>) target(%dma_start3A_202 : memref<640x128xf32, #tpu.memory_space<hbm>>) target_semaphore(%run_scoped3A : memref<!tpu.dma_semaphore, #tpu.memory_space<semaphore_mem>>)
      %dma_wait3A_205 = arith.constant 0 : i32
      %dma_wait3A_206 = tpu.memref_slice %arg6[%arg0, %mul3A_199, %dma_wait3A_205] : memref<2x10240x128xf32, #tpu.memory_space<hbm>> -> memref<1x640x128xf32, #tpu.memory_space<hbm>>
      %dma_wait3A_207 = tpu.memref_squeeze %dma_wait3A_206 : memref<1x640x128xf32, #tpu.memory_space<hbm>> -> memref<640x128xf32, #tpu.memory_space<hbm>>
      %dma_wait3A_208 = arith.constant 0 : i32
      %dma_wait3A_209 = tpu.memref_slice %arg7[%mul3A_197, %dma_wait3A_208] : memref<10240x128xf32, #tpu.memory_space<vmem_shared>> -> memref<640x128xf32, #tpu.memory_space<vmem_shared>>
      tpu.wait_dma2 semaphore(%run_scoped3A : memref<!tpu.dma_semaphore, #tpu.memory_space<semaphore_mem>>) src(%dma_wait3A_209 : memref<640x128xf32, #tpu.memory_space<vmem_shared>>) dst(%dma_wait3A_207 : memref<640x128xf32, #tpu.memory_space<hbm>>)
      tpu.yield
    }) : () -> ()
    return
  }
}

#map = affine_map<(d0, d1) -> (0, 0)>
#map1 = affine_map<(d0, d1) -> (0, 0, 0, 0)>
#map2 = affine_map<(d0, d1) -> (0)>
#map3 = affine_map<(d0, d1) -> (0, 0, 0)>
module attributes {stable_mosaic.version = 14 : i64} {
  func.func @sc_agg_deg(%arg0: i32, %arg1: i32, %arg2: memref<10240x128xf32, #tpu.memory_space<hbm>>, %arg3: memref<32x160x2x64xi32, #tpu.memory_space<hbm>>, %arg4: memref<10240x128xf32, #tpu.memory_space<hbm>>, %arg5: memref<10240xf32, #tpu.memory_space<hbm>>, %arg6: memref<2x10240x128xf32, #tpu.memory_space<hbm>>, %arg7: memref<32x10240xf32, #tpu.memory_space<hbm>>, %arg8: memref<10240x128xf32, #tpu.memory_space<vmem_shared>>, %arg9: memref<8x2x64xi32, #tpu.memory_space<vmem>>, %arg10: memref<4x64x128xf32, #tpu.memory_space<vmem>>, %arg11: memref<10240xf32, #tpu.memory_space<vmem>>, %arg12: memref<!tpu.dma_semaphore, #tpu.memory_space<semaphore_mem>>, %arg13: memref<!tpu.dma_semaphore, #tpu.memory_space<semaphore_mem>>, %arg14: memref<!tpu.dma_semaphore, #tpu.memory_space<semaphore_mem>>, %arg15: memref<!tpu.dma_semaphore, #tpu.memory_space<semaphore_mem>>, %arg16: memref<!tpu.dma_semaphore, #tpu.memory_space<semaphore_mem>>, %arg17: memref<!tpu.dma_semaphore, #tpu.memory_space<semaphore_mem>>, %arg18: memref<!tpu.dma_semaphore, #tpu.memory_space<semaphore_mem>>, %arg19: memref<!tpu.dma_semaphore, #tpu.memory_space<semaphore_mem>>, %arg20: memref<!tpu.dma_semaphore, #tpu.memory_space<semaphore_mem>>, %arg21: memref<!tpu.dma_semaphore, #tpu.memory_space<semaphore_mem>>, %arg22: memref<!tpu.dma_semaphore, #tpu.memory_space<semaphore_mem>>, %arg23: memref<!tpu.dma_semaphore, #tpu.memory_space<semaphore_mem>>) attributes {dimension_semantics = [#tpu.dimension_semantics<core_parallel>, #tpu.dimension_semantics<subcore_parallel>], iteration_bounds = array<i64: 2, 16>, scalar_prefetch = 0 : i64, scratch_operands = 16 : i64, tpu.core_type = #tpu.core_type<sc_vector_subcore>, window_params = [{transform_indices = #map}, {transform_indices = #map1}, {transform_indices = #map}, {transform_indices = #map2}, {transform_indices = #map3}, {transform_indices = #map}]} {
    %mul3A = arith.constant 2 : i32
    %mul3A_0 = arith.muli %arg1, %mul3A : i32
    %add3A = arith.addi %mul3A_0, %arg0 : i32
    %broadcast_in_dim3A = arith.constant 1.000000e+00 : f32
    %broadcast_in_dim3A_1 = vector.broadcast %broadcast_in_dim3A : f32 to vector<16xf32>
    %dma_start3A = arith.constant 0 : i32
    %dma_start3A_2 = arith.constant 0 : i32
    %dma_start3A_3 = arith.constant 0 : i32
    %dma_start3A_4 = arith.constant 0 : i32
    %dma_start3A_5 = tpu.memref_slice %arg9[%dma_start3A_2, %dma_start3A_3, %dma_start3A_4] : memref<8x2x64xi32, #tpu.memory_space<vmem>> -> memref<1x2x64xi32, #tpu.memory_space<vmem>>
    %dma_start3A_6 = tpu.memref_squeeze %dma_start3A_5 : memref<1x2x64xi32, #tpu.memory_space<vmem>> -> memref<2x64xi32, #tpu.memory_space<vmem>>
    %dma_start3A_7 = arith.constant 0 : i32
    %dma_start3A_8 = arith.constant 0 : i32
    %dma_start3A_9 = tpu.memref_slice %arg3[%add3A, %dma_start3A, %dma_start3A_7, %dma_start3A_8] : memref<32x160x2x64xi32, #tpu.memory_space<hbm>> -> memref<1x1x2x64xi32, #tpu.memory_space<hbm>>
    %dma_start3A_10 = tpu.memref_squeeze %dma_start3A_9 : memref<1x1x2x64xi32, #tpu.memory_space<hbm>> -> memref<2x64xi32, #tpu.memory_space<hbm>>
    %dma_start3A_11 = arith.constant 0 : i32
    %dma_start3A_12 = arith.constant 0 : i32
    %dma_start3A_13 = tpu.memref_slice %arg9[%dma_start3A_2, %dma_start3A_11, %dma_start3A_12] : memref<8x2x64xi32, #tpu.memory_space<vmem>> -> memref<1x2x64xi32, #tpu.memory_space<vmem>>
    %dma_start3A_14 = tpu.memref_squeeze %dma_start3A_13 : memref<1x2x64xi32, #tpu.memory_space<vmem>> -> memref<2x64xi32, #tpu.memory_space<vmem>>
    %dma_start3A_15 = arith.constant 0 : i32
    %dma_start3A_16 = arith.constant 0 : i32
    %dma_start3A_17 = tpu.memref_slice %arg3[%add3A, %dma_start3A, %dma_start3A_15, %dma_start3A_16] : memref<32x160x2x64xi32, #tpu.memory_space<hbm>> -> memref<1x1x2x64xi32, #tpu.memory_space<hbm>>
    %dma_start3A_18 = tpu.memref_squeeze %dma_start3A_17 : memref<1x1x2x64xi32, #tpu.memory_space<hbm>> -> memref<2x64xi32, #tpu.memory_space<hbm>>
    tpu.enqueue_dma source(%dma_start3A_18 : memref<2x64xi32, #tpu.memory_space<hbm>>) target(%dma_start3A_14 : memref<2x64xi32, #tpu.memory_space<vmem>>) target_semaphore(%arg16 : memref<!tpu.dma_semaphore, #tpu.memory_space<semaphore_mem>>)
    %dma_start3A_19 = arith.constant 1 : i32
    %dma_start3A_20 = arith.constant 1 : i32
    %dma_start3A_21 = arith.constant 0 : i32
    %dma_start3A_22 = arith.constant 0 : i32
    %dma_start3A_23 = tpu.memref_slice %arg9[%dma_start3A_20, %dma_start3A_21, %dma_start3A_22] : memref<8x2x64xi32, #tpu.memory_space<vmem>> -> memref<1x2x64xi32, #tpu.memory_space<vmem>>
    %dma_start3A_24 = tpu.memref_squeeze %dma_start3A_23 : memref<1x2x64xi32, #tpu.memory_space<vmem>> -> memref<2x64xi32, #tpu.memory_space<vmem>>
    %dma_start3A_25 = arith.constant 0 : i32
    %dma_start3A_26 = arith.constant 0 : i32
    %dma_start3A_27 = tpu.memref_slice %arg3[%add3A, %dma_start3A_19, %dma_start3A_25, %dma_start3A_26] : memref<32x160x2x64xi32, #tpu.memory_space<hbm>> -> memref<1x1x2x64xi32, #tpu.memory_space<hbm>>
    %dma_start3A_28 = tpu.memref_squeeze %dma_start3A_27 : memref<1x1x2x64xi32, #tpu.memory_space<hbm>> -> memref<2x64xi32, #tpu.memory_space<hbm>>
    %dma_start3A_29 = arith.constant 0 : i32
    %dma_start3A_30 = arith.constant 0 : i32
    %dma_start3A_31 = tpu.memref_slice %arg9[%dma_start3A_20, %dma_start3A_29, %dma_start3A_30] : memref<8x2x64xi32, #tpu.memory_space<vmem>> -> memref<1x2x64xi32, #tpu.memory_space<vmem>>
    %dma_start3A_32 = tpu.memref_squeeze %dma_start3A_31 : memref<1x2x64xi32, #tpu.memory_space<vmem>> -> memref<2x64xi32, #tpu.memory_space<vmem>>
    %dma_start3A_33 = arith.constant 0 : i32
    %dma_start3A_34 = arith.constant 0 : i32
    %dma_start3A_35 = tpu.memref_slice %arg3[%add3A, %dma_start3A_19, %dma_start3A_33, %dma_start3A_34] : memref<32x160x2x64xi32, #tpu.memory_space<hbm>> -> memref<1x1x2x64xi32, #tpu.memory_space<hbm>>
    %dma_start3A_36 = tpu.memref_squeeze %dma_start3A_35 : memref<1x1x2x64xi32, #tpu.memory_space<hbm>> -> memref<2x64xi32, #tpu.memory_space<hbm>>
    tpu.enqueue_dma source(%dma_start3A_36 : memref<2x64xi32, #tpu.memory_space<hbm>>) target(%dma_start3A_32 : memref<2x64xi32, #tpu.memory_space<vmem>>) target_semaphore(%arg17 : memref<!tpu.dma_semaphore, #tpu.memory_space<semaphore_mem>>)
    %dma_start3A_37 = arith.constant 2 : i32
    %dma_start3A_38 = arith.constant 2 : i32
    %dma_start3A_39 = arith.constant 0 : i32
    %dma_start3A_40 = arith.constant 0 : i32
    %dma_start3A_41 = tpu.memref_slice %arg9[%dma_start3A_38, %dma_start3A_39, %dma_start3A_40] : memref<8x2x64xi32, #tpu.memory_space<vmem>> -> memref<1x2x64xi32, #tpu.memory_space<vmem>>
    %dma_start3A_42 = tpu.memref_squeeze %dma_start3A_41 : memref<1x2x64xi32, #tpu.memory_space<vmem>> -> memref<2x64xi32, #tpu.memory_space<vmem>>
    %dma_start3A_43 = arith.constant 0 : i32
    %dma_start3A_44 = arith.constant 0 : i32
    %dma_start3A_45 = tpu.memref_slice %arg3[%add3A, %dma_start3A_37, %dma_start3A_43, %dma_start3A_44] : memref<32x160x2x64xi32, #tpu.memory_space<hbm>> -> memref<1x1x2x64xi32, #tpu.memory_space<hbm>>
    %dma_start3A_46 = tpu.memref_squeeze %dma_start3A_45 : memref<1x1x2x64xi32, #tpu.memory_space<hbm>> -> memref<2x64xi32, #tpu.memory_space<hbm>>
    %dma_start3A_47 = arith.constant 0 : i32
    %dma_start3A_48 = arith.constant 0 : i32
    %dma_start3A_49 = tpu.memref_slice %arg9[%dma_start3A_38, %dma_start3A_47, %dma_start3A_48] : memref<8x2x64xi32, #tpu.memory_space<vmem>> -> memref<1x2x64xi32, #tpu.memory_space<vmem>>
    %dma_start3A_50 = tpu.memref_squeeze %dma_start3A_49 : memref<1x2x64xi32, #tpu.memory_space<vmem>> -> memref<2x64xi32, #tpu.memory_space<vmem>>
    %dma_start3A_51 = arith.constant 0 : i32
    %dma_start3A_52 = arith.constant 0 : i32
    %dma_start3A_53 = tpu.memref_slice %arg3[%add3A, %dma_start3A_37, %dma_start3A_51, %dma_start3A_52] : memref<32x160x2x64xi32, #tpu.memory_space<hbm>> -> memref<1x1x2x64xi32, #tpu.memory_space<hbm>>
    %dma_start3A_54 = tpu.memref_squeeze %dma_start3A_53 : memref<1x1x2x64xi32, #tpu.memory_space<hbm>> -> memref<2x64xi32, #tpu.memory_space<hbm>>
    tpu.enqueue_dma source(%dma_start3A_54 : memref<2x64xi32, #tpu.memory_space<hbm>>) target(%dma_start3A_50 : memref<2x64xi32, #tpu.memory_space<vmem>>) target_semaphore(%arg18 : memref<!tpu.dma_semaphore, #tpu.memory_space<semaphore_mem>>)
    %dma_start3A_55 = arith.constant 3 : i32
    %dma_start3A_56 = arith.constant 3 : i32
    %dma_start3A_57 = arith.constant 0 : i32
    %dma_start3A_58 = arith.constant 0 : i32
    %dma_start3A_59 = tpu.memref_slice %arg9[%dma_start3A_56, %dma_start3A_57, %dma_start3A_58] : memref<8x2x64xi32, #tpu.memory_space<vmem>> -> memref<1x2x64xi32, #tpu.memory_space<vmem>>
    %dma_start3A_60 = tpu.memref_squeeze %dma_start3A_59 : memref<1x2x64xi32, #tpu.memory_space<vmem>> -> memref<2x64xi32, #tpu.memory_space<vmem>>
    %dma_start3A_61 = arith.constant 0 : i32
    %dma_start3A_62 = arith.constant 0 : i32
    %dma_start3A_63 = tpu.memref_slice %arg3[%add3A, %dma_start3A_55, %dma_start3A_61, %dma_start3A_62] : memref<32x160x2x64xi32, #tpu.memory_space<hbm>> -> memref<1x1x2x64xi32, #tpu.memory_space<hbm>>
    %dma_start3A_64 = tpu.memref_squeeze %dma_start3A_63 : memref<1x1x2x64xi32, #tpu.memory_space<hbm>> -> memref<2x64xi32, #tpu.memory_space<hbm>>
    %dma_start3A_65 = arith.constant 0 : i32
    %dma_start3A_66 = arith.constant 0 : i32
    %dma_start3A_67 = tpu.memref_slice %arg9[%dma_start3A_56, %dma_start3A_65, %dma_start3A_66] : memref<8x2x64xi32, #tpu.memory_space<vmem>> -> memref<1x2x64xi32, #tpu.memory_space<vmem>>
    %dma_start3A_68 = tpu.memref_squeeze %dma_start3A_67 : memref<1x2x64xi32, #tpu.memory_space<vmem>> -> memref<2x64xi32, #tpu.memory_space<vmem>>
    %dma_start3A_69 = arith.constant 0 : i32
    %dma_start3A_70 = arith.constant 0 : i32
    %dma_start3A_71 = tpu.memref_slice %arg3[%add3A, %dma_start3A_55, %dma_start3A_69, %dma_start3A_70] : memref<32x160x2x64xi32, #tpu.memory_space<hbm>> -> memref<1x1x2x64xi32, #tpu.memory_space<hbm>>
    %dma_start3A_72 = tpu.memref_squeeze %dma_start3A_71 : memref<1x1x2x64xi32, #tpu.memory_space<hbm>> -> memref<2x64xi32, #tpu.memory_space<hbm>>
    tpu.enqueue_dma source(%dma_start3A_72 : memref<2x64xi32, #tpu.memory_space<hbm>>) target(%dma_start3A_68 : memref<2x64xi32, #tpu.memory_space<vmem>>) target_semaphore(%arg19 : memref<!tpu.dma_semaphore, #tpu.memory_space<semaphore_mem>>)
    %dma_start3A_73 = arith.constant 4 : i32
    %dma_start3A_74 = arith.constant 4 : i32
    %dma_start3A_75 = arith.constant 0 : i32
    %dma_start3A_76 = arith.constant 0 : i32
    %dma_start3A_77 = tpu.memref_slice %arg9[%dma_start3A_74, %dma_start3A_75, %dma_start3A_76] : memref<8x2x64xi32, #tpu.memory_space<vmem>> -> memref<1x2x64xi32, #tpu.memory_space<vmem>>
    %dma_start3A_78 = tpu.memref_squeeze %dma_start3A_77 : memref<1x2x64xi32, #tpu.memory_space<vmem>> -> memref<2x64xi32, #tpu.memory_space<vmem>>
    %dma_start3A_79 = arith.constant 0 : i32
    %dma_start3A_80 = arith.constant 0 : i32
    %dma_start3A_81 = tpu.memref_slice %arg3[%add3A, %dma_start3A_73, %dma_start3A_79, %dma_start3A_80] : memref<32x160x2x64xi32, #tpu.memory_space<hbm>> -> memref<1x1x2x64xi32, #tpu.memory_space<hbm>>
    %dma_start3A_82 = tpu.memref_squeeze %dma_start3A_81 : memref<1x1x2x64xi32, #tpu.memory_space<hbm>> -> memref<2x64xi32, #tpu.memory_space<hbm>>
    %dma_start3A_83 = arith.constant 0 : i32
    %dma_start3A_84 = arith.constant 0 : i32
    %dma_start3A_85 = tpu.memref_slice %arg9[%dma_start3A_74, %dma_start3A_83, %dma_start3A_84] : memref<8x2x64xi32, #tpu.memory_space<vmem>> -> memref<1x2x64xi32, #tpu.memory_space<vmem>>
    %dma_start3A_86 = tpu.memref_squeeze %dma_start3A_85 : memref<1x2x64xi32, #tpu.memory_space<vmem>> -> memref<2x64xi32, #tpu.memory_space<vmem>>
    %dma_start3A_87 = arith.constant 0 : i32
    %dma_start3A_88 = arith.constant 0 : i32
    %dma_start3A_89 = tpu.memref_slice %arg3[%add3A, %dma_start3A_73, %dma_start3A_87, %dma_start3A_88] : memref<32x160x2x64xi32, #tpu.memory_space<hbm>> -> memref<1x1x2x64xi32, #tpu.memory_space<hbm>>
    %dma_start3A_90 = tpu.memref_squeeze %dma_start3A_89 : memref<1x1x2x64xi32, #tpu.memory_space<hbm>> -> memref<2x64xi32, #tpu.memory_space<hbm>>
    tpu.enqueue_dma source(%dma_start3A_90 : memref<2x64xi32, #tpu.memory_space<hbm>>) target(%dma_start3A_86 : memref<2x64xi32, #tpu.memory_space<vmem>>) target_semaphore(%arg20 : memref<!tpu.dma_semaphore, #tpu.memory_space<semaphore_mem>>)
    %mul3A_91 = arith.constant 640 : i32
    %mul3A_92 = arith.muli %arg1, %mul3A_91 : i32
    %mul3A_93 = arith.constant 640 : i32
    %mul3A_94 = arith.muli %arg1, %mul3A_93 : i32
    "tpu.region"() ({
      %run_scoped3A = tpu.sem_alloc : memref<!tpu.dma_semaphore, #tpu.memory_space<semaphore_mem>>
      %dma_start3A_200 = arith.constant 0 : i32
      %dma_start3A_201 = tpu.memref_slice %arg8[%mul3A_94, %dma_start3A_200] : memref<10240x128xf32, #tpu.memory_space<vmem_shared>> -> memref<640x128xf32, #tpu.memory_space<vmem_shared>>
      %dma_start3A_202 = arith.constant 0 : i32
      %dma_start3A_203 = tpu.memref_slice %arg4[%mul3A_92, %dma_start3A_202] : memref<10240x128xf32, #tpu.memory_space<hbm>> -> memref<640x128xf32, #tpu.memory_space<hbm>>
      tpu.enqueue_dma source(%dma_start3A_203 : memref<640x128xf32, #tpu.memory_space<hbm>>) target(%dma_start3A_201 : memref<640x128xf32, #tpu.memory_space<vmem_shared>>) target_semaphore(%run_scoped3A : memref<!tpu.dma_semaphore, #tpu.memory_space<semaphore_mem>>)
      %dma_wait3A_204 = arith.constant 0 : i32
      %dma_wait3A_205 = tpu.memref_slice %arg8[%mul3A_94, %dma_wait3A_204] : memref<10240x128xf32, #tpu.memory_space<vmem_shared>> -> memref<640x128xf32, #tpu.memory_space<vmem_shared>>
      %dma_wait3A_206 = arith.constant 0 : i32
      %dma_wait3A_207 = tpu.memref_slice %arg4[%mul3A_92, %dma_wait3A_206] : memref<10240x128xf32, #tpu.memory_space<hbm>> -> memref<640x128xf32, #tpu.memory_space<hbm>>
      tpu.wait_dma2 semaphore(%run_scoped3A : memref<!tpu.dma_semaphore, #tpu.memory_space<semaphore_mem>>) src(%dma_wait3A_207 : memref<640x128xf32, #tpu.memory_space<hbm>>) dst(%dma_wait3A_205 : memref<640x128xf32, #tpu.memory_space<vmem_shared>>)
      tpu.yield
    }) : () -> ()
    "tpu.region"() ({
      %run_scoped3A = tpu.sem_alloc : memref<!tpu.dma_semaphore, #tpu.memory_space<semaphore_mem>>
      %dma_start3A_200 = arith.constant 0 : i32
      %dma_start3A_201 = tpu.memref_slice %arg5[%dma_start3A_200] : memref<10240xf32, #tpu.memory_space<hbm>> -> memref<10240xf32, #tpu.memory_space<hbm>>
      %dma_start3A_202 = arith.constant 0 : i32
      %dma_start3A_203 = tpu.memref_slice %arg5[%dma_start3A_202] : memref<10240xf32, #tpu.memory_space<hbm>> -> memref<10240xf32, #tpu.memory_space<hbm>>
      tpu.enqueue_dma source(%dma_start3A_203 : memref<10240xf32, #tpu.memory_space<hbm>>) target(%arg11 : memref<10240xf32, #tpu.memory_space<vmem>>) target_semaphore(%run_scoped3A : memref<!tpu.dma_semaphore, #tpu.memory_space<semaphore_mem>>)
      %dma_wait3A_204 = arith.constant 0 : i32
      %dma_wait3A_205 = tpu.memref_slice %arg5[%dma_wait3A_204] : memref<10240xf32, #tpu.memory_space<hbm>> -> memref<10240xf32, #tpu.memory_space<hbm>>
      %dma_wait3A_206 = arith.constant 0 : i32
      %dma_wait3A_207 = tpu.memref_slice %arg5[%dma_wait3A_206] : memref<10240xf32, #tpu.memory_space<hbm>> -> memref<10240xf32, #tpu.memory_space<hbm>>
      tpu.wait_dma2 semaphore(%run_scoped3A : memref<!tpu.dma_semaphore, #tpu.memory_space<semaphore_mem>>) src(%dma_wait3A_207 : memref<10240xf32, #tpu.memory_space<hbm>>) dst(%arg11 : memref<10240xf32, #tpu.memory_space<vmem>>)
      tpu.yield
    }) : () -> ()
    %barrier3A = arith.constant 0 : index
    tpu.barrier barrier_id(%barrier3A)
    %dma_wait3A = arith.constant 0 : i32
    %dma_wait3A_95 = arith.constant 0 : i32
    %dma_wait3A_96 = arith.constant 0 : i32
    %dma_wait3A_97 = arith.constant 0 : i32
    %dma_wait3A_98 = arith.constant 0 : i32
    %dma_wait3A_99 = tpu.memref_slice %arg9[%dma_wait3A_96, %dma_wait3A_97, %dma_wait3A_98] : memref<8x2x64xi32, #tpu.memory_space<vmem>> -> memref<1x2x64xi32, #tpu.memory_space<vmem>>
    %dma_wait3A_100 = tpu.memref_squeeze %dma_wait3A_99 : memref<1x2x64xi32, #tpu.memory_space<vmem>> -> memref<2x64xi32, #tpu.memory_space<vmem>>
    %dma_wait3A_101 = arith.constant 0 : i32
    %dma_wait3A_102 = arith.constant 0 : i32
    %dma_wait3A_103 = tpu.memref_slice %arg3[%dma_wait3A, %dma_wait3A_95, %dma_wait3A_101, %dma_wait3A_102] : memref<32x160x2x64xi32, #tpu.memory_space<hbm>> -> memref<1x1x2x64xi32, #tpu.memory_space<hbm>>
    %dma_wait3A_104 = tpu.memref_squeeze %dma_wait3A_103 : memref<1x1x2x64xi32, #tpu.memory_space<hbm>> -> memref<2x64xi32, #tpu.memory_space<hbm>>
    %dma_wait3A_105 = arith.constant 0 : i32
    %dma_wait3A_106 = arith.constant 0 : i32
    %dma_wait3A_107 = tpu.memref_slice %arg9[%dma_wait3A_96, %dma_wait3A_105, %dma_wait3A_106] : memref<8x2x64xi32, #tpu.memory_space<vmem>> -> memref<1x2x64xi32, #tpu.memory_space<vmem>>
    %dma_wait3A_108 = tpu.memref_squeeze %dma_wait3A_107 : memref<1x2x64xi32, #tpu.memory_space<vmem>> -> memref<2x64xi32, #tpu.memory_space<vmem>>
    %dma_wait3A_109 = arith.constant 0 : i32
    %dma_wait3A_110 = arith.constant 0 : i32
    %dma_wait3A_111 = tpu.memref_slice %arg3[%dma_wait3A, %dma_wait3A_95, %dma_wait3A_109, %dma_wait3A_110] : memref<32x160x2x64xi32, #tpu.memory_space<hbm>> -> memref<1x1x2x64xi32, #tpu.memory_space<hbm>>
    %dma_wait3A_112 = tpu.memref_squeeze %dma_wait3A_111 : memref<1x1x2x64xi32, #tpu.memory_space<hbm>> -> memref<2x64xi32, #tpu.memory_space<hbm>>
    tpu.wait_dma2 semaphore(%arg16 : memref<!tpu.dma_semaphore, #tpu.memory_space<semaphore_mem>>) src(%dma_wait3A_112 : memref<2x64xi32, #tpu.memory_space<hbm>>) dst(%dma_wait3A_108 : memref<2x64xi32, #tpu.memory_space<vmem>>)
    %dma_start3A_113 = arith.constant 0 : i32
    %dma_start3A_114 = arith.constant 0 : i32
    %dma_start3A_115 = arith.constant 0 : i32
    %dma_start3A_116 = arith.constant 0 : i32
    %dma_start3A_117 = arith.constant 0 : i32
    %dma_start3A_118 = tpu.memref_slice %arg10[%dma_start3A_115, %dma_start3A_116, %dma_start3A_117] : memref<4x64x128xf32, #tpu.memory_space<vmem>> -> memref<1x64x128xf32, #tpu.memory_space<vmem>>
    %dma_start3A_119 = tpu.memref_squeeze %dma_start3A_118 : memref<1x64x128xf32, #tpu.memory_space<vmem>> -> memref<64x128xf32, #tpu.memory_space<vmem>>
    %dma_start3A_120 = arith.constant 0 : i32
    %dma_start3A_121 = tpu.memref_slice %arg9[%dma_start3A_113, %dma_start3A_114, %dma_start3A_120] : memref<8x2x64xi32, #tpu.memory_space<vmem>> -> memref<1x1x64xi32, #tpu.memory_space<vmem>>
    %dma_start3A_122 = tpu.memref_squeeze %dma_start3A_121 : memref<1x1x64xi32, #tpu.memory_space<vmem>> -> memref<64xi32, #tpu.memory_space<vmem>>
    %dma_start3A_123 = arith.constant 0 : i32
    %dma_start3A_124 = arith.constant 0 : i32
    %dma_start3A_125 = tpu.memref_slice %arg2[%dma_start3A_123, %dma_start3A_124] : memref<10240x128xf32, #tpu.memory_space<hbm>> -> memref<10240x128xf32, #tpu.memory_space<hbm>>
    tpu.enqueue_indirect_dma source(%dma_start3A_125 : memref<10240x128xf32, #tpu.memory_space<hbm>>) target(%dma_start3A_119 : memref<64x128xf32, #tpu.memory_space<vmem>>) offsets(%dma_start3A_122 : memref<64xi32, #tpu.memory_space<vmem>>) semaphore(%arg12 : memref<!tpu.dma_semaphore, #tpu.memory_space<semaphore_mem>>)
    %dma_wait3A_126 = arith.constant 0 : i32
    %dma_wait3A_127 = arith.constant 0 : i32
    %dma_wait3A_128 = arith.constant 1 : i32
    %dma_wait3A_129 = arith.constant 0 : i32
    %dma_wait3A_130 = arith.constant 0 : i32
    %dma_wait3A_131 = tpu.memref_slice %arg9[%dma_wait3A_128, %dma_wait3A_129, %dma_wait3A_130] : memref<8x2x64xi32, #tpu.memory_space<vmem>> -> memref<1x2x64xi32, #tpu.memory_space<vmem>>
    %dma_wait3A_132 = tpu.memref_squeeze %dma_wait3A_131 : memref<1x2x64xi32, #tpu.memory_space<vmem>> -> memref<2x64xi32, #tpu.memory_space<vmem>>
    %dma_wait3A_133 = arith.constant 0 : i32
    %dma_wait3A_134 = arith.constant 0 : i32
    %dma_wait3A_135 = tpu.memref_slice %arg3[%dma_wait3A_126, %dma_wait3A_127, %dma_wait3A_133, %dma_wait3A_134] : memref<32x160x2x64xi32, #tpu.memory_space<hbm>> -> memref<1x1x2x64xi32, #tpu.memory_space<hbm>>
    %dma_wait3A_136 = tpu.memref_squeeze %dma_wait3A_135 : memref<1x1x2x64xi32, #tpu.memory_space<hbm>> -> memref<2x64xi32, #tpu.memory_space<hbm>>
    %dma_wait3A_137 = arith.constant 0 : i32
    %dma_wait3A_138 = arith.constant 0 : i32
    %dma_wait3A_139 = tpu.memref_slice %arg9[%dma_wait3A_128, %dma_wait3A_137, %dma_wait3A_138] : memref<8x2x64xi32, #tpu.memory_space<vmem>> -> memref<1x2x64xi32, #tpu.memory_space<vmem>>
    %dma_wait3A_140 = tpu.memref_squeeze %dma_wait3A_139 : memref<1x2x64xi32, #tpu.memory_space<vmem>> -> memref<2x64xi32, #tpu.memory_space<vmem>>
    %dma_wait3A_141 = arith.constant 0 : i32
    %dma_wait3A_142 = arith.constant 0 : i32
    %dma_wait3A_143 = tpu.memref_slice %arg3[%dma_wait3A_126, %dma_wait3A_127, %dma_wait3A_141, %dma_wait3A_142] : memref<32x160x2x64xi32, #tpu.memory_space<hbm>> -> memref<1x1x2x64xi32, #tpu.memory_space<hbm>>
    %dma_wait3A_144 = tpu.memref_squeeze %dma_wait3A_143 : memref<1x1x2x64xi32, #tpu.memory_space<hbm>> -> memref<2x64xi32, #tpu.memory_space<hbm>>
    tpu.wait_dma2 semaphore(%arg17 : memref<!tpu.dma_semaphore, #tpu.memory_space<semaphore_mem>>) src(%dma_wait3A_144 : memref<2x64xi32, #tpu.memory_space<hbm>>) dst(%dma_wait3A_140 : memref<2x64xi32, #tpu.memory_space<vmem>>)
    %dma_start3A_145 = arith.constant 1 : i32
    %dma_start3A_146 = arith.constant 0 : i32
    %dma_start3A_147 = arith.constant 1 : i32
    %dma_start3A_148 = arith.constant 0 : i32
    %dma_start3A_149 = arith.constant 0 : i32
    %dma_start3A_150 = tpu.memref_slice %arg10[%dma_start3A_147, %dma_start3A_148, %dma_start3A_149] : memref<4x64x128xf32, #tpu.memory_space<vmem>> -> memref<1x64x128xf32, #tpu.memory_space<vmem>>
    %dma_start3A_151 = tpu.memref_squeeze %dma_start3A_150 : memref<1x64x128xf32, #tpu.memory_space<vmem>> -> memref<64x128xf32, #tpu.memory_space<vmem>>
    %dma_start3A_152 = arith.constant 0 : i32
    %dma_start3A_153 = tpu.memref_slice %arg9[%dma_start3A_145, %dma_start3A_146, %dma_start3A_152] : memref<8x2x64xi32, #tpu.memory_space<vmem>> -> memref<1x1x64xi32, #tpu.memory_space<vmem>>
    %dma_start3A_154 = tpu.memref_squeeze %dma_start3A_153 : memref<1x1x64xi32, #tpu.memory_space<vmem>> -> memref<64xi32, #tpu.memory_space<vmem>>
    %dma_start3A_155 = arith.constant 0 : i32
    %dma_start3A_156 = arith.constant 0 : i32
    %dma_start3A_157 = tpu.memref_slice %arg2[%dma_start3A_155, %dma_start3A_156] : memref<10240x128xf32, #tpu.memory_space<hbm>> -> memref<10240x128xf32, #tpu.memory_space<hbm>>
    tpu.enqueue_indirect_dma source(%dma_start3A_157 : memref<10240x128xf32, #tpu.memory_space<hbm>>) target(%dma_start3A_151 : memref<64x128xf32, #tpu.memory_space<vmem>>) offsets(%dma_start3A_154 : memref<64xi32, #tpu.memory_space<vmem>>) semaphore(%arg13 : memref<!tpu.dma_semaphore, #tpu.memory_space<semaphore_mem>>)
    %dma_wait3A_158 = arith.constant 0 : i32
    %dma_wait3A_159 = arith.constant 0 : i32
    %dma_wait3A_160 = arith.constant 2 : i32
    %dma_wait3A_161 = arith.constant 0 : i32
    %dma_wait3A_162 = arith.constant 0 : i32
    %dma_wait3A_163 = tpu.memref_slice %arg9[%dma_wait3A_160, %dma_wait3A_161, %dma_wait3A_162] : memref<8x2x64xi32, #tpu.memory_space<vmem>> -> memref<1x2x64xi32, #tpu.memory_space<vmem>>
    %dma_wait3A_164 = tpu.memref_squeeze %dma_wait3A_163 : memref<1x2x64xi32, #tpu.memory_space<vmem>> -> memref<2x64xi32, #tpu.memory_space<vmem>>
    %dma_wait3A_165 = arith.constant 0 : i32
    %dma_wait3A_166 = arith.constant 0 : i32
    %dma_wait3A_167 = tpu.memref_slice %arg3[%dma_wait3A_158, %dma_wait3A_159, %dma_wait3A_165, %dma_wait3A_166] : memref<32x160x2x64xi32, #tpu.memory_space<hbm>> -> memref<1x1x2x64xi32, #tpu.memory_space<hbm>>
    %dma_wait3A_168 = tpu.memref_squeeze %dma_wait3A_167 : memref<1x1x2x64xi32, #tpu.memory_space<hbm>> -> memref<2x64xi32, #tpu.memory_space<hbm>>
    %dma_wait3A_169 = arith.constant 0 : i32
    %dma_wait3A_170 = arith.constant 0 : i32
    %dma_wait3A_171 = tpu.memref_slice %arg9[%dma_wait3A_160, %dma_wait3A_169, %dma_wait3A_170] : memref<8x2x64xi32, #tpu.memory_space<vmem>> -> memref<1x2x64xi32, #tpu.memory_space<vmem>>
    %dma_wait3A_172 = tpu.memref_squeeze %dma_wait3A_171 : memref<1x2x64xi32, #tpu.memory_space<vmem>> -> memref<2x64xi32, #tpu.memory_space<vmem>>
    %dma_wait3A_173 = arith.constant 0 : i32
    %dma_wait3A_174 = arith.constant 0 : i32
    %dma_wait3A_175 = tpu.memref_slice %arg3[%dma_wait3A_158, %dma_wait3A_159, %dma_wait3A_173, %dma_wait3A_174] : memref<32x160x2x64xi32, #tpu.memory_space<hbm>> -> memref<1x1x2x64xi32, #tpu.memory_space<hbm>>
    %dma_wait3A_176 = tpu.memref_squeeze %dma_wait3A_175 : memref<1x1x2x64xi32, #tpu.memory_space<hbm>> -> memref<2x64xi32, #tpu.memory_space<hbm>>
    tpu.wait_dma2 semaphore(%arg18 : memref<!tpu.dma_semaphore, #tpu.memory_space<semaphore_mem>>) src(%dma_wait3A_176 : memref<2x64xi32, #tpu.memory_space<hbm>>) dst(%dma_wait3A_172 : memref<2x64xi32, #tpu.memory_space<vmem>>)
    %dma_start3A_177 = arith.constant 2 : i32
    %dma_start3A_178 = arith.constant 0 : i32
    %dma_start3A_179 = arith.constant 2 : i32
    %dma_start3A_180 = arith.constant 0 : i32
    %dma_start3A_181 = arith.constant 0 : i32
    %dma_start3A_182 = tpu.memref_slice %arg10[%dma_start3A_179, %dma_start3A_180, %dma_start3A_181] : memref<4x64x128xf32, #tpu.memory_space<vmem>> -> memref<1x64x128xf32, #tpu.memory_space<vmem>>
    %dma_start3A_183 = tpu.memref_squeeze %dma_start3A_182 : memref<1x64x128xf32, #tpu.memory_space<vmem>> -> memref<64x128xf32, #tpu.memory_space<vmem>>
    %dma_start3A_184 = arith.constant 0 : i32
    %dma_start3A_185 = tpu.memref_slice %arg9[%dma_start3A_177, %dma_start3A_178, %dma_start3A_184] : memref<8x2x64xi32, #tpu.memory_space<vmem>> -> memref<1x1x64xi32, #tpu.memory_space<vmem>>
    %dma_start3A_186 = tpu.memref_squeeze %dma_start3A_185 : memref<1x1x64xi32, #tpu.memory_space<vmem>> -> memref<64xi32, #tpu.memory_space<vmem>>
    %dma_start3A_187 = arith.constant 0 : i32
    %dma_start3A_188 = arith.constant 0 : i32
    %dma_start3A_189 = tpu.memref_slice %arg2[%dma_start3A_187, %dma_start3A_188] : memref<10240x128xf32, #tpu.memory_space<hbm>> -> memref<10240x128xf32, #tpu.memory_space<hbm>>
    tpu.enqueue_indirect_dma source(%dma_start3A_189 : memref<10240x128xf32, #tpu.memory_space<hbm>>) target(%dma_start3A_183 : memref<64x128xf32, #tpu.memory_space<vmem>>) offsets(%dma_start3A_186 : memref<64xi32, #tpu.memory_space<vmem>>) semaphore(%arg14 : memref<!tpu.dma_semaphore, #tpu.memory_space<semaphore_mem>>)
    %scan3A = arith.constant 0 : i32
    %scan3A_190 = arith.constant 0 : i32
    %scan3A_191 = arith.constant 20 : i32
    %scan3A_192 = arith.addi %scan3A_190, %scan3A_191 : i32
    %scan3A_193 = arith.constant 1 : i32
    scf.for %scan3A_200 = %scan3A_190 to %scan3A_192 step %scan3A_193  : i32 {
      %mul3A_201 = arith.constant 8 : i32
      %mul3A_202 = arith.muli %mul3A_201, %scan3A_200 : i32
      %add3A_203 = arith.constant 0 : i32
      %add3A_204 = arith.addi %mul3A_202, %add3A_203 : i32
      %dma_wait3A_205 = arith.constant 0 : i32
      %dma_wait3A_206 = arith.constant 0 : i32
      %dma_wait3A_207 = arith.constant 0 : i32
      %dma_wait3A_208 = tpu.memref_slice %arg10[%dma_wait3A_205, %dma_wait3A_206, %dma_wait3A_207] : memref<4x64x128xf32, #tpu.memory_space<vmem>> -> memref<1x64x128xf32, #tpu.memory_space<vmem>>
      %dma_wait3A_209 = tpu.memref_squeeze %dma_wait3A_208 : memref<1x64x128xf32, #tpu.memory_space<vmem>> -> memref<64x128xf32, #tpu.memory_space<vmem>>
      %dma_wait3A_210 = arith.constant 0 : i32
      %dma_wait3A_211 = arith.constant 0 : i32
      %dma_wait3A_212 = tpu.memref_slice %arg2[%dma_wait3A_210, %dma_wait3A_211] : memref<10240x128xf32, #tpu.memory_space<hbm>> -> memref<64x128xf32, #tpu.memory_space<hbm>>
      %dma_wait3A_213 = arith.constant 0 : i32
      %dma_wait3A_214 = arith.constant 0 : i32
      %dma_wait3A_215 = tpu.memref_slice %arg10[%dma_wait3A_205, %dma_wait3A_213, %dma_wait3A_214] : memref<4x64x128xf32, #tpu.memory_space<vmem>> -> memref<1x64x128xf32, #tpu.memory_space<vmem>>
      %dma_wait3A_216 = tpu.memref_squeeze %dma_wait3A_215 : memref<1x64x128xf32, #tpu.memory_space<vmem>> -> memref<64x128xf32, #tpu.memory_space<vmem>>
      %dma_wait3A_217 = arith.constant 0 : i32
      %dma_wait3A_218 = arith.constant 0 : i32
      %dma_wait3A_219 = tpu.memref_slice %arg2[%dma_wait3A_217, %dma_wait3A_218] : memref<10240x128xf32, #tpu.memory_space<hbm>> -> memref<64x128xf32, #tpu.memory_space<hbm>>
      tpu.wait_dma2 semaphore(%arg12 : memref<!tpu.dma_semaphore, #tpu.memory_space<semaphore_mem>>) src(%dma_wait3A_219 : memref<64x128xf32, #tpu.memory_space<hbm>>) dst(%dma_wait3A_216 : memref<64x128xf32, #tpu.memory_space<vmem>>)
      %add3A_220 = arith.constant 3 : i32
      %add3A_221 = arith.addi %add3A_204, %add3A_220 : i32
      %lt3A = arith.constant 160 : i32
      %lt3A_222 = arith.cmpi slt, %add3A_221, %lt3A : i32
      %convert_element_type3A = arith.extui %lt3A_222 : i1 to i32
      %cond3A = arith.constant 0 : i32
      %cond3A_223 = arith.cmpi ne, %convert_element_type3A, %cond3A : i32
      scf.if %cond3A_223 {
        %dma_wait3A_676 = arith.constant 0 : i32
        %dma_wait3A_677 = arith.constant 0 : i32
        %dma_wait3A_678 = arith.constant 3 : i32
        %dma_wait3A_679 = arith.constant 0 : i32
        %dma_wait3A_680 = arith.constant 0 : i32
        %dma_wait3A_681 = tpu.memref_slice %arg9[%dma_wait3A_678, %dma_wait3A_679, %dma_wait3A_680] : memref<8x2x64xi32, #tpu.memory_space<vmem>> -> memref<1x2x64xi32, #tpu.memory_space<vmem>>
        %dma_wait3A_682 = tpu.memref_squeeze %dma_wait3A_681 : memref<1x2x64xi32, #tpu.memory_space<vmem>> -> memref<2x64xi32, #tpu.memory_space<vmem>>
        %dma_wait3A_683 = arith.constant 0 : i32
        %dma_wait3A_684 = arith.constant 0 : i32
        %dma_wait3A_685 = tpu.memref_slice %arg3[%dma_wait3A_676, %dma_wait3A_677, %dma_wait3A_683, %dma_wait3A_684] : memref<32x160x2x64xi32, #tpu.memory_space<hbm>> -> memref<1x1x2x64xi32, #tpu.memory_space<hbm>>
        %dma_wait3A_686 = tpu.memref_squeeze %dma_wait3A_685 : memref<1x1x2x64xi32, #tpu.memory_space<hbm>> -> memref<2x64xi32, #tpu.memory_space<hbm>>
        %dma_wait3A_687 = arith.constant 0 : i32
        %dma_wait3A_688 = arith.constant 0 : i32
        %dma_wait3A_689 = tpu.memref_slice %arg9[%dma_wait3A_678, %dma_wait3A_687, %dma_wait3A_688] : memref<8x2x64xi32, #tpu.memory_space<vmem>> -> memref<1x2x64xi32, #tpu.memory_space<vmem>>
        %dma_wait3A_690 = tpu.memref_squeeze %dma_wait3A_689 : memref<1x2x64xi32, #tpu.memory_space<vmem>> -> memref<2x64xi32, #tpu.memory_space<vmem>>
        %dma_wait3A_691 = arith.constant 0 : i32
        %dma_wait3A_692 = arith.constant 0 : i32
        %dma_wait3A_693 = tpu.memref_slice %arg3[%dma_wait3A_676, %dma_wait3A_677, %dma_wait3A_691, %dma_wait3A_692] : memref<32x160x2x64xi32, #tpu.memory_space<hbm>> -> memref<1x1x2x64xi32, #tpu.memory_space<hbm>>
        %dma_wait3A_694 = tpu.memref_squeeze %dma_wait3A_693 : memref<1x1x2x64xi32, #tpu.memory_space<hbm>> -> memref<2x64xi32, #tpu.memory_space<hbm>>
        tpu.wait_dma2 semaphore(%arg19 : memref<!tpu.dma_semaphore, #tpu.memory_space<semaphore_mem>>) src(%dma_wait3A_694 : memref<2x64xi32, #tpu.memory_space<hbm>>) dst(%dma_wait3A_690 : memref<2x64xi32, #tpu.memory_space<vmem>>)
        %dma_start3A_695 = arith.constant 3 : i32
        %dma_start3A_696 = arith.constant 0 : i32
        %dma_start3A_697 = arith.constant 3 : i32
        %dma_start3A_698 = arith.constant 0 : i32
        %dma_start3A_699 = arith.constant 0 : i32
        %dma_start3A_700 = tpu.memref_slice %arg10[%dma_start3A_697, %dma_start3A_698, %dma_start3A_699] : memref<4x64x128xf32, #tpu.memory_space<vmem>> -> memref<1x64x128xf32, #tpu.memory_space<vmem>>
        %dma_start3A_701 = tpu.memref_squeeze %dma_start3A_700 : memref<1x64x128xf32, #tpu.memory_space<vmem>> -> memref<64x128xf32, #tpu.memory_space<vmem>>
        %dma_start3A_702 = arith.constant 0 : i32
        %dma_start3A_703 = tpu.memref_slice %arg9[%dma_start3A_695, %dma_start3A_696, %dma_start3A_702] : memref<8x2x64xi32, #tpu.memory_space<vmem>> -> memref<1x1x64xi32, #tpu.memory_space<vmem>>
        %dma_start3A_704 = tpu.memref_squeeze %dma_start3A_703 : memref<1x1x64xi32, #tpu.memory_space<vmem>> -> memref<64xi32, #tpu.memory_space<vmem>>
        %dma_start3A_705 = arith.constant 0 : i32
        %dma_start3A_706 = arith.constant 0 : i32
        %dma_start3A_707 = tpu.memref_slice %arg2[%dma_start3A_705, %dma_start3A_706] : memref<10240x128xf32, #tpu.memory_space<hbm>> -> memref<10240x128xf32, #tpu.memory_space<hbm>>
        tpu.enqueue_indirect_dma source(%dma_start3A_707 : memref<10240x128xf32, #tpu.memory_space<hbm>>) target(%dma_start3A_701 : memref<64x128xf32, #tpu.memory_space<vmem>>) offsets(%dma_start3A_704 : memref<64xi32, #tpu.memory_space<vmem>>) semaphore(%arg15 : memref<!tpu.dma_semaphore, #tpu.memory_space<semaphore_mem>>)
      } else {
      }
      %add3A_224 = arith.constant 5 : i32
      %add3A_225 = arith.addi %add3A_204, %add3A_224 : i32
      %lt3A_226 = arith.constant 160 : i32
      %lt3A_227 = arith.cmpi slt, %add3A_225, %lt3A_226 : i32
      %convert_element_type3A_228 = arith.extui %lt3A_227 : i1 to i32
      %cond3A_229 = arith.constant 0 : i32
      %cond3A_230 = arith.cmpi ne, %convert_element_type3A_228, %cond3A_229 : i32
      scf.if %cond3A_230 {
        %add3A_676 = arith.constant 5 : i32
        %add3A_677 = arith.addi %add3A_204, %add3A_676 : i32
        %dma_start3A_678 = arith.constant 5 : i32
        %dma_start3A_679 = arith.constant 0 : i32
        %dma_start3A_680 = arith.constant 0 : i32
        %dma_start3A_681 = tpu.memref_slice %arg9[%dma_start3A_678, %dma_start3A_679, %dma_start3A_680] : memref<8x2x64xi32, #tpu.memory_space<vmem>> -> memref<1x2x64xi32, #tpu.memory_space<vmem>>
        %dma_start3A_682 = tpu.memref_squeeze %dma_start3A_681 : memref<1x2x64xi32, #tpu.memory_space<vmem>> -> memref<2x64xi32, #tpu.memory_space<vmem>>
        %dma_start3A_683 = arith.constant 0 : i32
        %dma_start3A_684 = arith.constant 0 : i32
        %dma_start3A_685 = tpu.memref_slice %arg3[%add3A, %add3A_677, %dma_start3A_683, %dma_start3A_684] : memref<32x160x2x64xi32, #tpu.memory_space<hbm>> -> memref<1x1x2x64xi32, #tpu.memory_space<hbm>>
        %dma_start3A_686 = tpu.memref_squeeze %dma_start3A_685 : memref<1x1x2x64xi32, #tpu.memory_space<hbm>> -> memref<2x64xi32, #tpu.memory_space<hbm>>
        %dma_start3A_687 = arith.constant 0 : i32
        %dma_start3A_688 = arith.constant 0 : i32
        %dma_start3A_689 = tpu.memref_slice %arg9[%dma_start3A_678, %dma_start3A_687, %dma_start3A_688] : memref<8x2x64xi32, #tpu.memory_space<vmem>> -> memref<1x2x64xi32, #tpu.memory_space<vmem>>
        %dma_start3A_690 = tpu.memref_squeeze %dma_start3A_689 : memref<1x2x64xi32, #tpu.memory_space<vmem>> -> memref<2x64xi32, #tpu.memory_space<vmem>>
        %dma_start3A_691 = arith.constant 0 : i32
        %dma_start3A_692 = arith.constant 0 : i32
        %dma_start3A_693 = tpu.memref_slice %arg3[%add3A, %add3A_677, %dma_start3A_691, %dma_start3A_692] : memref<32x160x2x64xi32, #tpu.memory_space<hbm>> -> memref<1x1x2x64xi32, #tpu.memory_space<hbm>>
        %dma_start3A_694 = tpu.memref_squeeze %dma_start3A_693 : memref<1x1x2x64xi32, #tpu.memory_space<hbm>> -> memref<2x64xi32, #tpu.memory_space<hbm>>
        tpu.enqueue_dma source(%dma_start3A_694 : memref<2x64xi32, #tpu.memory_space<hbm>>) target(%dma_start3A_690 : memref<2x64xi32, #tpu.memory_space<vmem>>) target_semaphore(%arg21 : memref<!tpu.dma_semaphore, #tpu.memory_space<semaphore_mem>>)
      } else {
      }
      %run_scoped3A = arith.constant 0 : i32
      %run_scoped3A_231 = arith.constant 0 : i32
      %run_scoped3A_232 = arith.constant 1 : i32
      "tpu.region"() ({
        %run_scoped3A_676 = tpu.sem_alloc : memref<!tpu.dma_semaphore, #tpu.memory_space<semaphore_mem>>
        %dma_start3A_677 = arith.constant 0 : i32
        %dma_start3A_678 = arith.constant 0 : i32
        %dma_start3A_679 = tpu.memref_slice %arg10[%run_scoped3A, %dma_start3A_677, %dma_start3A_678] : memref<4x64x128xf32, #tpu.memory_space<vmem>> -> memref<1x64x128xf32, #tpu.memory_space<vmem>>
        %dma_start3A_680 = tpu.memref_squeeze %dma_start3A_679 : memref<1x64x128xf32, #tpu.memory_space<vmem>> -> memref<64x128xf32, #tpu.memory_space<vmem>>
        %dma_start3A_681 = arith.constant 0 : i32
        %dma_start3A_682 = tpu.memref_slice %arg9[%run_scoped3A_231, %run_scoped3A_232, %dma_start3A_681] : memref<8x2x64xi32, #tpu.memory_space<vmem>> -> memref<1x1x64xi32, #tpu.memory_space<vmem>>
        %dma_start3A_683 = tpu.memref_squeeze %dma_start3A_682 : memref<1x1x64xi32, #tpu.memory_space<vmem>> -> memref<64xi32, #tpu.memory_space<vmem>>
        %dma_start3A_684 = arith.constant 0 : i32
        %dma_start3A_685 = arith.constant 0 : i32
        %dma_start3A_686 = tpu.memref_slice %arg8[%dma_start3A_684, %dma_start3A_685] : memref<10240x128xf32, #tpu.memory_space<vmem_shared>> -> memref<10240x128xf32, #tpu.memory_space<vmem_shared>>
        tpu.enqueue_indirect_dma source(%dma_start3A_680 : memref<64x128xf32, #tpu.memory_space<vmem>>) target(%dma_start3A_686 : memref<10240x128xf32, #tpu.memory_space<vmem_shared>>) offsets(%dma_start3A_683 : memref<64xi32, #tpu.memory_space<vmem>>) semaphore(%run_scoped3A_676 : memref<!tpu.dma_semaphore, #tpu.memory_space<semaphore_mem>>) {add = true}
        %dma_wait3A_687 = arith.constant 0 : i32
        %dma_wait3A_688 = arith.constant 0 : i32
        %dma_wait3A_689 = tpu.memref_slice %arg10[%run_scoped3A, %dma_wait3A_687, %dma_wait3A_688] : memref<4x64x128xf32, #tpu.memory_space<vmem>> -> memref<1x64x128xf32, #tpu.memory_space<vmem>>
        %dma_wait3A_690 = tpu.memref_squeeze %dma_wait3A_689 : memref<1x64x128xf32, #tpu.memory_space<vmem>> -> memref<64x128xf32, #tpu.memory_space<vmem>>
        %dma_wait3A_691 = arith.constant 0 : i32
        %dma_wait3A_692 = tpu.memref_slice %arg9[%run_scoped3A_231, %run_scoped3A_232, %dma_wait3A_691] : memref<8x2x64xi32, #tpu.memory_space<vmem>> -> memref<1x1x64xi32, #tpu.memory_space<vmem>>
        %dma_wait3A_693 = tpu.memref_squeeze %dma_wait3A_692 : memref<1x1x64xi32, #tpu.memory_space<vmem>> -> memref<64xi32, #tpu.memory_space<vmem>>
        %dma_wait3A_694 = arith.constant 0 : i32
        %dma_wait3A_695 = arith.constant 0 : i32
        %dma_wait3A_696 = tpu.memref_slice %arg8[%dma_wait3A_694, %dma_wait3A_695] : memref<10240x128xf32, #tpu.memory_space<vmem_shared>> -> memref<10240x128xf32, #tpu.memory_space<vmem_shared>>
        tpu.wait_indirect_dma semaphore(%run_scoped3A_676 : memref<!tpu.dma_semaphore, #tpu.memory_space<semaphore_mem>>) src(%dma_wait3A_690 : memref<64x128xf32, #tpu.memory_space<vmem>>) dst(%dma_wait3A_696 : memref<10240x128xf32, #tpu.memory_space<vmem_shared>>)
        tpu.yield
      }) : () -> ()
      %get3A = arith.constant 0 : i32
      %get3A_233 = arith.constant 1 : i32
      %get3A_234 = arith.index_cast %get3A : i32 to index
      %get3A_235 = arith.index_cast %get3A_233 : i32 to index
      %get3A_236 = arith.constant 0 : index
      %get3A_237 = tpu.vector_load %arg9[%get3A_234, %get3A_235, %get3A_236] {strides = array<i32>} : memref<8x2x64xi32, #tpu.memory_space<vmem>>, vector<16xi32>,
      tpu.vector_store_idx %arg11[%get3A_237], %broadcast_in_dim3A_1 {add = true} : memref<10240xf32, #tpu.memory_space<vmem>>[vector<16xi32>], vector<16xf32>,
      %get3A_238 = arith.constant 0 : i32
      %get3A_239 = arith.constant 1 : i32
      %get3A_240 = arith.index_cast %get3A_238 : i32 to index
      %get3A_241 = arith.index_cast %get3A_239 : i32 to index
      %get3A_242 = arith.constant 16 : index
      %get3A_243 = tpu.vector_load %arg9[%get3A_240, %get3A_241, %get3A_242] {strides = array<i32>} : memref<8x2x64xi32, #tpu.memory_space<vmem>>, vector<16xi32>,
      tpu.vector_store_idx %arg11[%get3A_243], %broadcast_in_dim3A_1 {add = true} : memref<10240xf32, #tpu.memory_space<vmem>>[vector<16xi32>], vector<16xf32>,
      %get3A_244 = arith.constant 0 : i32
      %get3A_245 = arith.constant 1 : i32
      %get3A_246 = arith.index_cast %get3A_244 : i32 to index
      %get3A_247 = arith.index_cast %get3A_245 : i32 to index
      %get3A_248 = arith.constant 32 : index
      %get3A_249 = tpu.vector_load %arg9[%get3A_246, %get3A_247, %get3A_248] {strides = array<i32>} : memref<8x2x64xi32, #tpu.memory_space<vmem>>, vector<16xi32>,
      tpu.vector_store_idx %arg11[%get3A_249], %broadcast_in_dim3A_1 {add = true} : memref<10240xf32, #tpu.memory_space<vmem>>[vector<16xi32>], vector<16xf32>,
      %get3A_250 = arith.constant 0 : i32
      %get3A_251 = arith.constant 1 : i32
      %get3A_252 = arith.index_cast %get3A_250 : i32 to index
      %get3A_253 = arith.index_cast %get3A_251 : i32 to index
      %get3A_254 = arith.constant 48 : index
      %get3A_255 = tpu.vector_load %arg9[%get3A_252, %get3A_253, %get3A_254] {strides = array<i32>} : memref<8x2x64xi32, #tpu.memory_space<vmem>>, vector<16xi32>,
      tpu.vector_store_idx %arg11[%get3A_255], %broadcast_in_dim3A_1 {add = true} : memref<10240xf32, #tpu.memory_space<vmem>>[vector<16xi32>], vector<16xf32>,
      %mul3A_256 = arith.constant 8 : i32
      %mul3A_257 = arith.muli %mul3A_256, %scan3A_200 : i32
      %add3A_258 = arith.constant 1 : i32
      %add3A_259 = arith.addi %mul3A_257, %add3A_258 : i32
      %dma_wait3A_260 = arith.constant 1 : i32
      %dma_wait3A_261 = arith.constant 0 : i32
      %dma_wait3A_262 = arith.constant 0 : i32
      %dma_wait3A_263 = tpu.memref_slice %arg10[%dma_wait3A_260, %dma_wait3A_261, %dma_wait3A_262] : memref<4x64x128xf32, #tpu.memory_space<vmem>> -> memref<1x64x128xf32, #tpu.memory_space<vmem>>
      %dma_wait3A_264 = tpu.memref_squeeze %dma_wait3A_263 : memref<1x64x128xf32, #tpu.memory_space<vmem>> -> memref<64x128xf32, #tpu.memory_space<vmem>>
      %dma_wait3A_265 = arith.constant 0 : i32
      %dma_wait3A_266 = arith.constant 0 : i32
      %dma_wait3A_267 = tpu.memref_slice %arg2[%dma_wait3A_265, %dma_wait3A_266] : memref<10240x128xf32, #tpu.memory_space<hbm>> -> memref<64x128xf32, #tpu.memory_space<hbm>>
      %dma_wait3A_268 = arith.constant 0 : i32
      %dma_wait3A_269 = arith.constant 0 : i32
      %dma_wait3A_270 = tpu.memref_slice %arg10[%dma_wait3A_260, %dma_wait3A_268, %dma_wait3A_269] : memref<4x64x128xf32, #tpu.memory_space<vmem>> -> memref<1x64x128xf32, #tpu.memory_space<vmem>>
      %dma_wait3A_271 = tpu.memref_squeeze %dma_wait3A_270 : memref<1x64x128xf32, #tpu.memory_space<vmem>> -> memref<64x128xf32, #tpu.memory_space<vmem>>
      %dma_wait3A_272 = arith.constant 0 : i32
      %dma_wait3A_273 = arith.constant 0 : i32
      %dma_wait3A_274 = tpu.memref_slice %arg2[%dma_wait3A_272, %dma_wait3A_273] : memref<10240x128xf32, #tpu.memory_space<hbm>> -> memref<64x128xf32, #tpu.memory_space<hbm>>
      tpu.wait_dma2 semaphore(%arg13 : memref<!tpu.dma_semaphore, #tpu.memory_space<semaphore_mem>>) src(%dma_wait3A_274 : memref<64x128xf32, #tpu.memory_space<hbm>>) dst(%dma_wait3A_271 : memref<64x128xf32, #tpu.memory_space<vmem>>)
      %add3A_275 = arith.constant 3 : i32
      %add3A_276 = arith.addi %add3A_259, %add3A_275 : i32
      %lt3A_277 = arith.constant 160 : i32
      %lt3A_278 = arith.cmpi slt, %add3A_276, %lt3A_277 : i32
      %convert_element_type3A_279 = arith.extui %lt3A_278 : i1 to i32
      %cond3A_280 = arith.constant 0 : i32
      %cond3A_281 = arith.cmpi ne, %convert_element_type3A_279, %cond3A_280 : i32
      scf.if %cond3A_281 {
        %dma_wait3A_676 = arith.constant 0 : i32
        %dma_wait3A_677 = arith.constant 0 : i32
        %dma_wait3A_678 = arith.constant 4 : i32
        %dma_wait3A_679 = arith.constant 0 : i32
        %dma_wait3A_680 = arith.constant 0 : i32
        %dma_wait3A_681 = tpu.memref_slice %arg9[%dma_wait3A_678, %dma_wait3A_679, %dma_wait3A_680] : memref<8x2x64xi32, #tpu.memory_space<vmem>> -> memref<1x2x64xi32, #tpu.memory_space<vmem>>
        %dma_wait3A_682 = tpu.memref_squeeze %dma_wait3A_681 : memref<1x2x64xi32, #tpu.memory_space<vmem>> -> memref<2x64xi32, #tpu.memory_space<vmem>>
        %dma_wait3A_683 = arith.constant 0 : i32
        %dma_wait3A_684 = arith.constant 0 : i32
        %dma_wait3A_685 = tpu.memref_slice %arg3[%dma_wait3A_676, %dma_wait3A_677, %dma_wait3A_683, %dma_wait3A_684] : memref<32x160x2x64xi32, #tpu.memory_space<hbm>> -> memref<1x1x2x64xi32, #tpu.memory_space<hbm>>
        %dma_wait3A_686 = tpu.memref_squeeze %dma_wait3A_685 : memref<1x1x2x64xi32, #tpu.memory_space<hbm>> -> memref<2x64xi32, #tpu.memory_space<hbm>>
        %dma_wait3A_687 = arith.constant 0 : i32
        %dma_wait3A_688 = arith.constant 0 : i32
        %dma_wait3A_689 = tpu.memref_slice %arg9[%dma_wait3A_678, %dma_wait3A_687, %dma_wait3A_688] : memref<8x2x64xi32, #tpu.memory_space<vmem>> -> memref<1x2x64xi32, #tpu.memory_space<vmem>>
        %dma_wait3A_690 = tpu.memref_squeeze %dma_wait3A_689 : memref<1x2x64xi32, #tpu.memory_space<vmem>> -> memref<2x64xi32, #tpu.memory_space<vmem>>
        %dma_wait3A_691 = arith.constant 0 : i32
        %dma_wait3A_692 = arith.constant 0 : i32
        %dma_wait3A_693 = tpu.memref_slice %arg3[%dma_wait3A_676, %dma_wait3A_677, %dma_wait3A_691, %dma_wait3A_692] : memref<32x160x2x64xi32, #tpu.memory_space<hbm>> -> memref<1x1x2x64xi32, #tpu.memory_space<hbm>>
        %dma_wait3A_694 = tpu.memref_squeeze %dma_wait3A_693 : memref<1x1x2x64xi32, #tpu.memory_space<hbm>> -> memref<2x64xi32, #tpu.memory_space<hbm>>
        tpu.wait_dma2 semaphore(%arg20 : memref<!tpu.dma_semaphore, #tpu.memory_space<semaphore_mem>>) src(%dma_wait3A_694 : memref<2x64xi32, #tpu.memory_space<hbm>>) dst(%dma_wait3A_690 : memref<2x64xi32, #tpu.memory_space<vmem>>)
        %dma_start3A_695 = arith.constant 4 : i32
        %dma_start3A_696 = arith.constant 0 : i32
        %dma_start3A_697 = arith.constant 0 : i32
        %dma_start3A_698 = arith.constant 0 : i32
        %dma_start3A_699 = arith.constant 0 : i32
        %dma_start3A_700 = tpu.memref_slice %arg10[%dma_start3A_697, %dma_start3A_698, %dma_start3A_699] : memref<4x64x128xf32, #tpu.memory_space<vmem>> -> memref<1x64x128xf32, #tpu.memory_space<vmem>>
        %dma_start3A_701 = tpu.memref_squeeze %dma_start3A_700 : memref<1x64x128xf32, #tpu.memory_space<vmem>> -> memref<64x128xf32, #tpu.memory_space<vmem>>
        %dma_start3A_702 = arith.constant 0 : i32
        %dma_start3A_703 = tpu.memref_slice %arg9[%dma_start3A_695, %dma_start3A_696, %dma_start3A_702] : memref<8x2x64xi32, #tpu.memory_space<vmem>> -> memref<1x1x64xi32, #tpu.memory_space<vmem>>
        %dma_start3A_704 = tpu.memref_squeeze %dma_start3A_703 : memref<1x1x64xi32, #tpu.memory_space<vmem>> -> memref<64xi32, #tpu.memory_space<vmem>>
        %dma_start3A_705 = arith.constant 0 : i32
        %dma_start3A_706 = arith.constant 0 : i32
        %dma_start3A_707 = tpu.memref_slice %arg2[%dma_start3A_705, %dma_start3A_706] : memref<10240x128xf32, #tpu.memory_space<hbm>> -> memref<10240x128xf32, #tpu.memory_space<hbm>>
        tpu.enqueue_indirect_dma source(%dma_start3A_707 : memref<10240x128xf32, #tpu.memory_space<hbm>>) target(%dma_start3A_701 : memref<64x128xf32, #tpu.memory_space<vmem>>) offsets(%dma_start3A_704 : memref<64xi32, #tpu.memory_space<vmem>>) semaphore(%arg12 : memref<!tpu.dma_semaphore, #tpu.memory_space<semaphore_mem>>)
      } else {
      }
      %add3A_282 = arith.constant 5 : i32
      %add3A_283 = arith.addi %add3A_259, %add3A_282 : i32
      %lt3A_284 = arith.constant 160 : i32
      %lt3A_285 = arith.cmpi slt, %add3A_283, %lt3A_284 : i32
      %convert_element_type3A_286 = arith.extui %lt3A_285 : i1 to i32
      %cond3A_287 = arith.constant 0 : i32
      %cond3A_288 = arith.cmpi ne, %convert_element_type3A_286, %cond3A_287 : i32
      scf.if %cond3A_288 {
        %add3A_676 = arith.constant 5 : i32
        %add3A_677 = arith.addi %add3A_259, %add3A_676 : i32
        %dma_start3A_678 = arith.constant 6 : i32
        %dma_start3A_679 = arith.constant 0 : i32
        %dma_start3A_680 = arith.constant 0 : i32
        %dma_start3A_681 = tpu.memref_slice %arg9[%dma_start3A_678, %dma_start3A_679, %dma_start3A_680] : memref<8x2x64xi32, #tpu.memory_space<vmem>> -> memref<1x2x64xi32, #tpu.memory_space<vmem>>
        %dma_start3A_682 = tpu.memref_squeeze %dma_start3A_681 : memref<1x2x64xi32, #tpu.memory_space<vmem>> -> memref<2x64xi32, #tpu.memory_space<vmem>>
        %dma_start3A_683 = arith.constant 0 : i32
        %dma_start3A_684 = arith.constant 0 : i32
        %dma_start3A_685 = tpu.memref_slice %arg3[%add3A, %add3A_677, %dma_start3A_683, %dma_start3A_684] : memref<32x160x2x64xi32, #tpu.memory_space<hbm>> -> memref<1x1x2x64xi32, #tpu.memory_space<hbm>>
        %dma_start3A_686 = tpu.memref_squeeze %dma_start3A_685 : memref<1x1x2x64xi32, #tpu.memory_space<hbm>> -> memref<2x64xi32, #tpu.memory_space<hbm>>
        %dma_start3A_687 = arith.constant 0 : i32
        %dma_start3A_688 = arith.constant 0 : i32
        %dma_start3A_689 = tpu.memref_slice %arg9[%dma_start3A_678, %dma_start3A_687, %dma_start3A_688] : memref<8x2x64xi32, #tpu.memory_space<vmem>> -> memref<1x2x64xi32, #tpu.memory_space<vmem>>
        %dma_start3A_690 = tpu.memref_squeeze %dma_start3A_689 : memref<1x2x64xi32, #tpu.memory_space<vmem>> -> memref<2x64xi32, #tpu.memory_space<vmem>>
        %dma_start3A_691 = arith.constant 0 : i32
        %dma_start3A_692 = arith.constant 0 : i32
        %dma_start3A_693 = tpu.memref_slice %arg3[%add3A, %add3A_677, %dma_start3A_691, %dma_start3A_692] : memref<32x160x2x64xi32, #tpu.memory_space<hbm>> -> memref<1x1x2x64xi32, #tpu.memory_space<hbm>>
        %dma_start3A_694 = tpu.memref_squeeze %dma_start3A_693 : memref<1x1x2x64xi32, #tpu.memory_space<hbm>> -> memref<2x64xi32, #tpu.memory_space<hbm>>
        tpu.enqueue_dma source(%dma_start3A_694 : memref<2x64xi32, #tpu.memory_space<hbm>>) target(%dma_start3A_690 : memref<2x64xi32, #tpu.memory_space<vmem>>) target_semaphore(%arg22 : memref<!tpu.dma_semaphore, #tpu.memory_space<semaphore_mem>>)
      } else {
      }
      %run_scoped3A_289 = arith.constant 1 : i32
      %run_scoped3A_290 = arith.constant 1 : i32
      %run_scoped3A_291 = arith.constant 1 : i32
      "tpu.region"() ({
        %run_scoped3A_676 = tpu.sem_alloc : memref<!tpu.dma_semaphore, #tpu.memory_space<semaphore_mem>>
        %dma_start3A_677 = arith.constant 0 : i32
        %dma_start3A_678 = arith.constant 0 : i32
        %dma_start3A_679 = tpu.memref_slice %arg10[%run_scoped3A_289, %dma_start3A_677, %dma_start3A_678] : memref<4x64x128xf32, #tpu.memory_space<vmem>> -> memref<1x64x128xf32, #tpu.memory_space<vmem>>
        %dma_start3A_680 = tpu.memref_squeeze %dma_start3A_679 : memref<1x64x128xf32, #tpu.memory_space<vmem>> -> memref<64x128xf32, #tpu.memory_space<vmem>>
        %dma_start3A_681 = arith.constant 0 : i32
        %dma_start3A_682 = tpu.memref_slice %arg9[%run_scoped3A_290, %run_scoped3A_291, %dma_start3A_681] : memref<8x2x64xi32, #tpu.memory_space<vmem>> -> memref<1x1x64xi32, #tpu.memory_space<vmem>>
        %dma_start3A_683 = tpu.memref_squeeze %dma_start3A_682 : memref<1x1x64xi32, #tpu.memory_space<vmem>> -> memref<64xi32, #tpu.memory_space<vmem>>
        %dma_start3A_684 = arith.constant 0 : i32
        %dma_start3A_685 = arith.constant 0 : i32
        %dma_start3A_686 = tpu.memref_slice %arg8[%dma_start3A_684, %dma_start3A_685] : memref<10240x128xf32, #tpu.memory_space<vmem_shared>> -> memref<10240x128xf32, #tpu.memory_space<vmem_shared>>
        tpu.enqueue_indirect_dma source(%dma_start3A_680 : memref<64x128xf32, #tpu.memory_space<vmem>>) target(%dma_start3A_686 : memref<10240x128xf32, #tpu.memory_space<vmem_shared>>) offsets(%dma_start3A_683 : memref<64xi32, #tpu.memory_space<vmem>>) semaphore(%run_scoped3A_676 : memref<!tpu.dma_semaphore, #tpu.memory_space<semaphore_mem>>) {add = true}
        %dma_wait3A_687 = arith.constant 0 : i32
        %dma_wait3A_688 = arith.constant 0 : i32
        %dma_wait3A_689 = tpu.memref_slice %arg10[%run_scoped3A_289, %dma_wait3A_687, %dma_wait3A_688] : memref<4x64x128xf32, #tpu.memory_space<vmem>> -> memref<1x64x128xf32, #tpu.memory_space<vmem>>
        %dma_wait3A_690 = tpu.memref_squeeze %dma_wait3A_689 : memref<1x64x128xf32, #tpu.memory_space<vmem>> -> memref<64x128xf32, #tpu.memory_space<vmem>>
        %dma_wait3A_691 = arith.constant 0 : i32
        %dma_wait3A_692 = tpu.memref_slice %arg9[%run_scoped3A_290, %run_scoped3A_291, %dma_wait3A_691] : memref<8x2x64xi32, #tpu.memory_space<vmem>> -> memref<1x1x64xi32, #tpu.memory_space<vmem>>
        %dma_wait3A_693 = tpu.memref_squeeze %dma_wait3A_692 : memref<1x1x64xi32, #tpu.memory_space<vmem>> -> memref<64xi32, #tpu.memory_space<vmem>>
        %dma_wait3A_694 = arith.constant 0 : i32
        %dma_wait3A_695 = arith.constant 0 : i32
        %dma_wait3A_696 = tpu.memref_slice %arg8[%dma_wait3A_694, %dma_wait3A_695] : memref<10240x128xf32, #tpu.memory_space<vmem_shared>> -> memref<10240x128xf32, #tpu.memory_space<vmem_shared>>
        tpu.wait_indirect_dma semaphore(%run_scoped3A_676 : memref<!tpu.dma_semaphore, #tpu.memory_space<semaphore_mem>>) src(%dma_wait3A_690 : memref<64x128xf32, #tpu.memory_space<vmem>>) dst(%dma_wait3A_696 : memref<10240x128xf32, #tpu.memory_space<vmem_shared>>)
        tpu.yield
      }) : () -> ()
      %get3A_292 = arith.constant 1 : i32
      %get3A_293 = arith.constant 1 : i32
      %get3A_294 = arith.index_cast %get3A_292 : i32 to index
      %get3A_295 = arith.index_cast %get3A_293 : i32 to index
      %get3A_296 = arith.constant 0 : index
      %get3A_297 = tpu.vector_load %arg9[%get3A_294, %get3A_295, %get3A_296] {strides = array<i32>} : memref<8x2x64xi32, #tpu.memory_space<vmem>>, vector<16xi32>,
      tpu.vector_store_idx %arg11[%get3A_297], %broadcast_in_dim3A_1 {add = true} : memref<10240xf32, #tpu.memory_space<vmem>>[vector<16xi32>], vector<16xf32>,
      %get3A_298 = arith.constant 1 : i32
      %get3A_299 = arith.constant 1 : i32
      %get3A_300 = arith.index_cast %get3A_298 : i32 to index
      %get3A_301 = arith.index_cast %get3A_299 : i32 to index
      %get3A_302 = arith.constant 16 : index
      %get3A_303 = tpu.vector_load %arg9[%get3A_300, %get3A_301, %get3A_302] {strides = array<i32>} : memref<8x2x64xi32, #tpu.memory_space<vmem>>, vector<16xi32>,
      tpu.vector_store_idx %arg11[%get3A_303], %broadcast_in_dim3A_1 {add = true} : memref<10240xf32, #tpu.memory_space<vmem>>[vector<16xi32>], vector<16xf32>,
      %get3A_304 = arith.constant 1 : i32
      %get3A_305 = arith.constant 1 : i32
      %get3A_306 = arith.index_cast %get3A_304 : i32 to index
      %get3A_307 = arith.index_cast %get3A_305 : i32 to index
      %get3A_308 = arith.constant 32 : index
      %get3A_309 = tpu.vector_load %arg9[%get3A_306, %get3A_307, %get3A_308] {strides = array<i32>} : memref<8x2x64xi32, #tpu.memory_space<vmem>>, vector<16xi32>,
      tpu.vector_store_idx %arg11[%get3A_309], %broadcast_in_dim3A_1 {add = true} : memref<10240xf32, #tpu.memory_space<vmem>>[vector<16xi32>], vector<16xf32>,
      %get3A_310 = arith.constant 1 : i32
      %get3A_311 = arith.constant 1 : i32
      %get3A_312 = arith.index_cast %get3A_310 : i32 to index
      %get3A_313 = arith.index_cast %get3A_311 : i32 to index
      %get3A_314 = arith.constant 48 : index
      %get3A_315 = tpu.vector_load %arg9[%get3A_312, %get3A_313, %get3A_314] {strides = array<i32>} : memref<8x2x64xi32, #tpu.memory_space<vmem>>, vector<16xi32>,
      tpu.vector_store_idx %arg11[%get3A_315], %broadcast_in_dim3A_1 {add = true} : memref<10240xf32, #tpu.memory_space<vmem>>[vector<16xi32>], vector<16xf32>,
      %mul3A_316 = arith.constant 8 : i32
      %mul3A_317 = arith.muli %mul3A_316, %scan3A_200 : i32
      %add3A_318 = arith.constant 2 : i32
      %add3A_319 = arith.addi %mul3A_317, %add3A_318 : i32
      %dma_wait3A_320 = arith.constant 2 : i32
      %dma_wait3A_321 = arith.constant 0 : i32
      %dma_wait3A_322 = arith.constant 0 : i32
      %dma_wait3A_323 = tpu.memref_slice %arg10[%dma_wait3A_320, %dma_wait3A_321, %dma_wait3A_322] : memref<4x64x128xf32, #tpu.memory_space<vmem>> -> memref<1x64x128xf32, #tpu.memory_space<vmem>>
      %dma_wait3A_324 = tpu.memref_squeeze %dma_wait3A_323 : memref<1x64x128xf32, #tpu.memory_space<vmem>> -> memref<64x128xf32, #tpu.memory_space<vmem>>
      %dma_wait3A_325 = arith.constant 0 : i32
      %dma_wait3A_326 = arith.constant 0 : i32
      %dma_wait3A_327 = tpu.memref_slice %arg2[%dma_wait3A_325, %dma_wait3A_326] : memref<10240x128xf32, #tpu.memory_space<hbm>> -> memref<64x128xf32, #tpu.memory_space<hbm>>
      %dma_wait3A_328 = arith.constant 0 : i32
      %dma_wait3A_329 = arith.constant 0 : i32
      %dma_wait3A_330 = tpu.memref_slice %arg10[%dma_wait3A_320, %dma_wait3A_328, %dma_wait3A_329] : memref<4x64x128xf32, #tpu.memory_space<vmem>> -> memref<1x64x128xf32, #tpu.memory_space<vmem>>
      %dma_wait3A_331 = tpu.memref_squeeze %dma_wait3A_330 : memref<1x64x128xf32, #tpu.memory_space<vmem>> -> memref<64x128xf32, #tpu.memory_space<vmem>>
      %dma_wait3A_332 = arith.constant 0 : i32
      %dma_wait3A_333 = arith.constant 0 : i32
      %dma_wait3A_334 = tpu.memref_slice %arg2[%dma_wait3A_332, %dma_wait3A_333] : memref<10240x128xf32, #tpu.memory_space<hbm>> -> memref<64x128xf32, #tpu.memory_space<hbm>>
      tpu.wait_dma2 semaphore(%arg14 : memref<!tpu.dma_semaphore, #tpu.memory_space<semaphore_mem>>) src(%dma_wait3A_334 : memref<64x128xf32, #tpu.memory_space<hbm>>) dst(%dma_wait3A_331 : memref<64x128xf32, #tpu.memory_space<vmem>>)
      %add3A_335 = arith.constant 3 : i32
      %add3A_336 = arith.addi %add3A_319, %add3A_335 : i32
      %lt3A_337 = arith.constant 160 : i32
      %lt3A_338 = arith.cmpi slt, %add3A_336, %lt3A_337 : i32
      %convert_element_type3A_339 = arith.extui %lt3A_338 : i1 to i32
      %cond3A_340 = arith.constant 0 : i32
      %cond3A_341 = arith.cmpi ne, %convert_element_type3A_339, %cond3A_340 : i32
      scf.if %cond3A_341 {
        %dma_wait3A_676 = arith.constant 0 : i32
        %dma_wait3A_677 = arith.constant 0 : i32
        %dma_wait3A_678 = arith.constant 5 : i32
        %dma_wait3A_679 = arith.constant 0 : i32
        %dma_wait3A_680 = arith.constant 0 : i32
        %dma_wait3A_681 = tpu.memref_slice %arg9[%dma_wait3A_678, %dma_wait3A_679, %dma_wait3A_680] : memref<8x2x64xi32, #tpu.memory_space<vmem>> -> memref<1x2x64xi32, #tpu.memory_space<vmem>>
        %dma_wait3A_682 = tpu.memref_squeeze %dma_wait3A_681 : memref<1x2x64xi32, #tpu.memory_space<vmem>> -> memref<2x64xi32, #tpu.memory_space<vmem>>
        %dma_wait3A_683 = arith.constant 0 : i32
        %dma_wait3A_684 = arith.constant 0 : i32
        %dma_wait3A_685 = tpu.memref_slice %arg3[%dma_wait3A_676, %dma_wait3A_677, %dma_wait3A_683, %dma_wait3A_684] : memref<32x160x2x64xi32, #tpu.memory_space<hbm>> -> memref<1x1x2x64xi32, #tpu.memory_space<hbm>>
        %dma_wait3A_686 = tpu.memref_squeeze %dma_wait3A_685 : memref<1x1x2x64xi32, #tpu.memory_space<hbm>> -> memref<2x64xi32, #tpu.memory_space<hbm>>
        %dma_wait3A_687 = arith.constant 0 : i32
        %dma_wait3A_688 = arith.constant 0 : i32
        %dma_wait3A_689 = tpu.memref_slice %arg9[%dma_wait3A_678, %dma_wait3A_687, %dma_wait3A_688] : memref<8x2x64xi32, #tpu.memory_space<vmem>> -> memref<1x2x64xi32, #tpu.memory_space<vmem>>
        %dma_wait3A_690 = tpu.memref_squeeze %dma_wait3A_689 : memref<1x2x64xi32, #tpu.memory_space<vmem>> -> memref<2x64xi32, #tpu.memory_space<vmem>>
        %dma_wait3A_691 = arith.constant 0 : i32
        %dma_wait3A_692 = arith.constant 0 : i32
        %dma_wait3A_693 = tpu.memref_slice %arg3[%dma_wait3A_676, %dma_wait3A_677, %dma_wait3A_691, %dma_wait3A_692] : memref<32x160x2x64xi32, #tpu.memory_space<hbm>> -> memref<1x1x2x64xi32, #tpu.memory_space<hbm>>
        %dma_wait3A_694 = tpu.memref_squeeze %dma_wait3A_693 : memref<1x1x2x64xi32, #tpu.memory_space<hbm>> -> memref<2x64xi32, #tpu.memory_space<hbm>>
        tpu.wait_dma2 semaphore(%arg21 : memref<!tpu.dma_semaphore, #tpu.memory_space<semaphore_mem>>) src(%dma_wait3A_694 : memref<2x64xi32, #tpu.memory_space<hbm>>) dst(%dma_wait3A_690 : memref<2x64xi32, #tpu.memory_space<vmem>>)
        %dma_start3A_695 = arith.constant 5 : i32
        %dma_start3A_696 = arith.constant 0 : i32
        %dma_start3A_697 = arith.constant 1 : i32
        %dma_start3A_698 = arith.constant 0 : i32
        %dma_start3A_699 = arith.constant 0 : i32
        %dma_start3A_700 = tpu.memref_slice %arg10[%dma_start3A_697, %dma_start3A_698, %dma_start3A_699] : memref<4x64x128xf32, #tpu.memory_space<vmem>> -> memref<1x64x128xf32, #tpu.memory_space<vmem>>
        %dma_start3A_701 = tpu.memref_squeeze %dma_start3A_700 : memref<1x64x128xf32, #tpu.memory_space<vmem>> -> memref<64x128xf32, #tpu.memory_space<vmem>>
        %dma_start3A_702 = arith.constant 0 : i32
        %dma_start3A_703 = tpu.memref_slice %arg9[%dma_start3A_695, %dma_start3A_696, %dma_start3A_702] : memref<8x2x64xi32, #tpu.memory_space<vmem>> -> memref<1x1x64xi32, #tpu.memory_space<vmem>>
        %dma_start3A_704 = tpu.memref_squeeze %dma_start3A_703 : memref<1x1x64xi32, #tpu.memory_space<vmem>> -> memref<64xi32, #tpu.memory_space<vmem>>
        %dma_start3A_705 = arith.constant 0 : i32
        %dma_start3A_706 = arith.constant 0 : i32
        %dma_start3A_707 = tpu.memref_slice %arg2[%dma_start3A_705, %dma_start3A_706] : memref<10240x128xf32, #tpu.memory_space<hbm>> -> memref<10240x128xf32, #tpu.memory_space<hbm>>
        tpu.enqueue_indirect_dma source(%dma_start3A_707 : memref<10240x128xf32, #tpu.memory_space<hbm>>) target(%dma_start3A_701 : memref<64x128xf32, #tpu.memory_space<vmem>>) offsets(%dma_start3A_704 : memref<64xi32, #tpu.memory_space<vmem>>) semaphore(%arg13 : memref<!tpu.dma_semaphore, #tpu.memory_space<semaphore_mem>>)
      } else {
      }
      %add3A_342 = arith.constant 5 : i32
      %add3A_343 = arith.addi %add3A_319, %add3A_342 : i32
      %lt3A_344 = arith.constant 160 : i32
      %lt3A_345 = arith.cmpi slt, %add3A_343, %lt3A_344 : i32
      %convert_element_type3A_346 = arith.extui %lt3A_345 : i1 to i32
      %cond3A_347 = arith.constant 0 : i32
      %cond3A_348 = arith.cmpi ne, %convert_element_type3A_346, %cond3A_347 : i32
      scf.if %cond3A_348 {
        %add3A_676 = arith.constant 5 : i32
        %add3A_677 = arith.addi %add3A_319, %add3A_676 : i32
        %dma_start3A_678 = arith.constant 7 : i32
        %dma_start3A_679 = arith.constant 0 : i32
        %dma_start3A_680 = arith.constant 0 : i32
        %dma_start3A_681 = tpu.memref_slice %arg9[%dma_start3A_678, %dma_start3A_679, %dma_start3A_680] : memref<8x2x64xi32, #tpu.memory_space<vmem>> -> memref<1x2x64xi32, #tpu.memory_space<vmem>>
        %dma_start3A_682 = tpu.memref_squeeze %dma_start3A_681 : memref<1x2x64xi32, #tpu.memory_space<vmem>> -> memref<2x64xi32, #tpu.memory_space<vmem>>
        %dma_start3A_683 = arith.constant 0 : i32
        %dma_start3A_684 = arith.constant 0 : i32
        %dma_start3A_685 = tpu.memref_slice %arg3[%add3A, %add3A_677, %dma_start3A_683, %dma_start3A_684] : memref<32x160x2x64xi32, #tpu.memory_space<hbm>> -> memref<1x1x2x64xi32, #tpu.memory_space<hbm>>
        %dma_start3A_686 = tpu.memref_squeeze %dma_start3A_685 : memref<1x1x2x64xi32, #tpu.memory_space<hbm>> -> memref<2x64xi32, #tpu.memory_space<hbm>>
        %dma_start3A_687 = arith.constant 0 : i32
        %dma_start3A_688 = arith.constant 0 : i32
        %dma_start3A_689 = tpu.memref_slice %arg9[%dma_start3A_678, %dma_start3A_687, %dma_start3A_688] : memref<8x2x64xi32, #tpu.memory_space<vmem>> -> memref<1x2x64xi32, #tpu.memory_space<vmem>>
        %dma_start3A_690 = tpu.memref_squeeze %dma_start3A_689 : memref<1x2x64xi32, #tpu.memory_space<vmem>> -> memref<2x64xi32, #tpu.memory_space<vmem>>
        %dma_start3A_691 = arith.constant 0 : i32
        %dma_start3A_692 = arith.constant 0 : i32
        %dma_start3A_693 = tpu.memref_slice %arg3[%add3A, %add3A_677, %dma_start3A_691, %dma_start3A_692] : memref<32x160x2x64xi32, #tpu.memory_space<hbm>> -> memref<1x1x2x64xi32, #tpu.memory_space<hbm>>
        %dma_start3A_694 = tpu.memref_squeeze %dma_start3A_693 : memref<1x1x2x64xi32, #tpu.memory_space<hbm>> -> memref<2x64xi32, #tpu.memory_space<hbm>>
        tpu.enqueue_dma source(%dma_start3A_694 : memref<2x64xi32, #tpu.memory_space<hbm>>) target(%dma_start3A_690 : memref<2x64xi32, #tpu.memory_space<vmem>>) target_semaphore(%arg23 : memref<!tpu.dma_semaphore, #tpu.memory_space<semaphore_mem>>)
      } else {
      }
      %run_scoped3A_349 = arith.constant 2 : i32
      %run_scoped3A_350 = arith.constant 2 : i32
      %run_scoped3A_351 = arith.constant 1 : i32
      "tpu.region"() ({
        %run_scoped3A_676 = tpu.sem_alloc : memref<!tpu.dma_semaphore, #tpu.memory_space<semaphore_mem>>
        %dma_start3A_677 = arith.constant 0 : i32
        %dma_start3A_678 = arith.constant 0 : i32
        %dma_start3A_679 = tpu.memref_slice %arg10[%run_scoped3A_349, %dma_start3A_677, %dma_start3A_678] : memref<4x64x128xf32, #tpu.memory_space<vmem>> -> memref<1x64x128xf32, #tpu.memory_space<vmem>>
        %dma_start3A_680 = tpu.memref_squeeze %dma_start3A_679 : memref<1x64x128xf32, #tpu.memory_space<vmem>> -> memref<64x128xf32, #tpu.memory_space<vmem>>
        %dma_start3A_681 = arith.constant 0 : i32
        %dma_start3A_682 = tpu.memref_slice %arg9[%run_scoped3A_350, %run_scoped3A_351, %dma_start3A_681] : memref<8x2x64xi32, #tpu.memory_space<vmem>> -> memref<1x1x64xi32, #tpu.memory_space<vmem>>
        %dma_start3A_683 = tpu.memref_squeeze %dma_start3A_682 : memref<1x1x64xi32, #tpu.memory_space<vmem>> -> memref<64xi32, #tpu.memory_space<vmem>>
        %dma_start3A_684 = arith.constant 0 : i32
        %dma_start3A_685 = arith.constant 0 : i32
        %dma_start3A_686 = tpu.memref_slice %arg8[%dma_start3A_684, %dma_start3A_685] : memref<10240x128xf32, #tpu.memory_space<vmem_shared>> -> memref<10240x128xf32, #tpu.memory_space<vmem_shared>>
        tpu.enqueue_indirect_dma source(%dma_start3A_680 : memref<64x128xf32, #tpu.memory_space<vmem>>) target(%dma_start3A_686 : memref<10240x128xf32, #tpu.memory_space<vmem_shared>>) offsets(%dma_start3A_683 : memref<64xi32, #tpu.memory_space<vmem>>) semaphore(%run_scoped3A_676 : memref<!tpu.dma_semaphore, #tpu.memory_space<semaphore_mem>>) {add = true}
        %dma_wait3A_687 = arith.constant 0 : i32
        %dma_wait3A_688 = arith.constant 0 : i32
        %dma_wait3A_689 = tpu.memref_slice %arg10[%run_scoped3A_349, %dma_wait3A_687, %dma_wait3A_688] : memref<4x64x128xf32, #tpu.memory_space<vmem>> -> memref<1x64x128xf32, #tpu.memory_space<vmem>>
        %dma_wait3A_690 = tpu.memref_squeeze %dma_wait3A_689 : memref<1x64x128xf32, #tpu.memory_space<vmem>> -> memref<64x128xf32, #tpu.memory_space<vmem>>
        %dma_wait3A_691 = arith.constant 0 : i32
        %dma_wait3A_692 = tpu.memref_slice %arg9[%run_scoped3A_350, %run_scoped3A_351, %dma_wait3A_691] : memref<8x2x64xi32, #tpu.memory_space<vmem>> -> memref<1x1x64xi32, #tpu.memory_space<vmem>>
        %dma_wait3A_693 = tpu.memref_squeeze %dma_wait3A_692 : memref<1x1x64xi32, #tpu.memory_space<vmem>> -> memref<64xi32, #tpu.memory_space<vmem>>
        %dma_wait3A_694 = arith.constant 0 : i32
        %dma_wait3A_695 = arith.constant 0 : i32
        %dma_wait3A_696 = tpu.memref_slice %arg8[%dma_wait3A_694, %dma_wait3A_695] : memref<10240x128xf32, #tpu.memory_space<vmem_shared>> -> memref<10240x128xf32, #tpu.memory_space<vmem_shared>>
        tpu.wait_indirect_dma semaphore(%run_scoped3A_676 : memref<!tpu.dma_semaphore, #tpu.memory_space<semaphore_mem>>) src(%dma_wait3A_690 : memref<64x128xf32, #tpu.memory_space<vmem>>) dst(%dma_wait3A_696 : memref<10240x128xf32, #tpu.memory_space<vmem_shared>>)
        tpu.yield
      }) : () -> ()
      %get3A_352 = arith.constant 2 : i32
      %get3A_353 = arith.constant 1 : i32
      %get3A_354 = arith.index_cast %get3A_352 : i32 to index
      %get3A_355 = arith.index_cast %get3A_353 : i32 to index
      %get3A_356 = arith.constant 0 : index
      %get3A_357 = tpu.vector_load %arg9[%get3A_354, %get3A_355, %get3A_356] {strides = array<i32>} : memref<8x2x64xi32, #tpu.memory_space<vmem>>, vector<16xi32>,
      tpu.vector_store_idx %arg11[%get3A_357], %broadcast_in_dim3A_1 {add = true} : memref<10240xf32, #tpu.memory_space<vmem>>[vector<16xi32>], vector<16xf32>,
      %get3A_358 = arith.constant 2 : i32
      %get3A_359 = arith.constant 1 : i32
      %get3A_360 = arith.index_cast %get3A_358 : i32 to index
      %get3A_361 = arith.index_cast %get3A_359 : i32 to index
      %get3A_362 = arith.constant 16 : index
      %get3A_363 = tpu.vector_load %arg9[%get3A_360, %get3A_361, %get3A_362] {strides = array<i32>} : memref<8x2x64xi32, #tpu.memory_space<vmem>>, vector<16xi32>,
      tpu.vector_store_idx %arg11[%get3A_363], %broadcast_in_dim3A_1 {add = true} : memref<10240xf32, #tpu.memory_space<vmem>>[vector<16xi32>], vector<16xf32>,
      %get3A_364 = arith.constant 2 : i32
      %get3A_365 = arith.constant 1 : i32
      %get3A_366 = arith.index_cast %get3A_364 : i32 to index
      %get3A_367 = arith.index_cast %get3A_365 : i32 to index
      %get3A_368 = arith.constant 32 : index
      %get3A_369 = tpu.vector_load %arg9[%get3A_366, %get3A_367, %get3A_368] {strides = array<i32>} : memref<8x2x64xi32, #tpu.memory_space<vmem>>, vector<16xi32>,
      tpu.vector_store_idx %arg11[%get3A_369], %broadcast_in_dim3A_1 {add = true} : memref<10240xf32, #tpu.memory_space<vmem>>[vector<16xi32>], vector<16xf32>,
      %get3A_370 = arith.constant 2 : i32
      %get3A_371 = arith.constant 1 : i32
      %get3A_372 = arith.index_cast %get3A_370 : i32 to index
      %get3A_373 = arith.index_cast %get3A_371 : i32 to index
      %get3A_374 = arith.constant 48 : index
      %get3A_375 = tpu.vector_load %arg9[%get3A_372, %get3A_373, %get3A_374] {strides = array<i32>} : memref<8x2x64xi32, #tpu.memory_space<vmem>>, vector<16xi32>,
      tpu.vector_store_idx %arg11[%get3A_375], %broadcast_in_dim3A_1 {add = true} : memref<10240xf32, #tpu.memory_space<vmem>>[vector<16xi32>], vector<16xf32>,
      %mul3A_376 = arith.constant 8 : i32
      %mul3A_377 = arith.muli %mul3A_376, %scan3A_200 : i32
      %add3A_378 = arith.constant 3 : i32
      %add3A_379 = arith.addi %mul3A_377, %add3A_378 : i32
      %dma_wait3A_380 = arith.constant 3 : i32
      %dma_wait3A_381 = arith.constant 0 : i32
      %dma_wait3A_382 = arith.constant 0 : i32
      %dma_wait3A_383 = tpu.memref_slice %arg10[%dma_wait3A_380, %dma_wait3A_381, %dma_wait3A_382] : memref<4x64x128xf32, #tpu.memory_space<vmem>> -> memref<1x64x128xf32, #tpu.memory_space<vmem>>
      %dma_wait3A_384 = tpu.memref_squeeze %dma_wait3A_383 : memref<1x64x128xf32, #tpu.memory_space<vmem>> -> memref<64x128xf32, #tpu.memory_space<vmem>>
      %dma_wait3A_385 = arith.constant 0 : i32
      %dma_wait3A_386 = arith.constant 0 : i32
      %dma_wait3A_387 = tpu.memref_slice %arg2[%dma_wait3A_385, %dma_wait3A_386] : memref<10240x128xf32, #tpu.memory_space<hbm>> -> memref<64x128xf32, #tpu.memory_space<hbm>>
      %dma_wait3A_388 = arith.constant 0 : i32
      %dma_wait3A_389 = arith.constant 0 : i32
      %dma_wait3A_390 = tpu.memref_slice %arg10[%dma_wait3A_380, %dma_wait3A_388, %dma_wait3A_389] : memref<4x64x128xf32, #tpu.memory_space<vmem>> -> memref<1x64x128xf32, #tpu.memory_space<vmem>>
      %dma_wait3A_391 = tpu.memref_squeeze %dma_wait3A_390 : memref<1x64x128xf32, #tpu.memory_space<vmem>> -> memref<64x128xf32, #tpu.memory_space<vmem>>
      %dma_wait3A_392 = arith.constant 0 : i32
      %dma_wait3A_393 = arith.constant 0 : i32
      %dma_wait3A_394 = tpu.memref_slice %arg2[%dma_wait3A_392, %dma_wait3A_393] : memref<10240x128xf32, #tpu.memory_space<hbm>> -> memref<64x128xf32, #tpu.memory_space<hbm>>
      tpu.wait_dma2 semaphore(%arg15 : memref<!tpu.dma_semaphore, #tpu.memory_space<semaphore_mem>>) src(%dma_wait3A_394 : memref<64x128xf32, #tpu.memory_space<hbm>>) dst(%dma_wait3A_391 : memref<64x128xf32, #tpu.memory_space<vmem>>)
      %add3A_395 = arith.constant 3 : i32
      %add3A_396 = arith.addi %add3A_379, %add3A_395 : i32
      %lt3A_397 = arith.constant 160 : i32
      %lt3A_398 = arith.cmpi slt, %add3A_396, %lt3A_397 : i32
      %convert_element_type3A_399 = arith.extui %lt3A_398 : i1 to i32
      %cond3A_400 = arith.constant 0 : i32
      %cond3A_401 = arith.cmpi ne, %convert_element_type3A_399, %cond3A_400 : i32
      scf.if %cond3A_401 {
        %dma_wait3A_676 = arith.constant 0 : i32
        %dma_wait3A_677 = arith.constant 0 : i32
        %dma_wait3A_678 = arith.constant 6 : i32
        %dma_wait3A_679 = arith.constant 0 : i32
        %dma_wait3A_680 = arith.constant 0 : i32
        %dma_wait3A_681 = tpu.memref_slice %arg9[%dma_wait3A_678, %dma_wait3A_679, %dma_wait3A_680] : memref<8x2x64xi32, #tpu.memory_space<vmem>> -> memref<1x2x64xi32, #tpu.memory_space<vmem>>
        %dma_wait3A_682 = tpu.memref_squeeze %dma_wait3A_681 : memref<1x2x64xi32, #tpu.memory_space<vmem>> -> memref<2x64xi32, #tpu.memory_space<vmem>>
        %dma_wait3A_683 = arith.constant 0 : i32
        %dma_wait3A_684 = arith.constant 0 : i32
        %dma_wait3A_685 = tpu.memref_slice %arg3[%dma_wait3A_676, %dma_wait3A_677, %dma_wait3A_683, %dma_wait3A_684] : memref<32x160x2x64xi32, #tpu.memory_space<hbm>> -> memref<1x1x2x64xi32, #tpu.memory_space<hbm>>
        %dma_wait3A_686 = tpu.memref_squeeze %dma_wait3A_685 : memref<1x1x2x64xi32, #tpu.memory_space<hbm>> -> memref<2x64xi32, #tpu.memory_space<hbm>>
        %dma_wait3A_687 = arith.constant 0 : i32
        %dma_wait3A_688 = arith.constant 0 : i32
        %dma_wait3A_689 = tpu.memref_slice %arg9[%dma_wait3A_678, %dma_wait3A_687, %dma_wait3A_688] : memref<8x2x64xi32, #tpu.memory_space<vmem>> -> memref<1x2x64xi32, #tpu.memory_space<vmem>>
        %dma_wait3A_690 = tpu.memref_squeeze %dma_wait3A_689 : memref<1x2x64xi32, #tpu.memory_space<vmem>> -> memref<2x64xi32, #tpu.memory_space<vmem>>
        %dma_wait3A_691 = arith.constant 0 : i32
        %dma_wait3A_692 = arith.constant 0 : i32
        %dma_wait3A_693 = tpu.memref_slice %arg3[%dma_wait3A_676, %dma_wait3A_677, %dma_wait3A_691, %dma_wait3A_692] : memref<32x160x2x64xi32, #tpu.memory_space<hbm>> -> memref<1x1x2x64xi32, #tpu.memory_space<hbm>>
        %dma_wait3A_694 = tpu.memref_squeeze %dma_wait3A_693 : memref<1x1x2x64xi32, #tpu.memory_space<hbm>> -> memref<2x64xi32, #tpu.memory_space<hbm>>
        tpu.wait_dma2 semaphore(%arg22 : memref<!tpu.dma_semaphore, #tpu.memory_space<semaphore_mem>>) src(%dma_wait3A_694 : memref<2x64xi32, #tpu.memory_space<hbm>>) dst(%dma_wait3A_690 : memref<2x64xi32, #tpu.memory_space<vmem>>)
        %dma_start3A_695 = arith.constant 6 : i32
        %dma_start3A_696 = arith.constant 0 : i32
        %dma_start3A_697 = arith.constant 2 : i32
        %dma_start3A_698 = arith.constant 0 : i32
        %dma_start3A_699 = arith.constant 0 : i32
        %dma_start3A_700 = tpu.memref_slice %arg10[%dma_start3A_697, %dma_start3A_698, %dma_start3A_699] : memref<4x64x128xf32, #tpu.memory_space<vmem>> -> memref<1x64x128xf32, #tpu.memory_space<vmem>>
        %dma_start3A_701 = tpu.memref_squeeze %dma_start3A_700 : memref<1x64x128xf32, #tpu.memory_space<vmem>> -> memref<64x128xf32, #tpu.memory_space<vmem>>
        %dma_start3A_702 = arith.constant 0 : i32
        %dma_start3A_703 = tpu.memref_slice %arg9[%dma_start3A_695, %dma_start3A_696, %dma_start3A_702] : memref<8x2x64xi32, #tpu.memory_space<vmem>> -> memref<1x1x64xi32, #tpu.memory_space<vmem>>
        %dma_start3A_704 = tpu.memref_squeeze %dma_start3A_703 : memref<1x1x64xi32, #tpu.memory_space<vmem>> -> memref<64xi32, #tpu.memory_space<vmem>>
        %dma_start3A_705 = arith.constant 0 : i32
        %dma_start3A_706 = arith.constant 0 : i32
        %dma_start3A_707 = tpu.memref_slice %arg2[%dma_start3A_705, %dma_start3A_706] : memref<10240x128xf32, #tpu.memory_space<hbm>> -> memref<10240x128xf32, #tpu.memory_space<hbm>>
        tpu.enqueue_indirect_dma source(%dma_start3A_707 : memref<10240x128xf32, #tpu.memory_space<hbm>>) target(%dma_start3A_701 : memref<64x128xf32, #tpu.memory_space<vmem>>) offsets(%dma_start3A_704 : memref<64xi32, #tpu.memory_space<vmem>>) semaphore(%arg14 : memref<!tpu.dma_semaphore, #tpu.memory_space<semaphore_mem>>)
      } else {
      }
      %add3A_402 = arith.constant 5 : i32
      %add3A_403 = arith.addi %add3A_379, %add3A_402 : i32
      %lt3A_404 = arith.constant 160 : i32
      %lt3A_405 = arith.cmpi slt, %add3A_403, %lt3A_404 : i32
      %convert_element_type3A_406 = arith.extui %lt3A_405 : i1 to i32
      %cond3A_407 = arith.constant 0 : i32
      %cond3A_408 = arith.cmpi ne, %convert_element_type3A_406, %cond3A_407 : i32
      scf.if %cond3A_408 {
        %add3A_676 = arith.constant 5 : i32
        %add3A_677 = arith.addi %add3A_379, %add3A_676 : i32
        %dma_start3A_678 = arith.constant 0 : i32
        %dma_start3A_679 = arith.constant 0 : i32
        %dma_start3A_680 = arith.constant 0 : i32
        %dma_start3A_681 = tpu.memref_slice %arg9[%dma_start3A_678, %dma_start3A_679, %dma_start3A_680] : memref<8x2x64xi32, #tpu.memory_space<vmem>> -> memref<1x2x64xi32, #tpu.memory_space<vmem>>
        %dma_start3A_682 = tpu.memref_squeeze %dma_start3A_681 : memref<1x2x64xi32, #tpu.memory_space<vmem>> -> memref<2x64xi32, #tpu.memory_space<vmem>>
        %dma_start3A_683 = arith.constant 0 : i32
        %dma_start3A_684 = arith.constant 0 : i32
        %dma_start3A_685 = tpu.memref_slice %arg3[%add3A, %add3A_677, %dma_start3A_683, %dma_start3A_684] : memref<32x160x2x64xi32, #tpu.memory_space<hbm>> -> memref<1x1x2x64xi32, #tpu.memory_space<hbm>>
        %dma_start3A_686 = tpu.memref_squeeze %dma_start3A_685 : memref<1x1x2x64xi32, #tpu.memory_space<hbm>> -> memref<2x64xi32, #tpu.memory_space<hbm>>
        %dma_start3A_687 = arith.constant 0 : i32
        %dma_start3A_688 = arith.constant 0 : i32
        %dma_start3A_689 = tpu.memref_slice %arg9[%dma_start3A_678, %dma_start3A_687, %dma_start3A_688] : memref<8x2x64xi32, #tpu.memory_space<vmem>> -> memref<1x2x64xi32, #tpu.memory_space<vmem>>
        %dma_start3A_690 = tpu.memref_squeeze %dma_start3A_689 : memref<1x2x64xi32, #tpu.memory_space<vmem>> -> memref<2x64xi32, #tpu.memory_space<vmem>>
        %dma_start3A_691 = arith.constant 0 : i32
        %dma_start3A_692 = arith.constant 0 : i32
        %dma_start3A_693 = tpu.memref_slice %arg3[%add3A, %add3A_677, %dma_start3A_691, %dma_start3A_692] : memref<32x160x2x64xi32, #tpu.memory_space<hbm>> -> memref<1x1x2x64xi32, #tpu.memory_space<hbm>>
        %dma_start3A_694 = tpu.memref_squeeze %dma_start3A_693 : memref<1x1x2x64xi32, #tpu.memory_space<hbm>> -> memref<2x64xi32, #tpu.memory_space<hbm>>
        tpu.enqueue_dma source(%dma_start3A_694 : memref<2x64xi32, #tpu.memory_space<hbm>>) target(%dma_start3A_690 : memref<2x64xi32, #tpu.memory_space<vmem>>) target_semaphore(%arg16 : memref<!tpu.dma_semaphore, #tpu.memory_space<semaphore_mem>>)
      } else {
      }
      %run_scoped3A_409 = arith.constant 3 : i32
      %run_scoped3A_410 = arith.constant 3 : i32
      %run_scoped3A_411 = arith.constant 1 : i32
      "tpu.region"() ({
        %run_scoped3A_676 = tpu.sem_alloc : memref<!tpu.dma_semaphore, #tpu.memory_space<semaphore_mem>>
        %dma_start3A_677 = arith.constant 0 : i32
        %dma_start3A_678 = arith.constant 0 : i32
        %dma_start3A_679 = tpu.memref_slice %arg10[%run_scoped3A_409, %dma_start3A_677, %dma_start3A_678] : memref<4x64x128xf32, #tpu.memory_space<vmem>> -> memref<1x64x128xf32, #tpu.memory_space<vmem>>
        %dma_start3A_680 = tpu.memref_squeeze %dma_start3A_679 : memref<1x64x128xf32, #tpu.memory_space<vmem>> -> memref<64x128xf32, #tpu.memory_space<vmem>>
        %dma_start3A_681 = arith.constant 0 : i32
        %dma_start3A_682 = tpu.memref_slice %arg9[%run_scoped3A_410, %run_scoped3A_411, %dma_start3A_681] : memref<8x2x64xi32, #tpu.memory_space<vmem>> -> memref<1x1x64xi32, #tpu.memory_space<vmem>>
        %dma_start3A_683 = tpu.memref_squeeze %dma_start3A_682 : memref<1x1x64xi32, #tpu.memory_space<vmem>> -> memref<64xi32, #tpu.memory_space<vmem>>
        %dma_start3A_684 = arith.constant 0 : i32
        %dma_start3A_685 = arith.constant 0 : i32
        %dma_start3A_686 = tpu.memref_slice %arg8[%dma_start3A_684, %dma_start3A_685] : memref<10240x128xf32, #tpu.memory_space<vmem_shared>> -> memref<10240x128xf32, #tpu.memory_space<vmem_shared>>
        tpu.enqueue_indirect_dma source(%dma_start3A_680 : memref<64x128xf32, #tpu.memory_space<vmem>>) target(%dma_start3A_686 : memref<10240x128xf32, #tpu.memory_space<vmem_shared>>) offsets(%dma_start3A_683 : memref<64xi32, #tpu.memory_space<vmem>>) semaphore(%run_scoped3A_676 : memref<!tpu.dma_semaphore, #tpu.memory_space<semaphore_mem>>) {add = true}
        %dma_wait3A_687 = arith.constant 0 : i32
        %dma_wait3A_688 = arith.constant 0 : i32
        %dma_wait3A_689 = tpu.memref_slice %arg10[%run_scoped3A_409, %dma_wait3A_687, %dma_wait3A_688] : memref<4x64x128xf32, #tpu.memory_space<vmem>> -> memref<1x64x128xf32, #tpu.memory_space<vmem>>
        %dma_wait3A_690 = tpu.memref_squeeze %dma_wait3A_689 : memref<1x64x128xf32, #tpu.memory_space<vmem>> -> memref<64x128xf32, #tpu.memory_space<vmem>>
        %dma_wait3A_691 = arith.constant 0 : i32
        %dma_wait3A_692 = tpu.memref_slice %arg9[%run_scoped3A_410, %run_scoped3A_411, %dma_wait3A_691] : memref<8x2x64xi32, #tpu.memory_space<vmem>> -> memref<1x1x64xi32, #tpu.memory_space<vmem>>
        %dma_wait3A_693 = tpu.memref_squeeze %dma_wait3A_692 : memref<1x1x64xi32, #tpu.memory_space<vmem>> -> memref<64xi32, #tpu.memory_space<vmem>>
        %dma_wait3A_694 = arith.constant 0 : i32
        %dma_wait3A_695 = arith.constant 0 : i32
        %dma_wait3A_696 = tpu.memref_slice %arg8[%dma_wait3A_694, %dma_wait3A_695] : memref<10240x128xf32, #tpu.memory_space<vmem_shared>> -> memref<10240x128xf32, #tpu.memory_space<vmem_shared>>
        tpu.wait_indirect_dma semaphore(%run_scoped3A_676 : memref<!tpu.dma_semaphore, #tpu.memory_space<semaphore_mem>>) src(%dma_wait3A_690 : memref<64x128xf32, #tpu.memory_space<vmem>>) dst(%dma_wait3A_696 : memref<10240x128xf32, #tpu.memory_space<vmem_shared>>)
        tpu.yield
      }) : () -> ()
      %get3A_412 = arith.constant 3 : i32
      %get3A_413 = arith.constant 1 : i32
      %get3A_414 = arith.index_cast %get3A_412 : i32 to index
      %get3A_415 = arith.index_cast %get3A_413 : i32 to index
      %get3A_416 = arith.constant 0 : index
      %get3A_417 = tpu.vector_load %arg9[%get3A_414, %get3A_415, %get3A_416] {strides = array<i32>} : memref<8x2x64xi32, #tpu.memory_space<vmem>>, vector<16xi32>,
      tpu.vector_store_idx %arg11[%get3A_417], %broadcast_in_dim3A_1 {add = true} : memref<10240xf32, #tpu.memory_space<vmem>>[vector<16xi32>], vector<16xf32>,
      %get3A_418 = arith.constant 3 : i32
      %get3A_419 = arith.constant 1 : i32
      %get3A_420 = arith.index_cast %get3A_418 : i32 to index
      %get3A_421 = arith.index_cast %get3A_419 : i32 to index
      %get3A_422 = arith.constant 16 : index
      %get3A_423 = tpu.vector_load %arg9[%get3A_420, %get3A_421, %get3A_422] {strides = array<i32>} : memref<8x2x64xi32, #tpu.memory_space<vmem>>, vector<16xi32>,
      tpu.vector_store_idx %arg11[%get3A_423], %broadcast_in_dim3A_1 {add = true} : memref<10240xf32, #tpu.memory_space<vmem>>[vector<16xi32>], vector<16xf32>,
      %get3A_424 = arith.constant 3 : i32
      %get3A_425 = arith.constant 1 : i32
      %get3A_426 = arith.index_cast %get3A_424 : i32 to index
      %get3A_427 = arith.index_cast %get3A_425 : i32 to index
      %get3A_428 = arith.constant 32 : index
      %get3A_429 = tpu.vector_load %arg9[%get3A_426, %get3A_427, %get3A_428] {strides = array<i32>} : memref<8x2x64xi32, #tpu.memory_space<vmem>>, vector<16xi32>,
      tpu.vector_store_idx %arg11[%get3A_429], %broadcast_in_dim3A_1 {add = true} : memref<10240xf32, #tpu.memory_space<vmem>>[vector<16xi32>], vector<16xf32>,
      %get3A_430 = arith.constant 3 : i32
      %get3A_431 = arith.constant 1 : i32
      %get3A_432 = arith.index_cast %get3A_430 : i32 to index
      %get3A_433 = arith.index_cast %get3A_431 : i32 to index
      %get3A_434 = arith.constant 48 : index
      %get3A_435 = tpu.vector_load %arg9[%get3A_432, %get3A_433, %get3A_434] {strides = array<i32>} : memref<8x2x64xi32, #tpu.memory_space<vmem>>, vector<16xi32>,
      tpu.vector_store_idx %arg11[%get3A_435], %broadcast_in_dim3A_1 {add = true} : memref<10240xf32, #tpu.memory_space<vmem>>[vector<16xi32>], vector<16xf32>,
      %mul3A_436 = arith.constant 8 : i32
      %mul3A_437 = arith.muli %mul3A_436, %scan3A_200 : i32
      %add3A_438 = arith.constant 4 : i32
      %add3A_439 = arith.addi %mul3A_437, %add3A_438 : i32
      %dma_wait3A_440 = arith.constant 0 : i32
      %dma_wait3A_441 = arith.constant 0 : i32
      %dma_wait3A_442 = arith.constant 0 : i32
      %dma_wait3A_443 = tpu.memref_slice %arg10[%dma_wait3A_440, %dma_wait3A_441, %dma_wait3A_442] : memref<4x64x128xf32, #tpu.memory_space<vmem>> -> memref<1x64x128xf32, #tpu.memory_space<vmem>>
      %dma_wait3A_444 = tpu.memref_squeeze %dma_wait3A_443 : memref<1x64x128xf32, #tpu.memory_space<vmem>> -> memref<64x128xf32, #tpu.memory_space<vmem>>
      %dma_wait3A_445 = arith.constant 0 : i32
      %dma_wait3A_446 = arith.constant 0 : i32
      %dma_wait3A_447 = tpu.memref_slice %arg2[%dma_wait3A_445, %dma_wait3A_446] : memref<10240x128xf32, #tpu.memory_space<hbm>> -> memref<64x128xf32, #tpu.memory_space<hbm>>
      %dma_wait3A_448 = arith.constant 0 : i32
      %dma_wait3A_449 = arith.constant 0 : i32
      %dma_wait3A_450 = tpu.memref_slice %arg10[%dma_wait3A_440, %dma_wait3A_448, %dma_wait3A_449] : memref<4x64x128xf32, #tpu.memory_space<vmem>> -> memref<1x64x128xf32, #tpu.memory_space<vmem>>
      %dma_wait3A_451 = tpu.memref_squeeze %dma_wait3A_450 : memref<1x64x128xf32, #tpu.memory_space<vmem>> -> memref<64x128xf32, #tpu.memory_space<vmem>>
      %dma_wait3A_452 = arith.constant 0 : i32
      %dma_wait3A_453 = arith.constant 0 : i32
      %dma_wait3A_454 = tpu.memref_slice %arg2[%dma_wait3A_452, %dma_wait3A_453] : memref<10240x128xf32, #tpu.memory_space<hbm>> -> memref<64x128xf32, #tpu.memory_space<hbm>>
      tpu.wait_dma2 semaphore(%arg12 : memref<!tpu.dma_semaphore, #tpu.memory_space<semaphore_mem>>) src(%dma_wait3A_454 : memref<64x128xf32, #tpu.memory_space<hbm>>) dst(%dma_wait3A_451 : memref<64x128xf32, #tpu.memory_space<vmem>>)
      %add3A_455 = arith.constant 3 : i32
      %add3A_456 = arith.addi %add3A_439, %add3A_455 : i32
      %lt3A_457 = arith.constant 160 : i32
      %lt3A_458 = arith.cmpi slt, %add3A_456, %lt3A_457 : i32
      %convert_element_type3A_459 = arith.extui %lt3A_458 : i1 to i32
      %cond3A_460 = arith.constant 0 : i32
      %cond3A_461 = arith.cmpi ne, %convert_element_type3A_459, %cond3A_460 : i32
      scf.if %cond3A_461 {
        %dma_wait3A_676 = arith.constant 0 : i32
        %dma_wait3A_677 = arith.constant 0 : i32
        %dma_wait3A_678 = arith.constant 7 : i32
        %dma_wait3A_679 = arith.constant 0 : i32
        %dma_wait3A_680 = arith.constant 0 : i32
        %dma_wait3A_681 = tpu.memref_slice %arg9[%dma_wait3A_678, %dma_wait3A_679, %dma_wait3A_680] : memref<8x2x64xi32, #tpu.memory_space<vmem>> -> memref<1x2x64xi32, #tpu.memory_space<vmem>>
        %dma_wait3A_682 = tpu.memref_squeeze %dma_wait3A_681 : memref<1x2x64xi32, #tpu.memory_space<vmem>> -> memref<2x64xi32, #tpu.memory_space<vmem>>
        %dma_wait3A_683 = arith.constant 0 : i32
        %dma_wait3A_684 = arith.constant 0 : i32
        %dma_wait3A_685 = tpu.memref_slice %arg3[%dma_wait3A_676, %dma_wait3A_677, %dma_wait3A_683, %dma_wait3A_684] : memref<32x160x2x64xi32, #tpu.memory_space<hbm>> -> memref<1x1x2x64xi32, #tpu.memory_space<hbm>>
        %dma_wait3A_686 = tpu.memref_squeeze %dma_wait3A_685 : memref<1x1x2x64xi32, #tpu.memory_space<hbm>> -> memref<2x64xi32, #tpu.memory_space<hbm>>
        %dma_wait3A_687 = arith.constant 0 : i32
        %dma_wait3A_688 = arith.constant 0 : i32
        %dma_wait3A_689 = tpu.memref_slice %arg9[%dma_wait3A_678, %dma_wait3A_687, %dma_wait3A_688] : memref<8x2x64xi32, #tpu.memory_space<vmem>> -> memref<1x2x64xi32, #tpu.memory_space<vmem>>
        %dma_wait3A_690 = tpu.memref_squeeze %dma_wait3A_689 : memref<1x2x64xi32, #tpu.memory_space<vmem>> -> memref<2x64xi32, #tpu.memory_space<vmem>>
        %dma_wait3A_691 = arith.constant 0 : i32
        %dma_wait3A_692 = arith.constant 0 : i32
        %dma_wait3A_693 = tpu.memref_slice %arg3[%dma_wait3A_676, %dma_wait3A_677, %dma_wait3A_691, %dma_wait3A_692] : memref<32x160x2x64xi32, #tpu.memory_space<hbm>> -> memref<1x1x2x64xi32, #tpu.memory_space<hbm>>
        %dma_wait3A_694 = tpu.memref_squeeze %dma_wait3A_693 : memref<1x1x2x64xi32, #tpu.memory_space<hbm>> -> memref<2x64xi32, #tpu.memory_space<hbm>>
        tpu.wait_dma2 semaphore(%arg23 : memref<!tpu.dma_semaphore, #tpu.memory_space<semaphore_mem>>) src(%dma_wait3A_694 : memref<2x64xi32, #tpu.memory_space<hbm>>) dst(%dma_wait3A_690 : memref<2x64xi32, #tpu.memory_space<vmem>>)
        %dma_start3A_695 = arith.constant 7 : i32
        %dma_start3A_696 = arith.constant 0 : i32
        %dma_start3A_697 = arith.constant 3 : i32
        %dma_start3A_698 = arith.constant 0 : i32
        %dma_start3A_699 = arith.constant 0 : i32
        %dma_start3A_700 = tpu.memref_slice %arg10[%dma_start3A_697, %dma_start3A_698, %dma_start3A_699] : memref<4x64x128xf32, #tpu.memory_space<vmem>> -> memref<1x64x128xf32, #tpu.memory_space<vmem>>
        %dma_start3A_701 = tpu.memref_squeeze %dma_start3A_700 : memref<1x64x128xf32, #tpu.memory_space<vmem>> -> memref<64x128xf32, #tpu.memory_space<vmem>>
        %dma_start3A_702 = arith.constant 0 : i32
        %dma_start3A_703 = tpu.memref_slice %arg9[%dma_start3A_695, %dma_start3A_696, %dma_start3A_702] : memref<8x2x64xi32, #tpu.memory_space<vmem>> -> memref<1x1x64xi32, #tpu.memory_space<vmem>>
        %dma_start3A_704 = tpu.memref_squeeze %dma_start3A_703 : memref<1x1x64xi32, #tpu.memory_space<vmem>> -> memref<64xi32, #tpu.memory_space<vmem>>
        %dma_start3A_705 = arith.constant 0 : i32
        %dma_start3A_706 = arith.constant 0 : i32
        %dma_start3A_707 = tpu.memref_slice %arg2[%dma_start3A_705, %dma_start3A_706] : memref<10240x128xf32, #tpu.memory_space<hbm>> -> memref<10240x128xf32, #tpu.memory_space<hbm>>
        tpu.enqueue_indirect_dma source(%dma_start3A_707 : memref<10240x128xf32, #tpu.memory_space<hbm>>) target(%dma_start3A_701 : memref<64x128xf32, #tpu.memory_space<vmem>>) offsets(%dma_start3A_704 : memref<64xi32, #tpu.memory_space<vmem>>) semaphore(%arg15 : memref<!tpu.dma_semaphore, #tpu.memory_space<semaphore_mem>>)
      } else {
      }
      %add3A_462 = arith.constant 5 : i32
      %add3A_463 = arith.addi %add3A_439, %add3A_462 : i32
      %lt3A_464 = arith.constant 160 : i32
      %lt3A_465 = arith.cmpi slt, %add3A_463, %lt3A_464 : i32
      %convert_element_type3A_466 = arith.extui %lt3A_465 : i1 to i32
      %cond3A_467 = arith.constant 0 : i32
      %cond3A_468 = arith.cmpi ne, %convert_element_type3A_466, %cond3A_467 : i32
      scf.if %cond3A_468 {
        %add3A_676 = arith.constant 5 : i32
        %add3A_677 = arith.addi %add3A_439, %add3A_676 : i32
        %dma_start3A_678 = arith.constant 1 : i32
        %dma_start3A_679 = arith.constant 0 : i32
        %dma_start3A_680 = arith.constant 0 : i32
        %dma_start3A_681 = tpu.memref_slice %arg9[%dma_start3A_678, %dma_start3A_679, %dma_start3A_680] : memref<8x2x64xi32, #tpu.memory_space<vmem>> -> memref<1x2x64xi32, #tpu.memory_space<vmem>>
        %dma_start3A_682 = tpu.memref_squeeze %dma_start3A_681 : memref<1x2x64xi32, #tpu.memory_space<vmem>> -> memref<2x64xi32, #tpu.memory_space<vmem>>
        %dma_start3A_683 = arith.constant 0 : i32
        %dma_start3A_684 = arith.constant 0 : i32
        %dma_start3A_685 = tpu.memref_slice %arg3[%add3A, %add3A_677, %dma_start3A_683, %dma_start3A_684] : memref<32x160x2x64xi32, #tpu.memory_space<hbm>> -> memref<1x1x2x64xi32, #tpu.memory_space<hbm>>
        %dma_start3A_686 = tpu.memref_squeeze %dma_start3A_685 : memref<1x1x2x64xi32, #tpu.memory_space<hbm>> -> memref<2x64xi32, #tpu.memory_space<hbm>>
        %dma_start3A_687 = arith.constant 0 : i32
        %dma_start3A_688 = arith.constant 0 : i32
        %dma_start3A_689 = tpu.memref_slice %arg9[%dma_start3A_678, %dma_start3A_687, %dma_start3A_688] : memref<8x2x64xi32, #tpu.memory_space<vmem>> -> memref<1x2x64xi32, #tpu.memory_space<vmem>>
        %dma_start3A_690 = tpu.memref_squeeze %dma_start3A_689 : memref<1x2x64xi32, #tpu.memory_space<vmem>> -> memref<2x64xi32, #tpu.memory_space<vmem>>
        %dma_start3A_691 = arith.constant 0 : i32
        %dma_start3A_692 = arith.constant 0 : i32
        %dma_start3A_693 = tpu.memref_slice %arg3[%add3A, %add3A_677, %dma_start3A_691, %dma_start3A_692] : memref<32x160x2x64xi32, #tpu.memory_space<hbm>> -> memref<1x1x2x64xi32, #tpu.memory_space<hbm>>
        %dma_start3A_694 = tpu.memref_squeeze %dma_start3A_693 : memref<1x1x2x64xi32, #tpu.memory_space<hbm>> -> memref<2x64xi32, #tpu.memory_space<hbm>>
        tpu.enqueue_dma source(%dma_start3A_694 : memref<2x64xi32, #tpu.memory_space<hbm>>) target(%dma_start3A_690 : memref<2x64xi32, #tpu.memory_space<vmem>>) target_semaphore(%arg17 : memref<!tpu.dma_semaphore, #tpu.memory_space<semaphore_mem>>)
      } else {
      }
      %run_scoped3A_469 = arith.constant 0 : i32
      %run_scoped3A_470 = arith.constant 4 : i32
      %run_scoped3A_471 = arith.constant 1 : i32
      "tpu.region"() ({
        %run_scoped3A_676 = tpu.sem_alloc : memref<!tpu.dma_semaphore, #tpu.memory_space<semaphore_mem>>
        %dma_start3A_677 = arith.constant 0 : i32
        %dma_start3A_678 = arith.constant 0 : i32
        %dma_start3A_679 = tpu.memref_slice %arg10[%run_scoped3A_469, %dma_start3A_677, %dma_start3A_678] : memref<4x64x128xf32, #tpu.memory_space<vmem>> -> memref<1x64x128xf32, #tpu.memory_space<vmem>>
        %dma_start3A_680 = tpu.memref_squeeze %dma_start3A_679 : memref<1x64x128xf32, #tpu.memory_space<vmem>> -> memref<64x128xf32, #tpu.memory_space<vmem>>
        %dma_start3A_681 = arith.constant 0 : i32
        %dma_start3A_682 = tpu.memref_slice %arg9[%run_scoped3A_470, %run_scoped3A_471, %dma_start3A_681] : memref<8x2x64xi32, #tpu.memory_space<vmem>> -> memref<1x1x64xi32, #tpu.memory_space<vmem>>
        %dma_start3A_683 = tpu.memref_squeeze %dma_start3A_682 : memref<1x1x64xi32, #tpu.memory_space<vmem>> -> memref<64xi32, #tpu.memory_space<vmem>>
        %dma_start3A_684 = arith.constant 0 : i32
        %dma_start3A_685 = arith.constant 0 : i32
        %dma_start3A_686 = tpu.memref_slice %arg8[%dma_start3A_684, %dma_start3A_685] : memref<10240x128xf32, #tpu.memory_space<vmem_shared>> -> memref<10240x128xf32, #tpu.memory_space<vmem_shared>>
        tpu.enqueue_indirect_dma source(%dma_start3A_680 : memref<64x128xf32, #tpu.memory_space<vmem>>) target(%dma_start3A_686 : memref<10240x128xf32, #tpu.memory_space<vmem_shared>>) offsets(%dma_start3A_683 : memref<64xi32, #tpu.memory_space<vmem>>) semaphore(%run_scoped3A_676 : memref<!tpu.dma_semaphore, #tpu.memory_space<semaphore_mem>>) {add = true}
        %dma_wait3A_687 = arith.constant 0 : i32
        %dma_wait3A_688 = arith.constant 0 : i32
        %dma_wait3A_689 = tpu.memref_slice %arg10[%run_scoped3A_469, %dma_wait3A_687, %dma_wait3A_688] : memref<4x64x128xf32, #tpu.memory_space<vmem>> -> memref<1x64x128xf32, #tpu.memory_space<vmem>>
        %dma_wait3A_690 = tpu.memref_squeeze %dma_wait3A_689 : memref<1x64x128xf32, #tpu.memory_space<vmem>> -> memref<64x128xf32, #tpu.memory_space<vmem>>
        %dma_wait3A_691 = arith.constant 0 : i32
        %dma_wait3A_692 = tpu.memref_slice %arg9[%run_scoped3A_470, %run_scoped3A_471, %dma_wait3A_691] : memref<8x2x64xi32, #tpu.memory_space<vmem>> -> memref<1x1x64xi32, #tpu.memory_space<vmem>>
        %dma_wait3A_693 = tpu.memref_squeeze %dma_wait3A_692 : memref<1x1x64xi32, #tpu.memory_space<vmem>> -> memref<64xi32, #tpu.memory_space<vmem>>
        %dma_wait3A_694 = arith.constant 0 : i32
        %dma_wait3A_695 = arith.constant 0 : i32
        %dma_wait3A_696 = tpu.memref_slice %arg8[%dma_wait3A_694, %dma_wait3A_695] : memref<10240x128xf32, #tpu.memory_space<vmem_shared>> -> memref<10240x128xf32, #tpu.memory_space<vmem_shared>>
        tpu.wait_indirect_dma semaphore(%run_scoped3A_676 : memref<!tpu.dma_semaphore, #tpu.memory_space<semaphore_mem>>) src(%dma_wait3A_690 : memref<64x128xf32, #tpu.memory_space<vmem>>) dst(%dma_wait3A_696 : memref<10240x128xf32, #tpu.memory_space<vmem_shared>>)
        tpu.yield
      }) : () -> ()
      %get3A_472 = arith.constant 4 : i32
      %get3A_473 = arith.constant 1 : i32
      %get3A_474 = arith.index_cast %get3A_472 : i32 to index
      %get3A_475 = arith.index_cast %get3A_473 : i32 to index
      %get3A_476 = arith.constant 0 : index
      %get3A_477 = tpu.vector_load %arg9[%get3A_474, %get3A_475, %get3A_476] {strides = array<i32>} : memref<8x2x64xi32, #tpu.memory_space<vmem>>, vector<16xi32>,
      tpu.vector_store_idx %arg11[%get3A_477], %broadcast_in_dim3A_1 {add = true} : memref<10240xf32, #tpu.memory_space<vmem>>[vector<16xi32>], vector<16xf32>,
      %get3A_478 = arith.constant 4 : i32
      %get3A_479 = arith.constant 1 : i32
      %get3A_480 = arith.index_cast %get3A_478 : i32 to index
      %get3A_481 = arith.index_cast %get3A_479 : i32 to index
      %get3A_482 = arith.constant 16 : index
      %get3A_483 = tpu.vector_load %arg9[%get3A_480, %get3A_481, %get3A_482] {strides = array<i32>} : memref<8x2x64xi32, #tpu.memory_space<vmem>>, vector<16xi32>,
      tpu.vector_store_idx %arg11[%get3A_483], %broadcast_in_dim3A_1 {add = true} : memref<10240xf32, #tpu.memory_space<vmem>>[vector<16xi32>], vector<16xf32>,
      %get3A_484 = arith.constant 4 : i32
      %get3A_485 = arith.constant 1 : i32
      %get3A_486 = arith.index_cast %get3A_484 : i32 to index
      %get3A_487 = arith.index_cast %get3A_485 : i32 to index
      %get3A_488 = arith.constant 32 : index
      %get3A_489 = tpu.vector_load %arg9[%get3A_486, %get3A_487, %get3A_488] {strides = array<i32>} : memref<8x2x64xi32, #tpu.memory_space<vmem>>, vector<16xi32>,
      tpu.vector_store_idx %arg11[%get3A_489], %broadcast_in_dim3A_1 {add = true} : memref<10240xf32, #tpu.memory_space<vmem>>[vector<16xi32>], vector<16xf32>,
      %get3A_490 = arith.constant 4 : i32
      %get3A_491 = arith.constant 1 : i32
      %get3A_492 = arith.index_cast %get3A_490 : i32 to index
      %get3A_493 = arith.index_cast %get3A_491 : i32 to index
      %get3A_494 = arith.constant 48 : index
      %get3A_495 = tpu.vector_load %arg9[%get3A_492, %get3A_493, %get3A_494] {strides = array<i32>} : memref<8x2x64xi32, #tpu.memory_space<vmem>>, vector<16xi32>,
      tpu.vector_store_idx %arg11[%get3A_495], %broadcast_in_dim3A_1 {add = true} : memref<10240xf32, #tpu.memory_space<vmem>>[vector<16xi32>], vector<16xf32>,
      %mul3A_496 = arith.constant 8 : i32
      %mul3A_497 = arith.muli %mul3A_496, %scan3A_200 : i32
      %add3A_498 = arith.constant 5 : i32
      %add3A_499 = arith.addi %mul3A_497, %add3A_498 : i32
      %dma_wait3A_500 = arith.constant 1 : i32
      %dma_wait3A_501 = arith.constant 0 : i32
      %dma_wait3A_502 = arith.constant 0 : i32
      %dma_wait3A_503 = tpu.memref_slice %arg10[%dma_wait3A_500, %dma_wait3A_501, %dma_wait3A_502] : memref<4x64x128xf32, #tpu.memory_space<vmem>> -> memref<1x64x128xf32, #tpu.memory_space<vmem>>
      %dma_wait3A_504 = tpu.memref_squeeze %dma_wait3A_503 : memref<1x64x128xf32, #tpu.memory_space<vmem>> -> memref<64x128xf32, #tpu.memory_space<vmem>>
      %dma_wait3A_505 = arith.constant 0 : i32
      %dma_wait3A_506 = arith.constant 0 : i32
      %dma_wait3A_507 = tpu.memref_slice %arg2[%dma_wait3A_505, %dma_wait3A_506] : memref<10240x128xf32, #tpu.memory_space<hbm>> -> memref<64x128xf32, #tpu.memory_space<hbm>>
      %dma_wait3A_508 = arith.constant 0 : i32
      %dma_wait3A_509 = arith.constant 0 : i32
      %dma_wait3A_510 = tpu.memref_slice %arg10[%dma_wait3A_500, %dma_wait3A_508, %dma_wait3A_509] : memref<4x64x128xf32, #tpu.memory_space<vmem>> -> memref<1x64x128xf32, #tpu.memory_space<vmem>>
      %dma_wait3A_511 = tpu.memref_squeeze %dma_wait3A_510 : memref<1x64x128xf32, #tpu.memory_space<vmem>> -> memref<64x128xf32, #tpu.memory_space<vmem>>
      %dma_wait3A_512 = arith.constant 0 : i32
      %dma_wait3A_513 = arith.constant 0 : i32
      %dma_wait3A_514 = tpu.memref_slice %arg2[%dma_wait3A_512, %dma_wait3A_513] : memref<10240x128xf32, #tpu.memory_space<hbm>> -> memref<64x128xf32, #tpu.memory_space<hbm>>
      tpu.wait_dma2 semaphore(%arg13 : memref<!tpu.dma_semaphore, #tpu.memory_space<semaphore_mem>>) src(%dma_wait3A_514 : memref<64x128xf32, #tpu.memory_space<hbm>>) dst(%dma_wait3A_511 : memref<64x128xf32, #tpu.memory_space<vmem>>)
      %add3A_515 = arith.constant 3 : i32
      %add3A_516 = arith.addi %add3A_499, %add3A_515 : i32
      %lt3A_517 = arith.constant 160 : i32
      %lt3A_518 = arith.cmpi slt, %add3A_516, %lt3A_517 : i32
      %convert_element_type3A_519 = arith.extui %lt3A_518 : i1 to i32
      %cond3A_520 = arith.constant 0 : i32
      %cond3A_521 = arith.cmpi ne, %convert_element_type3A_519, %cond3A_520 : i32
      scf.if %cond3A_521 {
        %dma_wait3A_676 = arith.constant 0 : i32
        %dma_wait3A_677 = arith.constant 0 : i32
        %dma_wait3A_678 = arith.constant 0 : i32
        %dma_wait3A_679 = arith.constant 0 : i32
        %dma_wait3A_680 = arith.constant 0 : i32
        %dma_wait3A_681 = tpu.memref_slice %arg9[%dma_wait3A_678, %dma_wait3A_679, %dma_wait3A_680] : memref<8x2x64xi32, #tpu.memory_space<vmem>> -> memref<1x2x64xi32, #tpu.memory_space<vmem>>
        %dma_wait3A_682 = tpu.memref_squeeze %dma_wait3A_681 : memref<1x2x64xi32, #tpu.memory_space<vmem>> -> memref<2x64xi32, #tpu.memory_space<vmem>>
        %dma_wait3A_683 = arith.constant 0 : i32
        %dma_wait3A_684 = arith.constant 0 : i32
        %dma_wait3A_685 = tpu.memref_slice %arg3[%dma_wait3A_676, %dma_wait3A_677, %dma_wait3A_683, %dma_wait3A_684] : memref<32x160x2x64xi32, #tpu.memory_space<hbm>> -> memref<1x1x2x64xi32, #tpu.memory_space<hbm>>
        %dma_wait3A_686 = tpu.memref_squeeze %dma_wait3A_685 : memref<1x1x2x64xi32, #tpu.memory_space<hbm>> -> memref<2x64xi32, #tpu.memory_space<hbm>>
        %dma_wait3A_687 = arith.constant 0 : i32
        %dma_wait3A_688 = arith.constant 0 : i32
        %dma_wait3A_689 = tpu.memref_slice %arg9[%dma_wait3A_678, %dma_wait3A_687, %dma_wait3A_688] : memref<8x2x64xi32, #tpu.memory_space<vmem>> -> memref<1x2x64xi32, #tpu.memory_space<vmem>>
        %dma_wait3A_690 = tpu.memref_squeeze %dma_wait3A_689 : memref<1x2x64xi32, #tpu.memory_space<vmem>> -> memref<2x64xi32, #tpu.memory_space<vmem>>
        %dma_wait3A_691 = arith.constant 0 : i32
        %dma_wait3A_692 = arith.constant 0 : i32
        %dma_wait3A_693 = tpu.memref_slice %arg3[%dma_wait3A_676, %dma_wait3A_677, %dma_wait3A_691, %dma_wait3A_692] : memref<32x160x2x64xi32, #tpu.memory_space<hbm>> -> memref<1x1x2x64xi32, #tpu.memory_space<hbm>>
        %dma_wait3A_694 = tpu.memref_squeeze %dma_wait3A_693 : memref<1x1x2x64xi32, #tpu.memory_space<hbm>> -> memref<2x64xi32, #tpu.memory_space<hbm>>
        tpu.wait_dma2 semaphore(%arg16 : memref<!tpu.dma_semaphore, #tpu.memory_space<semaphore_mem>>) src(%dma_wait3A_694 : memref<2x64xi32, #tpu.memory_space<hbm>>) dst(%dma_wait3A_690 : memref<2x64xi32, #tpu.memory_space<vmem>>)
        %dma_start3A_695 = arith.constant 0 : i32
        %dma_start3A_696 = arith.constant 0 : i32
        %dma_start3A_697 = arith.constant 0 : i32
        %dma_start3A_698 = arith.constant 0 : i32
        %dma_start3A_699 = arith.constant 0 : i32
        %dma_start3A_700 = tpu.memref_slice %arg10[%dma_start3A_697, %dma_start3A_698, %dma_start3A_699] : memref<4x64x128xf32, #tpu.memory_space<vmem>> -> memref<1x64x128xf32, #tpu.memory_space<vmem>>
        %dma_start3A_701 = tpu.memref_squeeze %dma_start3A_700 : memref<1x64x128xf32, #tpu.memory_space<vmem>> -> memref<64x128xf32, #tpu.memory_space<vmem>>
        %dma_start3A_702 = arith.constant 0 : i32
        %dma_start3A_703 = tpu.memref_slice %arg9[%dma_start3A_695, %dma_start3A_696, %dma_start3A_702] : memref<8x2x64xi32, #tpu.memory_space<vmem>> -> memref<1x1x64xi32, #tpu.memory_space<vmem>>
        %dma_start3A_704 = tpu.memref_squeeze %dma_start3A_703 : memref<1x1x64xi32, #tpu.memory_space<vmem>> -> memref<64xi32, #tpu.memory_space<vmem>>
        %dma_start3A_705 = arith.constant 0 : i32
        %dma_start3A_706 = arith.constant 0 : i32
        %dma_start3A_707 = tpu.memref_slice %arg2[%dma_start3A_705, %dma_start3A_706] : memref<10240x128xf32, #tpu.memory_space<hbm>> -> memref<10240x128xf32, #tpu.memory_space<hbm>>
        tpu.enqueue_indirect_dma source(%dma_start3A_707 : memref<10240x128xf32, #tpu.memory_space<hbm>>) target(%dma_start3A_701 : memref<64x128xf32, #tpu.memory_space<vmem>>) offsets(%dma_start3A_704 : memref<64xi32, #tpu.memory_space<vmem>>) semaphore(%arg12 : memref<!tpu.dma_semaphore, #tpu.memory_space<semaphore_mem>>)
      } else {
      }
      %add3A_522 = arith.constant 5 : i32
      %add3A_523 = arith.addi %add3A_499, %add3A_522 : i32
      %lt3A_524 = arith.constant 160 : i32
      %lt3A_525 = arith.cmpi slt, %add3A_523, %lt3A_524 : i32
      %convert_element_type3A_526 = arith.extui %lt3A_525 : i1 to i32
      %cond3A_527 = arith.constant 0 : i32
      %cond3A_528 = arith.cmpi ne, %convert_element_type3A_526, %cond3A_527 : i32
      scf.if %cond3A_528 {
        %add3A_676 = arith.constant 5 : i32
        %add3A_677 = arith.addi %add3A_499, %add3A_676 : i32
        %dma_start3A_678 = arith.constant 2 : i32
        %dma_start3A_679 = arith.constant 0 : i32
        %dma_start3A_680 = arith.constant 0 : i32
        %dma_start3A_681 = tpu.memref_slice %arg9[%dma_start3A_678, %dma_start3A_679, %dma_start3A_680] : memref<8x2x64xi32, #tpu.memory_space<vmem>> -> memref<1x2x64xi32, #tpu.memory_space<vmem>>
        %dma_start3A_682 = tpu.memref_squeeze %dma_start3A_681 : memref<1x2x64xi32, #tpu.memory_space<vmem>> -> memref<2x64xi32, #tpu.memory_space<vmem>>
        %dma_start3A_683 = arith.constant 0 : i32
        %dma_start3A_684 = arith.constant 0 : i32
        %dma_start3A_685 = tpu.memref_slice %arg3[%add3A, %add3A_677, %dma_start3A_683, %dma_start3A_684] : memref<32x160x2x64xi32, #tpu.memory_space<hbm>> -> memref<1x1x2x64xi32, #tpu.memory_space<hbm>>
        %dma_start3A_686 = tpu.memref_squeeze %dma_start3A_685 : memref<1x1x2x64xi32, #tpu.memory_space<hbm>> -> memref<2x64xi32, #tpu.memory_space<hbm>>
        %dma_start3A_687 = arith.constant 0 : i32
        %dma_start3A_688 = arith.constant 0 : i32
        %dma_start3A_689 = tpu.memref_slice %arg9[%dma_start3A_678, %dma_start3A_687, %dma_start3A_688] : memref<8x2x64xi32, #tpu.memory_space<vmem>> -> memref<1x2x64xi32, #tpu.memory_space<vmem>>
        %dma_start3A_690 = tpu.memref_squeeze %dma_start3A_689 : memref<1x2x64xi32, #tpu.memory_space<vmem>> -> memref<2x64xi32, #tpu.memory_space<vmem>>
        %dma_start3A_691 = arith.constant 0 : i32
        %dma_start3A_692 = arith.constant 0 : i32
        %dma_start3A_693 = tpu.memref_slice %arg3[%add3A, %add3A_677, %dma_start3A_691, %dma_start3A_692] : memref<32x160x2x64xi32, #tpu.memory_space<hbm>> -> memref<1x1x2x64xi32, #tpu.memory_space<hbm>>
        %dma_start3A_694 = tpu.memref_squeeze %dma_start3A_693 : memref<1x1x2x64xi32, #tpu.memory_space<hbm>> -> memref<2x64xi32, #tpu.memory_space<hbm>>
        tpu.enqueue_dma source(%dma_start3A_694 : memref<2x64xi32, #tpu.memory_space<hbm>>) target(%dma_start3A_690 : memref<2x64xi32, #tpu.memory_space<vmem>>) target_semaphore(%arg18 : memref<!tpu.dma_semaphore, #tpu.memory_space<semaphore_mem>>)
      } else {
      }
      %run_scoped3A_529 = arith.constant 1 : i32
      %run_scoped3A_530 = arith.constant 5 : i32
      %run_scoped3A_531 = arith.constant 1 : i32
      "tpu.region"() ({
        %run_scoped3A_676 = tpu.sem_alloc : memref<!tpu.dma_semaphore, #tpu.memory_space<semaphore_mem>>
        %dma_start3A_677 = arith.constant 0 : i32
        %dma_start3A_678 = arith.constant 0 : i32
        %dma_start3A_679 = tpu.memref_slice %arg10[%run_scoped3A_529, %dma_start3A_677, %dma_start3A_678] : memref<4x64x128xf32, #tpu.memory_space<vmem>> -> memref<1x64x128xf32, #tpu.memory_space<vmem>>
        %dma_start3A_680 = tpu.memref_squeeze %dma_start3A_679 : memref<1x64x128xf32, #tpu.memory_space<vmem>> -> memref<64x128xf32, #tpu.memory_space<vmem>>
        %dma_start3A_681 = arith.constant 0 : i32
        %dma_start3A_682 = tpu.memref_slice %arg9[%run_scoped3A_530, %run_scoped3A_531, %dma_start3A_681] : memref<8x2x64xi32, #tpu.memory_space<vmem>> -> memref<1x1x64xi32, #tpu.memory_space<vmem>>
        %dma_start3A_683 = tpu.memref_squeeze %dma_start3A_682 : memref<1x1x64xi32, #tpu.memory_space<vmem>> -> memref<64xi32, #tpu.memory_space<vmem>>
        %dma_start3A_684 = arith.constant 0 : i32
        %dma_start3A_685 = arith.constant 0 : i32
        %dma_start3A_686 = tpu.memref_slice %arg8[%dma_start3A_684, %dma_start3A_685] : memref<10240x128xf32, #tpu.memory_space<vmem_shared>> -> memref<10240x128xf32, #tpu.memory_space<vmem_shared>>
        tpu.enqueue_indirect_dma source(%dma_start3A_680 : memref<64x128xf32, #tpu.memory_space<vmem>>) target(%dma_start3A_686 : memref<10240x128xf32, #tpu.memory_space<vmem_shared>>) offsets(%dma_start3A_683 : memref<64xi32, #tpu.memory_space<vmem>>) semaphore(%run_scoped3A_676 : memref<!tpu.dma_semaphore, #tpu.memory_space<semaphore_mem>>) {add = true}
        %dma_wait3A_687 = arith.constant 0 : i32
        %dma_wait3A_688 = arith.constant 0 : i32
        %dma_wait3A_689 = tpu.memref_slice %arg10[%run_scoped3A_529, %dma_wait3A_687, %dma_wait3A_688] : memref<4x64x128xf32, #tpu.memory_space<vmem>> -> memref<1x64x128xf32, #tpu.memory_space<vmem>>
        %dma_wait3A_690 = tpu.memref_squeeze %dma_wait3A_689 : memref<1x64x128xf32, #tpu.memory_space<vmem>> -> memref<64x128xf32, #tpu.memory_space<vmem>>
        %dma_wait3A_691 = arith.constant 0 : i32
        %dma_wait3A_692 = tpu.memref_slice %arg9[%run_scoped3A_530, %run_scoped3A_531, %dma_wait3A_691] : memref<8x2x64xi32, #tpu.memory_space<vmem>> -> memref<1x1x64xi32, #tpu.memory_space<vmem>>
        %dma_wait3A_693 = tpu.memref_squeeze %dma_wait3A_692 : memref<1x1x64xi32, #tpu.memory_space<vmem>> -> memref<64xi32, #tpu.memory_space<vmem>>
        %dma_wait3A_694 = arith.constant 0 : i32
        %dma_wait3A_695 = arith.constant 0 : i32
        %dma_wait3A_696 = tpu.memref_slice %arg8[%dma_wait3A_694, %dma_wait3A_695] : memref<10240x128xf32, #tpu.memory_space<vmem_shared>> -> memref<10240x128xf32, #tpu.memory_space<vmem_shared>>
        tpu.wait_indirect_dma semaphore(%run_scoped3A_676 : memref<!tpu.dma_semaphore, #tpu.memory_space<semaphore_mem>>) src(%dma_wait3A_690 : memref<64x128xf32, #tpu.memory_space<vmem>>) dst(%dma_wait3A_696 : memref<10240x128xf32, #tpu.memory_space<vmem_shared>>)
        tpu.yield
      }) : () -> ()
      %get3A_532 = arith.constant 5 : i32
      %get3A_533 = arith.constant 1 : i32
      %get3A_534 = arith.index_cast %get3A_532 : i32 to index
      %get3A_535 = arith.index_cast %get3A_533 : i32 to index
      %get3A_536 = arith.constant 0 : index
      %get3A_537 = tpu.vector_load %arg9[%get3A_534, %get3A_535, %get3A_536] {strides = array<i32>} : memref<8x2x64xi32, #tpu.memory_space<vmem>>, vector<16xi32>,
      tpu.vector_store_idx %arg11[%get3A_537], %broadcast_in_dim3A_1 {add = true} : memref<10240xf32, #tpu.memory_space<vmem>>[vector<16xi32>], vector<16xf32>,
      %get3A_538 = arith.constant 5 : i32
      %get3A_539 = arith.constant 1 : i32
      %get3A_540 = arith.index_cast %get3A_538 : i32 to index
      %get3A_541 = arith.index_cast %get3A_539 : i32 to index
      %get3A_542 = arith.constant 16 : index
      %get3A_543 = tpu.vector_load %arg9[%get3A_540, %get3A_541, %get3A_542] {strides = array<i32>} : memref<8x2x64xi32, #tpu.memory_space<vmem>>, vector<16xi32>,
      tpu.vector_store_idx %arg11[%get3A_543], %broadcast_in_dim3A_1 {add = true} : memref<10240xf32, #tpu.memory_space<vmem>>[vector<16xi32>], vector<16xf32>,
      %get3A_544 = arith.constant 5 : i32
      %get3A_545 = arith.constant 1 : i32
      %get3A_546 = arith.index_cast %get3A_544 : i32 to index
      %get3A_547 = arith.index_cast %get3A_545 : i32 to index
      %get3A_548 = arith.constant 32 : index
      %get3A_549 = tpu.vector_load %arg9[%get3A_546, %get3A_547, %get3A_548] {strides = array<i32>} : memref<8x2x64xi32, #tpu.memory_space<vmem>>, vector<16xi32>,
      tpu.vector_store_idx %arg11[%get3A_549], %broadcast_in_dim3A_1 {add = true} : memref<10240xf32, #tpu.memory_space<vmem>>[vector<16xi32>], vector<16xf32>,
      %get3A_550 = arith.constant 5 : i32
      %get3A_551 = arith.constant 1 : i32
      %get3A_552 = arith.index_cast %get3A_550 : i32 to index
      %get3A_553 = arith.index_cast %get3A_551 : i32 to index
      %get3A_554 = arith.constant 48 : index
      %get3A_555 = tpu.vector_load %arg9[%get3A_552, %get3A_553, %get3A_554] {strides = array<i32>} : memref<8x2x64xi32, #tpu.memory_space<vmem>>, vector<16xi32>,
      tpu.vector_store_idx %arg11[%get3A_555], %broadcast_in_dim3A_1 {add = true} : memref<10240xf32, #tpu.memory_space<vmem>>[vector<16xi32>], vector<16xf32>,
      %mul3A_556 = arith.constant 8 : i32
      %mul3A_557 = arith.muli %mul3A_556, %scan3A_200 : i32
      %add3A_558 = arith.constant 6 : i32
      %add3A_559 = arith.addi %mul3A_557, %add3A_558 : i32
      %dma_wait3A_560 = arith.constant 2 : i32
      %dma_wait3A_561 = arith.constant 0 : i32
      %dma_wait3A_562 = arith.constant 0 : i32
      %dma_wait3A_563 = tpu.memref_slice %arg10[%dma_wait3A_560, %dma_wait3A_561, %dma_wait3A_562] : memref<4x64x128xf32, #tpu.memory_space<vmem>> -> memref<1x64x128xf32, #tpu.memory_space<vmem>>
      %dma_wait3A_564 = tpu.memref_squeeze %dma_wait3A_563 : memref<1x64x128xf32, #tpu.memory_space<vmem>> -> memref<64x128xf32, #tpu.memory_space<vmem>>
      %dma_wait3A_565 = arith.constant 0 : i32
      %dma_wait3A_566 = arith.constant 0 : i32
      %dma_wait3A_567 = tpu.memref_slice %arg2[%dma_wait3A_565, %dma_wait3A_566] : memref<10240x128xf32, #tpu.memory_space<hbm>> -> memref<64x128xf32, #tpu.memory_space<hbm>>
      %dma_wait3A_568 = arith.constant 0 : i32
      %dma_wait3A_569 = arith.constant 0 : i32
      %dma_wait3A_570 = tpu.memref_slice %arg10[%dma_wait3A_560, %dma_wait3A_568, %dma_wait3A_569] : memref<4x64x128xf32, #tpu.memory_space<vmem>> -> memref<1x64x128xf32, #tpu.memory_space<vmem>>
      %dma_wait3A_571 = tpu.memref_squeeze %dma_wait3A_570 : memref<1x64x128xf32, #tpu.memory_space<vmem>> -> memref<64x128xf32, #tpu.memory_space<vmem>>
      %dma_wait3A_572 = arith.constant 0 : i32
      %dma_wait3A_573 = arith.constant 0 : i32
      %dma_wait3A_574 = tpu.memref_slice %arg2[%dma_wait3A_572, %dma_wait3A_573] : memref<10240x128xf32, #tpu.memory_space<hbm>> -> memref<64x128xf32, #tpu.memory_space<hbm>>
      tpu.wait_dma2 semaphore(%arg14 : memref<!tpu.dma_semaphore, #tpu.memory_space<semaphore_mem>>) src(%dma_wait3A_574 : memref<64x128xf32, #tpu.memory_space<hbm>>) dst(%dma_wait3A_571 : memref<64x128xf32, #tpu.memory_space<vmem>>)
      %add3A_575 = arith.constant 3 : i32
      %add3A_576 = arith.addi %add3A_559, %add3A_575 : i32
      %lt3A_577 = arith.constant 160 : i32
      %lt3A_578 = arith.cmpi slt, %add3A_576, %lt3A_577 : i32
      %convert_element_type3A_579 = arith.extui %lt3A_578 : i1 to i32
      %cond3A_580 = arith.constant 0 : i32
      %cond3A_581 = arith.cmpi ne, %convert_element_type3A_579, %cond3A_580 : i32
      scf.if %cond3A_581 {
        %dma_wait3A_676 = arith.constant 0 : i32
        %dma_wait3A_677 = arith.constant 0 : i32
        %dma_wait3A_678 = arith.constant 1 : i32
        %dma_wait3A_679 = arith.constant 0 : i32
        %dma_wait3A_680 = arith.constant 0 : i32
        %dma_wait3A_681 = tpu.memref_slice %arg9[%dma_wait3A_678, %dma_wait3A_679, %dma_wait3A_680] : memref<8x2x64xi32, #tpu.memory_space<vmem>> -> memref<1x2x64xi32, #tpu.memory_space<vmem>>
        %dma_wait3A_682 = tpu.memref_squeeze %dma_wait3A_681 : memref<1x2x64xi32, #tpu.memory_space<vmem>> -> memref<2x64xi32, #tpu.memory_space<vmem>>
        %dma_wait3A_683 = arith.constant 0 : i32
        %dma_wait3A_684 = arith.constant 0 : i32
        %dma_wait3A_685 = tpu.memref_slice %arg3[%dma_wait3A_676, %dma_wait3A_677, %dma_wait3A_683, %dma_wait3A_684] : memref<32x160x2x64xi32, #tpu.memory_space<hbm>> -> memref<1x1x2x64xi32, #tpu.memory_space<hbm>>
        %dma_wait3A_686 = tpu.memref_squeeze %dma_wait3A_685 : memref<1x1x2x64xi32, #tpu.memory_space<hbm>> -> memref<2x64xi32, #tpu.memory_space<hbm>>
        %dma_wait3A_687 = arith.constant 0 : i32
        %dma_wait3A_688 = arith.constant 0 : i32
        %dma_wait3A_689 = tpu.memref_slice %arg9[%dma_wait3A_678, %dma_wait3A_687, %dma_wait3A_688] : memref<8x2x64xi32, #tpu.memory_space<vmem>> -> memref<1x2x64xi32, #tpu.memory_space<vmem>>
        %dma_wait3A_690 = tpu.memref_squeeze %dma_wait3A_689 : memref<1x2x64xi32, #tpu.memory_space<vmem>> -> memref<2x64xi32, #tpu.memory_space<vmem>>
        %dma_wait3A_691 = arith.constant 0 : i32
        %dma_wait3A_692 = arith.constant 0 : i32
        %dma_wait3A_693 = tpu.memref_slice %arg3[%dma_wait3A_676, %dma_wait3A_677, %dma_wait3A_691, %dma_wait3A_692] : memref<32x160x2x64xi32, #tpu.memory_space<hbm>> -> memref<1x1x2x64xi32, #tpu.memory_space<hbm>>
        %dma_wait3A_694 = tpu.memref_squeeze %dma_wait3A_693 : memref<1x1x2x64xi32, #tpu.memory_space<hbm>> -> memref<2x64xi32, #tpu.memory_space<hbm>>
        tpu.wait_dma2 semaphore(%arg17 : memref<!tpu.dma_semaphore, #tpu.memory_space<semaphore_mem>>) src(%dma_wait3A_694 : memref<2x64xi32, #tpu.memory_space<hbm>>) dst(%dma_wait3A_690 : memref<2x64xi32, #tpu.memory_space<vmem>>)
        %dma_start3A_695 = arith.constant 1 : i32
        %dma_start3A_696 = arith.constant 0 : i32
        %dma_start3A_697 = arith.constant 1 : i32
        %dma_start3A_698 = arith.constant 0 : i32
        %dma_start3A_699 = arith.constant 0 : i32
        %dma_start3A_700 = tpu.memref_slice %arg10[%dma_start3A_697, %dma_start3A_698, %dma_start3A_699] : memref<4x64x128xf32, #tpu.memory_space<vmem>> -> memref<1x64x128xf32, #tpu.memory_space<vmem>>
        %dma_start3A_701 = tpu.memref_squeeze %dma_start3A_700 : memref<1x64x128xf32, #tpu.memory_space<vmem>> -> memref<64x128xf32, #tpu.memory_space<vmem>>
        %dma_start3A_702 = arith.constant 0 : i32
        %dma_start3A_703 = tpu.memref_slice %arg9[%dma_start3A_695, %dma_start3A_696, %dma_start3A_702] : memref<8x2x64xi32, #tpu.memory_space<vmem>> -> memref<1x1x64xi32, #tpu.memory_space<vmem>>
        %dma_start3A_704 = tpu.memref_squeeze %dma_start3A_703 : memref<1x1x64xi32, #tpu.memory_space<vmem>> -> memref<64xi32, #tpu.memory_space<vmem>>
        %dma_start3A_705 = arith.constant 0 : i32
        %dma_start3A_706 = arith.constant 0 : i32
        %dma_start3A_707 = tpu.memref_slice %arg2[%dma_start3A_705, %dma_start3A_706] : memref<10240x128xf32, #tpu.memory_space<hbm>> -> memref<10240x128xf32, #tpu.memory_space<hbm>>
        tpu.enqueue_indirect_dma source(%dma_start3A_707 : memref<10240x128xf32, #tpu.memory_space<hbm>>) target(%dma_start3A_701 : memref<64x128xf32, #tpu.memory_space<vmem>>) offsets(%dma_start3A_704 : memref<64xi32, #tpu.memory_space<vmem>>) semaphore(%arg13 : memref<!tpu.dma_semaphore, #tpu.memory_space<semaphore_mem>>)
      } else {
      }
      %add3A_582 = arith.constant 5 : i32
      %add3A_583 = arith.addi %add3A_559, %add3A_582 : i32
      %lt3A_584 = arith.constant 160 : i32
      %lt3A_585 = arith.cmpi slt, %add3A_583, %lt3A_584 : i32
      %convert_element_type3A_586 = arith.extui %lt3A_585 : i1 to i32
      %cond3A_587 = arith.constant 0 : i32
      %cond3A_588 = arith.cmpi ne, %convert_element_type3A_586, %cond3A_587 : i32
      scf.if %cond3A_588 {
        %add3A_676 = arith.constant 5 : i32
        %add3A_677 = arith.addi %add3A_559, %add3A_676 : i32
        %dma_start3A_678 = arith.constant 3 : i32
        %dma_start3A_679 = arith.constant 0 : i32
        %dma_start3A_680 = arith.constant 0 : i32
        %dma_start3A_681 = tpu.memref_slice %arg9[%dma_start3A_678, %dma_start3A_679, %dma_start3A_680] : memref<8x2x64xi32, #tpu.memory_space<vmem>> -> memref<1x2x64xi32, #tpu.memory_space<vmem>>
        %dma_start3A_682 = tpu.memref_squeeze %dma_start3A_681 : memref<1x2x64xi32, #tpu.memory_space<vmem>> -> memref<2x64xi32, #tpu.memory_space<vmem>>
        %dma_start3A_683 = arith.constant 0 : i32
        %dma_start3A_684 = arith.constant 0 : i32
        %dma_start3A_685 = tpu.memref_slice %arg3[%add3A, %add3A_677, %dma_start3A_683, %dma_start3A_684] : memref<32x160x2x64xi32, #tpu.memory_space<hbm>> -> memref<1x1x2x64xi32, #tpu.memory_space<hbm>>
        %dma_start3A_686 = tpu.memref_squeeze %dma_start3A_685 : memref<1x1x2x64xi32, #tpu.memory_space<hbm>> -> memref<2x64xi32, #tpu.memory_space<hbm>>
        %dma_start3A_687 = arith.constant 0 : i32
        %dma_start3A_688 = arith.constant 0 : i32
        %dma_start3A_689 = tpu.memref_slice %arg9[%dma_start3A_678, %dma_start3A_687, %dma_start3A_688] : memref<8x2x64xi32, #tpu.memory_space<vmem>> -> memref<1x2x64xi32, #tpu.memory_space<vmem>>
        %dma_start3A_690 = tpu.memref_squeeze %dma_start3A_689 : memref<1x2x64xi32, #tpu.memory_space<vmem>> -> memref<2x64xi32, #tpu.memory_space<vmem>>
        %dma_start3A_691 = arith.constant 0 : i32
        %dma_start3A_692 = arith.constant 0 : i32
        %dma_start3A_693 = tpu.memref_slice %arg3[%add3A, %add3A_677, %dma_start3A_691, %dma_start3A_692] : memref<32x160x2x64xi32, #tpu.memory_space<hbm>> -> memref<1x1x2x64xi32, #tpu.memory_space<hbm>>
        %dma_start3A_694 = tpu.memref_squeeze %dma_start3A_693 : memref<1x1x2x64xi32, #tpu.memory_space<hbm>> -> memref<2x64xi32, #tpu.memory_space<hbm>>
        tpu.enqueue_dma source(%dma_start3A_694 : memref<2x64xi32, #tpu.memory_space<hbm>>) target(%dma_start3A_690 : memref<2x64xi32, #tpu.memory_space<vmem>>) target_semaphore(%arg19 : memref<!tpu.dma_semaphore, #tpu.memory_space<semaphore_mem>>)
      } else {
      }
      %run_scoped3A_589 = arith.constant 2 : i32
      %run_scoped3A_590 = arith.constant 6 : i32
      %run_scoped3A_591 = arith.constant 1 : i32
      "tpu.region"() ({
        %run_scoped3A_676 = tpu.sem_alloc : memref<!tpu.dma_semaphore, #tpu.memory_space<semaphore_mem>>
        %dma_start3A_677 = arith.constant 0 : i32
        %dma_start3A_678 = arith.constant 0 : i32
        %dma_start3A_679 = tpu.memref_slice %arg10[%run_scoped3A_589, %dma_start3A_677, %dma_start3A_678] : memref<4x64x128xf32, #tpu.memory_space<vmem>> -> memref<1x64x128xf32, #tpu.memory_space<vmem>>
        %dma_start3A_680 = tpu.memref_squeeze %dma_start3A_679 : memref<1x64x128xf32, #tpu.memory_space<vmem>> -> memref<64x128xf32, #tpu.memory_space<vmem>>
        %dma_start3A_681 = arith.constant 0 : i32
        %dma_start3A_682 = tpu.memref_slice %arg9[%run_scoped3A_590, %run_scoped3A_591, %dma_start3A_681] : memref<8x2x64xi32, #tpu.memory_space<vmem>> -> memref<1x1x64xi32, #tpu.memory_space<vmem>>
        %dma_start3A_683 = tpu.memref_squeeze %dma_start3A_682 : memref<1x1x64xi32, #tpu.memory_space<vmem>> -> memref<64xi32, #tpu.memory_space<vmem>>
        %dma_start3A_684 = arith.constant 0 : i32
        %dma_start3A_685 = arith.constant 0 : i32
        %dma_start3A_686 = tpu.memref_slice %arg8[%dma_start3A_684, %dma_start3A_685] : memref<10240x128xf32, #tpu.memory_space<vmem_shared>> -> memref<10240x128xf32, #tpu.memory_space<vmem_shared>>
        tpu.enqueue_indirect_dma source(%dma_start3A_680 : memref<64x128xf32, #tpu.memory_space<vmem>>) target(%dma_start3A_686 : memref<10240x128xf32, #tpu.memory_space<vmem_shared>>) offsets(%dma_start3A_683 : memref<64xi32, #tpu.memory_space<vmem>>) semaphore(%run_scoped3A_676 : memref<!tpu.dma_semaphore, #tpu.memory_space<semaphore_mem>>) {add = true}
        %dma_wait3A_687 = arith.constant 0 : i32
        %dma_wait3A_688 = arith.constant 0 : i32
        %dma_wait3A_689 = tpu.memref_slice %arg10[%run_scoped3A_589, %dma_wait3A_687, %dma_wait3A_688] : memref<4x64x128xf32, #tpu.memory_space<vmem>> -> memref<1x64x128xf32, #tpu.memory_space<vmem>>
        %dma_wait3A_690 = tpu.memref_squeeze %dma_wait3A_689 : memref<1x64x128xf32, #tpu.memory_space<vmem>> -> memref<64x128xf32, #tpu.memory_space<vmem>>
        %dma_wait3A_691 = arith.constant 0 : i32
        %dma_wait3A_692 = tpu.memref_slice %arg9[%run_scoped3A_590, %run_scoped3A_591, %dma_wait3A_691] : memref<8x2x64xi32, #tpu.memory_space<vmem>> -> memref<1x1x64xi32, #tpu.memory_space<vmem>>
        %dma_wait3A_693 = tpu.memref_squeeze %dma_wait3A_692 : memref<1x1x64xi32, #tpu.memory_space<vmem>> -> memref<64xi32, #tpu.memory_space<vmem>>
        %dma_wait3A_694 = arith.constant 0 : i32
        %dma_wait3A_695 = arith.constant 0 : i32
        %dma_wait3A_696 = tpu.memref_slice %arg8[%dma_wait3A_694, %dma_wait3A_695] : memref<10240x128xf32, #tpu.memory_space<vmem_shared>> -> memref<10240x128xf32, #tpu.memory_space<vmem_shared>>
        tpu.wait_indirect_dma semaphore(%run_scoped3A_676 : memref<!tpu.dma_semaphore, #tpu.memory_space<semaphore_mem>>) src(%dma_wait3A_690 : memref<64x128xf32, #tpu.memory_space<vmem>>) dst(%dma_wait3A_696 : memref<10240x128xf32, #tpu.memory_space<vmem_shared>>)
        tpu.yield
      }) : () -> ()
      %get3A_592 = arith.constant 6 : i32
      %get3A_593 = arith.constant 1 : i32
      %get3A_594 = arith.index_cast %get3A_592 : i32 to index
      %get3A_595 = arith.index_cast %get3A_593 : i32 to index
      %get3A_596 = arith.constant 0 : index
      %get3A_597 = tpu.vector_load %arg9[%get3A_594, %get3A_595, %get3A_596] {strides = array<i32>} : memref<8x2x64xi32, #tpu.memory_space<vmem>>, vector<16xi32>,
      tpu.vector_store_idx %arg11[%get3A_597], %broadcast_in_dim3A_1 {add = true} : memref<10240xf32, #tpu.memory_space<vmem>>[vector<16xi32>], vector<16xf32>,
      %get3A_598 = arith.constant 6 : i32
      %get3A_599 = arith.constant 1 : i32
      %get3A_600 = arith.index_cast %get3A_598 : i32 to index
      %get3A_601 = arith.index_cast %get3A_599 : i32 to index
      %get3A_602 = arith.constant 16 : index
      %get3A_603 = tpu.vector_load %arg9[%get3A_600, %get3A_601, %get3A_602] {strides = array<i32>} : memref<8x2x64xi32, #tpu.memory_space<vmem>>, vector<16xi32>,
      tpu.vector_store_idx %arg11[%get3A_603], %broadcast_in_dim3A_1 {add = true} : memref<10240xf32, #tpu.memory_space<vmem>>[vector<16xi32>], vector<16xf32>,
      %get3A_604 = arith.constant 6 : i32
      %get3A_605 = arith.constant 1 : i32
      %get3A_606 = arith.index_cast %get3A_604 : i32 to index
      %get3A_607 = arith.index_cast %get3A_605 : i32 to index
      %get3A_608 = arith.constant 32 : index
      %get3A_609 = tpu.vector_load %arg9[%get3A_606, %get3A_607, %get3A_608] {strides = array<i32>} : memref<8x2x64xi32, #tpu.memory_space<vmem>>, vector<16xi32>,
      tpu.vector_store_idx %arg11[%get3A_609], %broadcast_in_dim3A_1 {add = true} : memref<10240xf32, #tpu.memory_space<vmem>>[vector<16xi32>], vector<16xf32>,
      %get3A_610 = arith.constant 6 : i32
      %get3A_611 = arith.constant 1 : i32
      %get3A_612 = arith.index_cast %get3A_610 : i32 to index
      %get3A_613 = arith.index_cast %get3A_611 : i32 to index
      %get3A_614 = arith.constant 48 : index
      %get3A_615 = tpu.vector_load %arg9[%get3A_612, %get3A_613, %get3A_614] {strides = array<i32>} : memref<8x2x64xi32, #tpu.memory_space<vmem>>, vector<16xi32>,
      tpu.vector_store_idx %arg11[%get3A_615], %broadcast_in_dim3A_1 {add = true} : memref<10240xf32, #tpu.memory_space<vmem>>[vector<16xi32>], vector<16xf32>,
      %mul3A_616 = arith.constant 8 : i32
      %mul3A_617 = arith.muli %mul3A_616, %scan3A_200 : i32
      %add3A_618 = arith.constant 7 : i32
      %add3A_619 = arith.addi %mul3A_617, %add3A_618 : i32
      %dma_wait3A_620 = arith.constant 3 : i32
      %dma_wait3A_621 = arith.constant 0 : i32
      %dma_wait3A_622 = arith.constant 0 : i32
      %dma_wait3A_623 = tpu.memref_slice %arg10[%dma_wait3A_620, %dma_wait3A_621, %dma_wait3A_622] : memref<4x64x128xf32, #tpu.memory_space<vmem>> -> memref<1x64x128xf32, #tpu.memory_space<vmem>>
      %dma_wait3A_624 = tpu.memref_squeeze %dma_wait3A_623 : memref<1x64x128xf32, #tpu.memory_space<vmem>> -> memref<64x128xf32, #tpu.memory_space<vmem>>
      %dma_wait3A_625 = arith.constant 0 : i32
      %dma_wait3A_626 = arith.constant 0 : i32
      %dma_wait3A_627 = tpu.memref_slice %arg2[%dma_wait3A_625, %dma_wait3A_626] : memref<10240x128xf32, #tpu.memory_space<hbm>> -> memref<64x128xf32, #tpu.memory_space<hbm>>
      %dma_wait3A_628 = arith.constant 0 : i32
      %dma_wait3A_629 = arith.constant 0 : i32
      %dma_wait3A_630 = tpu.memref_slice %arg10[%dma_wait3A_620, %dma_wait3A_628, %dma_wait3A_629] : memref<4x64x128xf32, #tpu.memory_space<vmem>> -> memref<1x64x128xf32, #tpu.memory_space<vmem>>
      %dma_wait3A_631 = tpu.memref_squeeze %dma_wait3A_630 : memref<1x64x128xf32, #tpu.memory_space<vmem>> -> memref<64x128xf32, #tpu.memory_space<vmem>>
      %dma_wait3A_632 = arith.constant 0 : i32
      %dma_wait3A_633 = arith.constant 0 : i32
      %dma_wait3A_634 = tpu.memref_slice %arg2[%dma_wait3A_632, %dma_wait3A_633] : memref<10240x128xf32, #tpu.memory_space<hbm>> -> memref<64x128xf32, #tpu.memory_space<hbm>>
      tpu.wait_dma2 semaphore(%arg15 : memref<!tpu.dma_semaphore, #tpu.memory_space<semaphore_mem>>) src(%dma_wait3A_634 : memref<64x128xf32, #tpu.memory_space<hbm>>) dst(%dma_wait3A_631 : memref<64x128xf32, #tpu.memory_space<vmem>>)
      %add3A_635 = arith.constant 3 : i32
      %add3A_636 = arith.addi %add3A_619, %add3A_635 : i32
      %lt3A_637 = arith.constant 160 : i32
      %lt3A_638 = arith.cmpi slt, %add3A_636, %lt3A_637 : i32
      %convert_element_type3A_639 = arith.extui %lt3A_638 : i1 to i32
      %cond3A_640 = arith.constant 0 : i32
      %cond3A_641 = arith.cmpi ne, %convert_element_type3A_639, %cond3A_640 : i32
      scf.if %cond3A_641 {
        %dma_wait3A_676 = arith.constant 0 : i32
        %dma_wait3A_677 = arith.constant 0 : i32
        %dma_wait3A_678 = arith.constant 2 : i32
        %dma_wait3A_679 = arith.constant 0 : i32
        %dma_wait3A_680 = arith.constant 0 : i32
        %dma_wait3A_681 = tpu.memref_slice %arg9[%dma_wait3A_678, %dma_wait3A_679, %dma_wait3A_680] : memref<8x2x64xi32, #tpu.memory_space<vmem>> -> memref<1x2x64xi32, #tpu.memory_space<vmem>>
        %dma_wait3A_682 = tpu.memref_squeeze %dma_wait3A_681 : memref<1x2x64xi32, #tpu.memory_space<vmem>> -> memref<2x64xi32, #tpu.memory_space<vmem>>
        %dma_wait3A_683 = arith.constant 0 : i32
        %dma_wait3A_684 = arith.constant 0 : i32
        %dma_wait3A_685 = tpu.memref_slice %arg3[%dma_wait3A_676, %dma_wait3A_677, %dma_wait3A_683, %dma_wait3A_684] : memref<32x160x2x64xi32, #tpu.memory_space<hbm>> -> memref<1x1x2x64xi32, #tpu.memory_space<hbm>>
        %dma_wait3A_686 = tpu.memref_squeeze %dma_wait3A_685 : memref<1x1x2x64xi32, #tpu.memory_space<hbm>> -> memref<2x64xi32, #tpu.memory_space<hbm>>
        %dma_wait3A_687 = arith.constant 0 : i32
        %dma_wait3A_688 = arith.constant 0 : i32
        %dma_wait3A_689 = tpu.memref_slice %arg9[%dma_wait3A_678, %dma_wait3A_687, %dma_wait3A_688] : memref<8x2x64xi32, #tpu.memory_space<vmem>> -> memref<1x2x64xi32, #tpu.memory_space<vmem>>
        %dma_wait3A_690 = tpu.memref_squeeze %dma_wait3A_689 : memref<1x2x64xi32, #tpu.memory_space<vmem>> -> memref<2x64xi32, #tpu.memory_space<vmem>>
        %dma_wait3A_691 = arith.constant 0 : i32
        %dma_wait3A_692 = arith.constant 0 : i32
        %dma_wait3A_693 = tpu.memref_slice %arg3[%dma_wait3A_676, %dma_wait3A_677, %dma_wait3A_691, %dma_wait3A_692] : memref<32x160x2x64xi32, #tpu.memory_space<hbm>> -> memref<1x1x2x64xi32, #tpu.memory_space<hbm>>
        %dma_wait3A_694 = tpu.memref_squeeze %dma_wait3A_693 : memref<1x1x2x64xi32, #tpu.memory_space<hbm>> -> memref<2x64xi32, #tpu.memory_space<hbm>>
        tpu.wait_dma2 semaphore(%arg18 : memref<!tpu.dma_semaphore, #tpu.memory_space<semaphore_mem>>) src(%dma_wait3A_694 : memref<2x64xi32, #tpu.memory_space<hbm>>) dst(%dma_wait3A_690 : memref<2x64xi32, #tpu.memory_space<vmem>>)
        %dma_start3A_695 = arith.constant 2 : i32
        %dma_start3A_696 = arith.constant 0 : i32
        %dma_start3A_697 = arith.constant 2 : i32
        %dma_start3A_698 = arith.constant 0 : i32
        %dma_start3A_699 = arith.constant 0 : i32
        %dma_start3A_700 = tpu.memref_slice %arg10[%dma_start3A_697, %dma_start3A_698, %dma_start3A_699] : memref<4x64x128xf32, #tpu.memory_space<vmem>> -> memref<1x64x128xf32, #tpu.memory_space<vmem>>
        %dma_start3A_701 = tpu.memref_squeeze %dma_start3A_700 : memref<1x64x128xf32, #tpu.memory_space<vmem>> -> memref<64x128xf32, #tpu.memory_space<vmem>>
        %dma_start3A_702 = arith.constant 0 : i32
        %dma_start3A_703 = tpu.memref_slice %arg9[%dma_start3A_695, %dma_start3A_696, %dma_start3A_702] : memref<8x2x64xi32, #tpu.memory_space<vmem>> -> memref<1x1x64xi32, #tpu.memory_space<vmem>>
        %dma_start3A_704 = tpu.memref_squeeze %dma_start3A_703 : memref<1x1x64xi32, #tpu.memory_space<vmem>> -> memref<64xi32, #tpu.memory_space<vmem>>
        %dma_start3A_705 = arith.constant 0 : i32
        %dma_start3A_706 = arith.constant 0 : i32
        %dma_start3A_707 = tpu.memref_slice %arg2[%dma_start3A_705, %dma_start3A_706] : memref<10240x128xf32, #tpu.memory_space<hbm>> -> memref<10240x128xf32, #tpu.memory_space<hbm>>
        tpu.enqueue_indirect_dma source(%dma_start3A_707 : memref<10240x128xf32, #tpu.memory_space<hbm>>) target(%dma_start3A_701 : memref<64x128xf32, #tpu.memory_space<vmem>>) offsets(%dma_start3A_704 : memref<64xi32, #tpu.memory_space<vmem>>) semaphore(%arg14 : memref<!tpu.dma_semaphore, #tpu.memory_space<semaphore_mem>>)
      } else {
      }
      %add3A_642 = arith.constant 5 : i32
      %add3A_643 = arith.addi %add3A_619, %add3A_642 : i32
      %lt3A_644 = arith.constant 160 : i32
      %lt3A_645 = arith.cmpi slt, %add3A_643, %lt3A_644 : i32
      %convert_element_type3A_646 = arith.extui %lt3A_645 : i1 to i32
      %cond3A_647 = arith.constant 0 : i32
      %cond3A_648 = arith.cmpi ne, %convert_element_type3A_646, %cond3A_647 : i32
      scf.if %cond3A_648 {
        %add3A_676 = arith.constant 5 : i32
        %add3A_677 = arith.addi %add3A_619, %add3A_676 : i32
        %dma_start3A_678 = arith.constant 4 : i32
        %dma_start3A_679 = arith.constant 0 : i32
        %dma_start3A_680 = arith.constant 0 : i32
        %dma_start3A_681 = tpu.memref_slice %arg9[%dma_start3A_678, %dma_start3A_679, %dma_start3A_680] : memref<8x2x64xi32, #tpu.memory_space<vmem>> -> memref<1x2x64xi32, #tpu.memory_space<vmem>>
        %dma_start3A_682 = tpu.memref_squeeze %dma_start3A_681 : memref<1x2x64xi32, #tpu.memory_space<vmem>> -> memref<2x64xi32, #tpu.memory_space<vmem>>
        %dma_start3A_683 = arith.constant 0 : i32
        %dma_start3A_684 = arith.constant 0 : i32
        %dma_start3A_685 = tpu.memref_slice %arg3[%add3A, %add3A_677, %dma_start3A_683, %dma_start3A_684] : memref<32x160x2x64xi32, #tpu.memory_space<hbm>> -> memref<1x1x2x64xi32, #tpu.memory_space<hbm>>
        %dma_start3A_686 = tpu.memref_squeeze %dma_start3A_685 : memref<1x1x2x64xi32, #tpu.memory_space<hbm>> -> memref<2x64xi32, #tpu.memory_space<hbm>>
        %dma_start3A_687 = arith.constant 0 : i32
        %dma_start3A_688 = arith.constant 0 : i32
        %dma_start3A_689 = tpu.memref_slice %arg9[%dma_start3A_678, %dma_start3A_687, %dma_start3A_688] : memref<8x2x64xi32, #tpu.memory_space<vmem>> -> memref<1x2x64xi32, #tpu.memory_space<vmem>>
        %dma_start3A_690 = tpu.memref_squeeze %dma_start3A_689 : memref<1x2x64xi32, #tpu.memory_space<vmem>> -> memref<2x64xi32, #tpu.memory_space<vmem>>
        %dma_start3A_691 = arith.constant 0 : i32
        %dma_start3A_692 = arith.constant 0 : i32
        %dma_start3A_693 = tpu.memref_slice %arg3[%add3A, %add3A_677, %dma_start3A_691, %dma_start3A_692] : memref<32x160x2x64xi32, #tpu.memory_space<hbm>> -> memref<1x1x2x64xi32, #tpu.memory_space<hbm>>
        %dma_start3A_694 = tpu.memref_squeeze %dma_start3A_693 : memref<1x1x2x64xi32, #tpu.memory_space<hbm>> -> memref<2x64xi32, #tpu.memory_space<hbm>>
        tpu.enqueue_dma source(%dma_start3A_694 : memref<2x64xi32, #tpu.memory_space<hbm>>) target(%dma_start3A_690 : memref<2x64xi32, #tpu.memory_space<vmem>>) target_semaphore(%arg20 : memref<!tpu.dma_semaphore, #tpu.memory_space<semaphore_mem>>)
      } else {
      }
      %run_scoped3A_649 = arith.constant 3 : i32
      %run_scoped3A_650 = arith.constant 7 : i32
      %run_scoped3A_651 = arith.constant 1 : i32
      "tpu.region"() ({
        %run_scoped3A_676 = tpu.sem_alloc : memref<!tpu.dma_semaphore, #tpu.memory_space<semaphore_mem>>
        %dma_start3A_677 = arith.constant 0 : i32
        %dma_start3A_678 = arith.constant 0 : i32
        %dma_start3A_679 = tpu.memref_slice %arg10[%run_scoped3A_649, %dma_start3A_677, %dma_start3A_678] : memref<4x64x128xf32, #tpu.memory_space<vmem>> -> memref<1x64x128xf32, #tpu.memory_space<vmem>>
        %dma_start3A_680 = tpu.memref_squeeze %dma_start3A_679 : memref<1x64x128xf32, #tpu.memory_space<vmem>> -> memref<64x128xf32, #tpu.memory_space<vmem>>
        %dma_start3A_681 = arith.constant 0 : i32
        %dma_start3A_682 = tpu.memref_slice %arg9[%run_scoped3A_650, %run_scoped3A_651, %dma_start3A_681] : memref<8x2x64xi32, #tpu.memory_space<vmem>> -> memref<1x1x64xi32, #tpu.memory_space<vmem>>
        %dma_start3A_683 = tpu.memref_squeeze %dma_start3A_682 : memref<1x1x64xi32, #tpu.memory_space<vmem>> -> memref<64xi32, #tpu.memory_space<vmem>>
        %dma_start3A_684 = arith.constant 0 : i32
        %dma_start3A_685 = arith.constant 0 : i32
        %dma_start3A_686 = tpu.memref_slice %arg8[%dma_start3A_684, %dma_start3A_685] : memref<10240x128xf32, #tpu.memory_space<vmem_shared>> -> memref<10240x128xf32, #tpu.memory_space<vmem_shared>>
        tpu.enqueue_indirect_dma source(%dma_start3A_680 : memref<64x128xf32, #tpu.memory_space<vmem>>) target(%dma_start3A_686 : memref<10240x128xf32, #tpu.memory_space<vmem_shared>>) offsets(%dma_start3A_683 : memref<64xi32, #tpu.memory_space<vmem>>) semaphore(%run_scoped3A_676 : memref<!tpu.dma_semaphore, #tpu.memory_space<semaphore_mem>>) {add = true}
        %dma_wait3A_687 = arith.constant 0 : i32
        %dma_wait3A_688 = arith.constant 0 : i32
        %dma_wait3A_689 = tpu.memref_slice %arg10[%run_scoped3A_649, %dma_wait3A_687, %dma_wait3A_688] : memref<4x64x128xf32, #tpu.memory_space<vmem>> -> memref<1x64x128xf32, #tpu.memory_space<vmem>>
        %dma_wait3A_690 = tpu.memref_squeeze %dma_wait3A_689 : memref<1x64x128xf32, #tpu.memory_space<vmem>> -> memref<64x128xf32, #tpu.memory_space<vmem>>
        %dma_wait3A_691 = arith.constant 0 : i32
        %dma_wait3A_692 = tpu.memref_slice %arg9[%run_scoped3A_650, %run_scoped3A_651, %dma_wait3A_691] : memref<8x2x64xi32, #tpu.memory_space<vmem>> -> memref<1x1x64xi32, #tpu.memory_space<vmem>>
        %dma_wait3A_693 = tpu.memref_squeeze %dma_wait3A_692 : memref<1x1x64xi32, #tpu.memory_space<vmem>> -> memref<64xi32, #tpu.memory_space<vmem>>
        %dma_wait3A_694 = arith.constant 0 : i32
        %dma_wait3A_695 = arith.constant 0 : i32
        %dma_wait3A_696 = tpu.memref_slice %arg8[%dma_wait3A_694, %dma_wait3A_695] : memref<10240x128xf32, #tpu.memory_space<vmem_shared>> -> memref<10240x128xf32, #tpu.memory_space<vmem_shared>>
        tpu.wait_indirect_dma semaphore(%run_scoped3A_676 : memref<!tpu.dma_semaphore, #tpu.memory_space<semaphore_mem>>) src(%dma_wait3A_690 : memref<64x128xf32, #tpu.memory_space<vmem>>) dst(%dma_wait3A_696 : memref<10240x128xf32, #tpu.memory_space<vmem_shared>>)
        tpu.yield
      }) : () -> ()
      %get3A_652 = arith.constant 7 : i32
      %get3A_653 = arith.constant 1 : i32
      %get3A_654 = arith.index_cast %get3A_652 : i32 to index
      %get3A_655 = arith.index_cast %get3A_653 : i32 to index
      %get3A_656 = arith.constant 0 : index
      %get3A_657 = tpu.vector_load %arg9[%get3A_654, %get3A_655, %get3A_656] {strides = array<i32>} : memref<8x2x64xi32, #tpu.memory_space<vmem>>, vector<16xi32>,
      tpu.vector_store_idx %arg11[%get3A_657], %broadcast_in_dim3A_1 {add = true} : memref<10240xf32, #tpu.memory_space<vmem>>[vector<16xi32>], vector<16xf32>,
      %get3A_658 = arith.constant 7 : i32
      %get3A_659 = arith.constant 1 : i32
      %get3A_660 = arith.index_cast %get3A_658 : i32 to index
      %get3A_661 = arith.index_cast %get3A_659 : i32 to index
      %get3A_662 = arith.constant 16 : index
      %get3A_663 = tpu.vector_load %arg9[%get3A_660, %get3A_661, %get3A_662] {strides = array<i32>} : memref<8x2x64xi32, #tpu.memory_space<vmem>>, vector<16xi32>,
      tpu.vector_store_idx %arg11[%get3A_663], %broadcast_in_dim3A_1 {add = true} : memref<10240xf32, #tpu.memory_space<vmem>>[vector<16xi32>], vector<16xf32>,
      %get3A_664 = arith.constant 7 : i32
      %get3A_665 = arith.constant 1 : i32
      %get3A_666 = arith.index_cast %get3A_664 : i32 to index
      %get3A_667 = arith.index_cast %get3A_665 : i32 to index
      %get3A_668 = arith.constant 32 : index
      %get3A_669 = tpu.vector_load %arg9[%get3A_666, %get3A_667, %get3A_668] {strides = array<i32>} : memref<8x2x64xi32, #tpu.memory_space<vmem>>, vector<16xi32>,
      tpu.vector_store_idx %arg11[%get3A_669], %broadcast_in_dim3A_1 {add = true} : memref<10240xf32, #tpu.memory_space<vmem>>[vector<16xi32>], vector<16xf32>,
      %get3A_670 = arith.constant 7 : i32
      %get3A_671 = arith.constant 1 : i32
      %get3A_672 = arith.index_cast %get3A_670 : i32 to index
      %get3A_673 = arith.index_cast %get3A_671 : i32 to index
      %get3A_674 = arith.constant 48 : index
      %get3A_675 = tpu.vector_load %arg9[%get3A_672, %get3A_673, %get3A_674] {strides = array<i32>} : memref<8x2x64xi32, #tpu.memory_space<vmem>>, vector<16xi32>,
      tpu.vector_store_idx %arg11[%get3A_675], %broadcast_in_dim3A_1 {add = true} : memref<10240xf32, #tpu.memory_space<vmem>>[vector<16xi32>], vector<16xf32>,
    }
    %scan3A_194 = arith.constant 20 : i32
    %barrier3A_195 = arith.constant 0 : index
    tpu.barrier barrier_id(%barrier3A_195)
    %mul3A_196 = arith.constant 640 : i32
    %mul3A_197 = arith.muli %arg1, %mul3A_196 : i32
    %mul3A_198 = arith.constant 640 : i32
    %mul3A_199 = arith.muli %arg1, %mul3A_198 : i32
    "tpu.region"() ({
      %run_scoped3A = tpu.sem_alloc : memref<!tpu.dma_semaphore, #tpu.memory_space<semaphore_mem>>
      %dma_start3A_200 = arith.constant 0 : i32
      %dma_start3A_201 = tpu.memref_slice %arg6[%arg0, %mul3A_199, %dma_start3A_200] : memref<2x10240x128xf32, #tpu.memory_space<hbm>> -> memref<1x640x128xf32, #tpu.memory_space<hbm>>
      %dma_start3A_202 = tpu.memref_squeeze %dma_start3A_201 : memref<1x640x128xf32, #tpu.memory_space<hbm>> -> memref<640x128xf32, #tpu.memory_space<hbm>>
      %dma_start3A_203 = arith.constant 0 : i32
      %dma_start3A_204 = tpu.memref_slice %arg8[%mul3A_197, %dma_start3A_203] : memref<10240x128xf32, #tpu.memory_space<vmem_shared>> -> memref<640x128xf32, #tpu.memory_space<vmem_shared>>
      tpu.enqueue_dma source(%dma_start3A_204 : memref<640x128xf32, #tpu.memory_space<vmem_shared>>) target(%dma_start3A_202 : memref<640x128xf32, #tpu.memory_space<hbm>>) target_semaphore(%run_scoped3A : memref<!tpu.dma_semaphore, #tpu.memory_space<semaphore_mem>>)
      %dma_wait3A_205 = arith.constant 0 : i32
      %dma_wait3A_206 = tpu.memref_slice %arg6[%arg0, %mul3A_199, %dma_wait3A_205] : memref<2x10240x128xf32, #tpu.memory_space<hbm>> -> memref<1x640x128xf32, #tpu.memory_space<hbm>>
      %dma_wait3A_207 = tpu.memref_squeeze %dma_wait3A_206 : memref<1x640x128xf32, #tpu.memory_space<hbm>> -> memref<640x128xf32, #tpu.memory_space<hbm>>
      %dma_wait3A_208 = arith.constant 0 : i32
      %dma_wait3A_209 = tpu.memref_slice %arg8[%mul3A_197, %dma_wait3A_208] : memref<10240x128xf32, #tpu.memory_space<vmem_shared>> -> memref<640x128xf32, #tpu.memory_space<vmem_shared>>
      tpu.wait_dma2 semaphore(%run_scoped3A : memref<!tpu.dma_semaphore, #tpu.memory_space<semaphore_mem>>) src(%dma_wait3A_209 : memref<640x128xf32, #tpu.memory_space<vmem_shared>>) dst(%dma_wait3A_207 : memref<640x128xf32, #tpu.memory_space<hbm>>)
      tpu.yield
    }) : () -> ()
    "tpu.region"() ({
      %run_scoped3A = tpu.sem_alloc : memref<!tpu.dma_semaphore, #tpu.memory_space<semaphore_mem>>
      %dma_start3A_200 = arith.constant 0 : i32
      %dma_start3A_201 = tpu.memref_slice %arg7[%add3A, %dma_start3A_200] : memref<32x10240xf32, #tpu.memory_space<hbm>> -> memref<1x10240xf32, #tpu.memory_space<hbm>>
      %dma_start3A_202 = tpu.memref_squeeze %dma_start3A_201 : memref<1x10240xf32, #tpu.memory_space<hbm>> -> memref<10240xf32, #tpu.memory_space<hbm>>
      %dma_start3A_203 = arith.constant 0 : i32
      %dma_start3A_204 = tpu.memref_slice %arg7[%add3A, %dma_start3A_203] : memref<32x10240xf32, #tpu.memory_space<hbm>> -> memref<1x10240xf32, #tpu.memory_space<hbm>>
      %dma_start3A_205 = tpu.memref_squeeze %dma_start3A_204 : memref<1x10240xf32, #tpu.memory_space<hbm>> -> memref<10240xf32, #tpu.memory_space<hbm>>
      tpu.enqueue_dma source(%arg11 : memref<10240xf32, #tpu.memory_space<vmem>>) target(%dma_start3A_205 : memref<10240xf32, #tpu.memory_space<hbm>>) target_semaphore(%run_scoped3A : memref<!tpu.dma_semaphore, #tpu.memory_space<semaphore_mem>>)
      %dma_wait3A_206 = arith.constant 0 : i32
      %dma_wait3A_207 = tpu.memref_slice %arg7[%add3A, %dma_wait3A_206] : memref<32x10240xf32, #tpu.memory_space<hbm>> -> memref<1x10240xf32, #tpu.memory_space<hbm>>
      %dma_wait3A_208 = tpu.memref_squeeze %dma_wait3A_207 : memref<1x10240xf32, #tpu.memory_space<hbm>> -> memref<10240xf32, #tpu.memory_space<hbm>>
      %dma_wait3A_209 = arith.constant 0 : i32
      %dma_wait3A_210 = tpu.memref_slice %arg7[%add3A, %dma_wait3A_209] : memref<32x10240xf32, #tpu.memory_space<hbm>> -> memref<1x10240xf32, #tpu.memory_space<hbm>>
      %dma_wait3A_211 = tpu.memref_squeeze %dma_wait3A_210 : memref<1x10240xf32, #tpu.memory_space<hbm>> -> memref<10240xf32, #tpu.memory_space<hbm>>
      tpu.wait_dma2 semaphore(%run_scoped3A : memref<!tpu.dma_semaphore, #tpu.memory_space<semaphore_mem>>) src(%arg11 : memref<10240xf32, #tpu.memory_space<vmem>>) dst(%dma_wait3A_211 : memref<10240xf32, #tpu.memory_space<hbm>>)
      tpu.yield
    }) : () -> ()
    return
  }
}

module attributes {stable_mosaic.version = 14 : i64} {
  func.func @_tc_transform_body(%arg0: i32, %arg1: memref<2560x128xf32, #tpu.memory_space<vmem>>, %arg2: memref<128x256xf32, #tpu.memory_space<vmem>>, %arg3: memref<8x128xf32, #tpu.memory_space<vmem>>, %arg4: memref<2560x128xf32, #tpu.memory_space<vmem>>, %arg5: memref<2560x128xf32, #tpu.memory_space<vmem>>) attributes {dimension_semantics = [#tpu.dimension_semantics<arbitrary>], iteration_bounds = array<i64: 4>, scalar_prefetch = 0 : i64, scratch_operands = 0 : i64, tpu.core_type = #tpu.core_type<tc>, window_params = [{transform_indices = @transform_0, window_bounds = array<i64: 2560, 128>}, {pipeline_mode = #tpu.pipeline_mode<synchronous>, transform_indices = @transform_1, window_bounds = array<i64: 128, 256>}, {pipeline_mode = #tpu.pipeline_mode<synchronous>, transform_indices = @transform_2, window_bounds = array<i64: 8, 128>}, {transform_indices = @transform_3, window_bounds = array<i64: 2560, 128>}, {transform_indices = @transform_4, window_bounds = array<i64: 2560, 128>}]} {
    %get3A = arith.constant 0 : index
    %get3A_0 = arith.constant 0 : index
    %get3A_1 = vector.load %arg1[%get3A, %get3A_0] : memref<2560x128xf32, #tpu.memory_space<vmem>>, vector<2560x128xf32>
    %get3A_2 = arith.constant 0 : index
    %get3A_3 = arith.constant 0 : index
    %get3A_4 = vector.load %arg2[%get3A_2, %get3A_3] : memref<128x256xf32, #tpu.memory_space<vmem>>, vector<128x256xf32>
    %dot_general3A = arith.constant dense<0.000000e+00> : vector<2560x256xf32>
    %dot_general3A_5 = tpu.matmul %get3A_1, %get3A_4, %dot_general3A {dimension_numbers = #tpu.dot_dimension_numbers<[1], [0], [0], [1], [0, 0, 1, 1], [], []>, precision = #tpu.contract_precision<fp32>, transpose_lhs_hint = false} : vector<2560x128xf32>, vector<128x256xf32>, vector<2560x256xf32> -> vector<2560x256xf32>
    %slice3A = vector.extract_strided_slice %dot_general3A_5 {offsets = [0, 0], sizes = [2560, 128], strides = [1, 1]} : vector<2560x256xf32> to vector<2560x128xf32>
    %swap3A = arith.constant 0 : index
    %swap3A_6 = arith.constant 0 : index
    %swap3A_7 = vector.load %arg4[%swap3A, %swap3A_6] : memref<2560x128xf32, #tpu.memory_space<vmem>>, vector<2560x128xf32>
    tpu.vector_store %arg4[%swap3A, %swap3A_6], %slice3A {strides = array<i32>} : memref<2560x128xf32, #tpu.memory_space<vmem>>, vector<2560x128xf32>,
    %slice3A_8 = vector.extract_strided_slice %dot_general3A_5 {offsets = [0, 128], sizes = [2560, 128], strides = [1, 1]} : vector<2560x256xf32> to vector<2560x128xf32>
    %get3A_9 = arith.constant 0 : index
    %get3A_10 = arith.constant 0 : index
    %get3A_11 = vector.load %arg3[%get3A_9, %get3A_10] : memref<8x128xf32, #tpu.memory_space<vmem>>, vector<1x128xf32>
    %add3A = vector.broadcast %get3A_11 : vector<1x128xf32> to vector<2560x128xf32>
    %add3A_12 = arith.addf %slice3A_8, %add3A : vector<2560x128xf32>
    %swap3A_13 = arith.constant 0 : index
    %swap3A_14 = arith.constant 0 : index
    %swap3A_15 = vector.load %arg5[%swap3A_13, %swap3A_14] : memref<2560x128xf32, #tpu.memory_space<vmem>>, vector<2560x128xf32>
    tpu.vector_store %arg5[%swap3A_13, %swap3A_14], %add3A_12 {strides = array<i32>} : memref<2560x128xf32, #tpu.memory_space<vmem>>, vector<2560x128xf32>,
    return
  }
  func.func @transform_0(%arg0: i32) -> (i32, i32) {
    %c0_i32 = arith.constant 0 : i32
    %c0_i32_0 = arith.constant 0 : i32
    return %arg0, %c0_i32 : i32, i32
  }
  func.func @transform_1(%arg0: i32) -> (i32, i32) {
    %c0_i32 = arith.constant 0 : i32
    %c0_i32_0 = arith.constant 0 : i32
    %c0_i32_1 = arith.constant 0 : i32
    return %c0_i32, %c0_i32_0 : i32, i32
  }
  func.func @transform_2(%arg0: i32) -> (i32, i32) {
    %c0_i32 = arith.constant 0 : i32
    %c0_i32_0 = arith.constant 0 : i32
    %c0_i32_1 = arith.constant 0 : i32
    return %c0_i32, %c0_i32_0 : i32, i32
  }
  func.func @transform_3(%arg0: i32) -> (i32, i32) {
    %c0_i32 = arith.constant 0 : i32
    %c0_i32_0 = arith.constant 0 : i32
    return %arg0, %c0_i32 : i32, i32
  }
  func.func @transform_4(%arg0: i32) -> (i32, i32) {
    %c0_i32 = arith.constant 0 : i32
    %c0_i32_0 = arith.constant 0 : i32
    return %arg0, %c0_i32 : i32, i32
  }
}

module attributes {stable_mosaic.version = 14 : i64} {
  func.func @_tc_combine_body(%arg0: i32, %arg1: memref<2x2560x128xf32, #tpu.memory_space<vmem>>, %arg2: memref<32x2560xf32, #tpu.memory_space<vmem>>, %arg3: memref<2560x128xf32, #tpu.memory_space<vmem>>, %arg4: memref<128x256xf32, #tpu.memory_space<vmem>>, %arg5: memref<8x128xf32, #tpu.memory_space<vmem>>, %arg6: memref<2560x128xf32, #tpu.memory_space<vmem>>, %arg7: memref<2560x128xf32, #tpu.memory_space<vmem>>) attributes {dimension_semantics = [#tpu.dimension_semantics<arbitrary>], iteration_bounds = array<i64: 4>, scalar_prefetch = 0 : i64, scratch_operands = 0 : i64, tpu.core_type = #tpu.core_type<tc>, window_params = [{transform_indices = @transform_0, window_bounds = array<i64: 2, 2560, 128>}, {transform_indices = @transform_1, window_bounds = array<i64: 32, 2560>}, {transform_indices = @transform_2, window_bounds = array<i64: 2560, 128>}, {pipeline_mode = #tpu.pipeline_mode<synchronous>, transform_indices = @transform_3, window_bounds = array<i64: 128, 256>}, {pipeline_mode = #tpu.pipeline_mode<synchronous>, transform_indices = @transform_4, window_bounds = array<i64: 8, 128>}, {transform_indices = @transform_5, window_bounds = array<i64: 2560, 128>}, {transform_indices = @transform_6, window_bounds = array<i64: 2560, 128>}]} {
    %get3A = arith.constant 0 : index
    %get3A_0 = arith.constant 0 : index
    %get3A_1 = arith.constant 0 : index
    %get3A_2 = vector.load %arg1[%get3A, %get3A_0, %get3A_1] : memref<2x2560x128xf32, #tpu.memory_space<vmem>>, vector<1x2560x128xf32>
    %get3A_3 = vector.shape_cast %get3A_2 : vector<1x2560x128xf32> to vector<2560x128xf32>
    %get3A_4 = arith.constant 1 : index
    %get3A_5 = arith.constant 0 : index
    %get3A_6 = arith.constant 0 : index
    %get3A_7 = vector.load %arg1[%get3A_4, %get3A_5, %get3A_6] : memref<2x2560x128xf32, #tpu.memory_space<vmem>>, vector<1x2560x128xf32>
    %get3A_8 = vector.shape_cast %get3A_7 : vector<1x2560x128xf32> to vector<2560x128xf32>
    %add3A = arith.addf %get3A_3, %get3A_8 : vector<2560x128xf32>
    %get3A_9 = arith.constant 0 : index
    %get3A_10 = arith.constant 0 : index
    %get3A_11 = vector.load %arg2[%get3A_9, %get3A_10] : memref<32x2560xf32, #tpu.memory_space<vmem>>, vector<32x2560xf32>
    %reduce_sum3A = arith.constant dense<0.000000e+00> : vector<2560xf32>
    %reduce_sum3A_12 = vector.multi_reduction <add>, %get3A_11, %reduce_sum3A [0] : vector<32x2560xf32> to vector<2560xf32>
    %max3A = arith.constant 1.000000e+00 : f32
    %max3A_13 = vector.broadcast %max3A : f32 to vector<2560xf32>
    %max3A_14 = arith.maximumf %reduce_sum3A_12, %max3A_13 : vector<2560xf32>
    %broadcast_in_dim3A = vector.shape_cast %max3A_14 : vector<2560xf32> to vector<2560x1xf32>
    %div3A = vector.broadcast %broadcast_in_dim3A : vector<2560x1xf32> to vector<2560x128xf32>
    %div3A_15 = arith.divf %add3A, %div3A : vector<2560x128xf32>
    %get3A_16 = arith.constant 0 : index
    %get3A_17 = arith.constant 0 : index
    %get3A_18 = vector.load %arg3[%get3A_16, %get3A_17] : memref<2560x128xf32, #tpu.memory_space<vmem>>, vector<2560x128xf32>
    %add3A_19 = arith.addf %div3A_15, %get3A_18 : vector<2560x128xf32>
    %max3A_20 = arith.constant 0.000000e+00 : f32
    %max3A_21 = vector.broadcast %max3A_20 : f32 to vector<2560x128xf32>
    %max3A_22 = arith.maximumf %add3A_19, %max3A_21 : vector<2560x128xf32>
    %get3A_23 = arith.constant 0 : index
    %get3A_24 = arith.constant 0 : index
    %get3A_25 = vector.load %arg4[%get3A_23, %get3A_24] : memref<128x256xf32, #tpu.memory_space<vmem>>, vector<128x256xf32>
    %dot_general3A = arith.constant dense<0.000000e+00> : vector<2560x256xf32>
    %dot_general3A_26 = tpu.matmul %max3A_22, %get3A_25, %dot_general3A {dimension_numbers = #tpu.dot_dimension_numbers<[1], [0], [0], [1], [0, 0, 1, 1], [], []>, precision = #tpu.contract_precision<fp32>, transpose_lhs_hint = false} : vector<2560x128xf32>, vector<128x256xf32>, vector<2560x256xf32> -> vector<2560x256xf32>
    %slice3A = vector.extract_strided_slice %dot_general3A_26 {offsets = [0, 0], sizes = [2560, 128], strides = [1, 1]} : vector<2560x256xf32> to vector<2560x128xf32>
    %swap3A = arith.constant 0 : index
    %swap3A_27 = arith.constant 0 : index
    %swap3A_28 = vector.load %arg6[%swap3A, %swap3A_27] : memref<2560x128xf32, #tpu.memory_space<vmem>>, vector<2560x128xf32>
    tpu.vector_store %arg6[%swap3A, %swap3A_27], %slice3A {strides = array<i32>} : memref<2560x128xf32, #tpu.memory_space<vmem>>, vector<2560x128xf32>,
    %slice3A_29 = vector.extract_strided_slice %dot_general3A_26 {offsets = [0, 128], sizes = [2560, 128], strides = [1, 1]} : vector<2560x256xf32> to vector<2560x128xf32>
    %get3A_30 = arith.constant 0 : index
    %get3A_31 = arith.constant 0 : index
    %get3A_32 = vector.load %arg5[%get3A_30, %get3A_31] : memref<8x128xf32, #tpu.memory_space<vmem>>, vector<1x128xf32>
    %add3A_33 = vector.broadcast %get3A_32 : vector<1x128xf32> to vector<2560x128xf32>
    %add3A_34 = arith.addf %slice3A_29, %add3A_33 : vector<2560x128xf32>
    %swap3A_35 = arith.constant 0 : index
    %swap3A_36 = arith.constant 0 : index
    %swap3A_37 = vector.load %arg7[%swap3A_35, %swap3A_36] : memref<2560x128xf32, #tpu.memory_space<vmem>>, vector<2560x128xf32>
    tpu.vector_store %arg7[%swap3A_35, %swap3A_36], %add3A_34 {strides = array<i32>} : memref<2560x128xf32, #tpu.memory_space<vmem>>, vector<2560x128xf32>,
    return
  }
  func.func @transform_0(%arg0: i32) -> (i32, i32, i32) {
    %c0_i32 = arith.constant 0 : i32
    %c0_i32_0 = arith.constant 0 : i32
    %c0_i32_1 = arith.constant 0 : i32
    return %c0_i32, %arg0, %c0_i32_0 : i32, i32, i32
  }
  func.func @transform_1(%arg0: i32) -> (i32, i32) {
    %c0_i32 = arith.constant 0 : i32
    %c0_i32_0 = arith.constant 0 : i32
    return %c0_i32, %arg0 : i32, i32
  }
  func.func @transform_2(%arg0: i32) -> (i32, i32) {
    %c0_i32 = arith.constant 0 : i32
    %c0_i32_0 = arith.constant 0 : i32
    return %arg0, %c0_i32 : i32, i32
  }
  func.func @transform_3(%arg0: i32) -> (i32, i32) {
    %c0_i32 = arith.constant 0 : i32
    %c0_i32_0 = arith.constant 0 : i32
    %c0_i32_1 = arith.constant 0 : i32
    return %c0_i32, %c0_i32_0 : i32, i32
  }
  func.func @transform_4(%arg0: i32) -> (i32, i32) {
    %c0_i32 = arith.constant 0 : i32
    %c0_i32_0 = arith.constant 0 : i32
    %c0_i32_1 = arith.constant 0 : i32
    return %c0_i32, %c0_i32_0 : i32, i32
  }
  func.func @transform_5(%arg0: i32) -> (i32, i32) {
    %c0_i32 = arith.constant 0 : i32
    %c0_i32_0 = arith.constant 0 : i32
    return %arg0, %c0_i32 : i32, i32
  }
  func.func @transform_6(%arg0: i32) -> (i32, i32) {
    %c0_i32 = arith.constant 0 : i32
    %c0_i32_0 = arith.constant 0 : i32
    return %arg0, %c0_i32 : i32, i32
  }
}

module attributes {stable_mosaic.version = 14 : i64} {
  func.func @_tc_final_body(%arg0: i32, %arg1: memref<2x2560x128xf32, #tpu.memory_space<vmem>>, %arg2: memref<32x2560xf32, #tpu.memory_space<vmem>>, %arg3: memref<2560x128xf32, #tpu.memory_space<vmem>>, %arg4: memref<2560x128xf32, #tpu.memory_space<vmem>>) attributes {dimension_semantics = [#tpu.dimension_semantics<arbitrary>], iteration_bounds = array<i64: 4>, scalar_prefetch = 0 : i64, scratch_operands = 0 : i64, tpu.core_type = #tpu.core_type<tc>, window_params = [{transform_indices = @transform_0, window_bounds = array<i64: 2, 2560, 128>}, {transform_indices = @transform_1, window_bounds = array<i64: 32, 2560>}, {transform_indices = @transform_2, window_bounds = array<i64: 2560, 128>}, {transform_indices = @transform_3, window_bounds = array<i64: 2560, 128>}]} {
    %get3A = arith.constant 0 : index
    %get3A_0 = arith.constant 0 : index
    %get3A_1 = arith.constant 0 : index
    %get3A_2 = vector.load %arg1[%get3A, %get3A_0, %get3A_1] : memref<2x2560x128xf32, #tpu.memory_space<vmem>>, vector<1x2560x128xf32>
    %get3A_3 = vector.shape_cast %get3A_2 : vector<1x2560x128xf32> to vector<2560x128xf32>
    %get3A_4 = arith.constant 1 : index
    %get3A_5 = arith.constant 0 : index
    %get3A_6 = arith.constant 0 : index
    %get3A_7 = vector.load %arg1[%get3A_4, %get3A_5, %get3A_6] : memref<2x2560x128xf32, #tpu.memory_space<vmem>>, vector<1x2560x128xf32>
    %get3A_8 = vector.shape_cast %get3A_7 : vector<1x2560x128xf32> to vector<2560x128xf32>
    %add3A = arith.addf %get3A_3, %get3A_8 : vector<2560x128xf32>
    %get3A_9 = arith.constant 0 : index
    %get3A_10 = arith.constant 0 : index
    %get3A_11 = vector.load %arg2[%get3A_9, %get3A_10] : memref<32x2560xf32, #tpu.memory_space<vmem>>, vector<32x2560xf32>
    %reduce_sum3A = arith.constant dense<0.000000e+00> : vector<2560xf32>
    %reduce_sum3A_12 = vector.multi_reduction <add>, %get3A_11, %reduce_sum3A [0] : vector<32x2560xf32> to vector<2560xf32>
    %max3A = arith.constant 1.000000e+00 : f32
    %max3A_13 = vector.broadcast %max3A : f32 to vector<2560xf32>
    %max3A_14 = arith.maximumf %reduce_sum3A_12, %max3A_13 : vector<2560xf32>
    %broadcast_in_dim3A = vector.shape_cast %max3A_14 : vector<2560xf32> to vector<2560x1xf32>
    %div3A = vector.broadcast %broadcast_in_dim3A : vector<2560x1xf32> to vector<2560x128xf32>
    %div3A_15 = arith.divf %add3A, %div3A : vector<2560x128xf32>
    %get3A_16 = arith.constant 0 : index
    %get3A_17 = arith.constant 0 : index
    %get3A_18 = vector.load %arg3[%get3A_16, %get3A_17] : memref<2560x128xf32, #tpu.memory_space<vmem>>, vector<2560x128xf32>
    %add3A_19 = arith.addf %div3A_15, %get3A_18 : vector<2560x128xf32>
    %swap3A = arith.constant 0 : index
    %swap3A_20 = arith.constant 0 : index
    %swap3A_21 = vector.load %arg4[%swap3A, %swap3A_20] : memref<2560x128xf32, #tpu.memory_space<vmem>>, vector<2560x128xf32>
    tpu.vector_store %arg4[%swap3A, %swap3A_20], %add3A_19 {strides = array<i32>} : memref<2560x128xf32, #tpu.memory_space<vmem>>, vector<2560x128xf32>,
    return
  }
  func.func @transform_0(%arg0: i32) -> (i32, i32, i32) {
    %c0_i32 = arith.constant 0 : i32
    %c0_i32_0 = arith.constant 0 : i32
    %c0_i32_1 = arith.constant 0 : i32
    return %c0_i32, %arg0, %c0_i32_0 : i32, i32, i32
  }
  func.func @transform_1(%arg0: i32) -> (i32, i32) {
    %c0_i32 = arith.constant 0 : i32
    %c0_i32_0 = arith.constant 0 : i32
    return %c0_i32, %arg0 : i32, i32
  }
  func.func @transform_2(%arg0: i32) -> (i32, i32) {
    %c0_i32 = arith.constant 0 : i32
    %c0_i32_0 = arith.constant 0 : i32
    return %arg0, %c0_i32 : i32, i32
  }
  func.func @transform_3(%arg0: i32) -> (i32, i32) {
    %c0_i32 = arith.constant 0 : i32
    %c0_i32_0 = arith.constant 0 : i32
    return %arg0, %c0_i32 : i32, i32
  }
}

</mosaic_0001>

<sc_bundles>
// kernel: sc_agg.3.cloned.1.call-start
scs
__scs_entry_jumppad:
0x0: {  	(pc) =	sbr.rel $0x88, $3  }
0x1: {  	(tag) =	ssettag $0x0;
	lr =	simm.s32 $0x1  }
0x2: {  	[smem:$0x3F99] =	sst lr;
	_ =	strace $0xD0000000  }
0x3: {  	_ = 	snop  }
0x4: {  	_ = 	snop  }
0x5: {  	_ = 	snop  }
0x6: {  	_ = 	snop  }
0x7: {  	_ = 	snop  }
__scs_overlays_trampoline_lowered:
0x8: {  	[smem:$0x3FA8] =	sst s0  }
0x9: {  	[smem:$0x3FA9] =	sst s1  }
0xa: {  	[smem:$0x3FAA] =	sst s2  }
0xb: {  	[smem:$0x3FAB] =	sst s3  }
0xc: {  	[smem:$0x3FAC] =	sst s4  }
0xd: {  	[smem:$0x3FAD] =	sst s5  }
0xe: {  	[smem:$0x3FAE] =	sst s6  }
0xf: {  	[smem:$0x3FAF] =	sst s7  }
0x10: {  	[smem:$0x3FB0] =	sst s8  }
0x11: {  	[smem:$0x3FB1] =	sst s9;
	s0 =	simm.s32 @!p0 $0x0  }
0x12: {  	s1 =	sld [smem:$0x3F97];
	s0 =	simm.s32 @p0 $0x1  }
0x13: {  	[smem:$0x3FB2] =	sst s0;
	s0 =	simm.s32 @!p1 $0x0  }
0x14: {  	s2 =	sld [smem:$0x3F96];
	s0 =	simm.s32 @p1 $0x1  }
0x15: {  	[smem:$0x3FB3] =	sst s0;
	s0 =	simm.s32 @!p2 $0x0  }
0x16: {  	s3 =	sld [smem:$0x3FDB];
	s0 =	simm.s32 @p2 $0x1  }
0x17: {  	s4 =	simm.s32 $0x1BF5;
	[smem:$0x3FB5] =	sst s0  }
0x18: {  	s0 =	sld [smem:$0x3F98];
	_ =	swait.ge [sflag:s4], $0x0  }
0x19: {  	s7 =	sld [smem:$0x3F99]  }
0x1a: {  	s8 =	sadd.s32 $0xFFFFE003, lr  }
0x1b: {  	s9 =	sadd.s32 $0xFFFFFEF7, lr;
	s5 =	simm.s32 $0xFFFFFFFF;
	p2 =	slt.u32 s8, $0xFFFFF086  }
0x1c: {  	p1 =	slt.u32 s9, $0xF7A;
	s5 =	simm.s32 @!p2 $0x0  }
0x1d: {  	s5 =	simm.s32 @p1 $0x1;
	p0 =	seq.s32 s7, s2  }
0x1e: {  	s7 =	smul.u32 @!p0 $0xF7A, s2;
	p2 =	seq.s32 @!p0 s5, $0x0  }
0x1f: {  	s9 =	smul.u32 $0xF7A, s1;
	s8 =	simm.s32 @!p0 $0x1BF5;
	p2 =	por !p2, p0  }
0x20: {  	[sflag:s8] =	ssyncset.s32 @!p0 $0xFFFFF086;
	s6 =	sadd.s32 @!p0 s3, s7;
	s7 =	simm.s32 @!p0 $0x108  }
0x21: {  	s3 =	sadd.s32 s3, s9;
	s6 =	sadd.s32 @!p0 $0x88, s6;
	s7 =	simm.s32 @p2 $0x1082  }
0x22: {  	[simem:s7], [sflag:s8] =	dma.local @!p0 [hbm:s6], $0xF7A  }
0x23: {  	s9 =	sor.u32 $0xD0000000, s2;
	s6 =	simm.s32 $0x108;
	_ =	swait.ge @!p0 [sflag:s8], $0x0  }
0x24: {  	s3 =	sadd.s32 $0x88, s3;
	s6 =	simm.s32 @!p1 $0x1082;
	[sflag:s4] =	ssyncset.s32 $0xFFFFF086  }
0x25: {  	[simem:s6], [sflag:s4] =	dma.local [hbm:s3], $0xF7A  }
0x26: {  	[smem:$0x3F99] =	sst s1;
	(tag) =	ssettag s2;
	_ =	strace s9  }
0x27: {  	s1 =	sld [smem:$0x3FA9]  }
0x28: {  	s2 =	sld [smem:$0x3FAA]  }
0x29: {  	s4 =	sld [smem:$0x3FAC]  }
0x2a: {  	p0 =	seq.s32 s5, $0x0;
	s5 =	sld [smem:$0x3FAD]  }
0x2b: {  	s6 =	sld [smem:$0x3FAE]  }
0x2c: {  	s7 =	sld [smem:$0x3FAF]  }
0x2d: {  	s3 =	simm.s32 $0x108;
	s8 =	sld [smem:$0x3FB0]  }
0x2e: {  	s3 =	simm.s32 @!p0 $0x1082;
	s9 =	sld [smem:$0x3FB1]  }
0x2f: {  	lr =	sadd.s32 s0, s3;
	s0 =	sld [smem:$0x3FA8]  }
0x30: {  	s3 =	sld [smem:$0x3FAB]  }
0x31: {  	[smem:$0x3FB4] =	sst s10  }
0x32: {  	s10 =	sld [smem:$0x3FB2];
	_ =	sdelay $0x3  }
0x33: {  	p0 =	seq.s32 s10, $0x1;
	s10 =	sld [smem:$0x3FB4];
	_ =	sdelay $0x3  }
0x34: {  	[smem:$0x3FB4] =	sst s10  }
0x35: {  	s10 =	sld [smem:$0x3FB3];
	_ =	sdelay $0x3  }
0x36: {  	p1 =	seq.s32 s10, $0x1;
	s10 =	sld [smem:$0x3FB4];
	_ =	sdelay $0x3  }
0x37: {  	[smem:$0x3FB4] =	sst s10  }
0x38: {  	s10 =	sld [smem:$0x3FB5]  }
0x39: {  	_ = 	snop;
	(pc) =	sbr.ind lr, $3  }
0x3a: {  	_ = 	snop  }
0x3b: {  	_ = 	snop  }
0x3c: {  	p2 =	seq.s32 s10, $0x1;
	s10 =	sld [smem:$0x3FB4]  }
0x3d: {  	_ =	shalt  }
0x3e: {  	_ =	shalt  }
0x3f: {  	_ =	shalt  }
0x40: {  	_ =	shalt  }
0x41: {  	_ =	shalt  }
0x42: {  	_ =	shalt  }
0x43: {  	_ =	shalt  }
0x44: {  	_ =	shalt  }
0x45: {  	_ =	shalt  }
0x46: {  	_ =	shalt  }
0x47: {  	_ =	shalt  }
0x48: {  	_ =	shalt  }
0x49: {  	_ =	shalt  }
0x4a: {  	_ =	shalt  }
0x4b: {  	_ =	shalt  }
0x4c: {  	_ =	shalt  }
0x4d: {  	_ =	shalt  }
0x4e: {  	_ =	shalt  }
0x4f: {  	_ =	shalt  }
0x50: {  	_ =	shalt  }
0x51: {  	_ =	shalt  }
0x52: {  	_ =	shalt  }
0x53: {  	_ =	shalt  }
0x54: {  	_ =	shalt  }
0x55: {  	_ =	shalt  }
0x56: {  	_ =	shalt  }
0x57: {  	_ =	shalt  }
0x58: {  	_ =	shalt  }
0x59: {  	_ =	shalt  }
0x5a: {  	_ =	shalt  }
0x5b: {  	_ =	shalt  }
0x5c: {  	_ =	shalt  }
0x5d: {  	_ =	shalt  }
0x5e: {  	_ =	shalt  }
0x5f: {  	_ =	shalt  }
0x60: {  	_ =	shalt  }
0x61: {  	_ =	shalt  }
0x62: {  	_ =	shalt  }
0x63: {  	_ =	shalt  }
0x64: {  	_ =	shalt  }
0x65: {  	_ =	shalt  }
0x66: {  	_ =	shalt  }
0x67: {  	_ =	shalt  }
0x68: {  	_ =	shalt  }
0x69: {  	_ =	shalt  }
0x6a: {  	_ =	shalt  }
0x6b: {  	_ =	shalt  }
0x6c: {  	_ =	shalt  }
0x6d: {  	_ =	shalt  }
0x6e: {  	_ =	shalt  }
0x6f: {  	_ =	shalt  }
0x70: {  	_ =	shalt  }
0x71: {  	_ =	shalt  }
0x72: {  	_ =	shalt  }
0x73: {  	_ =	shalt  }
0x74: {  	_ =	shalt  }
0x75: {  	_ =	shalt  }
0x76: {  	_ =	shalt  }
0x77: {  	_ =	shalt  }
0x78: {  	_ =	shalt  }
0x79: {  	_ =	shalt  }
0x7a: {  	_ =	shalt  }
0x7b: {  	_ =	shalt  }
0x7c: {  	_ =	shalt  }
0x7d: {  	_ =	shalt  }
0x7e: {  	_ =	shalt  }
0x7f: {  	_ =	shalt  }
0x80: {  	_ =	shalt  }
0x81: {  	_ =	shalt  }
0x82: {  	_ =	shalt  }
0x83: {  	_ =	shalt  }
0x84: {  	_ =	shalt  }
0x85: {  	_ =	shalt  }
0x86: {  	_ =	shalt  }
0x87: {  	_ =	shalt  }
.Lfunc_end0:
.L_simem_size_0:
called_computation.1_lowered:
.L_overlay_start_0:
0x88: {  	s2 =	sld [smem:$0x3FD9]  }
0x89: {  	s3 =	sld [smem:$0x3FFE];
	_ =	sdelay $0x1  }
0x8a: {  	s1 =	srdreg.scid  }
0x8b: {  	s0 =	sand.u32 $0x1, s1  }
0x8c: {  	s16 =	sshll.u32 s0, $0xA;
	s2 =	sadd.s32 s3, s2  }
0x8d: {  	s2 =	sadd.s32 s2, s16  }
0x8e: {  	[smem:$0x3FC0] =	sst s2  }
0x8f: {  	_ = 	snop  }
0x90: {  	(tm) =	ssettm $0x1  }
0x91: {  	s17 =	sld [smem:$0x3FFB];
	_ =	sdelay $0x3  }
0x92: {  	_ =	strace s17  }
0x93: {  	s2 =	sld [smem:$0x3FFC];
	_ =	sdelay $0x3  }
0x94: {  	_ =	strace s2  }
0x95: {  	s2 =	sld [smem:$0x3FFD];
	_ =	sdelay $0x3  }
0x96: {  	_ =	strace s2  }
0x97: {  	_ =	strace $0x8FFFFFFF  }
0x98: {  	s18 =	sld [smem:$0x3FDB];
	_ =	sdelay $0x1  }
0x99: {  	s19 =	simm.s32 $_scs_section_size  }
0x9a: {  	s4 =	simm.s32 $_size__tile_overlayer_lowered;
	s5 =	simm.s32 $_tile_overlayer_lowered  }
0x9b: {  	s22 =	simm.s32 $0x1BFF;
	s21 =	sshll.u32 s5, $0x1;
	s2 =	sadd.s32 s19, s18  }
0x9c: {  	s6 =	simm.s32 $0x0;
	s20 =	sshll.u32 s4, $0x1;
	s4 =	sadd.s32 s21, s2  }
0x9d: {  	[timem:s6], [sflag:s22] =	dma.local [hbm:s4], s20  }
0x9e: {  	_ =	swait.ge [sflag:s22], s20  }
0x9f: {  	s3 =	ssub.s32 $0x0, s20;
	[sflag:s22] =	ssyncset.done $0x0  }
0xa0: {  	[sflag:s22] =	ssyncadd.s32 s3;
	_ =	sdelay $0x1  }
0xa1: {  	s23 =	simm.s32 $0x1B8B  }
0xa2: {  	_ =	swait.ge [sflag:s23], $0x1  }
0xa3: {  	[sflag:s23] =	ssyncset.done $0x0  }
0xa4: {  	s25 =	simm.s32 $0x1B8E;
	s24 =	sld [smem:$0x3FFE];
	[sflag:s23] =	ssyncadd.s32 $0xFFFFFFFF  }
0xa5: {  	s26 =	simm.s32 $execute0_lowered;
	[smem:$0x3FD2] =	sst s25  }
0xa6: {  	s4 =	sshll.u32 s26, $0x1;
	_ =	strace $0x80000049;
	[dreg:$0x1] =	wrdreg $0xFFFFFFFF  }
0xa7: {  	s28 =	simm.s32 $_size_execute0_lowered;
	s2 =	sadd.s32 s2, s4;
	[dreg:$0x0] =	wrdreg $0x0  }
0xa8: {  	s4 =	sshll.u32 s28, $0x1;
	[dreg:$0x2] =	wrdreg s2  }
0xa9: {  	[dreg:$0x3] =	wrdreg s4  }
0xaa: {  	[dreg:$0x4] =	wrdreg $0xC0  }
0xab: {  	_ =	task [dreg:s6], $0x5FFFF  }
0xac: {  	[dreg:$0x1] =	wrdreg $0xFFFFFFFF  }
0xad: {  	[dreg:$0x0] =	wrdreg $0x60  }
0xae: {  	[dreg:$0x2] =	wrdreg s24  }
0xaf: {  	[dreg:$0x3] =	wrdreg $0x0  }
0xb0: {  	[dreg:$0x4] =	wrdreg $0x9  }
0xb1: {  	_ =	task.clear_ibuf [dreg:s6], $0x5FFFF;
	_ =	strace $0x90000049  }
0xb2: {  	s29 =	simm.s32 $0x9;
	_ =	strace $0x8000004B  }
0xb3: {  	_ =	swait.ge [sflag:s29], $0x1  }
0xb4: {  	[sflag:s29] =	ssyncadd.s32 $0xFFFFFFFF  }
0xb5: {  	_ =	strace $0x9000004B  }
0xb6: {  	_ =	sfence  }
0xb7: {  	s30 =	sld [smem:$0x0];
	_ =	sdelay $0x2  }
0xb8: {  	s31 =	sshll.u32 s1, $0xD;
	s1 =	sshrl.u32 s1, $0x2  }
0xb9: {  	s3 =	sand.u32 $0x4000, s31;
	s1 =	sadd.s32 s1, s30  }
0xba: {  	s0 =	sor.u32 s3, s0;
	s1 =	sshll.u32 s1, $0x11  }
0xbb: {  	s0 =	sor.u32 s1, s0  }
0xbc: {  	s0 =	sadd.s32 $0x8F2B, s0  }
0xbd: {  	[sflag:s0] =	ssyncadd.remote.s32 $0x1  }
0xbe: {  	_ =	sfence.sel $0xFFFF  }
0xbf: {  	[dreg:$0x0] =	wrdreg $0xFFFFFFFF;
	(pc) =	sbr.abs _section_cstart, $3  }
0xc0: {  	[dreg:$0x1] =	wrdreg $0xFFFFFFFF  }
0xc1: {  	_ =	task.clear_ibuf [dreg:s6], $0x2FFFF;
	_ =	strace $0x9FFFFFFF  }
0xc2: {  	(tm) =	ssettm $0x7FFFFFFF  }
0xc3: {  	_ =	shalt  }
tec
execute0_lowered:
.L_overlay_start_1:
0x0: {  	(tag) =	ssettag $0x1  }
0x1: {  	s0 =	rddreg [dreg:$0x0]  }
0x2: {  	s2 =	rddreg [dreg:$0x1];
	s12 =	stileid.u32  }
0x3: {  	s1 =	srdreg.scid;
	s17 =	simm.s32 $0x0;
	s28 =	simm.s32 $0x14400  }
0x4: {  	s29 =	simm.s32 $0x1;
	s30 =	simm.s32 $0x8;
	s31 =	simm.s32 $0x1A800  }
0x5: {  	s5 =	smul.u32 $0x14000, s12;
	s1 =	sand.u32 $0x1, s1;
	[smem:$0x7FF] =	sst s17  }
0x6: {  	s7 =	sshll.u32 s12, $0x1;
	s4 =	sadd.s32 $0x2A400, s0;
	s10 =	smul.u32 $0x50000, s12  }
0x7: {  	s9 =	sadd.s32 $0x2400, s0;
	s22 =	sshll.u32 s12, $0x6;
	s6 =	smul.u32 $0x140000, s1  }
0x8: {  	s7 =	sor.u32 s1, s7;
	s3 =	ssub.s32 $0x2, s1;
	s1 =	smul.u32 $0xA000, s1  }
0x9: {  	_ =	strace $0x8000004A;
	s8 =	sshrl.u32 s5, $0x3;
	s7 =	smul.u32 $0xA000, s7  }
0xa: {  	s11 =	sshrl.u32 s3, $0x1;
	s15 =	sshrl.u32 s10, $0x2;
	s6 =	sadd.s32 s5, s6  }
0xb: {  	s8 =	sadd.s32 s8, s0;
	s1 =	sadd.s32 s1, s5;
	s18 =	sadd.s32 s15, s2  }
0xc: {  	s6 =	sshrl.u32 s6, $0x3;
	s7 =	sshrl.u32 s7, $0x3;
	[dreg:$0x16] =	wrdreg s18  }
0xd: {  	s19 =	sor.u32 $0xC00, s1;
	s20 =	sadd.s32 $0x52A00, s8;
	s21 =	sor.u32 $0xB00, s1  }
0xe: {  	s24 =	sor.u32 $0xA00, s1;
	s26 =	sor.u32 $0x900, s1;
	s12 =	sor.u32 $0x700, s1  }
0xf: {  	s18 =	simm.s32 $0x14080;
	s8 =	simm.s32 $0x3;
	s0 =	sadd.s32 s6, s0  }
0x10: {  	s13 =	sadd.s32 s9, s7;
	s6 =	ssub.s32 s3, s11;
	[dreg:$0x17] =	wrdreg s20  }
0x11: {  	s5 =	sshrl.u32 s19, $0x3;
	s25 =	sshrl.u32 s24, $0x3;
	[dreg:$0xb] =	wrdreg s18  }
0x12: {  	s3 =	sor.u32 $0x800, s1;
	s19 =	simm.s32 $0x14180;
	[dreg:$0x11] =	wrdreg s13  }
0x13: {  	s20 =	simm.s32 $0xD;
	s24 =	simm.s32 $0x14380;
	[dreg:$0xc] =	wrdreg s19  }
0x14: {  	s18 =	simm.s32 $0x14600;
	s7 =	sadd.s32 $0x20, s13;
	[dreg:$0xe] =	wrdreg s24  }
0x15: {  	s11 =	sadd.s32 $0x40, s13;
	s14 =	sadd.s32 $0x60, s13;
	[dreg:$0x12] =	wrdreg s7  }
0x16: {  	s16 =	sadd.s32 $0x80, s13;
	s5 =	sadd.s32 s5, s9;
	[dreg:$0x13] =	wrdreg s11  }
0x17: {  	s10 =	sshrl.u32 s3, $0x3;
	s13 =	sshrl.u32 s12, $0x3;
	[dreg:$0x14] =	wrdreg s14  }
0x18: {  	s12 =	sor.u32 $0x1C0D, s22;
	s0 =	sadd.s32 $0x7AA00, s0;
	[dreg:$0x15] =	wrdreg s16  }
0x19: {  	s22 =	simm.s32 $0x40;
	s3 =	simm.s32 $0x14500;
	[dreg:$0x3] =	wrdreg s5  }
0x1a: {  	s19 =	simm.s32 $0x14700;
	s7 =	sshrl.u32 s21, $0x3;
	[dreg:$0x19] =	wrdreg s0  }
0x1b: {  	s5 =	sadd.s32 s25, s9;
	s11 =	sadd.s32 s10, s9;
	[dreg:$0x18] =	wrdreg s12  }
0x1c: {  	s14 =	sor.u32 $0x600, s1;
	s1 =	sor.u32 $0x500, s1;
	[dreg:$0x5] =	wrdreg s5  }
0x1d: {  	s16 =	smax.u32 s6, $0x1;
	s21 =	simm.s32 $0x14280;
	[dreg:$0x7] =	wrdreg s11  }
0x1e: {  	s25 =	simm.s32 $0x14580;
	s10 =	simm.s32 $0x18800;
	[dreg:$0x1a] =	wrdreg s16  }
0x1f: {  	s6 =	simm.s32 $0x9;
	s23 =	sadd.s32 s7, s9;
	[dreg:$0xd] =	wrdreg s21  }
0x20: {  	s7 =	sshrl.u32 s26, $0x3;
	s5 =	sadd.s32 s13, s9;
	[dreg:$0xf] =	wrdreg s25  }
0x21: {  	s1 =	sshrl.u32 s1, $0x3;
	s26 =	simm.s32 $0x14780;
	[dreg:$0x4] =	wrdreg s23  }
0x22: {  	s25 =	simm.s32 $0x16800;
	s11 =	simm.s32 $0x4;
	[dreg:$0x8] =	wrdreg s5  }
0x23: {  	s16 =	simm.s32 $0xC;
	s7 =	sadd.s32 s7, s9;
	[dreg:$0x10] =	wrdreg s26  }
0x24: {  	s1 =	sadd.s32 s1, s9;
	s23 =	simm.s32 $0x14300;
	[dreg:$0x6] =	wrdreg s7  }
0x25: {  	s5 =	simm.s32 $0x0;
	s7 =	sshrl.u32 s14, $0x3;
	[dreg:$0xa] =	wrdreg s1  }
0x26: {  	s1 =	simm.s32 $0x2;
	s15 =	sadd.s32 s7, s9;
	s7 =	simm.s32 $0x14800  }
0x27: {  	s9 =	simm.s32 $0xA;
	[dreg:$0x9] =	wrdreg s15;
	s15 =	simm.s32 $0xB  }
.LBB2_1:
0x28: {  	[dreg:$0x1b] =	wrdreg s5  }
0x29: {  	s0 =	rddreg [dreg:$0x11]  }
0x2a: {  	s5 =	simm.s32 $0x14000;
	s21 =	rddreg [dreg:$0x12]  }
0x2b: {  	[tilespmem:s5], [sflag:$0x5] =	stream.linear.gather [hbm4b:s0+s17], $0x100, $0x38;
	[tilespmem:$0x1C800] =	vst v63  }
0x2c: {  	s13 =	simm.s32 $0x14100;
	s24 =	rddreg [dreg:$0x13]  }
0x2d: {  	[tilespmem:s13], [sflag:$0x6] =	stream.linear.gather [hbm4b:s21+s17], $0x100, $0x38;
	[tilespmem:$0x1C800] =	vst v63  }
0x2e: {  	s14 =	simm.s32 $0x14200;
	s26 =	rddreg [dreg:$0x14]  }
0x2f: {  	[tilespmem:s14], [sflag:$0x7] =	stream.linear.gather [hbm4b:s24+s17], $0x100, $0x38;
	[tilespmem:$0x1C800] =	vst v63  }
0x30: {  	s21 =	rddreg [dreg:$0x15]  }
0x31: {  	[tilespmem:s23], [sflag:$0x8] =	stream.linear.gather [hbm4b:s26+s17], $0x100, $0x38;
	[tilespmem:$0x1C800] =	vst v63  }
0x32: {  	s24 =	rddreg [dreg:$0x16]  }
0x33: {  	[tilespmem:s28], [sflag:$0x9] =	stream.linear.gather [hbm4b:s21+s17], $0x100, $0x38;
	[tilespmem:$0x1C800] =	vst v63  }
0x34: {  	s26 =	rddreg [dreg:$0x17];
	s21 =	sshrl.u32 s24, $0x3  }
0x35: {  	[dreg:$0x1c] =	wrdreg s21  }
0x36: {  	[spmem:s21], [sflag:s12] =	dma.local [hbm:s26], $0x2800  }
0x37: {  	_ =	swait.ge [sflag:s20], $0x2800  }
0x38: {  	[sflag:s20] =	ssyncset.done $0x0  }
0x39: {  	[sflag:s20] =	ssyncadd.s32 $0xFFFFD800  }
0x3a: {  	s12 =	simm.s32 $0x5;
	[bflag:$0x0] =	sbarrier.arrive $0xFFFF  }
0x3b: {  	_ =	swait.ge [sflag:s12], $0x100  }
0x3c: {  	[sflag:s12] =	ssyncset.done $0x0  }
0x3d: {  	s21 =	simm.s32 $0x6;
	[sflag:s12] =	ssyncadd.s32 $0xFFFFFF00  }
0x3e: {  	[tilespmem:s7], [sflag:$0x1] =	stream.indirect.gather [hbm4b:s4+s22], $0x80, s5, s22, $0xb8;
	[tilespmem:$0x1C800] =	vst v63  }
0x3f: {  	_ =	swait.ge [sflag:s21], $0x100  }
0x40: {  	[sflag:s21] =	ssyncset.done $0x0  }
0x41: {  	s24 =	simm.s32 $0x7;
	[sflag:s21] =	ssyncadd.s32 $0xFFFFFF00  }
0x42: {  	[tilespmem:s25], [sflag:$0x2] =	stream.indirect.gather [hbm4b:s4+s22], $0x80, s13, s22, $0xb8;
	[tilespmem:$0x1C800] =	vst v63  }
0x43: {  	_ =	swait.ge [sflag:s24], $0x100  }
0x44: {  	[sflag:s24] =	ssyncset.done $0x0  }
0x45: {  	[sflag:s24] =	ssyncadd.s32 $0xFFFFFF00  }
0x46: {  	[tilespmem:s10], [sflag:$0x3] =	stream.indirect.gather [hbm4b:s4+s22], $0x80, s14, s22, $0xb8;
	[tilespmem:$0x1C800] =	vst v63  }
0x47: {  	_ =	swait.ge [sflag:s29], $0x2000  }
0x48: {  	[sflag:s29] =	ssyncset.done $0x0  }
0x49: {  	[sflag:s29] =	ssyncadd.s32 $0xFFFFE000  }
0x4a: {  	_ =	swait.ge [sflag:s30], $0x100  }
0x4b: {  	[sflag:s30] =	ssyncset.done $0x0  }
0x4c: {  	s26 =	rddreg [dreg:$0xa];
	[sflag:s30] =	ssyncadd.s32 $0xFFFFFF00  }
0x4d: {  	[tilespmem:s31], [sflag:$0x4] =	stream.indirect.gather [hbm4b:s4+s22], $0x80, s23, s22, $0xb8;
	[tilespmem:$0x1C800] =	vst v63  }
0x4e: {  	s5 =	sadd.s32 $0x0, s26  }
0x4f: {  	[tilespmem:s3], [sflag:$0xA] =	stream.linear.gather [hbm4b:s5+s17], $0x100, $0x38;
	[tilespmem:$0x1C800] =	vst v63  }
0x50: {  	s0 =	rddreg [dreg:$0xb]  }
0x51: {  	[spmem:s2] =	stream.indirect.scatter.add.f32 [tilespmem:s7], [sflag:$0xD], $0x80, s0, s22, $0xb8;
	[tilespmem:$0x1C800] =	vst v63  }
0x52: {  	_ =	swait.ge [sflag:s20], $0x2000  }
0x53: {  	[sflag:s20] =	ssyncset.done $0x0  }
0x54: {  	[sflag:s20] =	ssyncadd.s32 $0xFFFFE000  }
0x55: {  	_ =	swait.ge [sflag:s1], $0x2000  }
0x56: {  	[sflag:s1] =	ssyncset.done $0x0  }
0x57: {  	[sflag:s1] =	ssyncadd.s32 $0xFFFFE000  }
0x58: {  	_ =	swait.ge [sflag:s6], $0x100  }
0x59: {  	[sflag:s6] =	ssyncset.done $0x0  }
0x5a: {  	s13 =	rddreg [dreg:$0x9];
	[sflag:s6] =	ssyncadd.s32 $0xFFFFFF00  }
0x5b: {  	[tilespmem:s7], [sflag:$0x1] =	stream.indirect.gather [hbm4b:s4+s22], $0x80, s28, s22, $0xb8;
	[tilespmem:$0x1C800] =	vst v63  }
0x5c: {  	s5 =	sadd.s32 $0x0, s13  }
0x5d: {  	[tilespmem:s18], [sflag:$0xB] =	stream.linear.gather [hbm4b:s5+s17], $0x100, $0x38;
	[tilespmem:$0x1C800] =	vst v63  }
0x5e: {  	s14 =	rddreg [dreg:$0xc]  }
0x5f: {  	[spmem:s2] =	stream.indirect.scatter.add.f32 [tilespmem:s25], [sflag:$0xD], $0x80, s14, s22, $0xb8;
	[tilespmem:$0x1C800] =	vst v63  }
0x60: {  	_ =	swait.ge [sflag:s20], $0x2000  }
0x61: {  	[sflag:s20] =	ssyncset.done $0x0  }
0x62: {  	[sflag:s20] =	ssyncadd.s32 $0xFFFFE000  }
0x63: {  	_ =	swait.ge [sflag:s8], $0x2000  }
0x64: {  	[sflag:s8] =	ssyncset.done $0x0  }
0x65: {  	[sflag:s8] =	ssyncadd.s32 $0xFFFFE000  }
0x66: {  	_ =	swait.ge [sflag:s9], $0x100  }
0x67: {  	[sflag:s9] =	ssyncset.done $0x0  }
0x68: {  	s21 =	rddreg [dreg:$0x8];
	[sflag:s9] =	ssyncadd.s32 $0xFFFFFF00  }
0x69: {  	[tilespmem:s25], [sflag:$0x2] =	stream.indirect.gather [hbm4b:s4+s22], $0x80, s3, s22, $0xb8;
	[tilespmem:$0x1C800] =	vst v63  }
0x6a: {  	s5 =	sadd.s32 $0x0, s21  }
0x6b: {  	[tilespmem:s19], [sflag:$0xC] =	stream.linear.gather [hbm4b:s5+s17], $0x100, $0x38;
	[tilespmem:$0x1C800] =	vst v63  }
0x6c: {  	s24 =	rddreg [dreg:$0xd]  }
0x6d: {  	[spmem:s2] =	stream.indirect.scatter.add.f32 [tilespmem:s10], [sflag:$0xD], $0x80, s24, s22, $0xb8;
	[tilespmem:$0x1C800] =	vst v63  }
0x6e: {  	_ =	swait.ge [sflag:s20], $0x2000  }
0x6f: {  	[sflag:s20] =	ssyncset.done $0x0  }
0x70: {  	[sflag:s20] =	ssyncadd.s32 $0xFFFFE000  }
0x71: {  	_ =	swait.ge [sflag:s11], $0x2000  }
0x72: {  	[sflag:s11] =	ssyncset.done $0x0  }
0x73: {  	[sflag:s11] =	ssyncadd.s32 $0xFFFFE000  }
0x74: {  	_ =	swait.ge [sflag:s15], $0x100  }
0x75: {  	[sflag:s15] =	ssyncset.done $0x0  }
0x76: {  	p0 =	por $0x0, $0x0;
	s12 =	rddreg [dreg:$0x7];
	[sflag:s15] =	ssyncadd.s32 $0xFFFFFF00  }
0x77: {  	[tilespmem:s10], [sflag:$0x3] =	stream.indirect.gather [hbm4b:s4+s22], $0x80, s18, s22, $0xb8;
	[tilespmem:$0x1C800] =	vst v63  }
0x78: {  	s13 =	simm.s32 @!p0 $0x14000;
	s5 =	simm.s32 @!p0 $0x0;
	s12 =	sadd.s32 @!p0 $0x0, s12  }
0x79: {  	[tilespmem:s13], [sflag:$0x5] =	stream.linear.gather @!p0 [hbm4b:s12+s5], $0x100, $0x38;
	[tilespmem:$0x1C800] =	vst v63  }
0x7a: {  	s26 =	rddreg [dreg:$0xe]  }
0x7b: {  	[spmem:s2] =	stream.indirect.scatter.add.f32 [tilespmem:s31], [sflag:$0xD], $0x80, s26, s22, $0xb8;
	[tilespmem:$0x1C800] =	vst v63  }
0x7c: {  	_ =	swait.ge [sflag:s20], $0x2000  }
0x7d: {  	[sflag:s20] =	ssyncset.done $0x0  }
0x7e: {  	[sflag:s20] =	ssyncadd.s32 $0xFFFFE000  }
0x7f: {  	_ =	swait.ge [sflag:s29], $0x2000  }
0x80: {  	[sflag:s29] =	ssyncset.done $0x0  }
0x81: {  	[sflag:s29] =	ssyncadd.s32 $0xFFFFE000  }
0x82: {  	_ =	swait.ge [sflag:s16], $0x100  }
0x83: {  	[sflag:s16] =	ssyncset.done $0x0  }
0x84: {  	s14 =	simm.s32 @p0 $0x40;
	[sflag:s16] =	ssyncadd.s32 $0xFFFFFF00  }
0x85: {  	[tilespmem:s31], [sflag:$0x4] =	stream.indirect.gather [hbm4b:s4+s22], $0x80, s19, s22, $0xb8;
	[tilespmem:$0x1C800] =	vst v63  }
0x86: {  	s17 =	simm.s32 @p0 $0x14480;
	s18 =	simm.s32 @p0 $0xD;
	s12 =	simm.s32 @p0 $0x14800  }
0x87: {  	[spmem:s2] =	stream.indirect.scatter.add.f32 @p0 [tilespmem:s12], [sflag:$0xD], $0x80, s17, s14, $0xb8;
	[tilespmem:$0x1C800] =	vst v63  }
0x88: {  	_ =	swait.ge @p0 [sflag:s18], $0x2000  }
0x89: {  	[sflag:s18] =	ssyncset.done @p0 $0x0  }
0x8a: {  	s12 =	simm.s32 @p0 $0x2;
	[sflag:s18] =	ssyncadd.s32 @p0 $0xFFFFE000  }
0x8b: {  	_ =	swait.ge @p0 [sflag:s12], $0x2000  }
0x8c: {  	s21 =	simm.s32 @!p0 $0x14800;
	s17 =	rddreg [dreg:$0x6];
	[sflag:s12] =	ssyncset.done @p0 $0x0  }
0x8d: {  	s19 =	simm.s32 @!p0 $0x14100;
	[sflag:s12] =	ssyncadd.s32 @p0 $0xFFFFE000;
	s12 =	sadd.s32 @!p0 $0x0, s17  }
0x8e: {  	[tilespmem:s19], [sflag:$0x6] =	stream.linear.gather @!p0 [hbm4b:s12+s5], $0x100, $0x38;
	[tilespmem:$0x1C800] =	vst v63  }
0x8f: {  	s24 =	simm.s32 @!p0 $0xD;
	s17 =	simm.s32 @!p0 $0x14480;
	s12 =	simm.s32 @!p0 $0x40  }
0x90: {  	[spmem:s2] =	stream.indirect.scatter.add.f32 @!p0 [tilespmem:s21], [sflag:$0xD], $0x80, s17, s12, $0xb8;
	[tilespmem:$0x1C800] =	vst v63  }
0x91: {  	_ =	swait.ge @!p0 [sflag:s24], $0x2000  }
0x92: {  	[sflag:s24] =	ssyncset.done @!p0 $0x0  }
0x93: {  	s17 =	simm.s32 @!p0 $0x2;
	[sflag:s24] =	ssyncadd.s32 @!p0 $0xFFFFE000  }
0x94: {  	_ =	swait.ge @!p0 [sflag:s17], $0x2000  }
0x95: {  	[sflag:s17] =	ssyncset.done @!p0 $0x0  }
0x96: {  	s26 =	simm.s32 @!p0 $0x5;
	[sflag:s17] =	ssyncadd.s32 @!p0 $0xFFFFE000  }
0x97: {  	_ =	swait.ge @!p0 [sflag:s26], $0x100  }
0x98: {  	[sflag:s26] =	ssyncset.done @!p0 $0x0  }
0x99: {  	s17 =	rddreg [dreg:$0x5];
	[sflag:s26] =	ssyncadd.s32 @!p0 $0xFFFFFF00  }
0x9a: {  	[tilespmem:s21], [sflag:$0x1] =	stream.indirect.gather @!p0 [hbm4b:s4+s12], $0x80, s13, s12, $0xb8;
	[tilespmem:$0x1C800] =	vst v63  }
0x9b: {  	s17 =	sadd.s32 @!p0 $0x0, s17;
	s13 =	simm.s32 @!p0 $0x14200  }
0x9c: {  	[tilespmem:s13], [sflag:$0x7] =	stream.linear.gather @!p0 [hbm4b:s17+s5], $0x100, $0x38;
	[tilespmem:$0x1C800] =	vst v63  }
0x9d: {  	s0 =	rddreg [dreg:$0xf]  }
0x9e: {  	[spmem:s2] =	stream.indirect.scatter.add.f32 [tilespmem:s25], [sflag:$0xD], $0x80, s0, s22, $0xb8;
	[tilespmem:$0x1C800] =	vst v63  }
0x9f: {  	_ =	swait.ge [sflag:s20], $0x2000  }
0xa0: {  	[sflag:s20] =	ssyncset.done $0x0  }
0xa1: {  	[sflag:s20] =	ssyncadd.s32 $0xFFFFE000  }
0xa2: {  	_ =	swait.ge [sflag:s8], $0x2000  }
0xa3: {  	[sflag:s8] =	ssyncset.done $0x0  }
0xa4: {  	s21 =	simm.s32 @p0 $0x18800;
	s17 =	simm.s32 @p0 $0x14680;
	[sflag:s8] =	ssyncadd.s32 $0xFFFFE000  }
0xa5: {  	[spmem:s2] =	stream.indirect.scatter.add.f32 @p0 [tilespmem:s21], [sflag:$0xD], $0x80, s17, s14, $0xb8;
	[tilespmem:$0x1C800] =	vst v63  }
0xa6: {  	_ =	swait.ge @p0 [sflag:s18], $0x2000  }
0xa7: {  	[sflag:s18] =	ssyncset.done @p0 $0x0  }
0xa8: {  	s14 =	simm.s32 @p0 $0x4;
	[sflag:s18] =	ssyncadd.s32 @p0 $0xFFFFE000  }
0xa9: {  	_ =	swait.ge @p0 [sflag:s14], $0x2000  }
0xaa: {  	[sflag:s14] =	ssyncset.done @p0 $0x0  }
0xab: {  	s17 =	simm.s32 @!p0 $0x6;
	[sflag:s14] =	ssyncadd.s32 @p0 $0xFFFFE000  }
0xac: {  	_ =	swait.ge @!p0 [sflag:s17], $0x100  }
0xad: {  	[sflag:s17] =	ssyncset.done @!p0 $0x0  }
0xae: {  	s14 =	rddreg [dreg:$0x4];
	[sflag:s17] =	ssyncadd.s32 @!p0 $0xFFFFFF00;
	s17 =	simm.s32 @!p0 $0x16800  }
0xaf: {  	[tilespmem:s17], [sflag:$0x2] =	stream.indirect.gather @!p0 [hbm4b:s4+s12], $0x80, s19, s12, $0xb8;
	[tilespmem:$0x1C800] =	vst v63  }
0xb0: {  	s14 =	sadd.s32 @!p0 $0x0, s14;
	s17 =	simm.s32 @!p0 $0x14300  }
0xb1: {  	[tilespmem:s17], [sflag:$0x8] =	stream.linear.gather @!p0 [hbm4b:s14+s5], $0x100, $0x38;
	[tilespmem:$0x1C800] =	vst v63  }
0xb2: {  	s14 =	simm.s32 @!p0 $0x14680;
	s17 =	simm.s32 @!p0 $0x18800  }
0xb3: {  	[spmem:s2] =	stream.indirect.scatter.add.f32 @!p0 [tilespmem:s17], [sflag:$0xD], $0x80, s14, s12, $0xb8;
	[tilespmem:$0x1C800] =	vst v63  }
0xb4: {  	_ =	swait.ge @!p0 [sflag:s24], $0x2000  }
0xb5: {  	[sflag:s24] =	ssyncset.done @!p0 $0x0  }
0xb6: {  	s14 =	simm.s32 @!p0 $0x4;
	[sflag:s24] =	ssyncadd.s32 @!p0 $0xFFFFE000  }
0xb7: {  	_ =	swait.ge @!p0 [sflag:s14], $0x2000  }
0xb8: {  	[sflag:s14] =	ssyncset.done @!p0 $0x0  }
0xb9: {  	s18 =	simm.s32 @!p0 $0x7;
	[sflag:s14] =	ssyncadd.s32 @!p0 $0xFFFFE000  }
0xba: {  	_ =	swait.ge @!p0 [sflag:s18], $0x100  }
0xbb: {  	[sflag:s18] =	ssyncset.done @!p0 $0x0  }
0xbc: {  	s14 =	rddreg [dreg:$0x3];
	[sflag:s18] =	ssyncadd.s32 @!p0 $0xFFFFFF00  }
0xbd: {  	[tilespmem:s17], [sflag:$0x3] =	stream.indirect.gather @!p0 [hbm4b:s4+s12], $0x80, s13, s12, $0xb8;
	[tilespmem:$0x1C800] =	vst v63  }
0xbe: {  	s14 =	sadd.s32 @!p0 $0x0, s14;
	s12 =	simm.s32 @!p0 $0x14400  }
0xbf: {  	[tilespmem:s12], [sflag:$0x9] =	stream.linear.gather @!p0 [hbm4b:s14+s5], $0x100, $0x38;
	[tilespmem:$0x1C800] =	vst v63  }
0xc0: {  	s7 =	simm.s32 $0x0;
	s3 =	simm.s32 $0x14700;
	s26 =	rddreg [dreg:$0x10]  }
0xc1: {  	[spmem:s2] =	stream.indirect.scatter.add.f32 [tilespmem:s31], [sflag:$0xD], $0x80, s26, s22, $0xb8;
	[tilespmem:$0x1C800] =	vst v63  }
0xc2: {  	s10 =	simm.s32 $0x14600;
	s14 =	simm.s32 $0x100;
	_ =	swait.ge [sflag:s20], $0x2000  }
.LBB2_2:
0xc3: {  	[sflag:s20] =	ssyncset.done $0x0  }
0xc4: {  	[sflag:s20] =	ssyncadd.s32 $0xFFFFE000  }
0xc5: {  	_ =	swait.ge [sflag:s29], $0x2000  }
0xc6: {  	[sflag:s29] =	ssyncset.done $0x0  }
0xc7: {  	[sflag:s29] =	ssyncadd.s32 $0xFFFFE000  }
0xc8: {  	_ =	swait.ge [sflag:s30], $0x100  }
0xc9: {  	[sflag:s30] =	ssyncset.done $0x0  }
0xca: {  	s5 =	smov.u32 s14;
	s12 =	rddreg [dreg:$0xa];
	[sflag:s30] =	ssyncadd.s32 $0xFFFFFF00  }
0xcb: {  	[tilespmem:s31], [sflag:$0x4] =	stream.indirect.gather [hbm4b:s4+s22], $0x80, s23, s22, $0xb8;
	[tilespmem:$0x1C800] =	vst v63  }
0xcc: {  	s17 =	simm.s32 $0x14500;
	s12 =	sadd.s32 s5, s12  }
0xcd: {  	[tilespmem:s17], [sflag:$0xA] =	stream.linear.gather [hbm4b:s12+s7], $0x100, $0x38;
	[tilespmem:$0x1C800] =	vst v63  }
0xce: {  	s0 =	simm.s32 $0x14800;
	s13 =	rddreg [dreg:$0xb]  }
0xcf: {  	[spmem:s2] =	stream.indirect.scatter.add.f32 [tilespmem:s0], [sflag:$0xD], $0x80, s13, s22, $0xb8;
	[tilespmem:$0x1C800] =	vst v63  }
0xd0: {  	_ =	swait.ge [sflag:s20], $0x2000  }
0xd1: {  	[sflag:s20] =	ssyncset.done $0x0  }
0xd2: {  	[sflag:s20] =	ssyncadd.s32 $0xFFFFE000  }
0xd3: {  	_ =	swait.ge [sflag:s1], $0x2000  }
0xd4: {  	[sflag:s1] =	ssyncset.done $0x0  }
0xd5: {  	[sflag:s1] =	ssyncadd.s32 $0xFFFFE000  }
0xd6: {  	_ =	swait.ge [sflag:s6], $0x100  }
0xd7: {  	[sflag:s6] =	ssyncset.done $0x0  }
0xd8: {  	s13 =	rddreg [dreg:$0x9];
	[sflag:s6] =	ssyncadd.s32 $0xFFFFFF00  }
0xd9: {  	[tilespmem:s0], [sflag:$0x1] =	stream.indirect.gather [hbm4b:s4+s22], $0x80, s28, s22, $0xb8;
	[tilespmem:$0x1C800] =	vst v63  }
0xda: {  	s12 =	sadd.s32 s5, s13  }
0xdb: {  	[tilespmem:s10], [sflag:$0xB] =	stream.linear.gather [hbm4b:s12+s7], $0x100, $0x38;
	[tilespmem:$0x1C800] =	vst v63  }
0xdc: {  	s18 =	rddreg [dreg:$0xc]  }
0xdd: {  	[spmem:s2] =	stream.indirect.scatter.add.f32 [tilespmem:s25], [sflag:$0xD], $0x80, s18, s22, $0xb8;
	[tilespmem:$0x1C800] =	vst v63  }
0xde: {  	_ =	swait.ge [sflag:s20], $0x2000  }
0xdf: {  	[sflag:s20] =	ssyncset.done $0x0  }
0xe0: {  	[sflag:s20] =	ssyncadd.s32 $0xFFFFE000  }
0xe1: {  	_ =	swait.ge [sflag:s8], $0x2000  }
0xe2: {  	[sflag:s8] =	ssyncset.done $0x0  }
0xe3: {  	[sflag:s8] =	ssyncadd.s32 $0xFFFFE000  }
0xe4: {  	_ =	swait.ge [sflag:s9], $0x100  }
0xe5: {  	[sflag:s9] =	ssyncset.done $0x0  }
0xe6: {  	s19 =	rddreg [dreg:$0x8];
	[sflag:s9] =	ssyncadd.s32 $0xFFFFFF00  }
0xe7: {  	[tilespmem:s25], [sflag:$0x2] =	stream.indirect.gather [hbm4b:s4+s22], $0x80, s17, s22, $0xb8;
	[tilespmem:$0x1C800] =	vst v63  }
0xe8: {  	s12 =	sadd.s32 s5, s19  }
0xe9: {  	[tilespmem:s3], [sflag:$0xC] =	stream.linear.gather [hbm4b:s12+s7], $0x100, $0x38;
	[tilespmem:$0x1C800] =	vst v63  }
0xea: {  	s23 =	simm.s32 $0x18800;
	s21 =	rddreg [dreg:$0xd]  }
0xeb: {  	[spmem:s2] =	stream.indirect.scatter.add.f32 [tilespmem:s23], [sflag:$0xD], $0x80, s21, s22, $0xb8;
	[tilespmem:$0x1C800] =	vst v63  }
0xec: {  	_ =	swait.ge [sflag:s20], $0x2000  }
0xed: {  	[sflag:s20] =	ssyncset.done $0x0  }
0xee: {  	[sflag:s20] =	ssyncadd.s32 $0xFFFFE000  }
0xef: {  	_ =	swait.ge [sflag:s11], $0x2000  }
0xf0: {  	[sflag:s11] =	ssyncset.done $0x0  }
0xf1: {  	[sflag:s11] =	ssyncadd.s32 $0xFFFFE000  }
0xf2: {  	_ =	swait.ge [sflag:s15], $0x100  }
0xf3: {  	[sflag:s15] =	ssyncset.done $0x0  }
0xf4: {  	p1 =	seq.s32 s5, $0x1300;
	s13 =	rddreg [dreg:$0x7];
	[sflag:s15] =	ssyncadd.s32 $0xFFFFFF00  }
0xf5: {  	[tilespmem:s23], [sflag:$0x3] =	stream.indirect.gather [hbm4b:s4+s22], $0x80, s10, s22, $0xb8;
	[tilespmem:$0x1C800] =	vst v63  }
0xf6: {  	s12 =	simm.s32 @!p1 $0x14000;
	s21 =	simm.s32 @!p1 $0x0;
	s13 =	sadd.s32 @!p1 s5, s13  }
0xf7: {  	[tilespmem:s12], [sflag:$0x5] =	stream.linear.gather @!p1 [hbm4b:s13+s21], $0x100, $0x38;
	[tilespmem:$0x1C800] =	vst v63  }
0xf8: {  	s24 =	rddreg [dreg:$0xe]  }
0xf9: {  	[spmem:s2] =	stream.indirect.scatter.add.f32 [tilespmem:s31], [sflag:$0xD], $0x80, s24, s22, $0xb8;
	[tilespmem:$0x1C800] =	vst v63  }
0xfa: {  	_ =	swait.ge [sflag:s20], $0x2000  }
0xfb: {  	[sflag:s20] =	ssyncset.done $0x0  }
0xfc: {  	[sflag:s20] =	ssyncadd.s32 $0xFFFFE000  }
0xfd: {  	_ =	swait.ge [sflag:s29], $0x2000  }
0xfe: {  	[sflag:s29] =	ssyncset.done $0x0  }
0xff: {  	[sflag:s29] =	ssyncadd.s32 $0xFFFFE000  }
0x100: {  	_ =	swait.ge [sflag:s16], $0x100  }
0x101: {  	[sflag:s16] =	ssyncset.done $0x0  }
0x102: {  	s18 =	simm.s32 @p1 $0xD;
	[sflag:s16] =	ssyncadd.s32 $0xFFFFFF00  }
0x103: {  	[tilespmem:s31], [sflag:$0x4] =	stream.indirect.gather [hbm4b:s4+s22], $0x80, s3, s22, $0xb8;
	[tilespmem:$0x1C800] =	vst v63  }
0x104: {  	s19 =	simm.s32 @p1 $0x40;
	s17 =	simm.s32 @p1 $0x14480;
	s13 =	simm.s32 @p1 $0x14800  }
0x105: {  	[spmem:s2] =	stream.indirect.scatter.add.f32 @p1 [tilespmem:s13], [sflag:$0xD], $0x80, s17, s19, $0xb8;
	[tilespmem:$0x1C800] =	vst v63  }
0x106: {  	_ =	swait.ge @p1 [sflag:s18], $0x2000  }
0x107: {  	[sflag:s18] =	ssyncset.done @p1 $0x0  }
0x108: {  	s13 =	simm.s32 @p1 $0x2;
	[sflag:s18] =	ssyncadd.s32 @p1 $0xFFFFE000  }
0x109: {  	_ =	swait.ge @p1 [sflag:s13], $0x2000  }
0x10a: {  	s26 =	simm.s32 @!p1 $0xD;
	[sflag:s13] =	ssyncset.done @p1 $0x0;
	s24 =	rddreg [dreg:$0x6]  }
0x10b: {  	s17 =	simm.s32 @!p1 $0x14100;
	[sflag:s13] =	ssyncadd.s32 @p1 $0xFFFFE000;
	s13 =	sadd.s32 @!p1 s5, s24  }
0x10c: {  	[tilespmem:s17], [sflag:$0x6] =	stream.linear.gather @!p1 [hbm4b:s13+s21], $0x100, $0x38;
	[tilespmem:$0x1C800] =	vst v63  }
0x10d: {  	s28 =	simm.s32 @!p1 $0x14480;
	s23 =	simm.s32 @!p1 $0x14800;
	s24 =	simm.s32 @!p1 $0x40  }
0x10e: {  	[spmem:s2] =	stream.indirect.scatter.add.f32 @!p1 [tilespmem:s23], [sflag:$0xD], $0x80, s28, s24, $0xb8;
	[tilespmem:$0x1C800] =	vst v63  }
0x10f: {  	_ =	swait.ge @!p1 [sflag:s26], $0x2000  }
0x110: {  	[sflag:s26] =	ssyncset.done @!p1 $0x0  }
0x111: {  	s13 =	simm.s32 @!p1 $0x2;
	[sflag:s26] =	ssyncadd.s32 @!p1 $0xFFFFE000  }
0x112: {  	_ =	swait.ge @!p1 [sflag:s13], $0x2000  }
0x113: {  	[sflag:s13] =	ssyncset.done @!p1 $0x0  }
0x114: {  	s28 =	simm.s32 @!p1 $0x5;
	[sflag:s13] =	ssyncadd.s32 @!p1 $0xFFFFE000  }
0x115: {  	_ =	swait.ge @!p1 [sflag:s28], $0x100  }
0x116: {  	[sflag:s28] =	ssyncset.done @!p1 $0x0  }
0x117: {  	s0 =	rddreg [dreg:$0x5];
	[sflag:s28] =	ssyncadd.s32 @!p1 $0xFFFFFF00  }
0x118: {  	[tilespmem:s23], [sflag:$0x1] =	stream.indirect.gather @!p1 [hbm4b:s4+s24], $0x80, s12, s24, $0xb8;
	[tilespmem:$0x1C800] =	vst v63  }
0x119: {  	s13 =	simm.s32 @!p1 $0x14200;
	s0 =	sadd.s32 @!p1 s5, s0  }
0x11a: {  	[tilespmem:s13], [sflag:$0x7] =	stream.linear.gather @!p1 [hbm4b:s0+s21], $0x100, $0x38;
	[tilespmem:$0x1C800] =	vst v63  }
0x11b: {  	s28 =	rddreg [dreg:$0xf]  }
0x11c: {  	[spmem:s2] =	stream.indirect.scatter.add.f32 [tilespmem:s25], [sflag:$0xD], $0x80, s28, s22, $0xb8;
	[tilespmem:$0x1C800] =	vst v63  }
0x11d: {  	_ =	swait.ge [sflag:s20], $0x2000  }
0x11e: {  	[sflag:s20] =	ssyncset.done $0x0  }
0x11f: {  	[sflag:s20] =	ssyncadd.s32 $0xFFFFE000  }
0x120: {  	_ =	swait.ge [sflag:s8], $0x2000  }
0x121: {  	[sflag:s8] =	ssyncset.done $0x0  }
0x122: {  	s12 =	simm.s32 @p1 $0x18800;
	s0 =	simm.s32 @p1 $0x14680;
	[sflag:s8] =	ssyncadd.s32 $0xFFFFE000  }
0x123: {  	[spmem:s2] =	stream.indirect.scatter.add.f32 @p1 [tilespmem:s12], [sflag:$0xD], $0x80, s0, s19, $0xb8;
	[tilespmem:$0x1C800] =	vst v63  }
0x124: {  	_ =	swait.ge @p1 [sflag:s18], $0x2000  }
0x125: {  	[sflag:s18] =	ssyncset.done @p1 $0x0  }
0x126: {  	s0 =	simm.s32 @p1 $0x4;
	[sflag:s18] =	ssyncadd.s32 @p1 $0xFFFFE000  }
0x127: {  	_ =	swait.ge @p1 [sflag:s0], $0x2000  }
0x128: {  	[sflag:s0] =	ssyncset.done @p1 $0x0  }
0x129: {  	s12 =	simm.s32 @!p1 $0x6;
	[sflag:s0] =	ssyncadd.s32 @p1 $0xFFFFE000  }
0x12a: {  	_ =	swait.ge @!p1 [sflag:s12], $0x100  }
0x12b: {  	[sflag:s12] =	ssyncset.done @!p1 $0x0  }
0x12c: {  	s0 =	simm.s32 @!p1 $0x16800;
	s18 =	rddreg [dreg:$0x4];
	[sflag:s12] =	ssyncadd.s32 @!p1 $0xFFFFFF00  }
0x12d: {  	[tilespmem:s0], [sflag:$0x2] =	stream.indirect.gather @!p1 [hbm4b:s4+s24], $0x80, s17, s24, $0xb8;
	[tilespmem:$0x1C800] =	vst v63  }
0x12e: {  	s12 =	simm.s32 @!p1 $0x14300;
	s0 =	sadd.s32 @!p1 s5, s18  }
0x12f: {  	[tilespmem:s12], [sflag:$0x8] =	stream.linear.gather @!p1 [hbm4b:s0+s21], $0x100, $0x38;
	[tilespmem:$0x1C800] =	vst v63  }
0x130: {  	s17 =	simm.s32 @!p1 $0x14680;
	s18 =	simm.s32 @!p1 $0x18800  }
0x131: {  	[spmem:s2] =	stream.indirect.scatter.add.f32 @!p1 [tilespmem:s18], [sflag:$0xD], $0x80, s17, s24, $0xb8;
	[tilespmem:$0x1C800] =	vst v63  }
0x132: {  	_ =	swait.ge @!p1 [sflag:s26], $0x2000  }
0x133: {  	[sflag:s26] =	ssyncset.done @!p1 $0x0  }
0x134: {  	s0 =	simm.s32 @!p1 $0x4;
	[sflag:s26] =	ssyncadd.s32 @!p1 $0xFFFFE000  }
0x135: {  	_ =	swait.ge @!p1 [sflag:s0], $0x2000  }
0x136: {  	[sflag:s0] =	ssyncset.done @!p1 $0x0  }
0x137: {  	s12 =	simm.s32 @!p1 $0x7;
	[sflag:s0] =	ssyncadd.s32 @!p1 $0xFFFFE000  }
0x138: {  	_ =	swait.ge @!p1 [sflag:s12], $0x100  }
0x139: {  	s14 =	sadd.s32 $0x100, s14;
	[sflag:s12] =	ssyncset.done @!p1 $0x0  }
0x13a: {  	p0 =	sne.s32 s14, $0x1400;
	s0 =	rddreg [dreg:$0x3];
	[sflag:s12] =	ssyncadd.s32 @!p1 $0xFFFFFF00  }
0x13b: {  	[tilespmem:s18], [sflag:$0x3] =	stream.indirect.gather @!p1 [hbm4b:s4+s24], $0x80, s13, s24, $0xb8;
	[tilespmem:$0x1C800] =	vst v63  }
.Ltmp0:
0x13c: {  	s12 =	simm.s32 @!p1 $0x14400;
	s0 =	sadd.s32 @!p1 s5, s0;
	(pc) =	sbr.rel @p0 .LBB2_2-.Ltmp0, $4  }
0x13d: {  	[tilespmem:s12], [sflag:$0x9] =	stream.linear.gather @!p1 [hbm4b:s0+s21], $0x100, $0x38;
	[tilespmem:$0x1C800] =	vst v63  }
0x13e: {  	s26 =	rddreg [dreg:$0x10]  }
0x13f: {  	[spmem:s2] =	stream.indirect.scatter.add.f32 [tilespmem:s31], [sflag:$0xD], $0x80, s26, s22, $0xb8;
	[tilespmem:$0x1C800] =	vst v63  }
0x140: {  	s23 =	simm.s32 $0x14300;
	s28 =	simm.s32 $0x14400;
	_ =	swait.ge [sflag:s20], $0x2000  }
0x141: {  	[sflag:s20] =	ssyncset.done $0x0  }
0x142: {  	[sflag:s20] =	ssyncadd.s32 $0xFFFFE000  }
0x143: {  	[bflag:$0x0] =	sbarrier.arrive $0xFFFF  }
0x144: {  	s12 =	rddreg [dreg:$0x18]  }
0x145: {  	s0 =	rddreg [dreg:$0x19]  }
0x146: {  	s3 =	rddreg [dreg:$0x1c]  }
0x147: {  	[hbm:s0], [sflag:s12] =	dma.local [spmem:s3], $0x2800  }
0x148: {  	_ =	swait.ge [sflag:s20], $0x2800  }
0x149: {  	s5 =	rddreg [dreg:$0x1b]  }
0x14a: {  	s26 =	rddreg [dreg:$0x1a];
	s5 =	sadd.s32 $0x1, s5  }
0x14b: {  	p0 =	sne.s32 s5, s26  }
.Ltmp1:
0x14c: {  	_ = 	snop;
	(pc) =	sbr.rel @p0 .LBB2_1-.Ltmp1, $4  }
0x14d: {  	_ = 	snop  }
0x14e: {  	s7 =	simm.s32 $0x14800;
	s10 =	simm.s32 $0x18800  }
0x14f: {  	s17 =	simm.s32 $0x0;
	s18 =	simm.s32 $0x14600;
	[sflag:s20] =	ssyncset.done $0x0  }
0x150: {  	s19 =	simm.s32 $0x14700;
	s3 =	simm.s32 $0x14500;
	[sflag:s20] =	ssyncadd.s32 $0xFFFFD800  }
0x151: {  	_ =	sfence.sel $0x180000  }
0x152: {  	[bflag:$0x0] =	sbarrier.arrive $0xFFFF  }
0x153: {  	_ =	strace $0x9000004A  }
0x154: {  	s0 =	stileid.u32;
	[bflag:$0x2] =	sbarrier.arrive $0xFFFF  }
0x155: {  	p0 =	sne.s32 s0, $0x0;
	s0 =	rddreg [dreg:$0x2]  }
0x156: {  	s0 =	sadd.s32 @!p0 $0x100000, s0  }
0x157: {  	[sflag:s0] =	ssyncadd.tile.s32 @!p0 $0x1;
	_ =	shalt  }
.Lfunc_end2:
_tile_overlayer_lowered:
.L_overlay_start_2:
0x158: {  	(tag) =	ssettag $0x2  }
0x159: {  	s0 =	rddreg [dreg:$0x0];
	s2 =	stileid.u32  }
0x15a: {  	s1 =	rddreg [dreg:$0x1];
	p0 =	sne.s32 s2, $0x0  }
0x15b: {  	s3 =	rddreg [dreg:$0x2];
	[bflag:$0x3] =	sbarrier.arrive $0xFFFF;
	s2 =	simm.s32 @!p0 $0x1C0D  }
0x15c: {  	[timem:s3], [sflag:s2] =	dma.local @!p0 [hbm:s0], s1  }
0x15d: {  	s0 =	simm.s32 @!p0 $0xD  }
0x15e: {  	_ =	swait.ge @!p0 [sflag:s0], s1  }
0x15f: {  	s1 =	ssub.s32 @!p0 $0x0, s1;
	[sflag:s0] =	ssyncset.done @!p0 $0x0  }
0x160: {  	[sflag:s0] =	ssyncadd.s32 @!p0 s1  }
0x161: {  	[bflag:$0x3] =	sbarrier.arrive $0xFFFF  }
0x162: {  	_ =	shalt  }

// kernel: sc_agg_deg.3.cloned.1.call-start
scs
__scs_entry_jumppad:
0x0: {  	(pc) =	sbr.rel $0x88, $3  }
0x1: {  	(tag) =	ssettag $0x0;
	lr =	simm.s32 $0x1  }
0x2: {  	[smem:$0x3F99] =	sst lr;
	_ =	strace $0xD0000000  }
0x3: {  	_ = 	snop  }
0x4: {  	_ = 	snop  }
0x5: {  	_ = 	snop  }
0x6: {  	_ = 	snop  }
0x7: {  	_ = 	snop  }
__scs_overlays_trampoline_lowered:
0x8: {  	[smem:$0x3FA8] =	sst s0  }
0x9: {  	[smem:$0x3FA9] =	sst s1  }
0xa: {  	[smem:$0x3FAA] =	sst s2  }
0xb: {  	[smem:$0x3FAB] =	sst s3  }
0xc: {  	[smem:$0x3FAC] =	sst s4  }
0xd: {  	[smem:$0x3FAD] =	sst s5  }
0xe: {  	[smem:$0x3FAE] =	sst s6  }
0xf: {  	[smem:$0x3FAF] =	sst s7  }
0x10: {  	[smem:$0x3FB0] =	sst s8  }
0x11: {  	[smem:$0x3FB1] =	sst s9;
	s0 =	simm.s32 @!p0 $0x0  }
0x12: {  	s1 =	sld [smem:$0x3F97];
	s0 =	simm.s32 @p0 $0x1  }
0x13: {  	[smem:$0x3FB2] =	sst s0;
	s0 =	simm.s32 @!p1 $0x0  }
0x14: {  	s2 =	sld [smem:$0x3F96];
	s0 =	simm.s32 @p1 $0x1  }
0x15: {  	[smem:$0x3FB3] =	sst s0;
	s0 =	simm.s32 @!p2 $0x0  }
0x16: {  	s3 =	sld [smem:$0x3FDB];
	s0 =	simm.s32 @p2 $0x1  }
0x17: {  	s4 =	simm.s32 $0x1BF5;
	[smem:$0x3FB5] =	sst s0  }
0x18: {  	s0 =	sld [smem:$0x3F98];
	_ =	swait.ge [sflag:s4], $0x0  }
0x19: {  	s7 =	sld [smem:$0x3F99]  }
0x1a: {  	s8 =	sadd.s32 $0xFFFFE003, lr  }
0x1b: {  	s9 =	sadd.s32 $0xFFFFFEF7, lr;
	s5 =	simm.s32 $0xFFFFFFFF;
	p2 =	slt.u32 s8, $0xFFFFF086  }
0x1c: {  	p1 =	slt.u32 s9, $0xF7A;
	s5 =	simm.s32 @!p2 $0x0  }
0x1d: {  	s5 =	simm.s32 @p1 $0x1;
	p0 =	seq.s32 s7, s2  }
0x1e: {  	s7 =	smul.u32 @!p0 $0xF7A, s2;
	p2 =	seq.s32 @!p0 s5, $0x0  }
0x1f: {  	s9 =	smul.u32 $0xF7A, s1;
	s8 =	simm.s32 @!p0 $0x1BF5;
	p2 =	por !p2, p0  }
0x20: {  	[sflag:s8] =	ssyncset.s32 @!p0 $0xFFFFF086;
	s6 =	sadd.s32 @!p0 s3, s7;
	s7 =	simm.s32 @!p0 $0x108  }
0x21: {  	s3 =	sadd.s32 s3, s9;
	s6 =	sadd.s32 @!p0 $0x88, s6;
	s7 =	simm.s32 @p2 $0x1082  }
0x22: {  	[simem:s7], [sflag:s8] =	dma.local @!p0 [hbm:s6], $0xF7A  }
0x23: {  	s9 =	sor.u32 $0xD0000000, s2;
	s6 =	simm.s32 $0x108;
	_ =	swait.ge @!p0 [sflag:s8], $0x0  }
0x24: {  	s3 =	sadd.s32 $0x88, s3;
	s6 =	simm.s32 @!p1 $0x1082;
	[sflag:s4] =	ssyncset.s32 $0xFFFFF086  }
0x25: {  	[simem:s6], [sflag:s4] =	dma.local [hbm:s3], $0xF7A  }
0x26: {  	[smem:$0x3F99] =	sst s1;
	(tag) =	ssettag s2;
	_ =	strace s9  }
0x27: {  	s1 =	sld [smem:$0x3FA9]  }
0x28: {  	s2 =	sld [smem:$0x3FAA]  }
0x29: {  	s4 =	sld [smem:$0x3FAC]  }
0x2a: {  	p0 =	seq.s32 s5, $0x0;
	s5 =	sld [smem:$0x3FAD]  }
0x2b: {  	s6 =	sld [smem:$0x3FAE]  }
0x2c: {  	s7 =	sld [smem:$0x3FAF]  }
0x2d: {  	s3 =	simm.s32 $0x108;
	s8 =	sld [smem:$0x3FB0]  }
0x2e: {  	s3 =	simm.s32 @!p0 $0x1082;
	s9 =	sld [smem:$0x3FB1]  }
0x2f: {  	lr =	sadd.s32 s0, s3;
	s0 =	sld [smem:$0x3FA8]  }
0x30: {  	s3 =	sld [smem:$0x3FAB]  }
0x31: {  	[smem:$0x3FB4] =	sst s10  }
0x32: {  	s10 =	sld [smem:$0x3FB2];
	_ =	sdelay $0x3  }
0x33: {  	p0 =	seq.s32 s10, $0x1;
	s10 =	sld [smem:$0x3FB4];
	_ =	sdelay $0x3  }
0x34: {  	[smem:$0x3FB4] =	sst s10  }
0x35: {  	s10 =	sld [smem:$0x3FB3];
	_ =	sdelay $0x3  }
0x36: {  	p1 =	seq.s32 s10, $0x1;
	s10 =	sld [smem:$0x3FB4];
	_ =	sdelay $0x3  }
0x37: {  	[smem:$0x3FB4] =	sst s10  }
0x38: {  	s10 =	sld [smem:$0x3FB5]  }
0x39: {  	_ = 	snop;
	(pc) =	sbr.ind lr, $3  }
0x3a: {  	_ = 	snop  }
0x3b: {  	_ = 	snop  }
0x3c: {  	p2 =	seq.s32 s10, $0x1;
	s10 =	sld [smem:$0x3FB4]  }
0x3d: {  	_ =	shalt  }
0x3e: {  	_ =	shalt  }
0x3f: {  	_ =	shalt  }
0x40: {  	_ =	shalt  }
0x41: {  	_ =	shalt  }
0x42: {  	_ =	shalt  }
0x43: {  	_ =	shalt  }
0x44: {  	_ =	shalt  }
0x45: {  	_ =	shalt  }
0x46: {  	_ =	shalt  }
0x47: {  	_ =	shalt  }
0x48: {  	_ =	shalt  }
0x49: {  	_ =	shalt  }
0x4a: {  	_ =	shalt  }
0x4b: {  	_ =	shalt  }
0x4c: {  	_ =	shalt  }
0x4d: {  	_ =	shalt  }
0x4e: {  	_ =	shalt  }
0x4f: {  	_ =	shalt  }
0x50: {  	_ =	shalt  }
0x51: {  	_ =	shalt  }
0x52: {  	_ =	shalt  }
0x53: {  	_ =	shalt  }
0x54: {  	_ =	shalt  }
0x55: {  	_ =	shalt  }
0x56: {  	_ =	shalt  }
0x57: {  	_ =	shalt  }
0x58: {  	_ =	shalt  }
0x59: {  	_ =	shalt  }
0x5a: {  	_ =	shalt  }
0x5b: {  	_ =	shalt  }
0x5c: {  	_ =	shalt  }
0x5d: {  	_ =	shalt  }
0x5e: {  	_ =	shalt  }
0x5f: {  	_ =	shalt  }
0x60: {  	_ =	shalt  }
0x61: {  	_ =	shalt  }
0x62: {  	_ =	shalt  }
0x63: {  	_ =	shalt  }
0x64: {  	_ =	shalt  }
0x65: {  	_ =	shalt  }
0x66: {  	_ =	shalt  }
0x67: {  	_ =	shalt  }
0x68: {  	_ =	shalt  }
0x69: {  	_ =	shalt  }
0x6a: {  	_ =	shalt  }
0x6b: {  	_ =	shalt  }
0x6c: {  	_ =	shalt  }
0x6d: {  	_ =	shalt  }
0x6e: {  	_ =	shalt  }
0x6f: {  	_ =	shalt  }
0x70: {  	_ =	shalt  }
0x71: {  	_ =	shalt  }
0x72: {  	_ =	shalt  }
0x73: {  	_ =	shalt  }
0x74: {  	_ =	shalt  }
0x75: {  	_ =	shalt  }
0x76: {  	_ =	shalt  }
0x77: {  	_ =	shalt  }
0x78: {  	_ =	shalt  }
0x79: {  	_ =	shalt  }
0x7a: {  	_ =	shalt  }
0x7b: {  	_ =	shalt  }
0x7c: {  	_ =	shalt  }
0x7d: {  	_ =	shalt  }
0x7e: {  	_ =	shalt  }
0x7f: {  	_ =	shalt  }
0x80: {  	_ =	shalt  }
0x81: {  	_ =	shalt  }
0x82: {  	_ =	shalt  }
0x83: {  	_ =	shalt  }
0x84: {  	_ =	shalt  }
0x85: {  	_ =	shalt  }
0x86: {  	_ =	shalt  }
0x87: {  	_ =	shalt  }
.Lfunc_end0:
.L_simem_size_0:
called_computation_lowered:
.L_overlay_start_0:
0x88: {  	s2 =	sld [smem:$0x3FD9]  }
0x89: {  	s3 =	sld [smem:$0x3FFE];
	_ =	sdelay $0x1  }
0x8a: {  	s1 =	srdreg.scid  }
0x8b: {  	s0 =	sand.u32 $0x1, s1  }
0x8c: {  	s17 =	sshll.u32 s0, $0xA;
	s2 =	sadd.s32 s3, s2  }
0x8d: {  	s2 =	sadd.s32 s2, s17  }
0x8e: {  	[smem:$0x3FC0] =	sst s2  }
0x8f: {  	_ = 	snop  }
0x90: {  	s2 =	sld [smem:$0x3FD0];
	(tm) =	ssettm $0x1  }
0x91: {  	s18 =	sld [smem:$0x3FFB];
	_ =	sdelay $0x3  }
0x92: {  	_ =	strace s18  }
0x93: {  	s3 =	sld [smem:$0x3FFC];
	_ =	sdelay $0x3  }
0x94: {  	_ =	strace s3  }
0x95: {  	s3 =	sld [smem:$0x3FFD];
	_ =	sdelay $0x3  }
0x96: {  	_ =	strace s3  }
0x97: {  	_ =	strace $0x8FFFFFFF  }
0x98: {  	s19 =	sld [smem:$0x3FDB];
	_ =	sdelay $0x1  }
0x99: {  	s4 =	simm.s32 $_scs_section_size  }
0x9a: {  	s5 =	simm.s32 $_size__tile_overlayer_lowered;
	s6 =	simm.s32 $_tile_overlayer_lowered  }
0x9b: {  	s22 =	simm.s32 $0x1BFF;
	s21 =	sshll.u32 s6, $0x1;
	s3 =	sadd.s32 s4, s19  }
0x9c: {  	s7 =	simm.s32 $0x0;
	s20 =	sshll.u32 s5, $0x1;
	s5 =	sadd.s32 s21, s3  }
0x9d: {  	[timem:s7], [sflag:s22] =	dma.local [hbm:s5], s20  }
0x9e: {  	_ =	swait.ge [sflag:s22], s20  }
0x9f: {  	s4 =	ssub.s32 $0x0, s20;
	[sflag:s22] =	ssyncset.done $0x0  }
0xa0: {  	[sflag:s22] =	ssyncadd.s32 s4;
	_ =	sdelay $0x1  }
0xa1: {  	s23 =	simm.s32 $0x1B8B  }
0xa2: {  	_ =	swait.ge [sflag:s23], $0x1  }
0xa3: {  	[sflag:s23] =	ssyncset.done $0x0  }
0xa4: {  	s25 =	simm.s32 $0x1B8E;
	s24 =	sld [smem:$0x3FFE];
	[sflag:s23] =	ssyncadd.s32 $0xFFFFFFFF  }
0xa5: {  	s26 =	simm.s32 $execute0_lowered;
	[smem:$0x3FD2] =	sst s25  }
0xa6: {  	s5 =	sshll.u32 s26, $0x1;
	_ =	strace $0x80000046;
	[dreg:$0x1] =	wrdreg $0xFFFFFFFF  }
0xa7: {  	s28 =	simm.s32 $_size_execute0_lowered;
	s3 =	sadd.s32 s3, s5;
	[dreg:$0x0] =	wrdreg $0x0  }
0xa8: {  	s5 =	sshll.u32 s28, $0x1;
	[dreg:$0x2] =	wrdreg s3  }
0xa9: {  	[dreg:$0x3] =	wrdreg s5  }
0xaa: {  	[dreg:$0x4] =	wrdreg $0xC0  }
0xab: {  	_ =	task [dreg:s7], $0x5FFFF  }
0xac: {  	[dreg:$0x1] =	wrdreg $0xFFFFFFFF  }
0xad: {  	[dreg:$0x0] =	wrdreg $0x60  }
0xae: {  	[dreg:$0x2] =	wrdreg s24  }
0xaf: {  	[dreg:$0x3] =	wrdreg s2  }
0xb0: {  	[dreg:$0x4] =	wrdreg $0x0  }
0xb1: {  	[dreg:$0x5] =	wrdreg $0x9  }
0xb2: {  	_ =	task.clear_ibuf [dreg:s7], $0x6FFFF;
	_ =	strace $0x90000046  }
0xb3: {  	s29 =	simm.s32 $0x9;
	_ =	strace $0x80000048  }
0xb4: {  	_ =	swait.ge [sflag:s29], $0x1  }
0xb5: {  	[sflag:s29] =	ssyncadd.s32 $0xFFFFFFFF  }
0xb6: {  	_ =	strace $0x90000048  }
0xb7: {  	_ =	sfence  }
0xb8: {  	s30 =	sld [smem:$0x0];
	_ =	sdelay $0x2  }
0xb9: {  	s31 =	sshll.u32 s1, $0xD;
	s1 =	sshrl.u32 s1, $0x2  }
0xba: {  	s3 =	sand.u32 $0x4000, s31;
	s1 =	sadd.s32 s1, s30  }
0xbb: {  	s0 =	sor.u32 s3, s0;
	s1 =	sshll.u32 s1, $0x11  }
0xbc: {  	s0 =	sor.u32 s1, s0  }
0xbd: {  	s0 =	sadd.s32 $0x8F2B, s0  }
0xbe: {  	[sflag:s0] =	ssyncadd.remote.s32 $0x1  }
0xbf: {  	_ =	sfence.sel $0xFFFF  }
0xc0: {  	[dreg:$0x0] =	wrdreg $0xFFFFFFFF;
	(pc) =	sbr.abs _section_cstart, $3  }
0xc1: {  	[dreg:$0x1] =	wrdreg $0xFFFFFFFF  }
0xc2: {  	_ =	task.clear_ibuf [dreg:s7], $0x2FFFF;
	_ =	strace $0x9FFFFFFF  }
0xc3: {  	(tm) =	ssettm $0x7FFFFFFF  }
tec
execute0_lowered:
.L_overlay_start_1:
0x0: {  	(tag) =	ssettag $0x1  }
0x1: {  	s5 =	rddreg [dreg:$0x0]  }
0x2: {  	s0 =	rddreg [dreg:$0x1]  }
0x3: {  	s2 =	rddreg [dreg:$0x2];
	s3 =	simm.s32 $0x0  }
0x4: {  	s13 =	stileid.u32;
	s1 =	srdreg.scid;
	s29 =	simm.s32 $0x16800  }
0x5: {  	s31 =	simm.s32 $0x18800;
	[smem:$0x7FF] =	sst s3;
	s6 =	smul.u32 $0x14000, s13  }
0x6: {  	s7 =	sand.u32 $0x1, s1;
	s9 =	sshll.u32 s13, $0x1;
	s4 =	sadd.s32 $0x2A400, s5  }
0x7: {  	s1 =	sadd.s32 $0x2400, s5;
	s12 =	sadd.s32 $0x52400, s5;
	s15 =	smul.u32 $0x50000, s13  }
0x8: {  	s20 =	sshll.u32 s13, $0x6;
	s21 =	sshrl.u32 s13, $0x2;
	_ =	strace $0x80000047  }
0x9: {  	s8 =	smul.u32 $0x140000, s7;
	s9 =	sor.u32 s7, s9;
	[dreg:$0x14] =	wrdreg s12  }
0xa: {  	s28 =	ssub.s32 $0x2, s7;
	s7 =	smul.u32 $0xA000, s7;
	s10 =	sshrl.u32 s6, $0x3  }
0xb: {  	s11 =	smul.u32 $0xA000, s9;
	s30 =	sshrl.u32 s28, $0x1;
	s9 =	sshll.u32 s9, $0x7  }
0xc: {  	s8 =	sadd.s32 s6, s8;
	s10 =	sadd.s32 s10, s5;
	s6 =	sadd.s32 s7, s6  }
0xd: {  	s22 =	sand.u32 $0x380, s9;
	s8 =	sshrl.u32 s8, $0x3;
	s11 =	sshrl.u32 s11, $0x3  }
0xe: {  	s10 =	sadd.s32 $0x52A00, s10;
	s7 =	sor.u32 $0xC00, s6;
	s23 =	sor.u32 $0xB00, s6  }
0xf: {  	s25 =	sor.u32 $0xA00, s6;
	s5 =	sadd.s32 s8, s5;
	s14 =	sadd.s32 s1, s11  }
0x10: {  	s8 =	ssub.s32 s28, s30;
	s11 =	sshrl.u32 s15, $0x2;
	[dreg:$0x1b] =	wrdreg s10  }
0x11: {  	s10 =	smul.u32 $0x14000, s21;
	s7 =	sshrl.u32 s7, $0x3;
	s9 =	sshrl.u32 s23, $0x3  }
0x12: {  	s26 =	sshrl.u32 s25, $0x3;
	s21 =	simm.s32 $0x14080;
	[dreg:$0x15] =	wrdreg s14  }
0x13: {  	s28 =	sor.u32 $0x900, s6;
	s23 =	simm.s32 $0x14280;
	[dreg:$0xc] =	wrdreg s21  }
0x14: {  	s30 =	sor.u32 $0x800, s6;
	s25 =	simm.s32 $0x14480;
	[dreg:$0xe] =	wrdreg s23  }
0x15: {  	s16 =	sadd.s32 $0x20, s14;
	s17 =	sadd.s32 $0x40, s14;
	[dreg:$0x10] =	wrdreg s25  }
0x16: {  	s18 =	sadd.s32 $0x60, s14;
	s19 =	sadd.s32 $0x80, s14;
	[dreg:$0x16] =	wrdreg s16  }
0x17: {  	s11 =	sadd.s32 s11, s2;
	s5 =	sadd.s32 $0x7AA00, s5;
	[dreg:$0x17] =	wrdreg s17  }
0x18: {  	s7 =	sadd.s32 s7, s1;
	s24 =	sadd.s32 s9, s1;
	[dreg:$0x18] =	wrdreg s18  }
0x19: {  	s9 =	sshrl.u32 s28, $0x3;
	s12 =	sshrl.u32 s30, $0x3;
	[dreg:$0x19] =	wrdreg s19  }
0x1a: {  	s14 =	sor.u32 $0x700, s6;
	s21 =	simm.s32 $0x14400;
	[dreg:$0x1a] =	wrdreg s11  }
0x1b: {  	s28 =	simm.s32 $0x14680;
	s23 =	simm.s32 $0x1C800;
	[dreg:$0x1d] =	wrdreg s5  }
0x1c: {  	s30 =	simm.s32 $0x14780;
	s25 =	simm.s32 $0x40;
	[dreg:$0x4] =	wrdreg s7  }
0x1d: {  	s16 =	sor.u32 $0x1C0D, s20;
	s5 =	sor.u32 s10, s22;
	[dreg:$0x5] =	wrdreg s24  }
0x1e: {  	s7 =	sadd.s32 s26, s1;
	s11 =	sadd.s32 s9, s1;
	s13 =	sadd.s32 s12, s1  }
0x1f: {  	s15 =	sshrl.u32 s14, $0x3;
	s17 =	sor.u32 $0x600, s6;
	[dreg:$0x12] =	wrdreg s28  }
0x20: {  	s6 =	sor.u32 $0x500, s6;
	s20 =	smax.u32 s8, $0x1;
	[dreg:$0x13] =	wrdreg s30  }
0x21: {  	s22 =	simm.s32 $0x14180;
	s24 =	simm.s32 $0x14380;
	[dreg:$0x6] =	wrdreg s7  }
0x22: {  	s26 =	simm.s32 $0x14580;
	s8 =	simm.s32 $0x2;
	[dreg:$0x7] =	wrdreg s11  }
0x23: {  	s10 =	simm.s32 $0x14600;
	s12 =	simm.s32 $0xA;
	[dreg:$0x8] =	wrdreg s13  }
0x24: {  	s14 =	simm.s32 $0x14700;
	s5 =	sshrl.u32 s5, $0x3;
	[dreg:$0x1f] =	wrdreg s20  }
0x25: {  	s7 =	sadd.s32 s15, s1;
	s9 =	sshrl.u32 s17, $0x3;
	[dreg:$0xd] =	wrdreg s22  }
0x26: {  	s6 =	sshrl.u32 s6, $0x3;
	s20 =	simm.s32 $0x14300;
	[dreg:$0xf] =	wrdreg s24  }
0x27: {  	s22 =	simm.s32 $0xD;
	[dreg:$0x11] =	wrdreg s26;
	s26 =	simm.s32 $0x14800  }
0x28: {  	s11 =	simm.s32 $0x3;
	s15 =	simm.s32 $0xB;
	[dreg:$0x1c] =	wrdreg s16  }
0x29: {  	s17 =	simm.s32 $0xC;
	[dreg:$0x9] =	wrdreg s7;
	s18 =	sadd.s32 s9, s1  }
0x2a: {  	s0 =	sadd.s32 s0, s5;
	s19 =	sadd.s32 s6, s1;
	s1 =	simm.s32 $0x8  }
0x2b: {  	s5 =	simm.s32 $0x1A800;
	s7 =	simm.s32 $0x14500;
	[dreg:$0x1e] =	wrdreg s0  }
0x2c: {  	s9 =	simm.s32 $0x9;
	s6 =	simm.s32 $0x4;
	[dreg:$0xa] =	wrdreg s18  }
0x2d: {  	v0 =	vimm.f32 $1.000000000e+00;
	[dreg:$0xb] =	wrdreg s19;
	s0 =	simm.s32 $0x1;
	s18 =	simm.s32 $0x0  }
.LBB2_1:
0x2e: {  	[smem:$0x7FC] =	sst s18  }
0x2f: {  	s13 =	rddreg [dreg:$0x15]  }
0x30: {  	s18 =	simm.s32 $0x14000;
	s28 =	rddreg [dreg:$0x16]  }
0x31: {  	[tilespmem:s18], [sflag:$0x5] =	stream.linear.gather [hbm4b:s13+s3], $0x100, $0x38;
	[tilespmem:$0x1F000] =	vst v63  }
0x32: {  	s19 =	simm.s32 $0x14100;
	s30 =	rddreg [dreg:$0x17]  }
0x33: {  	[tilespmem:s19], [sflag:$0x6] =	stream.linear.gather [hbm4b:s28+s3], $0x100, $0x38;
	[tilespmem:$0x1F000] =	vst v63  }
0x34: {  	s24 =	simm.s32 $0x14200;
	s28 =	rddreg [dreg:$0x18]  }
0x35: {  	[tilespmem:s24], [sflag:$0x7] =	stream.linear.gather [hbm4b:s30+s3], $0x100, $0x38;
	[tilespmem:$0x1F000] =	vst v63  }
0x36: {  	s30 =	rddreg [dreg:$0x19]  }
0x37: {  	[tilespmem:s20], [sflag:$0x8] =	stream.linear.gather [hbm4b:s28+s3], $0x100, $0x38;
	[tilespmem:$0x1F000] =	vst v63  }
0x38: {  	s28 =	rddreg [dreg:$0x1a]  }
0x39: {  	[tilespmem:s21], [sflag:$0x9] =	stream.linear.gather [hbm4b:s30+s3], $0x100, $0x38;
	[tilespmem:$0x1F000] =	vst v63  }
0x3a: {  	s28 =	sshrl.u32 s28, $0x3;
	s30 =	rddreg [dreg:$0x1b]  }
0x3b: {  	[smem:$0x7FD] =	sst s28  }
0x3c: {  	[spmem:s28], [sflag:s16] =	dma.local [hbm:s30], $0x2800  }
0x3d: {  	_ =	swait.ge [sflag:s22], $0x2800  }
0x3e: {  	[sflag:s22] =	ssyncset.done $0x0  }
0x3f: {  	s30 =	rddreg [dreg:$0x14];
	[sflag:s22] =	ssyncadd.s32 $0xFFFFD800  }
0x40: {  	[tilespmem:s23], [sflag:$0xD] =	stream.linear.gather [hbm4b:s30+s3], $0x2800, $0x38;
	[tilespmem:$0x1F000] =	vst v63  }
0x41: {  	_ =	swait.ge [sflag:s22], $0x2800  }
0x42: {  	[sflag:s22] =	ssyncset.done $0x0  }
0x43: {  	[sflag:s22] =	ssyncadd.s32 $0xFFFFD800  }
0x44: {  	s16 =	simm.s32 $0x5;
	[bflag:$0x0] =	sbarrier.arrive $0xFFFF  }
0x45: {  	_ =	swait.ge [sflag:s16], $0x100  }
0x46: {  	[sflag:s16] =	ssyncset.done $0x0  }
0x47: {  	s28 =	simm.s32 $0x6;
	[sflag:s16] =	ssyncadd.s32 $0xFFFFFF00  }
0x48: {  	[tilespmem:s26], [sflag:$0x1] =	stream.indirect.gather [hbm4b:s4+s25], $0x80, s18, s25, $0xb8;
	[tilespmem:$0x1F000] =	vst v63  }
0x49: {  	_ =	swait.ge [sflag:s28], $0x100  }
0x4a: {  	[sflag:s28] =	ssyncset.done $0x0  }
0x4b: {  	s30 =	simm.s32 $0x7;
	[sflag:s28] =	ssyncadd.s32 $0xFFFFFF00  }
0x4c: {  	[tilespmem:s29], [sflag:$0x2] =	stream.indirect.gather [hbm4b:s4+s25], $0x80, s19, s25, $0xb8;
	[tilespmem:$0x1F000] =	vst v63  }
0x4d: {  	_ =	swait.ge [sflag:s30], $0x100  }
0x4e: {  	[sflag:s30] =	ssyncset.done $0x0  }
0x4f: {  	s19 =	simm.s32 $0x0;
	[sflag:s30] =	ssyncadd.s32 $0xFFFFFF00  }
0x50: {  	[tilespmem:s31], [sflag:$0x3] =	stream.indirect.gather [hbm4b:s4+s25], $0x80, s24, s25, $0xb8;
	[tilespmem:$0x1F000] =	vst v63  }
.LBB2_2:
0x51: {  	_ =	swait.ge [sflag:s0], $0x2000  }
0x52: {  	[sflag:s0] =	ssyncset.done $0x0  }
0x53: {  	[sflag:s0] =	ssyncadd.s32 $0xFFFFE000  }
0x54: {  	_ =	swait.ge [sflag:s1], $0x100  }
0x55: {  	[sflag:s1] =	ssyncset.done $0x0  }
0x56: {  	s24 =	rddreg [dreg:$0xb];
	[sflag:s1] =	ssyncadd.s32 $0xFFFFFF00  }
0x57: {  	[tilespmem:s5], [sflag:$0x4] =	stream.indirect.gather [hbm4b:s4+s25], $0x80, s20, s25, $0xb8;
	[tilespmem:$0x1F000] =	vst v63  }
0x58: {  	s24 =	sadd.s32 s19, s24  }
0x59: {  	[tilespmem:s7], [sflag:$0xA] =	stream.linear.gather [hbm4b:s24+s3], $0x100, $0x38;
	[tilespmem:$0x1F000] =	vst v63  }
0x5a: {  	s28 =	rddreg [dreg:$0xc]  }
0x5b: {  	[spmem:s2] =	stream.indirect.scatter.add.f32 [tilespmem:s26], [sflag:$0xD], $0x80, s28, s25, $0xb8;
	[tilespmem:$0x1F000] =	vst v63  }
0x5c: {  	_ =	swait.ge [sflag:s22], $0x2000  }
0x5d: {  	[sflag:s22] =	ssyncset.done $0x0  }
0x5e: {  	[sflag:s22] =	ssyncadd.s32 $0xFFFFE000  }
0x5f: {  	v1 =	vld [tilespmem:$0x14080];
	_ =	sdelay $0x7  }
0x60: {  	[tilespmem:v1+s23+$0x0] =	vst.idx.add.f32.msk $0xffff, v0  }
0x61: {  	v1 =	vld [tilespmem:$0x14090];
	_ =	sdelay $0x7  }
0x62: {  	[tilespmem:v1+s23+$0x0] =	vst.idx.add.f32.msk $0xffff, v0  }
0x63: {  	v1 =	vld [tilespmem:$0x140A0];
	_ =	sdelay $0x7  }
0x64: {  	[tilespmem:v1+s23+$0x0] =	vst.idx.add.f32.msk $0xffff, v0  }
0x65: {  	v1 =	vld [tilespmem:$0x140B0];
	_ =	sdelay $0x7  }
0x66: {  	[tilespmem:v1+s23+$0x0] =	vst.idx.add.f32.msk $0xffff, v0  }
0x67: {  	_ =	swait.ge [sflag:s8], $0x2000  }
0x68: {  	[sflag:s8] =	ssyncset.done $0x0  }
0x69: {  	[sflag:s8] =	ssyncadd.s32 $0xFFFFE000  }
0x6a: {  	_ =	swait.ge [sflag:s9], $0x100  }
0x6b: {  	[sflag:s9] =	ssyncset.done $0x0  }
0x6c: {  	s30 =	rddreg [dreg:$0xa];
	[sflag:s9] =	ssyncadd.s32 $0xFFFFFF00  }
0x6d: {  	[tilespmem:s26], [sflag:$0x1] =	stream.indirect.gather [hbm4b:s4+s25], $0x80, s21, s25, $0xb8;
	[tilespmem:$0x1F000] =	vst v63  }
0x6e: {  	s24 =	sadd.s32 s19, s30  }
0x6f: {  	[tilespmem:s10], [sflag:$0xB] =	stream.linear.gather [hbm4b:s24+s3], $0x100, $0x38;
	[tilespmem:$0x1F000] =	vst v63  }
0x70: {  	s13 =	rddreg [dreg:$0xd]  }
0x71: {  	[spmem:s2] =	stream.indirect.scatter.add.f32 [tilespmem:s29], [sflag:$0xD], $0x80, s13, s25, $0xb8;
	[tilespmem:$0x1F000] =	vst v63  }
0x72: {  	_ =	swait.ge [sflag:s22], $0x2000  }
0x73: {  	[sflag:s22] =	ssyncset.done $0x0  }
0x74: {  	[sflag:s22] =	ssyncadd.s32 $0xFFFFE000  }
0x75: {  	v1 =	vld [tilespmem:$0x14180];
	_ =	sdelay $0x7  }
0x76: {  	[tilespmem:v1+s23+$0x0] =	vst.idx.add.f32.msk $0xffff, v0  }
0x77: {  	v1 =	vld [tilespmem:$0x14190];
	_ =	sdelay $0x7  }
0x78: {  	[tilespmem:v1+s23+$0x0] =	vst.idx.add.f32.msk $0xffff, v0  }
0x79: {  	v1 =	vld [tilespmem:$0x141A0];
	_ =	sdelay $0x7  }
0x7a: {  	[tilespmem:v1+s23+$0x0] =	vst.idx.add.f32.msk $0xffff, v0  }
0x7b: {  	v1 =	vld [tilespmem:$0x141B0];
	_ =	sdelay $0x7  }
0x7c: {  	[tilespmem:v1+s23+$0x0] =	vst.idx.add.f32.msk $0xffff, v0  }
0x7d: {  	_ =	swait.ge [sflag:s11], $0x2000  }
0x7e: {  	[sflag:s11] =	ssyncset.done $0x0  }
0x7f: {  	[sflag:s11] =	ssyncadd.s32 $0xFFFFE000  }
0x80: {  	_ =	swait.ge [sflag:s12], $0x100  }
0x81: {  	[sflag:s12] =	ssyncset.done $0x0  }
0x82: {  	s16 =	rddreg [dreg:$0x9];
	[sflag:s12] =	ssyncadd.s32 $0xFFFFFF00  }
0x83: {  	[tilespmem:s29], [sflag:$0x2] =	stream.indirect.gather [hbm4b:s4+s25], $0x80, s7, s25, $0xb8;
	[tilespmem:$0x1F000] =	vst v63  }
0x84: {  	s24 =	sadd.s32 s19, s16  }
0x85: {  	[tilespmem:s14], [sflag:$0xC] =	stream.linear.gather [hbm4b:s24+s3], $0x100, $0x38;
	[tilespmem:$0x1F000] =	vst v63  }
0x86: {  	s18 =	rddreg [dreg:$0xe]  }
0x87: {  	[spmem:s2] =	stream.indirect.scatter.add.f32 [tilespmem:s31], [sflag:$0xD], $0x80, s18, s25, $0xb8;
	[tilespmem:$0x1F000] =	vst v63  }
0x88: {  	_ =	swait.ge [sflag:s22], $0x2000  }
0x89: {  	[sflag:s22] =	ssyncset.done $0x0  }
0x8a: {  	[sflag:s22] =	ssyncadd.s32 $0xFFFFE000  }
0x8b: {  	v1 =	vld [tilespmem:$0x14280];
	_ =	sdelay $0x7  }
0x8c: {  	[tilespmem:v1+s23+$0x0] =	vst.idx.add.f32.msk $0xffff, v0  }
0x8d: {  	v1 =	vld [tilespmem:$0x14290];
	_ =	sdelay $0x7  }
0x8e: {  	[tilespmem:v1+s23+$0x0] =	vst.idx.add.f32.msk $0xffff, v0  }
0x8f: {  	v1 =	vld [tilespmem:$0x142A0];
	_ =	sdelay $0x7  }
0x90: {  	[tilespmem:v1+s23+$0x0] =	vst.idx.add.f32.msk $0xffff, v0  }
0x91: {  	v1 =	vld [tilespmem:$0x142B0];
	_ =	sdelay $0x7  }
0x92: {  	[tilespmem:v1+s23+$0x0] =	vst.idx.add.f32.msk $0xffff, v0  }
0x93: {  	_ =	swait.ge [sflag:s6], $0x2000  }
0x94: {  	[sflag:s6] =	ssyncset.done $0x0  }
0x95: {  	[sflag:s6] =	ssyncadd.s32 $0xFFFFE000  }
0x96: {  	_ =	swait.ge [sflag:s15], $0x100  }
0x97: {  	[sflag:s15] =	ssyncset.done $0x0  }
0x98: {  	p0 =	seq.s32 s19, $0x1300;
	s24 =	rddreg [dreg:$0x8];
	[sflag:s15] =	ssyncadd.s32 $0xFFFFFF00  }
0x99: {  	[tilespmem:s31], [sflag:$0x3] =	stream.indirect.gather [hbm4b:s4+s25], $0x80, s10, s25, $0xb8;
	[tilespmem:$0x1F000] =	vst v63  }
0x9a: {  	s30 =	simm.s32 @!p0 $0x14000;
	s28 =	sadd.s32 @!p0 s19, s24;
	s24 =	simm.s32 @!p0 $0x0  }
0x9b: {  	[tilespmem:s30], [sflag:$0x5] =	stream.linear.gather @!p0 [hbm4b:s28+s24], $0x100, $0x38;
	[tilespmem:$0x1F000] =	vst v63  }
0x9c: {  	s13 =	rddreg [dreg:$0xf]  }
0x9d: {  	[spmem:s2] =	stream.indirect.scatter.add.f32 [tilespmem:s5], [sflag:$0xD], $0x80, s13, s25, $0xb8;
	[tilespmem:$0x1F000] =	vst v63  }
0x9e: {  	_ =	swait.ge [sflag:s22], $0x2000  }
0x9f: {  	[sflag:s22] =	ssyncset.done $0x0  }
0xa0: {  	[sflag:s22] =	ssyncadd.s32 $0xFFFFE000  }
0xa1: {  	v1 =	vld [tilespmem:$0x14380];
	_ =	sdelay $0x7  }
0xa2: {  	[tilespmem:v1+s23+$0x0] =	vst.idx.add.f32.msk $0xffff, v0  }
0xa3: {  	v1 =	vld [tilespmem:$0x14390];
	_ =	sdelay $0x7  }
0xa4: {  	[tilespmem:v1+s23+$0x0] =	vst.idx.add.f32.msk $0xffff, v0  }
0xa5: {  	v1 =	vld [tilespmem:$0x143A0];
	_ =	sdelay $0x7  }
0xa6: {  	[tilespmem:v1+s23+$0x0] =	vst.idx.add.f32.msk $0xffff, v0  }
0xa7: {  	v1 =	vld [tilespmem:$0x143B0];
	_ =	sdelay $0x7  }
0xa8: {  	[tilespmem:v1+s23+$0x0] =	vst.idx.add.f32.msk $0xffff, v0  }
0xa9: {  	_ =	swait.ge [sflag:s0], $0x2000  }
0xaa: {  	[sflag:s0] =	ssyncset.done $0x0  }
0xab: {  	[sflag:s0] =	ssyncadd.s32 $0xFFFFE000  }
0xac: {  	_ =	swait.ge [sflag:s17], $0x100  }
0xad: {  	[sflag:s17] =	ssyncset.done $0x0  }
0xae: {  	s13 =	rddreg [dreg:$0x7];
	[sflag:s17] =	ssyncadd.s32 $0xFFFFFF00  }
0xaf: {  	[tilespmem:s5], [sflag:$0x4] =	stream.indirect.gather [hbm4b:s4+s25], $0x80, s14, s25, $0xb8;
	[tilespmem:$0x1F000] =	vst v63  }
0xb0: {  	s28 =	simm.s32 @!p0 $0x14100;
	s13 =	sadd.s32 @!p0 s19, s13  }
0xb1: {  	[tilespmem:s28], [sflag:$0x6] =	stream.linear.gather @!p0 [hbm4b:s13+s24], $0x100, $0x38;
	[tilespmem:$0x1F000] =	vst v63  }
0xb2: {  	s18 =	rddreg [dreg:$0x10]  }
0xb3: {  	[spmem:s2] =	stream.indirect.scatter.add.f32 [tilespmem:s26], [sflag:$0xD], $0x80, s18, s25, $0xb8;
	[tilespmem:$0x1F000] =	vst v63  }
0xb4: {  	_ =	swait.ge [sflag:s22], $0x2000  }
0xb5: {  	[sflag:s22] =	ssyncset.done $0x0  }
0xb6: {  	[sflag:s22] =	ssyncadd.s32 $0xFFFFE000  }
0xb7: {  	v1 =	vld [tilespmem:$0x14480];
	_ =	sdelay $0x7  }
0xb8: {  	[tilespmem:v1+s23+$0x0] =	vst.idx.add.f32.msk $0xffff, v0  }
0xb9: {  	v1 =	vld [tilespmem:$0x14490];
	_ =	sdelay $0x7  }
0xba: {  	[tilespmem:v1+s23+$0x0] =	vst.idx.add.f32.msk $0xffff, v0  }
0xbb: {  	v1 =	vld [tilespmem:$0x144A0];
	_ =	sdelay $0x7  }
0xbc: {  	[tilespmem:v1+s23+$0x0] =	vst.idx.add.f32.msk $0xffff, v0  }
0xbd: {  	v1 =	vld [tilespmem:$0x144B0];
	_ =	sdelay $0x7  }
0xbe: {  	[tilespmem:v1+s23+$0x0] =	vst.idx.add.f32.msk $0xffff, v0  }
0xbf: {  	_ =	swait.ge [sflag:s8], $0x2000  }
0xc0: {  	[sflag:s8] =	ssyncset.done $0x0  }
0xc1: {  	s13 =	simm.s32 @!p0 $0x5;
	[sflag:s8] =	ssyncadd.s32 $0xFFFFE000  }
0xc2: {  	_ =	swait.ge @!p0 [sflag:s13], $0x100  }
0xc3: {  	s16 =	simm.s32 @!p0 $0x14800;
	[sflag:s13] =	ssyncset.done @!p0 $0x0  }
0xc4: {  	s18 =	rddreg [dreg:$0x6];
	[sflag:s13] =	ssyncadd.s32 @!p0 $0xFFFFFF00;
	s13 =	simm.s32 @!p0 $0x40  }
0xc5: {  	[tilespmem:s16], [sflag:$0x1] =	stream.indirect.gather @!p0 [hbm4b:s4+s13], $0x80, s30, s13, $0xb8;
	[tilespmem:$0x1F000] =	vst v63  }
0xc6: {  	s16 =	sadd.s32 @!p0 s19, s18;
	s18 =	simm.s32 @!p0 $0x14200  }
0xc7: {  	[tilespmem:s18], [sflag:$0x7] =	stream.linear.gather @!p0 [hbm4b:s16+s24], $0x100, $0x38;
	[tilespmem:$0x1F000] =	vst v63  }
0xc8: {  	s30 =	rddreg [dreg:$0x11]  }
0xc9: {  	[spmem:s2] =	stream.indirect.scatter.add.f32 [tilespmem:s29], [sflag:$0xD], $0x80, s30, s25, $0xb8;
	[tilespmem:$0x1F000] =	vst v63  }
0xca: {  	_ =	swait.ge [sflag:s22], $0x2000  }
0xcb: {  	[sflag:s22] =	ssyncset.done $0x0  }
0xcc: {  	[sflag:s22] =	ssyncadd.s32 $0xFFFFE000  }
0xcd: {  	v1 =	vld [tilespmem:$0x14580];
	_ =	sdelay $0x7  }
0xce: {  	[tilespmem:v1+s23+$0x0] =	vst.idx.add.f32.msk $0xffff, v0  }
0xcf: {  	v1 =	vld [tilespmem:$0x14590];
	_ =	sdelay $0x7  }
0xd0: {  	[tilespmem:v1+s23+$0x0] =	vst.idx.add.f32.msk $0xffff, v0  }
0xd1: {  	v1 =	vld [tilespmem:$0x145A0];
	_ =	sdelay $0x7  }
0xd2: {  	[tilespmem:v1+s23+$0x0] =	vst.idx.add.f32.msk $0xffff, v0  }
0xd3: {  	v1 =	vld [tilespmem:$0x145B0];
	_ =	sdelay $0x7  }
0xd4: {  	[tilespmem:v1+s23+$0x0] =	vst.idx.add.f32.msk $0xffff, v0  }
0xd5: {  	_ =	swait.ge [sflag:s11], $0x2000  }
0xd6: {  	[sflag:s11] =	ssyncset.done $0x0  }
0xd7: {  	s16 =	simm.s32 @!p0 $0x6;
	[sflag:s11] =	ssyncadd.s32 $0xFFFFE000  }
0xd8: {  	_ =	swait.ge @!p0 [sflag:s16], $0x100  }
0xd9: {  	[sflag:s16] =	ssyncset.done @!p0 $0x0  }
0xda: {  	s30 =	rddreg [dreg:$0x5];
	[sflag:s16] =	ssyncadd.s32 @!p0 $0xFFFFFF00;
	s16 =	simm.s32 @!p0 $0x16800  }
0xdb: {  	[tilespmem:s16], [sflag:$0x2] =	stream.indirect.gather @!p0 [hbm4b:s4+s13], $0x80, s28, s13, $0xb8;
	[tilespmem:$0x1F000] =	vst v63  }
0xdc: {  	s16 =	sadd.s32 @!p0 s19, s30;
	s28 =	simm.s32 @!p0 $0x14300  }
0xdd: {  	[tilespmem:s28], [sflag:$0x8] =	stream.linear.gather @!p0 [hbm4b:s16+s24], $0x100, $0x38;
	[tilespmem:$0x1F000] =	vst v63  }
0xde: {  	s30 =	rddreg [dreg:$0x12]  }
0xdf: {  	[spmem:s2] =	stream.indirect.scatter.add.f32 [tilespmem:s31], [sflag:$0xD], $0x80, s30, s25, $0xb8;
	[tilespmem:$0x1F000] =	vst v63  }
0xe0: {  	_ =	swait.ge [sflag:s22], $0x2000  }
0xe1: {  	[sflag:s22] =	ssyncset.done $0x0  }
0xe2: {  	[sflag:s22] =	ssyncadd.s32 $0xFFFFE000  }
0xe3: {  	v1 =	vld [tilespmem:$0x14680];
	_ =	sdelay $0x7  }
0xe4: {  	[tilespmem:v1+s23+$0x0] =	vst.idx.add.f32.msk $0xffff, v0  }
0xe5: {  	v1 =	vld [tilespmem:$0x14690];
	_ =	sdelay $0x7  }
0xe6: {  	[tilespmem:v1+s23+$0x0] =	vst.idx.add.f32.msk $0xffff, v0  }
0xe7: {  	v1 =	vld [tilespmem:$0x146A0];
	_ =	sdelay $0x7  }
0xe8: {  	[tilespmem:v1+s23+$0x0] =	vst.idx.add.f32.msk $0xffff, v0  }
0xe9: {  	v1 =	vld [tilespmem:$0x146B0];
	_ =	sdelay $0x7  }
0xea: {  	[tilespmem:v1+s23+$0x0] =	vst.idx.add.f32.msk $0xffff, v0  }
0xeb: {  	_ =	swait.ge [sflag:s6], $0x2000  }
0xec: {  	[sflag:s6] =	ssyncset.done $0x0  }
0xed: {  	s16 =	simm.s32 @!p0 $0x7;
	[sflag:s6] =	ssyncadd.s32 $0xFFFFE000  }
0xee: {  	_ =	swait.ge @!p0 [sflag:s16], $0x100  }
0xef: {  	[sflag:s16] =	ssyncset.done @!p0 $0x0  }
0xf0: {  	s28 =	rddreg [dreg:$0x4];
	[sflag:s16] =	ssyncadd.s32 @!p0 $0xFFFFFF00;
	s16 =	simm.s32 @!p0 $0x18800  }
0xf1: {  	[tilespmem:s16], [sflag:$0x3] =	stream.indirect.gather @!p0 [hbm4b:s4+s13], $0x80, s18, s13, $0xb8;
	[tilespmem:$0x1F000] =	vst v63  }
0xf2: {  	s13 =	sadd.s32 @!p0 s19, s28;
	s16 =	simm.s32 @!p0 $0x14400  }
0xf3: {  	[tilespmem:s16], [sflag:$0x9] =	stream.linear.gather @!p0 [hbm4b:s13+s24], $0x100, $0x38;
	[tilespmem:$0x1F000] =	vst v63  }
0xf4: {  	s30 =	rddreg [dreg:$0x13]  }
0xf5: {  	[spmem:s2] =	stream.indirect.scatter.add.f32 [tilespmem:s5], [sflag:$0xD], $0x80, s30, s25, $0xb8;
	[tilespmem:$0x1F000] =	vst v63  }
0xf6: {  	_ =	swait.ge [sflag:s22], $0x2000  }
0xf7: {  	[sflag:s22] =	ssyncset.done $0x0  }
0xf8: {  	[sflag:s22] =	ssyncadd.s32 $0xFFFFE000  }
0xf9: {  	v1 =	vld [tilespmem:$0x14780];
	_ =	sdelay $0x7  }
0xfa: {  	[tilespmem:v1+s23+$0x0] =	vst.idx.add.f32.msk $0xffff, v0  }
0xfb: {  	v1 =	vld [tilespmem:$0x14790];
	_ =	sdelay $0x7  }
0xfc: {  	[tilespmem:v1+s23+$0x0] =	vst.idx.add.f32.msk $0xffff, v0  }
0xfd: {  	v1 =	vld [tilespmem:$0x147A0];
	_ =	sdelay $0x7  }
0xfe: {  	[tilespmem:v1+s23+$0x0] =	vst.idx.add.f32.msk $0xffff, v0  }
0xff: {  	v1 =	vld [tilespmem:$0x147B0];
	_ =	sdelay $0x1  }
0x100: {  	s19 =	sadd.s32 $0x100, s19  }
0x101: {  	p0 =	sne.s32 s19, $0x1400  }
.Ltmp0:
0x102: {  	_ = 	snop;
	(pc) =	sbr.rel @p0 .LBB2_2-.Ltmp0, $2  }
0x103: {  	_ =	sdelay $0x2  }
0x104: {  	[tilespmem:v1+s23+$0x0] =	vst.idx.add.f32.msk $0xffff, v0  }
0x105: {  	[bflag:$0x0] =	sbarrier.arrive $0xFFFF  }
0x106: {  	s18 =	sld [smem:$0x7FD]  }
0x107: {  	s16 =	rddreg [dreg:$0x1c]  }
0x108: {  	s13 =	rddreg [dreg:$0x1d]  }
0x109: {  	[hbm:s13], [sflag:s16] =	dma.local [spmem:s18], $0x2800  }
0x10a: {  	_ =	swait.ge [sflag:s22], $0x2800  }
0x10b: {  	s24 =	simm.s32 $0x80;
	[sflag:s22] =	ssyncset.done $0x0  }
0x10c: {  	s19 =	simm.s32 $0x400;
	s18 =	rddreg [dreg:$0x1e];
	[sflag:s22] =	ssyncadd.s32 $0xFFFFD800  }
0x10d: {  	[hbm4b:s18+s24] =	stream.strided.scatter [tilespmem:s23], [sflag:$0xD], $0x2800, s19, s24, $0x38;
	[tilespmem:$0x1F000] =	vst v63  }
0x10e: {  	_ =	swait.ge [sflag:s22], $0x2800  }
0x10f: {  	s28 =	sld [smem:$0x7FC];
	_ =	sdelay $0x2  }
0x110: {  	s30 =	rddreg [dreg:$0x1f];
	s18 =	sadd.s32 $0x1, s28  }
0x111: {  	p0 =	sne.s32 s18, s30  }
.Ltmp1:
0x112: {  	_ = 	snop;
	(pc) =	sbr.rel @p0 .LBB2_1-.Ltmp1, $3  }
0x113: {  	_ =	sdelay $0x1  }
0x114: {  	[sflag:s22] =	ssyncset.done $0x0  }
0x115: {  	[sflag:s22] =	ssyncadd.s32 $0xFFFFD800  }
0x116: {  	_ =	sfence.sel $0x180000  }
0x117: {  	[bflag:$0x0] =	sbarrier.arrive $0xFFFF  }
0x118: {  	_ =	strace $0x90000047  }
0x119: {  	s0 =	stileid.u32;
	[bflag:$0x2] =	sbarrier.arrive $0xFFFF  }
0x11a: {  	p0 =	sne.s32 s0, $0x0;
	s0 =	rddreg [dreg:$0x3]  }
0x11b: {  	s0 =	sadd.s32 @!p0 $0x100000, s0  }
0x11c: {  	[sflag:s0] =	ssyncadd.tile.s32 @!p0 $0x1;
	_ =	shalt  }
.Lfunc_end2:
_tile_overlayer_lowered:
.L_overlay_start_2:
0x11d: {  	(tag) =	ssettag $0x2  }
0x11e: {  	s0 =	rddreg [dreg:$0x0];
	s2 =	stileid.u32  }
0x11f: {  	s1 =	rddreg [dreg:$0x1];
	p0 =	sne.s32 s2, $0x0  }
0x120: {  	s3 =	rddreg [dreg:$0x2];
	[bflag:$0x3] =	sbarrier.arrive $0xFFFF;
	s2 =	simm.s32 @!p0 $0x1C0D  }
0x121: {  	[timem:s3], [sflag:s2] =	dma.local @!p0 [hbm:s0], s1  }
0x122: {  	s0 =	simm.s32 @!p0 $0xD  }
0x123: {  	_ =	swait.ge @!p0 [sflag:s0], s1  }
0x124: {  	s1 =	ssub.s32 @!p0 $0x0, s1;
	[sflag:s0] =	ssyncset.done @!p0 $0x0  }
0x125: {  	[sflag:s0] =	ssyncadd.s32 @!p0 s1  }
0x126: {  	[bflag:$0x3] =	sbarrier.arrive $0xFFFF  }
0x127: {  	_ =	shalt  }

</sc_bundles>
